<compile_context>
chip_gen: v7x
topology: tpu7x:2x2x1
jax: 0.10.2.dev20260603
libtpu: 0.0.44.dev20260713+nightly
codegen_flags: <defaults>
</compile_context>

<pallas_src>
import functools

import jax
import jax.numpy as jnp
from jax import lax
from jax.experimental import pallas as pl
from jax.experimental.pallas import tpu as pltpu
from jax.experimental.pallas import tpu_sc as plsc

BATCH = 256
CH = 128
NC, NS_SUB = 2, 16
NQ = 4
NS = 8
W = BATCH // NS
LANES = 16
LEAK = 0.01


def _sc_layer(n_in, n_out, npc):
    mesh = plsc.VectorSubcoreMesh(core_axis_name="c", subcore_axis_name="s")
    acc_n = n_out * W

    @functools.partial(
        pl.kernel,
        out_type=jax.ShapeDtypeStruct((NQ, NS, acc_n), jnp.float32),
        mesh=mesh,
        compiler_params=pltpu.CompilerParams(
            needs_layout_passes=False, use_tc_tiling_on_sc=False
        ),
        scratch_types=[
            pltpu.VMEM((acc_n,), jnp.float32),
            pltpu.VMEM((CH,), jnp.int32),
            pltpu.VMEM((CH,), jnp.int32),
            pltpu.VMEM((CH,), jnp.float32),
            pltpu.VMEM((CH, W), jnp.float32),
            pltpu.SemaphoreType.DMA,
        ],
    )
    def k(xsrc, col, roww, w, out, acc, idxc, idxr, wv, rows, sem):
        cid = lax.axis_index("c")
        sid = lax.axis_index("s")
        wid = sid * NC + cid
        q = wid % NQ
        s = wid // NQ
        iot = lax.iota(jnp.int32, LANES)

        zeros = jnp.zeros((LANES,), jnp.float32)

        def zbody(i, carry):
            for u in range(8):
                acc[pl.ds((i * 8 + u) * LANES, LANES)] = zeros
            return carry

        lax.fori_loop(0, acc_n // (8 * LANES), zbody, 0)

        def chunk_body(c, carry):
            pltpu.sync_copy(col.at[q, c], idxc)
            pltpu.sync_copy(roww.at[q, c], idxr)
            pltpu.sync_copy(w.at[q, c], wv)
            pltpu.async_copy(xsrc.at[s].at[idxc], rows, sem).wait()

            def group(g, gcarry):
                w16 = wv[pl.ds(g * LANES, LANES)]
                r16 = idxr[pl.ds(g * LANES, LANES)]
                for ii in range(LANES):
                    wb = w16[ii]
                    base = lax.broadcast(r16[ii], (LANES,)) + iot
                    e = g * LANES + ii
                    for u in range(W // LANES):
                        v = rows[e, pl.ds(u * LANES, LANES)] * wb
                        plsc.addupdate_scatter(acc, [base + u * LANES], v)
                return gcarry

            lax.fori_loop(0, CH // LANES, group, 0)
            return carry

        lax.fori_loop(0, npc, chunk_body, 0)

        pltpu.sync_copy(acc, out.at[q, s])

    return k


def _finalize(n_out, bs):

    def body(p_ref, b_ref, o_ref):
        y = p_ref[0] + p_ref[1] + p_ref[2] + p_ref[3]
        y = y + b_ref[...][jnp.newaxis, :, :]
        o_ref[...] = jnp.where(y >= 0, y, LEAK * y)

    return pl.pallas_call(
        body,
        grid=(n_out // bs,),
        in_specs=[
            pl.BlockSpec((NQ, NS, bs, W), lambda i: (0, 0, i, 0)),
            pl.BlockSpec((bs, 1), lambda i: (i, 0)),
        ],
        out_specs=pl.BlockSpec((NS, bs, W), lambda i: (0, i, 0)),
        out_shape=jax.ShapeDtypeStruct((NS, n_out, W), jnp.float32),
    )


def _prep_edges(row, col, w, n_in, n_out, npc):
    e_pad = NQ * npc * CH
    pad = e_pad - row.shape[0]
    pad_col = jnp.arange(pad, dtype=jnp.int32) % n_in
    pad_row = jnp.arange(pad, dtype=jnp.int32) % n_out
    col = jnp.concatenate([col.astype(jnp.int32), pad_col]).reshape(NQ, npc, CH)
    roww = jnp.concatenate([row.astype(jnp.int32), pad_row]).reshape(NQ, npc, CH) * W
    w = jnp.concatenate([w, jnp.zeros((pad,), w.dtype)]).reshape(NQ, npc, CH)
    return roww, col, w


def _layer(xsrc, row, col, w, b, n_out):
    n_in = xsrc.shape[1]
    npc = -(-row.shape[0] // (NQ * CH))
    roww, col, w = _prep_edges(row, col, w, n_in, n_out, npc)
    partials = _sc_layer(n_in, n_out, npc)(xsrc, col, roww, w)
    p4 = partials.reshape(NQ, NS, n_out, W)
    bs = n_out // 8
    return _finalize(n_out, bs)(p4, b.reshape(n_out, 1))


def kernel(features, row1, col1, w1, b1, row2, col2, w2, b2, row3, col3, w3, b3):
    hid = b1.shape[0]
    tf = b3.shape[0]
    gene = features.shape[1]
    xsrc = features.reshape(NS, W, gene).transpose(0, 2, 1)
    h = _layer(xsrc, row1, col1, w1, b1, hid)
    h = _layer(h, row2, col2, w2, b2, hid)
    emb = _layer(h, row3, col3, w3, b3, tf)
    return emb.transpose(0, 2, 1).reshape(BATCH, tf)

# --- scband reference (transcript-rebuilt; emitter-appended) ---
"""Pipeline reference for scband-aeencoder-10926396801076 (READ-ONLY COPY).

The authoritative reference and input builder live on the scoring server;
editing this copy changes nothing except your own understanding.
"""

import jax, jax.numpy as jnp
import numpy as np

B = 256
GENE = 25000
HID = 3200
TF = 1600
E1, E2, E3 = 160000, 64000, 32000


def _leaky_relu(x, slope=0.01):
    return jnp.where(x >= 0, x, slope * x)


def _sparse_linear(x, row, col, w, b, out_dim):
    # SparseLinear: out[n, i] = sum_{e: row[e]==i} w[e] * x[n, col[e]] + b[i]
    gathered = x[:, col] * w[None, :]
    out = jnp.zeros((x.shape[0], out_dim), dtype=x.dtype).at[:, row].add(gathered)
    return out + b[None, :]


def setup_inputs(seed: int = 0) -> dict:
    key = jax.random.key(seed)
    ks = jax.random.split(key, 16)
    features = jax.random.normal(ks[0], (B, GENE), dtype=jnp.float32)
    row1 = jax.random.randint(ks[1], (E1,), 0, HID, dtype=jnp.int64)
    col1 = jax.random.randint(ks[2], (E1,), 0, GENE, dtype=jnp.int64)
    row2 = jax.random.randint(ks[3], (E2,), 0, HID, dtype=jnp.int64)
    col2 = jax.random.randint(ks[4], (E2,), 0, HID, dtype=jnp.int64)
    row3 = jax.random.randint(ks[5], (E3,), 0, TF, dtype=jnp.int64)
    col3 = jax.random.randint(ks[6], (E3,), 0, HID, dtype=jnp.int64)
    w1 = jax.random.normal(ks[7], (E1,), dtype=jnp.float32) * (1.0 / np.sqrt(E1 / HID))
    b1 = jnp.zeros((HID,), dtype=jnp.float32)
    w2 = jax.random.normal(ks[8], (E2,), dtype=jnp.float32) * (1.0 / np.sqrt(E2 / HID))
    b2 = jnp.zeros((HID,), dtype=jnp.float32)
    w3 = jax.random.normal(ks[9], (E3,), dtype=jnp.float32) * (1.0 / np.sqrt(E3 / TF))
    b3 = jnp.zeros((TF,), dtype=jnp.float32)
    return {
        "features": features,
        "row1": row1, "col1": col1, "w1": w1, "b1": b1,
        "row2": row2, "col2": col2, "w2": w2, "b2": b2,
        "row3": row3, "col3": col3, "w3": w3, "b3": b3,
    }


def reference(features, row1, col1, w1, b1, row2, col2, w2, b2, row3, col3, w3, b3):
    # encoder_1 (sparse gene -> hidden) + LeakyReLU
    h = _leaky_relu(_sparse_linear(features, row1, col1, w1, b1, HID))
    # middle encoder layer (sparse hidden -> hidden) + LeakyReLU
    h = _leaky_relu(_sparse_linear(h, row2, col2, w2, b2, HID))
    # embedding layer (sparse hidden -> tf_size) + LeakyReLU
    emb = _leaky_relu(_sparse_linear(h, row3, col3, w3, b3, TF))
    return emb

if __name__ == "__main__":
    import jax
    _d = setup_inputs()
    print(jax.jit(kernel)(*tuple(_d.values())))

</pallas_src>

<mosaic_0001>
#map = affine_map<(d0, d1) -> (0, 0, 0)>
module attributes {stable_mosaic.version = 14 : i64} {
  func.func @k(%arg0: i32, %arg1: i32, %arg2: memref<8x3200x32xf32, #tpu.memory_space<hbm>>, %arg3: memref<4x125x128xi32, #tpu.memory_space<hbm>>, %arg4: memref<4x125x128xi32, #tpu.memory_space<hbm>>, %arg5: memref<4x125x128xf32, #tpu.memory_space<hbm>>, %arg6: memref<4x8x102400xf32, #tpu.memory_space<hbm>>, %arg7: memref<102400xf32, #tpu.memory_space<vmem>>, %arg8: memref<128xi32, #tpu.memory_space<vmem>>, %arg9: memref<128xi32, #tpu.memory_space<vmem>>, %arg10: memref<128xf32, #tpu.memory_space<vmem>>, %arg11: memref<128x32xf32, #tpu.memory_space<vmem>>, %arg12: memref<!tpu.dma_semaphore, #tpu.memory_space<semaphore_mem>>) attributes {dimension_semantics = [#tpu.dimension_semantics<core_parallel>, #tpu.dimension_semantics<subcore_parallel>], iteration_bounds = array<i64: 2, 16>, scalar_prefetch = 0 : i64, scratch_operands = 6 : i64, tpu.core_type = #tpu.core_type<sc_vector_subcore>, window_params = [{transform_indices = #map}, {transform_indices = #map}, {transform_indices = #map}, {transform_indices = #map}, {transform_indices = #map}]} {
    %mul3A = arith.constant 2 : i32
    %mul3A_0 = arith.muli %arg1, %mul3A : i32
    %add3A = arith.addi %mul3A_0, %arg0 : i32
    %jit3A = arith.constant 4 : i32
    %eq3A = arith.constant 0 : i32
    %eq3A_1 = arith.cmpi eq, %jit3A, %eq3A : i32
    %jit3A_2 = arith.constant 1 : i32
    %select_n3A = arith.select %eq3A_1, %jit3A_2, %jit3A : i32
    %rem3A = arith.remsi %add3A, %select_n3A : i32
    %ne3A = arith.constant 0 : i32
    %ne3A_3 = arith.cmpi ne, %rem3A, %ne3A : i32
    %lt3A = arith.constant 0 : i32
    %lt3A_4 = arith.cmpi slt, %rem3A, %lt3A : i32
    %lt3A_5 = arith.constant 0 : i32
    %lt3A_6 = arith.cmpi slt, %select_n3A, %lt3A_5 : i32
    %ne3A_7 = arith.xori %lt3A_4, %lt3A_6 : i1
    %and3A = arith.andi %ne3A_7, %ne3A_3 : i1
    %add3A_8 = arith.addi %rem3A, %select_n3A : i32
    %select_n3A_9 = arith.select %and3A, %add3A_8, %rem3A : i32
    %jit3A_10 = arith.constant 4 : i32
    %div3A = arith.divsi %add3A, %jit3A_10 : i32
    %sign3A = arith.constant 0 : i32
    %sign3A_11 = arith.cmpi sgt, %add3A, %sign3A : i32
    %sign3A_12 = arith.extui %sign3A_11 : i1 to i32
    %sign3A_13 = arith.constant 0 : i32
    %sign3A_14 = arith.cmpi slt, %add3A, %sign3A_13 : i32
    %sign3A_15 = arith.extui %sign3A_14 : i1 to i32
    %sign3A_16 = arith.subi %sign3A_12, %sign3A_15 : i32
    %sign3A_17 = arith.constant 0 : i32
    %sign3A_18 = arith.cmpi sgt, %jit3A_10, %sign3A_17 : i32
    %sign3A_19 = arith.extui %sign3A_18 : i1 to i32
    %sign3A_20 = arith.constant 0 : i32
    %sign3A_21 = arith.cmpi slt, %jit3A_10, %sign3A_20 : i32
    %sign3A_22 = arith.extui %sign3A_21 : i1 to i32
    %sign3A_23 = arith.subi %sign3A_19, %sign3A_22 : i32
    %ne3A_24 = arith.cmpi ne, %sign3A_16, %sign3A_23 : i32
    %rem3A_25 = arith.remsi %add3A, %jit3A_10 : i32
    %ne3A_26 = arith.constant 0 : i32
    %ne3A_27 = arith.cmpi ne, %rem3A_25, %ne3A_26 : i32
    %and3A_28 = arith.andi %ne3A_24, %ne3A_27 : i1
    %sub3A = arith.constant 1 : i32
    %sub3A_29 = arith.subi %div3A, %sub3A : i32
    %select_n3A_30 = arith.select %and3A_28, %sub3A_29, %div3A : i32
    %iota3A = tpu.iota {dimensions = array<i32: 0>} : vector<16xi32>
    %broadcast_in_dim3A = arith.constant 0.000000e+00 : f32
    %broadcast_in_dim3A_31 = vector.broadcast %broadcast_in_dim3A : f32 to vector<16xf32>
    %scan3A = arith.constant 0 : i32
    %scan3A_32 = arith.constant 0 : i32
    %scan3A_33 = arith.constant 800 : i32
    %scan3A_34 = arith.addi %scan3A_32, %scan3A_33 : i32
    %scan3A_35 = arith.constant 1 : i32
    scf.for %scan3A_43 = %scan3A_32 to %scan3A_34 step %scan3A_35  : i32 {
      %mul3A_44 = arith.constant 8 : i32
      %mul3A_45 = arith.muli %scan3A_43, %mul3A_44 : i32
      %add3A_46 = arith.constant 0 : i32
      %add3A_47 = arith.addi %mul3A_45, %add3A_46 : i32
      %mul3A_48 = arith.constant 16 : i32
      %mul3A_49 = arith.muli %add3A_47, %mul3A_48 : i32
      %swap3A = arith.index_cast %mul3A_49 : i32 to index
      %swap3A_50 = tpu.vector_load %arg7[%swap3A] {strides = array<i32>} : memref<102400xf32, #tpu.memory_space<vmem>>, vector<16xf32>,
      tpu.vector_store %arg7[%swap3A], %broadcast_in_dim3A_31 {strides = array<i32>} : memref<102400xf32, #tpu.memory_space<vmem>>, vector<16xf32>,
      %mul3A_51 = arith.constant 8 : i32
      %mul3A_52 = arith.muli %scan3A_43, %mul3A_51 : i32
      %add3A_53 = arith.constant 1 : i32
      %add3A_54 = arith.addi %mul3A_52, %add3A_53 : i32
      %mul3A_55 = arith.constant 16 : i32
      %mul3A_56 = arith.muli %add3A_54, %mul3A_55 : i32
      %swap3A_57 = arith.index_cast %mul3A_56 : i32 to index
      %swap3A_58 = tpu.vector_load %arg7[%swap3A_57] {strides = array<i32>} : memref<102400xf32, #tpu.memory_space<vmem>>, vector<16xf32>,
      tpu.vector_store %arg7[%swap3A_57], %broadcast_in_dim3A_31 {strides = array<i32>} : memref<102400xf32, #tpu.memory_space<vmem>>, vector<16xf32>,
      %mul3A_59 = arith.constant 8 : i32
      %mul3A_60 = arith.muli %scan3A_43, %mul3A_59 : i32
      %add3A_61 = arith.constant 2 : i32
      %add3A_62 = arith.addi %mul3A_60, %add3A_61 : i32
      %mul3A_63 = arith.constant 16 : i32
      %mul3A_64 = arith.muli %add3A_62, %mul3A_63 : i32
      %swap3A_65 = arith.index_cast %mul3A_64 : i32 to index
      %swap3A_66 = tpu.vector_load %arg7[%swap3A_65] {strides = array<i32>} : memref<102400xf32, #tpu.memory_space<vmem>>, vector<16xf32>,
      tpu.vector_store %arg7[%swap3A_65], %broadcast_in_dim3A_31 {strides = array<i32>} : memref<102400xf32, #tpu.memory_space<vmem>>, vector<16xf32>,
      %mul3A_67 = arith.constant 8 : i32
      %mul3A_68 = arith.muli %scan3A_43, %mul3A_67 : i32
      %add3A_69 = arith.constant 3 : i32
      %add3A_70 = arith.addi %mul3A_68, %add3A_69 : i32
      %mul3A_71 = arith.constant 16 : i32
      %mul3A_72 = arith.muli %add3A_70, %mul3A_71 : i32
      %swap3A_73 = arith.index_cast %mul3A_72 : i32 to index
      %swap3A_74 = tpu.vector_load %arg7[%swap3A_73] {strides = array<i32>} : memref<102400xf32, #tpu.memory_space<vmem>>, vector<16xf32>,
      tpu.vector_store %arg7[%swap3A_73], %broadcast_in_dim3A_31 {strides = array<i32>} : memref<102400xf32, #tpu.memory_space<vmem>>, vector<16xf32>,
      %mul3A_75 = arith.constant 8 : i32
      %mul3A_76 = arith.muli %scan3A_43, %mul3A_75 : i32
      %add3A_77 = arith.constant 4 : i32
      %add3A_78 = arith.addi %mul3A_76, %add3A_77 : i32
      %mul3A_79 = arith.constant 16 : i32
      %mul3A_80 = arith.muli %add3A_78, %mul3A_79 : i32
      %swap3A_81 = arith.index_cast %mul3A_80 : i32 to index
      %swap3A_82 = tpu.vector_load %arg7[%swap3A_81] {strides = array<i32>} : memref<102400xf32, #tpu.memory_space<vmem>>, vector<16xf32>,
      tpu.vector_store %arg7[%swap3A_81], %broadcast_in_dim3A_31 {strides = array<i32>} : memref<102400xf32, #tpu.memory_space<vmem>>, vector<16xf32>,
      %mul3A_83 = arith.constant 8 : i32
      %mul3A_84 = arith.muli %scan3A_43, %mul3A_83 : i32
      %add3A_85 = arith.constant 5 : i32
      %add3A_86 = arith.addi %mul3A_84, %add3A_85 : i32
      %mul3A_87 = arith.constant 16 : i32
      %mul3A_88 = arith.muli %add3A_86, %mul3A_87 : i32
      %swap3A_89 = arith.index_cast %mul3A_88 : i32 to index
      %swap3A_90 = tpu.vector_load %arg7[%swap3A_89] {strides = array<i32>} : memref<102400xf32, #tpu.memory_space<vmem>>, vector<16xf32>,
      tpu.vector_store %arg7[%swap3A_89], %broadcast_in_dim3A_31 {strides = array<i32>} : memref<102400xf32, #tpu.memory_space<vmem>>, vector<16xf32>,
      %mul3A_91 = arith.constant 8 : i32
      %mul3A_92 = arith.muli %scan3A_43, %mul3A_91 : i32
      %add3A_93 = arith.constant 6 : i32
      %add3A_94 = arith.addi %mul3A_92, %add3A_93 : i32
      %mul3A_95 = arith.constant 16 : i32
      %mul3A_96 = arith.muli %add3A_94, %mul3A_95 : i32
      %swap3A_97 = arith.index_cast %mul3A_96 : i32 to index
      %swap3A_98 = tpu.vector_load %arg7[%swap3A_97] {strides = array<i32>} : memref<102400xf32, #tpu.memory_space<vmem>>, vector<16xf32>,
      tpu.vector_store %arg7[%swap3A_97], %broadcast_in_dim3A_31 {strides = array<i32>} : memref<102400xf32, #tpu.memory_space<vmem>>, vector<16xf32>,
      %mul3A_99 = arith.constant 8 : i32
      %mul3A_100 = arith.muli %scan3A_43, %mul3A_99 : i32
      %add3A_101 = arith.constant 7 : i32
      %add3A_102 = arith.addi %mul3A_100, %add3A_101 : i32
      %mul3A_103 = arith.constant 16 : i32
      %mul3A_104 = arith.muli %add3A_102, %mul3A_103 : i32
      %swap3A_105 = arith.index_cast %mul3A_104 : i32 to index
      %swap3A_106 = tpu.vector_load %arg7[%swap3A_105] {strides = array<i32>} : memref<102400xf32, #tpu.memory_space<vmem>>, vector<16xf32>,
      tpu.vector_store %arg7[%swap3A_105], %broadcast_in_dim3A_31 {strides = array<i32>} : memref<102400xf32, #tpu.memory_space<vmem>>, vector<16xf32>,
    }
    %scan3A_36 = arith.constant 800 : i32
    %scan3A_37 = arith.constant 0 : i32
    %scan3A_38 = arith.constant 0 : i32
    %scan3A_39 = arith.constant 125 : i32
    %scan3A_40 = arith.addi %scan3A_38, %scan3A_39 : i32
    %scan3A_41 = arith.constant 1 : i32
    scf.for %scan3A_43 = %scan3A_38 to %scan3A_40 step %scan3A_41  : i32 {
      "tpu.region"() ({
        %run_scoped3A = tpu.sem_alloc : memref<!tpu.dma_semaphore, #tpu.memory_space<semaphore_mem>>
        %dma_start3A_62 = arith.constant 0 : i32
        %dma_start3A_63 = tpu.memref_slice %arg3[%select_n3A_9, %scan3A_43, %dma_start3A_62] : memref<4x125x128xi32, #tpu.memory_space<hbm>> -> memref<1x1x128xi32, #tpu.memory_space<hbm>>
        %dma_start3A_64 = tpu.memref_squeeze %dma_start3A_63 : memref<1x1x128xi32, #tpu.memory_space<hbm>> -> memref<128xi32, #tpu.memory_space<hbm>>
        %dma_start3A_65 = arith.constant 0 : i32
        %dma_start3A_66 = tpu.memref_slice %arg3[%select_n3A_9, %scan3A_43, %dma_start3A_65] : memref<4x125x128xi32, #tpu.memory_space<hbm>> -> memref<1x1x128xi32, #tpu.memory_space<hbm>>
        %dma_start3A_67 = tpu.memref_squeeze %dma_start3A_66 : memref<1x1x128xi32, #tpu.memory_space<hbm>> -> memref<128xi32, #tpu.memory_space<hbm>>
        tpu.enqueue_dma source(%dma_start3A_67 : memref<128xi32, #tpu.memory_space<hbm>>) target(%arg8 : memref<128xi32, #tpu.memory_space<vmem>>) target_semaphore(%run_scoped3A : memref<!tpu.dma_semaphore, #tpu.memory_space<semaphore_mem>>)
        %dma_wait3A_68 = arith.constant 0 : i32
        %dma_wait3A_69 = tpu.memref_slice %arg3[%select_n3A_9, %scan3A_43, %dma_wait3A_68] : memref<4x125x128xi32, #tpu.memory_space<hbm>> -> memref<1x1x128xi32, #tpu.memory_space<hbm>>
        %dma_wait3A_70 = tpu.memref_squeeze %dma_wait3A_69 : memref<1x1x128xi32, #tpu.memory_space<hbm>> -> memref<128xi32, #tpu.memory_space<hbm>>
        %dma_wait3A_71 = arith.constant 0 : i32
        %dma_wait3A_72 = tpu.memref_slice %arg3[%select_n3A_9, %scan3A_43, %dma_wait3A_71] : memref<4x125x128xi32, #tpu.memory_space<hbm>> -> memref<1x1x128xi32, #tpu.memory_space<hbm>>
        %dma_wait3A_73 = tpu.memref_squeeze %dma_wait3A_72 : memref<1x1x128xi32, #tpu.memory_space<hbm>> -> memref<128xi32, #tpu.memory_space<hbm>>
        tpu.wait_dma2 semaphore(%run_scoped3A : memref<!tpu.dma_semaphore, #tpu.memory_space<semaphore_mem>>) src(%dma_wait3A_73 : memref<128xi32, #tpu.memory_space<hbm>>) dst(%arg8 : memref<128xi32, #tpu.memory_space<vmem>>)
        tpu.yield
      }) : () -> ()
      "tpu.region"() ({
        %run_scoped3A = tpu.sem_alloc : memref<!tpu.dma_semaphore, #tpu.memory_space<semaphore_mem>>
        %dma_start3A_62 = arith.constant 0 : i32
        %dma_start3A_63 = tpu.memref_slice %arg4[%select_n3A_9, %scan3A_43, %dma_start3A_62] : memref<4x125x128xi32, #tpu.memory_space<hbm>> -> memref<1x1x128xi32, #tpu.memory_space<hbm>>
        %dma_start3A_64 = tpu.memref_squeeze %dma_start3A_63 : memref<1x1x128xi32, #tpu.memory_space<hbm>> -> memref<128xi32, #tpu.memory_space<hbm>>
        %dma_start3A_65 = arith.constant 0 : i32
        %dma_start3A_66 = tpu.memref_slice %arg4[%select_n3A_9, %scan3A_43, %dma_start3A_65] : memref<4x125x128xi32, #tpu.memory_space<hbm>> -> memref<1x1x128xi32, #tpu.memory_space<hbm>>
        %dma_start3A_67 = tpu.memref_squeeze %dma_start3A_66 : memref<1x1x128xi32, #tpu.memory_space<hbm>> -> memref<128xi32, #tpu.memory_space<hbm>>
        tpu.enqueue_dma source(%dma_start3A_67 : memref<128xi32, #tpu.memory_space<hbm>>) target(%arg9 : memref<128xi32, #tpu.memory_space<vmem>>) target_semaphore(%run_scoped3A : memref<!tpu.dma_semaphore, #tpu.memory_space<semaphore_mem>>)
        %dma_wait3A_68 = arith.constant 0 : i32
        %dma_wait3A_69 = tpu.memref_slice %arg4[%select_n3A_9, %scan3A_43, %dma_wait3A_68] : memref<4x125x128xi32, #tpu.memory_space<hbm>> -> memref<1x1x128xi32, #tpu.memory_space<hbm>>
        %dma_wait3A_70 = tpu.memref_squeeze %dma_wait3A_69 : memref<1x1x128xi32, #tpu.memory_space<hbm>> -> memref<128xi32, #tpu.memory_space<hbm>>
        %dma_wait3A_71 = arith.constant 0 : i32
        %dma_wait3A_72 = tpu.memref_slice %arg4[%select_n3A_9, %scan3A_43, %dma_wait3A_71] : memref<4x125x128xi32, #tpu.memory_space<hbm>> -> memref<1x1x128xi32, #tpu.memory_space<hbm>>
        %dma_wait3A_73 = tpu.memref_squeeze %dma_wait3A_72 : memref<1x1x128xi32, #tpu.memory_space<hbm>> -> memref<128xi32, #tpu.memory_space<hbm>>
        tpu.wait_dma2 semaphore(%run_scoped3A : memref<!tpu.dma_semaphore, #tpu.memory_space<semaphore_mem>>) src(%dma_wait3A_73 : memref<128xi32, #tpu.memory_space<hbm>>) dst(%arg9 : memref<128xi32, #tpu.memory_space<vmem>>)
        tpu.yield
      }) : () -> ()
      "tpu.region"() ({
        %run_scoped3A = tpu.sem_alloc : memref<!tpu.dma_semaphore, #tpu.memory_space<semaphore_mem>>
        %dma_start3A_62 = arith.constant 0 : i32
        %dma_start3A_63 = tpu.memref_slice %arg5[%select_n3A_9, %scan3A_43, %dma_start3A_62] : memref<4x125x128xf32, #tpu.memory_space<hbm>> -> memref<1x1x128xf32, #tpu.memory_space<hbm>>
        %dma_start3A_64 = tpu.memref_squeeze %dma_start3A_63 : memref<1x1x128xf32, #tpu.memory_space<hbm>> -> memref<128xf32, #tpu.memory_space<hbm>>
        %dma_start3A_65 = arith.constant 0 : i32
        %dma_start3A_66 = tpu.memref_slice %arg5[%select_n3A_9, %scan3A_43, %dma_start3A_65] : memref<4x125x128xf32, #tpu.memory_space<hbm>> -> memref<1x1x128xf32, #tpu.memory_space<hbm>>
        %dma_start3A_67 = tpu.memref_squeeze %dma_start3A_66 : memref<1x1x128xf32, #tpu.memory_space<hbm>> -> memref<128xf32, #tpu.memory_space<hbm>>
        tpu.enqueue_dma source(%dma_start3A_67 : memref<128xf32, #tpu.memory_space<hbm>>) target(%arg10 : memref<128xf32, #tpu.memory_space<vmem>>) target_semaphore(%run_scoped3A : memref<!tpu.dma_semaphore, #tpu.memory_space<semaphore_mem>>)
        %dma_wait3A_68 = arith.constant 0 : i32
        %dma_wait3A_69 = tpu.memref_slice %arg5[%select_n3A_9, %scan3A_43, %dma_wait3A_68] : memref<4x125x128xf32, #tpu.memory_space<hbm>> -> memref<1x1x128xf32, #tpu.memory_space<hbm>>
        %dma_wait3A_70 = tpu.memref_squeeze %dma_wait3A_69 : memref<1x1x128xf32, #tpu.memory_space<hbm>> -> memref<128xf32, #tpu.memory_space<hbm>>
        %dma_wait3A_71 = arith.constant 0 : i32
        %dma_wait3A_72 = tpu.memref_slice %arg5[%select_n3A_9, %scan3A_43, %dma_wait3A_71] : memref<4x125x128xf32, #tpu.memory_space<hbm>> -> memref<1x1x128xf32, #tpu.memory_space<hbm>>
        %dma_wait3A_73 = tpu.memref_squeeze %dma_wait3A_72 : memref<1x1x128xf32, #tpu.memory_space<hbm>> -> memref<128xf32, #tpu.memory_space<hbm>>
        tpu.wait_dma2 semaphore(%run_scoped3A : memref<!tpu.dma_semaphore, #tpu.memory_space<semaphore_mem>>) src(%dma_wait3A_73 : memref<128xf32, #tpu.memory_space<hbm>>) dst(%arg10 : memref<128xf32, #tpu.memory_space<vmem>>)
        tpu.yield
      }) : () -> ()
      %dma_start3A = arith.constant 0 : i32
      %dma_start3A_44 = arith.constant 0 : i32
      %dma_start3A_45 = tpu.memref_slice %arg2[%select_n3A_30, %dma_start3A, %dma_start3A_44] : memref<8x3200x32xf32, #tpu.memory_space<hbm>> -> memref<1x3200x32xf32, #tpu.memory_space<hbm>>
      %dma_start3A_46 = tpu.memref_squeeze %dma_start3A_45 : memref<1x3200x32xf32, #tpu.memory_space<hbm>> -> memref<3200x32xf32, #tpu.memory_space<hbm>>
      %dma_start3A_47 = arith.constant 0 : i32
      %dma_start3A_48 = arith.constant 0 : i32
      %dma_start3A_49 = tpu.memref_slice %dma_start3A_46[%dma_start3A_47, %dma_start3A_48] : memref<3200x32xf32, #tpu.memory_space<hbm>> -> memref<3200x32xf32, #tpu.memory_space<hbm>>
      tpu.enqueue_indirect_dma source(%dma_start3A_49 : memref<3200x32xf32, #tpu.memory_space<hbm>>) target(%arg11 : memref<128x32xf32, #tpu.memory_space<vmem>>) offsets(%arg8 : memref<128xi32, #tpu.memory_space<vmem>>) semaphore(%arg12 : memref<!tpu.dma_semaphore, #tpu.memory_space<semaphore_mem>>)
      %dma_wait3A = arith.constant 0 : i32
      %dma_wait3A_50 = arith.constant 0 : i32
      %dma_wait3A_51 = tpu.memref_slice %arg2[%select_n3A_30, %dma_wait3A, %dma_wait3A_50] : memref<8x3200x32xf32, #tpu.memory_space<hbm>> -> memref<1x3200x32xf32, #tpu.memory_space<hbm>>
      %dma_wait3A_52 = tpu.memref_squeeze %dma_wait3A_51 : memref<1x3200x32xf32, #tpu.memory_space<hbm>> -> memref<3200x32xf32, #tpu.memory_space<hbm>>
      %dma_wait3A_53 = arith.constant 0 : i32
      %dma_wait3A_54 = arith.constant 0 : i32
      %dma_wait3A_55 = tpu.memref_slice %dma_wait3A_52[%dma_wait3A_53, %dma_wait3A_54] : memref<3200x32xf32, #tpu.memory_space<hbm>> -> memref<3200x32xf32, #tpu.memory_space<hbm>>
      tpu.wait_indirect_dma semaphore(%arg12 : memref<!tpu.dma_semaphore, #tpu.memory_space<semaphore_mem>>) src(%dma_wait3A_55 : memref<3200x32xf32, #tpu.memory_space<hbm>>) dst(%arg11 : memref<128x32xf32, #tpu.memory_space<vmem>>)
      %scan3A_56 = arith.constant 0 : i32
      %scan3A_57 = arith.constant 0 : i32
      %scan3A_58 = arith.constant 8 : i32
      %scan3A_59 = arith.addi %scan3A_57, %scan3A_58 : i32
      %scan3A_60 = arith.constant 1 : i32
      scf.for %scan3A_62 = %scan3A_57 to %scan3A_59 step %scan3A_60  : i32 {
        %mul3A_63 = arith.constant 16 : i32
        %mul3A_64 = arith.muli %scan3A_62, %mul3A_63 : i32
        %get3A = arith.index_cast %mul3A_64 : i32 to index
        %get3A_65 = tpu.vector_load %arg10[%get3A] {strides = array<i32>} : memref<128xf32, #tpu.memory_space<vmem>>, vector<16xf32>,
        %mul3A_66 = arith.constant 16 : i32
        %mul3A_67 = arith.muli %scan3A_62, %mul3A_66 : i32
        %get3A_68 = arith.index_cast %mul3A_67 : i32 to index
        %get3A_69 = tpu.vector_load %arg9[%get3A_68] {strides = array<i32>} : memref<128xi32, #tpu.memory_space<vmem>>, vector<16xi32>,
        %slice3A = vector.extract_strided_slice %get3A_65 {offsets = [0], sizes = [1], strides = [1]} : vector<16xf32> to vector<1xf32>
        %squeeze3A = vector.extract %slice3A[0] : f32 from vector<1xf32>
        %slice3A_70 = vector.extract_strided_slice %get3A_69 {offsets = [0], sizes = [1], strides = [1]} : vector<16xi32> to vector<1xi32>
        %squeeze3A_71 = vector.extract %slice3A_70[0] : i32 from vector<1xi32>
        %broadcast_in_dim3A_72 = vector.broadcast %squeeze3A_71 : i32 to vector<16xi32>
        %add3A_73 = arith.addi %broadcast_in_dim3A_72, %iota3A : vector<16xi32>
        %mul3A_74 = arith.constant 16 : i32
        %mul3A_75 = arith.muli %scan3A_62, %mul3A_74 : i32
        %add3A_76 = arith.constant 0 : i32
        %add3A_77 = arith.addi %mul3A_75, %add3A_76 : i32
        %get3A_78 = arith.index_cast %add3A_77 : i32 to index
        %get3A_79 = arith.constant 0 : index
        %get3A_80 = tpu.vector_load %arg11[%get3A_78, %get3A_79] {strides = array<i32>} : memref<128x32xf32, #tpu.memory_space<vmem>>, vector<16xf32>,
        %mul3A_81 = vector.broadcast %squeeze3A : f32 to vector<16xf32>
        %mul3A_82 = arith.mulf %get3A_80, %mul3A_81 : vector<16xf32>
        %add3A_83 = arith.constant 0 : i32
        %add3A_84 = vector.broadcast %add3A_83 : i32 to vector<16xi32>
        %add3A_85 = arith.addi %add3A_73, %add3A_84 : vector<16xi32>
        tpu.vector_store_idx %arg7[%add3A_85], %mul3A_82 {add = true} : memref<102400xf32, #tpu.memory_space<vmem>>[vector<16xi32>], vector<16xf32>,
        %get3A_86 = arith.index_cast %add3A_77 : i32 to index
        %get3A_87 = arith.constant 16 : index
        %get3A_88 = tpu.vector_load %arg11[%get3A_86, %get3A_87] {strides = array<i32>} : memref<128x32xf32, #tpu.memory_space<vmem>>, vector<16xf32>,
        %mul3A_89 = vector.broadcast %squeeze3A : f32 to vector<16xf32>
        %mul3A_90 = arith.mulf %get3A_88, %mul3A_89 : vector<16xf32>
        %add3A_91 = arith.constant 16 : i32
        %add3A_92 = vector.broadcast %add3A_91 : i32 to vector<16xi32>
        %add3A_93 = arith.addi %add3A_73, %add3A_92 : vector<16xi32>
        tpu.vector_store_idx %arg7[%add3A_93], %mul3A_90 {add = true} : memref<102400xf32, #tpu.memory_space<vmem>>[vector<16xi32>], vector<16xf32>,
        %slice3A_94 = vector.extract_strided_slice %get3A_65 {offsets = [1], sizes = [1], strides = [1]} : vector<16xf32> to vector<1xf32>
        %squeeze3A_95 = vector.extract %slice3A_94[0] : f32 from vector<1xf32>
        %slice3A_96 = vector.extract_strided_slice %get3A_69 {offsets = [1], sizes = [1], strides = [1]} : vector<16xi32> to vector<1xi32>
        %squeeze3A_97 = vector.extract %slice3A_96[0] : i32 from vector<1xi32>
        %broadcast_in_dim3A_98 = vector.broadcast %squeeze3A_97 : i32 to vector<16xi32>
        %add3A_99 = arith.addi %broadcast_in_dim3A_98, %iota3A : vector<16xi32>
        %mul3A_100 = arith.constant 16 : i32
        %mul3A_101 = arith.muli %scan3A_62, %mul3A_100 : i32
        %add3A_102 = arith.constant 1 : i32
        %add3A_103 = arith.addi %mul3A_101, %add3A_102 : i32
        %get3A_104 = arith.index_cast %add3A_103 : i32 to index
        %get3A_105 = arith.constant 0 : index
        %get3A_106 = tpu.vector_load %arg11[%get3A_104, %get3A_105] {strides = array<i32>} : memref<128x32xf32, #tpu.memory_space<vmem>>, vector<16xf32>,
        %mul3A_107 = vector.broadcast %squeeze3A_95 : f32 to vector<16xf32>
        %mul3A_108 = arith.mulf %get3A_106, %mul3A_107 : vector<16xf32>
        %add3A_109 = arith.constant 0 : i32
        %add3A_110 = vector.broadcast %add3A_109 : i32 to vector<16xi32>
        %add3A_111 = arith.addi %add3A_99, %add3A_110 : vector<16xi32>
        tpu.vector_store_idx %arg7[%add3A_111], %mul3A_108 {add = true} : memref<102400xf32, #tpu.memory_space<vmem>>[vector<16xi32>], vector<16xf32>,
        %get3A_112 = arith.index_cast %add3A_103 : i32 to index
        %get3A_113 = arith.constant 16 : index
        %get3A_114 = tpu.vector_load %arg11[%get3A_112, %get3A_113] {strides = array<i32>} : memref<128x32xf32, #tpu.memory_space<vmem>>, vector<16xf32>,
        %mul3A_115 = vector.broadcast %squeeze3A_95 : f32 to vector<16xf32>
        %mul3A_116 = arith.mulf %get3A_114, %mul3A_115 : vector<16xf32>
        %add3A_117 = arith.constant 16 : i32
        %add3A_118 = vector.broadcast %add3A_117 : i32 to vector<16xi32>
        %add3A_119 = arith.addi %add3A_99, %add3A_118 : vector<16xi32>
        tpu.vector_store_idx %arg7[%add3A_119], %mul3A_116 {add = true} : memref<102400xf32, #tpu.memory_space<vmem>>[vector<16xi32>], vector<16xf32>,
        %slice3A_120 = vector.extract_strided_slice %get3A_65 {offsets = [2], sizes = [1], strides = [1]} : vector<16xf32> to vector<1xf32>
        %squeeze3A_121 = vector.extract %slice3A_120[0] : f32 from vector<1xf32>
        %slice3A_122 = vector.extract_strided_slice %get3A_69 {offsets = [2], sizes = [1], strides = [1]} : vector<16xi32> to vector<1xi32>
        %squeeze3A_123 = vector.extract %slice3A_122[0] : i32 from vector<1xi32>
        %broadcast_in_dim3A_124 = vector.broadcast %squeeze3A_123 : i32 to vector<16xi32>
        %add3A_125 = arith.addi %broadcast_in_dim3A_124, %iota3A : vector<16xi32>
        %mul3A_126 = arith.constant 16 : i32
        %mul3A_127 = arith.muli %scan3A_62, %mul3A_126 : i32
        %add3A_128 = arith.constant 2 : i32
        %add3A_129 = arith.addi %mul3A_127, %add3A_128 : i32
        %get3A_130 = arith.index_cast %add3A_129 : i32 to index
        %get3A_131 = arith.constant 0 : index
        %get3A_132 = tpu.vector_load %arg11[%get3A_130, %get3A_131] {strides = array<i32>} : memref<128x32xf32, #tpu.memory_space<vmem>>, vector<16xf32>,
        %mul3A_133 = vector.broadcast %squeeze3A_121 : f32 to vector<16xf32>
        %mul3A_134 = arith.mulf %get3A_132, %mul3A_133 : vector<16xf32>
        %add3A_135 = arith.constant 0 : i32
        %add3A_136 = vector.broadcast %add3A_135 : i32 to vector<16xi32>
        %add3A_137 = arith.addi %add3A_125, %add3A_136 : vector<16xi32>
        tpu.vector_store_idx %arg7[%add3A_137], %mul3A_134 {add = true} : memref<102400xf32, #tpu.memory_space<vmem>>[vector<16xi32>], vector<16xf32>,
        %get3A_138 = arith.index_cast %add3A_129 : i32 to index
        %get3A_139 = arith.constant 16 : index
        %get3A_140 = tpu.vector_load %arg11[%get3A_138, %get3A_139] {strides = array<i32>} : memref<128x32xf32, #tpu.memory_space<vmem>>, vector<16xf32>,
        %mul3A_141 = vector.broadcast %squeeze3A_121 : f32 to vector<16xf32>
        %mul3A_142 = arith.mulf %get3A_140, %mul3A_141 : vector<16xf32>
        %add3A_143 = arith.constant 16 : i32
        %add3A_144 = vector.broadcast %add3A_143 : i32 to vector<16xi32>
        %add3A_145 = arith.addi %add3A_125, %add3A_144 : vector<16xi32>
        tpu.vector_store_idx %arg7[%add3A_145], %mul3A_142 {add = true} : memref<102400xf32, #tpu.memory_space<vmem>>[vector<16xi32>], vector<16xf32>,
        %slice3A_146 = vector.extract_strided_slice %get3A_65 {offsets = [3], sizes = [1], strides = [1]} : vector<16xf32> to vector<1xf32>
        %squeeze3A_147 = vector.extract %slice3A_146[0] : f32 from vector<1xf32>
        %slice3A_148 = vector.extract_strided_slice %get3A_69 {offsets = [3], sizes = [1], strides = [1]} : vector<16xi32> to vector<1xi32>
        %squeeze3A_149 = vector.extract %slice3A_148[0] : i32 from vector<1xi32>
        %broadcast_in_dim3A_150 = vector.broadcast %squeeze3A_149 : i32 to vector<16xi32>
        %add3A_151 = arith.addi %broadcast_in_dim3A_150, %iota3A : vector<16xi32>
        %mul3A_152 = arith.constant 16 : i32
        %mul3A_153 = arith.muli %scan3A_62, %mul3A_152 : i32
        %add3A_154 = arith.constant 3 : i32
        %add3A_155 = arith.addi %mul3A_153, %add3A_154 : i32
        %get3A_156 = arith.index_cast %add3A_155 : i32 to index
        %get3A_157 = arith.constant 0 : index
        %get3A_158 = tpu.vector_load %arg11[%get3A_156, %get3A_157] {strides = array<i32>} : memref<128x32xf32, #tpu.memory_space<vmem>>, vector<16xf32>,
        %mul3A_159 = vector.broadcast %squeeze3A_147 : f32 to vector<16xf32>
        %mul3A_160 = arith.mulf %get3A_158, %mul3A_159 : vector<16xf32>
        %add3A_161 = arith.constant 0 : i32
        %add3A_162 = vector.broadcast %add3A_161 : i32 to vector<16xi32>
        %add3A_163 = arith.addi %add3A_151, %add3A_162 : vector<16xi32>
        tpu.vector_store_idx %arg7[%add3A_163], %mul3A_160 {add = true} : memref<102400xf32, #tpu.memory_space<vmem>>[vector<16xi32>], vector<16xf32>,
        %get3A_164 = arith.index_cast %add3A_155 : i32 to index
        %get3A_165 = arith.constant 16 : index
        %get3A_166 = tpu.vector_load %arg11[%get3A_164, %get3A_165] {strides = array<i32>} : memref<128x32xf32, #tpu.memory_space<vmem>>, vector<16xf32>,
        %mul3A_167 = vector.broadcast %squeeze3A_147 : f32 to vector<16xf32>
        %mul3A_168 = arith.mulf %get3A_166, %mul3A_167 : vector<16xf32>
        %add3A_169 = arith.constant 16 : i32
        %add3A_170 = vector.broadcast %add3A_169 : i32 to vector<16xi32>
        %add3A_171 = arith.addi %add3A_151, %add3A_170 : vector<16xi32>
        tpu.vector_store_idx %arg7[%add3A_171], %mul3A_168 {add = true} : memref<102400xf32, #tpu.memory_space<vmem>>[vector<16xi32>], vector<16xf32>,
        %slice3A_172 = vector.extract_strided_slice %get3A_65 {offsets = [4], sizes = [1], strides = [1]} : vector<16xf32> to vector<1xf32>
        %squeeze3A_173 = vector.extract %slice3A_172[0] : f32 from vector<1xf32>
        %slice3A_174 = vector.extract_strided_slice %get3A_69 {offsets = [4], sizes = [1], strides = [1]} : vector<16xi32> to vector<1xi32>
        %squeeze3A_175 = vector.extract %slice3A_174[0] : i32 from vector<1xi32>
        %broadcast_in_dim3A_176 = vector.broadcast %squeeze3A_175 : i32 to vector<16xi32>
        %add3A_177 = arith.addi %broadcast_in_dim3A_176, %iota3A : vector<16xi32>
        %mul3A_178 = arith.constant 16 : i32
        %mul3A_179 = arith.muli %scan3A_62, %mul3A_178 : i32
        %add3A_180 = arith.constant 4 : i32
        %add3A_181 = arith.addi %mul3A_179, %add3A_180 : i32
        %get3A_182 = arith.index_cast %add3A_181 : i32 to index
        %get3A_183 = arith.constant 0 : index
        %get3A_184 = tpu.vector_load %arg11[%get3A_182, %get3A_183] {strides = array<i32>} : memref<128x32xf32, #tpu.memory_space<vmem>>, vector<16xf32>,
        %mul3A_185 = vector.broadcast %squeeze3A_173 : f32 to vector<16xf32>
        %mul3A_186 = arith.mulf %get3A_184, %mul3A_185 : vector<16xf32>
        %add3A_187 = arith.constant 0 : i32
        %add3A_188 = vector.broadcast %add3A_187 : i32 to vector<16xi32>
        %add3A_189 = arith.addi %add3A_177, %add3A_188 : vector<16xi32>
        tpu.vector_store_idx %arg7[%add3A_189], %mul3A_186 {add = true} : memref<102400xf32, #tpu.memory_space<vmem>>[vector<16xi32>], vector<16xf32>,
        %get3A_190 = arith.index_cast %add3A_181 : i32 to index
        %get3A_191 = arith.constant 16 : index
        %get3A_192 = tpu.vector_load %arg11[%get3A_190, %get3A_191] {strides = array<i32>} : memref<128x32xf32, #tpu.memory_space<vmem>>, vector<16xf32>,
        %mul3A_193 = vector.broadcast %squeeze3A_173 : f32 to vector<16xf32>
        %mul3A_194 = arith.mulf %get3A_192, %mul3A_193 : vector<16xf32>
        %add3A_195 = arith.constant 16 : i32
        %add3A_196 = vector.broadcast %add3A_195 : i32 to vector<16xi32>
        %add3A_197 = arith.addi %add3A_177, %add3A_196 : vector<16xi32>
        tpu.vector_store_idx %arg7[%add3A_197], %mul3A_194 {add = true} : memref<102400xf32, #tpu.memory_space<vmem>>[vector<16xi32>], vector<16xf32>,
        %slice3A_198 = vector.extract_strided_slice %get3A_65 {offsets = [5], sizes = [1], strides = [1]} : vector<16xf32> to vector<1xf32>
        %squeeze3A_199 = vector.extract %slice3A_198[0] : f32 from vector<1xf32>
        %slice3A_200 = vector.extract_strided_slice %get3A_69 {offsets = [5], sizes = [1], strides = [1]} : vector<16xi32> to vector<1xi32>
        %squeeze3A_201 = vector.extract %slice3A_200[0] : i32 from vector<1xi32>
        %broadcast_in_dim3A_202 = vector.broadcast %squeeze3A_201 : i32 to vector<16xi32>
        %add3A_203 = arith.addi %broadcast_in_dim3A_202, %iota3A : vector<16xi32>
        %mul3A_204 = arith.constant 16 : i32
        %mul3A_205 = arith.muli %scan3A_62, %mul3A_204 : i32
        %add3A_206 = arith.constant 5 : i32
        %add3A_207 = arith.addi %mul3A_205, %add3A_206 : i32
        %get3A_208 = arith.index_cast %add3A_207 : i32 to index
        %get3A_209 = arith.constant 0 : index
        %get3A_210 = tpu.vector_load %arg11[%get3A_208, %get3A_209] {strides = array<i32>} : memref<128x32xf32, #tpu.memory_space<vmem>>, vector<16xf32>,
        %mul3A_211 = vector.broadcast %squeeze3A_199 : f32 to vector<16xf32>
        %mul3A_212 = arith.mulf %get3A_210, %mul3A_211 : vector<16xf32>
        %add3A_213 = arith.constant 0 : i32
        %add3A_214 = vector.broadcast %add3A_213 : i32 to vector<16xi32>
        %add3A_215 = arith.addi %add3A_203, %add3A_214 : vector<16xi32>
        tpu.vector_store_idx %arg7[%add3A_215], %mul3A_212 {add = true} : memref<102400xf32, #tpu.memory_space<vmem>>[vector<16xi32>], vector<16xf32>,
        %get3A_216 = arith.index_cast %add3A_207 : i32 to index
        %get3A_217 = arith.constant 16 : index
        %get3A_218 = tpu.vector_load %arg11[%get3A_216, %get3A_217] {strides = array<i32>} : memref<128x32xf32, #tpu.memory_space<vmem>>, vector<16xf32>,
        %mul3A_219 = vector.broadcast %squeeze3A_199 : f32 to vector<16xf32>
        %mul3A_220 = arith.mulf %get3A_218, %mul3A_219 : vector<16xf32>
        %add3A_221 = arith.constant 16 : i32
        %add3A_222 = vector.broadcast %add3A_221 : i32 to vector<16xi32>
        %add3A_223 = arith.addi %add3A_203, %add3A_222 : vector<16xi32>
        tpu.vector_store_idx %arg7[%add3A_223], %mul3A_220 {add = true} : memref<102400xf32, #tpu.memory_space<vmem>>[vector<16xi32>], vector<16xf32>,
        %slice3A_224 = vector.extract_strided_slice %get3A_65 {offsets = [6], sizes = [1], strides = [1]} : vector<16xf32> to vector<1xf32>
        %squeeze3A_225 = vector.extract %slice3A_224[0] : f32 from vector<1xf32>
        %slice3A_226 = vector.extract_strided_slice %get3A_69 {offsets = [6], sizes = [1], strides = [1]} : vector<16xi32> to vector<1xi32>
        %squeeze3A_227 = vector.extract %slice3A_226[0] : i32 from vector<1xi32>
        %broadcast_in_dim3A_228 = vector.broadcast %squeeze3A_227 : i32 to vector<16xi32>
        %add3A_229 = arith.addi %broadcast_in_dim3A_228, %iota3A : vector<16xi32>
        %mul3A_230 = arith.constant 16 : i32
        %mul3A_231 = arith.muli %scan3A_62, %mul3A_230 : i32
        %add3A_232 = arith.constant 6 : i32
        %add3A_233 = arith.addi %mul3A_231, %add3A_232 : i32
        %get3A_234 = arith.index_cast %add3A_233 : i32 to index
        %get3A_235 = arith.constant 0 : index
        %get3A_236 = tpu.vector_load %arg11[%get3A_234, %get3A_235] {strides = array<i32>} : memref<128x32xf32, #tpu.memory_space<vmem>>, vector<16xf32>,
        %mul3A_237 = vector.broadcast %squeeze3A_225 : f32 to vector<16xf32>
        %mul3A_238 = arith.mulf %get3A_236, %mul3A_237 : vector<16xf32>
        %add3A_239 = arith.constant 0 : i32
        %add3A_240 = vector.broadcast %add3A_239 : i32 to vector<16xi32>
        %add3A_241 = arith.addi %add3A_229, %add3A_240 : vector<16xi32>
        tpu.vector_store_idx %arg7[%add3A_241], %mul3A_238 {add = true} : memref<102400xf32, #tpu.memory_space<vmem>>[vector<16xi32>], vector<16xf32>,
        %get3A_242 = arith.index_cast %add3A_233 : i32 to index
        %get3A_243 = arith.constant 16 : index
        %get3A_244 = tpu.vector_load %arg11[%get3A_242, %get3A_243] {strides = array<i32>} : memref<128x32xf32, #tpu.memory_space<vmem>>, vector<16xf32>,
        %mul3A_245 = vector.broadcast %squeeze3A_225 : f32 to vector<16xf32>
        %mul3A_246 = arith.mulf %get3A_244, %mul3A_245 : vector<16xf32>
        %add3A_247 = arith.constant 16 : i32
        %add3A_248 = vector.broadcast %add3A_247 : i32 to vector<16xi32>
        %add3A_249 = arith.addi %add3A_229, %add3A_248 : vector<16xi32>
        tpu.vector_store_idx %arg7[%add3A_249], %mul3A_246 {add = true} : memref<102400xf32, #tpu.memory_space<vmem>>[vector<16xi32>], vector<16xf32>,
        %slice3A_250 = vector.extract_strided_slice %get3A_65 {offsets = [7], sizes = [1], strides = [1]} : vector<16xf32> to vector<1xf32>
        %squeeze3A_251 = vector.extract %slice3A_250[0] : f32 from vector<1xf32>
        %slice3A_252 = vector.extract_strided_slice %get3A_69 {offsets = [7], sizes = [1], strides = [1]} : vector<16xi32> to vector<1xi32>
        %squeeze3A_253 = vector.extract %slice3A_252[0] : i32 from vector<1xi32>
        %broadcast_in_dim3A_254 = vector.broadcast %squeeze3A_253 : i32 to vector<16xi32>
        %add3A_255 = arith.addi %broadcast_in_dim3A_254, %iota3A : vector<16xi32>
        %mul3A_256 = arith.constant 16 : i32
        %mul3A_257 = arith.muli %scan3A_62, %mul3A_256 : i32
        %add3A_258 = arith.constant 7 : i32
        %add3A_259 = arith.addi %mul3A_257, %add3A_258 : i32
        %get3A_260 = arith.index_cast %add3A_259 : i32 to index
        %get3A_261 = arith.constant 0 : index
        %get3A_262 = tpu.vector_load %arg11[%get3A_260, %get3A_261] {strides = array<i32>} : memref<128x32xf32, #tpu.memory_space<vmem>>, vector<16xf32>,
        %mul3A_263 = vector.broadcast %squeeze3A_251 : f32 to vector<16xf32>
        %mul3A_264 = arith.mulf %get3A_262, %mul3A_263 : vector<16xf32>
        %add3A_265 = arith.constant 0 : i32
        %add3A_266 = vector.broadcast %add3A_265 : i32 to vector<16xi32>
        %add3A_267 = arith.addi %add3A_255, %add3A_266 : vector<16xi32>
        tpu.vector_store_idx %arg7[%add3A_267], %mul3A_264 {add = true} : memref<102400xf32, #tpu.memory_space<vmem>>[vector<16xi32>], vector<16xf32>,
        %get3A_268 = arith.index_cast %add3A_259 : i32 to index
        %get3A_269 = arith.constant 16 : index
        %get3A_270 = tpu.vector_load %arg11[%get3A_268, %get3A_269] {strides = array<i32>} : memref<128x32xf32, #tpu.memory_space<vmem>>, vector<16xf32>,
        %mul3A_271 = vector.broadcast %squeeze3A_251 : f32 to vector<16xf32>
        %mul3A_272 = arith.mulf %get3A_270, %mul3A_271 : vector<16xf32>
        %add3A_273 = arith.constant 16 : i32
        %add3A_274 = vector.broadcast %add3A_273 : i32 to vector<16xi32>
        %add3A_275 = arith.addi %add3A_255, %add3A_274 : vector<16xi32>
        tpu.vector_store_idx %arg7[%add3A_275], %mul3A_272 {add = true} : memref<102400xf32, #tpu.memory_space<vmem>>[vector<16xi32>], vector<16xf32>,
        %slice3A_276 = vector.extract_strided_slice %get3A_65 {offsets = [8], sizes = [1], strides = [1]} : vector<16xf32> to vector<1xf32>
        %squeeze3A_277 = vector.extract %slice3A_276[0] : f32 from vector<1xf32>
        %slice3A_278 = vector.extract_strided_slice %get3A_69 {offsets = [8], sizes = [1], strides = [1]} : vector<16xi32> to vector<1xi32>
        %squeeze3A_279 = vector.extract %slice3A_278[0] : i32 from vector<1xi32>
        %broadcast_in_dim3A_280 = vector.broadcast %squeeze3A_279 : i32 to vector<16xi32>
        %add3A_281 = arith.addi %broadcast_in_dim3A_280, %iota3A : vector<16xi32>
        %mul3A_282 = arith.constant 16 : i32
        %mul3A_283 = arith.muli %scan3A_62, %mul3A_282 : i32
        %add3A_284 = arith.constant 8 : i32
        %add3A_285 = arith.addi %mul3A_283, %add3A_284 : i32
        %get3A_286 = arith.index_cast %add3A_285 : i32 to index
        %get3A_287 = arith.constant 0 : index
        %get3A_288 = tpu.vector_load %arg11[%get3A_286, %get3A_287] {strides = array<i32>} : memref<128x32xf32, #tpu.memory_space<vmem>>, vector<16xf32>,
        %mul3A_289 = vector.broadcast %squeeze3A_277 : f32 to vector<16xf32>
        %mul3A_290 = arith.mulf %get3A_288, %mul3A_289 : vector<16xf32>
        %add3A_291 = arith.constant 0 : i32
        %add3A_292 = vector.broadcast %add3A_291 : i32 to vector<16xi32>
        %add3A_293 = arith.addi %add3A_281, %add3A_292 : vector<16xi32>
        tpu.vector_store_idx %arg7[%add3A_293], %mul3A_290 {add = true} : memref<102400xf32, #tpu.memory_space<vmem>>[vector<16xi32>], vector<16xf32>,
        %get3A_294 = arith.index_cast %add3A_285 : i32 to index
        %get3A_295 = arith.constant 16 : index
        %get3A_296 = tpu.vector_load %arg11[%get3A_294, %get3A_295] {strides = array<i32>} : memref<128x32xf32, #tpu.memory_space<vmem>>, vector<16xf32>,
        %mul3A_297 = vector.broadcast %squeeze3A_277 : f32 to vector<16xf32>
        %mul3A_298 = arith.mulf %get3A_296, %mul3A_297 : vector<16xf32>
        %add3A_299 = arith.constant 16 : i32
        %add3A_300 = vector.broadcast %add3A_299 : i32 to vector<16xi32>
        %add3A_301 = arith.addi %add3A_281, %add3A_300 : vector<16xi32>
        tpu.vector_store_idx %arg7[%add3A_301], %mul3A_298 {add = true} : memref<102400xf32, #tpu.memory_space<vmem>>[vector<16xi32>], vector<16xf32>,
        %slice3A_302 = vector.extract_strided_slice %get3A_65 {offsets = [9], sizes = [1], strides = [1]} : vector<16xf32> to vector<1xf32>
        %squeeze3A_303 = vector.extract %slice3A_302[0] : f32 from vector<1xf32>
        %slice3A_304 = vector.extract_strided_slice %get3A_69 {offsets = [9], sizes = [1], strides = [1]} : vector<16xi32> to vector<1xi32>
        %squeeze3A_305 = vector.extract %slice3A_304[0] : i32 from vector<1xi32>
        %broadcast_in_dim3A_306 = vector.broadcast %squeeze3A_305 : i32 to vector<16xi32>
        %add3A_307 = arith.addi %broadcast_in_dim3A_306, %iota3A : vector<16xi32>
        %mul3A_308 = arith.constant 16 : i32
        %mul3A_309 = arith.muli %scan3A_62, %mul3A_308 : i32
        %add3A_310 = arith.constant 9 : i32
        %add3A_311 = arith.addi %mul3A_309, %add3A_310 : i32
        %get3A_312 = arith.index_cast %add3A_311 : i32 to index
        %get3A_313 = arith.constant 0 : index
        %get3A_314 = tpu.vector_load %arg11[%get3A_312, %get3A_313] {strides = array<i32>} : memref<128x32xf32, #tpu.memory_space<vmem>>, vector<16xf32>,
        %mul3A_315 = vector.broadcast %squeeze3A_303 : f32 to vector<16xf32>
        %mul3A_316 = arith.mulf %get3A_314, %mul3A_315 : vector<16xf32>
        %add3A_317 = arith.constant 0 : i32
        %add3A_318 = vector.broadcast %add3A_317 : i32 to vector<16xi32>
        %add3A_319 = arith.addi %add3A_307, %add3A_318 : vector<16xi32>
        tpu.vector_store_idx %arg7[%add3A_319], %mul3A_316 {add = true} : memref<102400xf32, #tpu.memory_space<vmem>>[vector<16xi32>], vector<16xf32>,
        %get3A_320 = arith.index_cast %add3A_311 : i32 to index
        %get3A_321 = arith.constant 16 : index
        %get3A_322 = tpu.vector_load %arg11[%get3A_320, %get3A_321] {strides = array<i32>} : memref<128x32xf32, #tpu.memory_space<vmem>>, vector<16xf32>,
        %mul3A_323 = vector.broadcast %squeeze3A_303 : f32 to vector<16xf32>
        %mul3A_324 = arith.mulf %get3A_322, %mul3A_323 : vector<16xf32>
        %add3A_325 = arith.constant 16 : i32
        %add3A_326 = vector.broadcast %add3A_325 : i32 to vector<16xi32>
        %add3A_327 = arith.addi %add3A_307, %add3A_326 : vector<16xi32>
        tpu.vector_store_idx %arg7[%add3A_327], %mul3A_324 {add = true} : memref<102400xf32, #tpu.memory_space<vmem>>[vector<16xi32>], vector<16xf32>,
        %slice3A_328 = vector.extract_strided_slice %get3A_65 {offsets = [10], sizes = [1], strides = [1]} : vector<16xf32> to vector<1xf32>
        %squeeze3A_329 = vector.extract %slice3A_328[0] : f32 from vector<1xf32>
        %slice3A_330 = vector.extract_strided_slice %get3A_69 {offsets = [10], sizes = [1], strides = [1]} : vector<16xi32> to vector<1xi32>
        %squeeze3A_331 = vector.extract %slice3A_330[0] : i32 from vector<1xi32>
        %broadcast_in_dim3A_332 = vector.broadcast %squeeze3A_331 : i32 to vector<16xi32>
        %add3A_333 = arith.addi %broadcast_in_dim3A_332, %iota3A : vector<16xi32>
        %mul3A_334 = arith.constant 16 : i32
        %mul3A_335 = arith.muli %scan3A_62, %mul3A_334 : i32
        %add3A_336 = arith.constant 10 : i32
        %add3A_337 = arith.addi %mul3A_335, %add3A_336 : i32
        %get3A_338 = arith.index_cast %add3A_337 : i32 to index
        %get3A_339 = arith.constant 0 : index
        %get3A_340 = tpu.vector_load %arg11[%get3A_338, %get3A_339] {strides = array<i32>} : memref<128x32xf32, #tpu.memory_space<vmem>>, vector<16xf32>,
        %mul3A_341 = vector.broadcast %squeeze3A_329 : f32 to vector<16xf32>
        %mul3A_342 = arith.mulf %get3A_340, %mul3A_341 : vector<16xf32>
        %add3A_343 = arith.constant 0 : i32
        %add3A_344 = vector.broadcast %add3A_343 : i32 to vector<16xi32>
        %add3A_345 = arith.addi %add3A_333, %add3A_344 : vector<16xi32>
        tpu.vector_store_idx %arg7[%add3A_345], %mul3A_342 {add = true} : memref<102400xf32, #tpu.memory_space<vmem>>[vector<16xi32>], vector<16xf32>,
        %get3A_346 = arith.index_cast %add3A_337 : i32 to index
        %get3A_347 = arith.constant 16 : index
        %get3A_348 = tpu.vector_load %arg11[%get3A_346, %get3A_347] {strides = array<i32>} : memref<128x32xf32, #tpu.memory_space<vmem>>, vector<16xf32>,
        %mul3A_349 = vector.broadcast %squeeze3A_329 : f32 to vector<16xf32>
        %mul3A_350 = arith.mulf %get3A_348, %mul3A_349 : vector<16xf32>
        %add3A_351 = arith.constant 16 : i32
        %add3A_352 = vector.broadcast %add3A_351 : i32 to vector<16xi32>
        %add3A_353 = arith.addi %add3A_333, %add3A_352 : vector<16xi32>
        tpu.vector_store_idx %arg7[%add3A_353], %mul3A_350 {add = true} : memref<102400xf32, #tpu.memory_space<vmem>>[vector<16xi32>], vector<16xf32>,
        %slice3A_354 = vector.extract_strided_slice %get3A_65 {offsets = [11], sizes = [1], strides = [1]} : vector<16xf32> to vector<1xf32>
        %squeeze3A_355 = vector.extract %slice3A_354[0] : f32 from vector<1xf32>
        %slice3A_356 = vector.extract_strided_slice %get3A_69 {offsets = [11], sizes = [1], strides = [1]} : vector<16xi32> to vector<1xi32>
        %squeeze3A_357 = vector.extract %slice3A_356[0] : i32 from vector<1xi32>
        %broadcast_in_dim3A_358 = vector.broadcast %squeeze3A_357 : i32 to vector<16xi32>
        %add3A_359 = arith.addi %broadcast_in_dim3A_358, %iota3A : vector<16xi32>
        %mul3A_360 = arith.constant 16 : i32
        %mul3A_361 = arith.muli %scan3A_62, %mul3A_360 : i32
        %add3A_362 = arith.constant 11 : i32
        %add3A_363 = arith.addi %mul3A_361, %add3A_362 : i32
        %get3A_364 = arith.index_cast %add3A_363 : i32 to index
        %get3A_365 = arith.constant 0 : index
        %get3A_366 = tpu.vector_load %arg11[%get3A_364, %get3A_365] {strides = array<i32>} : memref<128x32xf32, #tpu.memory_space<vmem>>, vector<16xf32>,
        %mul3A_367 = vector.broadcast %squeeze3A_355 : f32 to vector<16xf32>
        %mul3A_368 = arith.mulf %get3A_366, %mul3A_367 : vector<16xf32>
        %add3A_369 = arith.constant 0 : i32
        %add3A_370 = vector.broadcast %add3A_369 : i32 to vector<16xi32>
        %add3A_371 = arith.addi %add3A_359, %add3A_370 : vector<16xi32>
        tpu.vector_store_idx %arg7[%add3A_371], %mul3A_368 {add = true} : memref<102400xf32, #tpu.memory_space<vmem>>[vector<16xi32>], vector<16xf32>,
        %get3A_372 = arith.index_cast %add3A_363 : i32 to index
        %get3A_373 = arith.constant 16 : index
        %get3A_374 = tpu.vector_load %arg11[%get3A_372, %get3A_373] {strides = array<i32>} : memref<128x32xf32, #tpu.memory_space<vmem>>, vector<16xf32>,
        %mul3A_375 = vector.broadcast %squeeze3A_355 : f32 to vector<16xf32>
        %mul3A_376 = arith.mulf %get3A_374, %mul3A_375 : vector<16xf32>
        %add3A_377 = arith.constant 16 : i32
        %add3A_378 = vector.broadcast %add3A_377 : i32 to vector<16xi32>
        %add3A_379 = arith.addi %add3A_359, %add3A_378 : vector<16xi32>
        tpu.vector_store_idx %arg7[%add3A_379], %mul3A_376 {add = true} : memref<102400xf32, #tpu.memory_space<vmem>>[vector<16xi32>], vector<16xf32>,
        %slice3A_380 = vector.extract_strided_slice %get3A_65 {offsets = [12], sizes = [1], strides = [1]} : vector<16xf32> to vector<1xf32>
        %squeeze3A_381 = vector.extract %slice3A_380[0] : f32 from vector<1xf32>
        %slice3A_382 = vector.extract_strided_slice %get3A_69 {offsets = [12], sizes = [1], strides = [1]} : vector<16xi32> to vector<1xi32>
        %squeeze3A_383 = vector.extract %slice3A_382[0] : i32 from vector<1xi32>
        %broadcast_in_dim3A_384 = vector.broadcast %squeeze3A_383 : i32 to vector<16xi32>
        %add3A_385 = arith.addi %broadcast_in_dim3A_384, %iota3A : vector<16xi32>
        %mul3A_386 = arith.constant 16 : i32
        %mul3A_387 = arith.muli %scan3A_62, %mul3A_386 : i32
        %add3A_388 = arith.constant 12 : i32
        %add3A_389 = arith.addi %mul3A_387, %add3A_388 : i32
        %get3A_390 = arith.index_cast %add3A_389 : i32 to index
        %get3A_391 = arith.constant 0 : index
        %get3A_392 = tpu.vector_load %arg11[%get3A_390, %get3A_391] {strides = array<i32>} : memref<128x32xf32, #tpu.memory_space<vmem>>, vector<16xf32>,
        %mul3A_393 = vector.broadcast %squeeze3A_381 : f32 to vector<16xf32>
        %mul3A_394 = arith.mulf %get3A_392, %mul3A_393 : vector<16xf32>
        %add3A_395 = arith.constant 0 : i32
        %add3A_396 = vector.broadcast %add3A_395 : i32 to vector<16xi32>
        %add3A_397 = arith.addi %add3A_385, %add3A_396 : vector<16xi32>
        tpu.vector_store_idx %arg7[%add3A_397], %mul3A_394 {add = true} : memref<102400xf32, #tpu.memory_space<vmem>>[vector<16xi32>], vector<16xf32>,
        %get3A_398 = arith.index_cast %add3A_389 : i32 to index
        %get3A_399 = arith.constant 16 : index
        %get3A_400 = tpu.vector_load %arg11[%get3A_398, %get3A_399] {strides = array<i32>} : memref<128x32xf32, #tpu.memory_space<vmem>>, vector<16xf32>,
        %mul3A_401 = vector.broadcast %squeeze3A_381 : f32 to vector<16xf32>
        %mul3A_402 = arith.mulf %get3A_400, %mul3A_401 : vector<16xf32>
        %add3A_403 = arith.constant 16 : i32
        %add3A_404 = vector.broadcast %add3A_403 : i32 to vector<16xi32>
        %add3A_405 = arith.addi %add3A_385, %add3A_404 : vector<16xi32>
        tpu.vector_store_idx %arg7[%add3A_405], %mul3A_402 {add = true} : memref<102400xf32, #tpu.memory_space<vmem>>[vector<16xi32>], vector<16xf32>,
        %slice3A_406 = vector.extract_strided_slice %get3A_65 {offsets = [13], sizes = [1], strides = [1]} : vector<16xf32> to vector<1xf32>
        %squeeze3A_407 = vector.extract %slice3A_406[0] : f32 from vector<1xf32>
        %slice3A_408 = vector.extract_strided_slice %get3A_69 {offsets = [13], sizes = [1], strides = [1]} : vector<16xi32> to vector<1xi32>
        %squeeze3A_409 = vector.extract %slice3A_408[0] : i32 from vector<1xi32>
        %broadcast_in_dim3A_410 = vector.broadcast %squeeze3A_409 : i32 to vector<16xi32>
        %add3A_411 = arith.addi %broadcast_in_dim3A_410, %iota3A : vector<16xi32>
        %mul3A_412 = arith.constant 16 : i32
        %mul3A_413 = arith.muli %scan3A_62, %mul3A_412 : i32
        %add3A_414 = arith.constant 13 : i32
        %add3A_415 = arith.addi %mul3A_413, %add3A_414 : i32
        %get3A_416 = arith.index_cast %add3A_415 : i32 to index
        %get3A_417 = arith.constant 0 : index
        %get3A_418 = tpu.vector_load %arg11[%get3A_416, %get3A_417] {strides = array<i32>} : memref<128x32xf32, #tpu.memory_space<vmem>>, vector<16xf32>,
        %mul3A_419 = vector.broadcast %squeeze3A_407 : f32 to vector<16xf32>
        %mul3A_420 = arith.mulf %get3A_418, %mul3A_419 : vector<16xf32>
        %add3A_421 = arith.constant 0 : i32
        %add3A_422 = vector.broadcast %add3A_421 : i32 to vector<16xi32>
        %add3A_423 = arith.addi %add3A_411, %add3A_422 : vector<16xi32>
        tpu.vector_store_idx %arg7[%add3A_423], %mul3A_420 {add = true} : memref<102400xf32, #tpu.memory_space<vmem>>[vector<16xi32>], vector<16xf32>,
        %get3A_424 = arith.index_cast %add3A_415 : i32 to index
        %get3A_425 = arith.constant 16 : index
        %get3A_426 = tpu.vector_load %arg11[%get3A_424, %get3A_425] {strides = array<i32>} : memref<128x32xf32, #tpu.memory_space<vmem>>, vector<16xf32>,
        %mul3A_427 = vector.broadcast %squeeze3A_407 : f32 to vector<16xf32>
        %mul3A_428 = arith.mulf %get3A_426, %mul3A_427 : vector<16xf32>
        %add3A_429 = arith.constant 16 : i32
        %add3A_430 = vector.broadcast %add3A_429 : i32 to vector<16xi32>
        %add3A_431 = arith.addi %add3A_411, %add3A_430 : vector<16xi32>
        tpu.vector_store_idx %arg7[%add3A_431], %mul3A_428 {add = true} : memref<102400xf32, #tpu.memory_space<vmem>>[vector<16xi32>], vector<16xf32>,
        %slice3A_432 = vector.extract_strided_slice %get3A_65 {offsets = [14], sizes = [1], strides = [1]} : vector<16xf32> to vector<1xf32>
        %squeeze3A_433 = vector.extract %slice3A_432[0] : f32 from vector<1xf32>
        %slice3A_434 = vector.extract_strided_slice %get3A_69 {offsets = [14], sizes = [1], strides = [1]} : vector<16xi32> to vector<1xi32>
        %squeeze3A_435 = vector.extract %slice3A_434[0] : i32 from vector<1xi32>
        %broadcast_in_dim3A_436 = vector.broadcast %squeeze3A_435 : i32 to vector<16xi32>
        %add3A_437 = arith.addi %broadcast_in_dim3A_436, %iota3A : vector<16xi32>
        %mul3A_438 = arith.constant 16 : i32
        %mul3A_439 = arith.muli %scan3A_62, %mul3A_438 : i32
        %add3A_440 = arith.constant 14 : i32
        %add3A_441 = arith.addi %mul3A_439, %add3A_440 : i32
        %get3A_442 = arith.index_cast %add3A_441 : i32 to index
        %get3A_443 = arith.constant 0 : index
        %get3A_444 = tpu.vector_load %arg11[%get3A_442, %get3A_443] {strides = array<i32>} : memref<128x32xf32, #tpu.memory_space<vmem>>, vector<16xf32>,
        %mul3A_445 = vector.broadcast %squeeze3A_433 : f32 to vector<16xf32>
        %mul3A_446 = arith.mulf %get3A_444, %mul3A_445 : vector<16xf32>
        %add3A_447 = arith.constant 0 : i32
        %add3A_448 = vector.broadcast %add3A_447 : i32 to vector<16xi32>
        %add3A_449 = arith.addi %add3A_437, %add3A_448 : vector<16xi32>
        tpu.vector_store_idx %arg7[%add3A_449], %mul3A_446 {add = true} : memref<102400xf32, #tpu.memory_space<vmem>>[vector<16xi32>], vector<16xf32>,
        %get3A_450 = arith.index_cast %add3A_441 : i32 to index
        %get3A_451 = arith.constant 16 : index
        %get3A_452 = tpu.vector_load %arg11[%get3A_450, %get3A_451] {strides = array<i32>} : memref<128x32xf32, #tpu.memory_space<vmem>>, vector<16xf32>,
        %mul3A_453 = vector.broadcast %squeeze3A_433 : f32 to vector<16xf32>
        %mul3A_454 = arith.mulf %get3A_452, %mul3A_453 : vector<16xf32>
        %add3A_455 = arith.constant 16 : i32
        %add3A_456 = vector.broadcast %add3A_455 : i32 to vector<16xi32>
        %add3A_457 = arith.addi %add3A_437, %add3A_456 : vector<16xi32>
        tpu.vector_store_idx %arg7[%add3A_457], %mul3A_454 {add = true} : memref<102400xf32, #tpu.memory_space<vmem>>[vector<16xi32>], vector<16xf32>,
        %slice3A_458 = vector.extract_strided_slice %get3A_65 {offsets = [15], sizes = [1], strides = [1]} : vector<16xf32> to vector<1xf32>
        %squeeze3A_459 = vector.extract %slice3A_458[0] : f32 from vector<1xf32>
        %slice3A_460 = vector.extract_strided_slice %get3A_69 {offsets = [15], sizes = [1], strides = [1]} : vector<16xi32> to vector<1xi32>
        %squeeze3A_461 = vector.extract %slice3A_460[0] : i32 from vector<1xi32>
        %broadcast_in_dim3A_462 = vector.broadcast %squeeze3A_461 : i32 to vector<16xi32>
        %add3A_463 = arith.addi %broadcast_in_dim3A_462, %iota3A : vector<16xi32>
        %mul3A_464 = arith.constant 16 : i32
        %mul3A_465 = arith.muli %scan3A_62, %mul3A_464 : i32
        %add3A_466 = arith.constant 15 : i32
        %add3A_467 = arith.addi %mul3A_465, %add3A_466 : i32
        %get3A_468 = arith.index_cast %add3A_467 : i32 to index
        %get3A_469 = arith.constant 0 : index
        %get3A_470 = tpu.vector_load %arg11[%get3A_468, %get3A_469] {strides = array<i32>} : memref<128x32xf32, #tpu.memory_space<vmem>>, vector<16xf32>,
        %mul3A_471 = vector.broadcast %squeeze3A_459 : f32 to vector<16xf32>
        %mul3A_472 = arith.mulf %get3A_470, %mul3A_471 : vector<16xf32>
        %add3A_473 = arith.constant 0 : i32
        %add3A_474 = vector.broadcast %add3A_473 : i32 to vector<16xi32>
        %add3A_475 = arith.addi %add3A_463, %add3A_474 : vector<16xi32>
        tpu.vector_store_idx %arg7[%add3A_475], %mul3A_472 {add = true} : memref<102400xf32, #tpu.memory_space<vmem>>[vector<16xi32>], vector<16xf32>,
        %get3A_476 = arith.index_cast %add3A_467 : i32 to index
        %get3A_477 = arith.constant 16 : index
        %get3A_478 = tpu.vector_load %arg11[%get3A_476, %get3A_477] {strides = array<i32>} : memref<128x32xf32, #tpu.memory_space<vmem>>, vector<16xf32>,
        %mul3A_479 = vector.broadcast %squeeze3A_459 : f32 to vector<16xf32>
        %mul3A_480 = arith.mulf %get3A_478, %mul3A_479 : vector<16xf32>
        %add3A_481 = arith.constant 16 : i32
        %add3A_482 = vector.broadcast %add3A_481 : i32 to vector<16xi32>
        %add3A_483 = arith.addi %add3A_463, %add3A_482 : vector<16xi32>
        tpu.vector_store_idx %arg7[%add3A_483], %mul3A_480 {add = true} : memref<102400xf32, #tpu.memory_space<vmem>>[vector<16xi32>], vector<16xf32>,
      }
      %scan3A_61 = arith.constant 8 : i32
    }
    %scan3A_42 = arith.constant 125 : i32
    "tpu.region"() ({
      %run_scoped3A = tpu.sem_alloc : memref<!tpu.dma_semaphore, #tpu.memory_space<semaphore_mem>>
      %dma_start3A = arith.constant 0 : i32
      %dma_start3A_43 = tpu.memref_slice %arg6[%select_n3A_9, %select_n3A_30, %dma_start3A] : memref<4x8x102400xf32, #tpu.memory_space<hbm>> -> memref<1x1x102400xf32, #tpu.memory_space<hbm>>
      %dma_start3A_44 = tpu.memref_squeeze %dma_start3A_43 : memref<1x1x102400xf32, #tpu.memory_space<hbm>> -> memref<102400xf32, #tpu.memory_space<hbm>>
      %dma_start3A_45 = arith.constant 0 : i32
      %dma_start3A_46 = tpu.memref_slice %arg6[%select_n3A_9, %select_n3A_30, %dma_start3A_45] : memref<4x8x102400xf32, #tpu.memory_space<hbm>> -> memref<1x1x102400xf32, #tpu.memory_space<hbm>>
      %dma_start3A_47 = tpu.memref_squeeze %dma_start3A_46 : memref<1x1x102400xf32, #tpu.memory_space<hbm>> -> memref<102400xf32, #tpu.memory_space<hbm>>
      tpu.enqueue_dma source(%arg7 : memref<102400xf32, #tpu.memory_space<vmem>>) target(%dma_start3A_47 : memref<102400xf32, #tpu.memory_space<hbm>>) target_semaphore(%run_scoped3A : memref<!tpu.dma_semaphore, #tpu.memory_space<semaphore_mem>>)
      %dma_wait3A = arith.constant 0 : i32
      %dma_wait3A_48 = tpu.memref_slice %arg6[%select_n3A_9, %select_n3A_30, %dma_wait3A] : memref<4x8x102400xf32, #tpu.memory_space<hbm>> -> memref<1x1x102400xf32, #tpu.memory_space<hbm>>
      %dma_wait3A_49 = tpu.memref_squeeze %dma_wait3A_48 : memref<1x1x102400xf32, #tpu.memory_space<hbm>> -> memref<102400xf32, #tpu.memory_space<hbm>>
      %dma_wait3A_50 = arith.constant 0 : i32
      %dma_wait3A_51 = tpu.memref_slice %arg6[%select_n3A_9, %select_n3A_30, %dma_wait3A_50] : memref<4x8x102400xf32, #tpu.memory_space<hbm>> -> memref<1x1x102400xf32, #tpu.memory_space<hbm>>
      %dma_wait3A_52 = tpu.memref_squeeze %dma_wait3A_51 : memref<1x1x102400xf32, #tpu.memory_space<hbm>> -> memref<102400xf32, #tpu.memory_space<hbm>>
      tpu.wait_dma2 semaphore(%run_scoped3A : memref<!tpu.dma_semaphore, #tpu.memory_space<semaphore_mem>>) src(%arg7 : memref<102400xf32, #tpu.memory_space<vmem>>) dst(%dma_wait3A_52 : memref<102400xf32, #tpu.memory_space<hbm>>)
      tpu.yield
    }) : () -> ()
    return
  }
}

#map = affine_map<(d0, d1) -> (0, 0, 0)>
module attributes {stable_mosaic.version = 14 : i64} {
  func.func @k(%arg0: i32, %arg1: i32, %arg2: memref<8x25000x32xf32, #tpu.memory_space<hbm>>, %arg3: memref<4x313x128xi32, #tpu.memory_space<hbm>>, %arg4: memref<4x313x128xi32, #tpu.memory_space<hbm>>, %arg5: memref<4x313x128xf32, #tpu.memory_space<hbm>>, %arg6: memref<4x8x102400xf32, #tpu.memory_space<hbm>>, %arg7: memref<102400xf32, #tpu.memory_space<vmem>>, %arg8: memref<128xi32, #tpu.memory_space<vmem>>, %arg9: memref<128xi32, #tpu.memory_space<vmem>>, %arg10: memref<128xf32, #tpu.memory_space<vmem>>, %arg11: memref<128x32xf32, #tpu.memory_space<vmem>>, %arg12: memref<!tpu.dma_semaphore, #tpu.memory_space<semaphore_mem>>) attributes {dimension_semantics = [#tpu.dimension_semantics<core_parallel>, #tpu.dimension_semantics<subcore_parallel>], iteration_bounds = array<i64: 2, 16>, scalar_prefetch = 0 : i64, scratch_operands = 6 : i64, tpu.core_type = #tpu.core_type<sc_vector_subcore>, window_params = [{transform_indices = #map}, {transform_indices = #map}, {transform_indices = #map}, {transform_indices = #map}, {transform_indices = #map}]} {
    %mul3A = arith.constant 2 : i32
    %mul3A_0 = arith.muli %arg1, %mul3A : i32
    %add3A = arith.addi %mul3A_0, %arg0 : i32
    %jit3A = arith.constant 4 : i32
    %eq3A = arith.constant 0 : i32
    %eq3A_1 = arith.cmpi eq, %jit3A, %eq3A : i32
    %jit3A_2 = arith.constant 1 : i32
    %select_n3A = arith.select %eq3A_1, %jit3A_2, %jit3A : i32
    %rem3A = arith.remsi %add3A, %select_n3A : i32
    %ne3A = arith.constant 0 : i32
    %ne3A_3 = arith.cmpi ne, %rem3A, %ne3A : i32
    %lt3A = arith.constant 0 : i32
    %lt3A_4 = arith.cmpi slt, %rem3A, %lt3A : i32
    %lt3A_5 = arith.constant 0 : i32
    %lt3A_6 = arith.cmpi slt, %select_n3A, %lt3A_5 : i32
    %ne3A_7 = arith.xori %lt3A_4, %lt3A_6 : i1
    %and3A = arith.andi %ne3A_7, %ne3A_3 : i1
    %add3A_8 = arith.addi %rem3A, %select_n3A : i32
    %select_n3A_9 = arith.select %and3A, %add3A_8, %rem3A : i32
    %jit3A_10 = arith.constant 4 : i32
    %div3A = arith.divsi %add3A, %jit3A_10 : i32
    %sign3A = arith.constant 0 : i32
    %sign3A_11 = arith.cmpi sgt, %add3A, %sign3A : i32
    %sign3A_12 = arith.extui %sign3A_11 : i1 to i32
    %sign3A_13 = arith.constant 0 : i32
    %sign3A_14 = arith.cmpi slt, %add3A, %sign3A_13 : i32
    %sign3A_15 = arith.extui %sign3A_14 : i1 to i32
    %sign3A_16 = arith.subi %sign3A_12, %sign3A_15 : i32
    %sign3A_17 = arith.constant 0 : i32
    %sign3A_18 = arith.cmpi sgt, %jit3A_10, %sign3A_17 : i32
    %sign3A_19 = arith.extui %sign3A_18 : i1 to i32
    %sign3A_20 = arith.constant 0 : i32
    %sign3A_21 = arith.cmpi slt, %jit3A_10, %sign3A_20 : i32
    %sign3A_22 = arith.extui %sign3A_21 : i1 to i32
    %sign3A_23 = arith.subi %sign3A_19, %sign3A_22 : i32
    %ne3A_24 = arith.cmpi ne, %sign3A_16, %sign3A_23 : i32
    %rem3A_25 = arith.remsi %add3A, %jit3A_10 : i32
    %ne3A_26 = arith.constant 0 : i32
    %ne3A_27 = arith.cmpi ne, %rem3A_25, %ne3A_26 : i32
    %and3A_28 = arith.andi %ne3A_24, %ne3A_27 : i1
    %sub3A = arith.constant 1 : i32
    %sub3A_29 = arith.subi %div3A, %sub3A : i32
    %select_n3A_30 = arith.select %and3A_28, %sub3A_29, %div3A : i32
    %iota3A = tpu.iota {dimensions = array<i32: 0>} : vector<16xi32>
    %broadcast_in_dim3A = arith.constant 0.000000e+00 : f32
    %broadcast_in_dim3A_31 = vector.broadcast %broadcast_in_dim3A : f32 to vector<16xf32>
    %scan3A = arith.constant 0 : i32
    %scan3A_32 = arith.constant 0 : i32
    %scan3A_33 = arith.constant 800 : i32
    %scan3A_34 = arith.addi %scan3A_32, %scan3A_33 : i32
    %scan3A_35 = arith.constant 1 : i32
    scf.for %scan3A_43 = %scan3A_32 to %scan3A_34 step %scan3A_35  : i32 {
      %mul3A_44 = arith.constant 8 : i32
      %mul3A_45 = arith.muli %scan3A_43, %mul3A_44 : i32
      %add3A_46 = arith.constant 0 : i32
      %add3A_47 = arith.addi %mul3A_45, %add3A_46 : i32
      %mul3A_48 = arith.constant 16 : i32
      %mul3A_49 = arith.muli %add3A_47, %mul3A_48 : i32
      %swap3A = arith.index_cast %mul3A_49 : i32 to index
      %swap3A_50 = tpu.vector_load %arg7[%swap3A] {strides = array<i32>} : memref<102400xf32, #tpu.memory_space<vmem>>, vector<16xf32>,
      tpu.vector_store %arg7[%swap3A], %broadcast_in_dim3A_31 {strides = array<i32>} : memref<102400xf32, #tpu.memory_space<vmem>>, vector<16xf32>,
      %mul3A_51 = arith.constant 8 : i32
      %mul3A_52 = arith.muli %scan3A_43, %mul3A_51 : i32
      %add3A_53 = arith.constant 1 : i32
      %add3A_54 = arith.addi %mul3A_52, %add3A_53 : i32
      %mul3A_55 = arith.constant 16 : i32
      %mul3A_56 = arith.muli %add3A_54, %mul3A_55 : i32
      %swap3A_57 = arith.index_cast %mul3A_56 : i32 to index
      %swap3A_58 = tpu.vector_load %arg7[%swap3A_57] {strides = array<i32>} : memref<102400xf32, #tpu.memory_space<vmem>>, vector<16xf32>,
      tpu.vector_store %arg7[%swap3A_57], %broadcast_in_dim3A_31 {strides = array<i32>} : memref<102400xf32, #tpu.memory_space<vmem>>, vector<16xf32>,
      %mul3A_59 = arith.constant 8 : i32
      %mul3A_60 = arith.muli %scan3A_43, %mul3A_59 : i32
      %add3A_61 = arith.constant 2 : i32
      %add3A_62 = arith.addi %mul3A_60, %add3A_61 : i32
      %mul3A_63 = arith.constant 16 : i32
      %mul3A_64 = arith.muli %add3A_62, %mul3A_63 : i32
      %swap3A_65 = arith.index_cast %mul3A_64 : i32 to index
      %swap3A_66 = tpu.vector_load %arg7[%swap3A_65] {strides = array<i32>} : memref<102400xf32, #tpu.memory_space<vmem>>, vector<16xf32>,
      tpu.vector_store %arg7[%swap3A_65], %broadcast_in_dim3A_31 {strides = array<i32>} : memref<102400xf32, #tpu.memory_space<vmem>>, vector<16xf32>,
      %mul3A_67 = arith.constant 8 : i32
      %mul3A_68 = arith.muli %scan3A_43, %mul3A_67 : i32
      %add3A_69 = arith.constant 3 : i32
      %add3A_70 = arith.addi %mul3A_68, %add3A_69 : i32
      %mul3A_71 = arith.constant 16 : i32
      %mul3A_72 = arith.muli %add3A_70, %mul3A_71 : i32
      %swap3A_73 = arith.index_cast %mul3A_72 : i32 to index
      %swap3A_74 = tpu.vector_load %arg7[%swap3A_73] {strides = array<i32>} : memref<102400xf32, #tpu.memory_space<vmem>>, vector<16xf32>,
      tpu.vector_store %arg7[%swap3A_73], %broadcast_in_dim3A_31 {strides = array<i32>} : memref<102400xf32, #tpu.memory_space<vmem>>, vector<16xf32>,
      %mul3A_75 = arith.constant 8 : i32
      %mul3A_76 = arith.muli %scan3A_43, %mul3A_75 : i32
      %add3A_77 = arith.constant 4 : i32
      %add3A_78 = arith.addi %mul3A_76, %add3A_77 : i32
      %mul3A_79 = arith.constant 16 : i32
      %mul3A_80 = arith.muli %add3A_78, %mul3A_79 : i32
      %swap3A_81 = arith.index_cast %mul3A_80 : i32 to index
      %swap3A_82 = tpu.vector_load %arg7[%swap3A_81] {strides = array<i32>} : memref<102400xf32, #tpu.memory_space<vmem>>, vector<16xf32>,
      tpu.vector_store %arg7[%swap3A_81], %broadcast_in_dim3A_31 {strides = array<i32>} : memref<102400xf32, #tpu.memory_space<vmem>>, vector<16xf32>,
      %mul3A_83 = arith.constant 8 : i32
      %mul3A_84 = arith.muli %scan3A_43, %mul3A_83 : i32
      %add3A_85 = arith.constant 5 : i32
      %add3A_86 = arith.addi %mul3A_84, %add3A_85 : i32
      %mul3A_87 = arith.constant 16 : i32
      %mul3A_88 = arith.muli %add3A_86, %mul3A_87 : i32
      %swap3A_89 = arith.index_cast %mul3A_88 : i32 to index
      %swap3A_90 = tpu.vector_load %arg7[%swap3A_89] {strides = array<i32>} : memref<102400xf32, #tpu.memory_space<vmem>>, vector<16xf32>,
      tpu.vector_store %arg7[%swap3A_89], %broadcast_in_dim3A_31 {strides = array<i32>} : memref<102400xf32, #tpu.memory_space<vmem>>, vector<16xf32>,
      %mul3A_91 = arith.constant 8 : i32
      %mul3A_92 = arith.muli %scan3A_43, %mul3A_91 : i32
      %add3A_93 = arith.constant 6 : i32
      %add3A_94 = arith.addi %mul3A_92, %add3A_93 : i32
      %mul3A_95 = arith.constant 16 : i32
      %mul3A_96 = arith.muli %add3A_94, %mul3A_95 : i32
      %swap3A_97 = arith.index_cast %mul3A_96 : i32 to index
      %swap3A_98 = tpu.vector_load %arg7[%swap3A_97] {strides = array<i32>} : memref<102400xf32, #tpu.memory_space<vmem>>, vector<16xf32>,
      tpu.vector_store %arg7[%swap3A_97], %broadcast_in_dim3A_31 {strides = array<i32>} : memref<102400xf32, #tpu.memory_space<vmem>>, vector<16xf32>,
      %mul3A_99 = arith.constant 8 : i32
      %mul3A_100 = arith.muli %scan3A_43, %mul3A_99 : i32
      %add3A_101 = arith.constant 7 : i32
      %add3A_102 = arith.addi %mul3A_100, %add3A_101 : i32
      %mul3A_103 = arith.constant 16 : i32
      %mul3A_104 = arith.muli %add3A_102, %mul3A_103 : i32
      %swap3A_105 = arith.index_cast %mul3A_104 : i32 to index
      %swap3A_106 = tpu.vector_load %arg7[%swap3A_105] {strides = array<i32>} : memref<102400xf32, #tpu.memory_space<vmem>>, vector<16xf32>,
      tpu.vector_store %arg7[%swap3A_105], %broadcast_in_dim3A_31 {strides = array<i32>} : memref<102400xf32, #tpu.memory_space<vmem>>, vector<16xf32>,
    }
    %scan3A_36 = arith.constant 800 : i32
    %scan3A_37 = arith.constant 0 : i32
    %scan3A_38 = arith.constant 0 : i32
    %scan3A_39 = arith.constant 313 : i32
    %scan3A_40 = arith.addi %scan3A_38, %scan3A_39 : i32
    %scan3A_41 = arith.constant 1 : i32
    scf.for %scan3A_43 = %scan3A_38 to %scan3A_40 step %scan3A_41  : i32 {
      "tpu.region"() ({
        %run_scoped3A = tpu.sem_alloc : memref<!tpu.dma_semaphore, #tpu.memory_space<semaphore_mem>>
        %dma_start3A_62 = arith.constant 0 : i32
        %dma_start3A_63 = tpu.memref_slice %arg3[%select_n3A_9, %scan3A_43, %dma_start3A_62] : memref<4x313x128xi32, #tpu.memory_space<hbm>> -> memref<1x1x128xi32, #tpu.memory_space<hbm>>
        %dma_start3A_64 = tpu.memref_squeeze %dma_start3A_63 : memref<1x1x128xi32, #tpu.memory_space<hbm>> -> memref<128xi32, #tpu.memory_space<hbm>>
        %dma_start3A_65 = arith.constant 0 : i32
        %dma_start3A_66 = tpu.memref_slice %arg3[%select_n3A_9, %scan3A_43, %dma_start3A_65] : memref<4x313x128xi32, #tpu.memory_space<hbm>> -> memref<1x1x128xi32, #tpu.memory_space<hbm>>
        %dma_start3A_67 = tpu.memref_squeeze %dma_start3A_66 : memref<1x1x128xi32, #tpu.memory_space<hbm>> -> memref<128xi32, #tpu.memory_space<hbm>>
        tpu.enqueue_dma source(%dma_start3A_67 : memref<128xi32, #tpu.memory_space<hbm>>) target(%arg8 : memref<128xi32, #tpu.memory_space<vmem>>) target_semaphore(%run_scoped3A : memref<!tpu.dma_semaphore, #tpu.memory_space<semaphore_mem>>)
        %dma_wait3A_68 = arith.constant 0 : i32
        %dma_wait3A_69 = tpu.memref_slice %arg3[%select_n3A_9, %scan3A_43, %dma_wait3A_68] : memref<4x313x128xi32, #tpu.memory_space<hbm>> -> memref<1x1x128xi32, #tpu.memory_space<hbm>>
        %dma_wait3A_70 = tpu.memref_squeeze %dma_wait3A_69 : memref<1x1x128xi32, #tpu.memory_space<hbm>> -> memref<128xi32, #tpu.memory_space<hbm>>
        %dma_wait3A_71 = arith.constant 0 : i32
        %dma_wait3A_72 = tpu.memref_slice %arg3[%select_n3A_9, %scan3A_43, %dma_wait3A_71] : memref<4x313x128xi32, #tpu.memory_space<hbm>> -> memref<1x1x128xi32, #tpu.memory_space<hbm>>
        %dma_wait3A_73 = tpu.memref_squeeze %dma_wait3A_72 : memref<1x1x128xi32, #tpu.memory_space<hbm>> -> memref<128xi32, #tpu.memory_space<hbm>>
        tpu.wait_dma2 semaphore(%run_scoped3A : memref<!tpu.dma_semaphore, #tpu.memory_space<semaphore_mem>>) src(%dma_wait3A_73 : memref<128xi32, #tpu.memory_space<hbm>>) dst(%arg8 : memref<128xi32, #tpu.memory_space<vmem>>)
        tpu.yield
      }) : () -> ()
      "tpu.region"() ({
        %run_scoped3A = tpu.sem_alloc : memref<!tpu.dma_semaphore, #tpu.memory_space<semaphore_mem>>
        %dma_start3A_62 = arith.constant 0 : i32
        %dma_start3A_63 = tpu.memref_slice %arg4[%select_n3A_9, %scan3A_43, %dma_start3A_62] : memref<4x313x128xi32, #tpu.memory_space<hbm>> -> memref<1x1x128xi32, #tpu.memory_space<hbm>>
        %dma_start3A_64 = tpu.memref_squeeze %dma_start3A_63 : memref<1x1x128xi32, #tpu.memory_space<hbm>> -> memref<128xi32, #tpu.memory_space<hbm>>
        %dma_start3A_65 = arith.constant 0 : i32
        %dma_start3A_66 = tpu.memref_slice %arg4[%select_n3A_9, %scan3A_43, %dma_start3A_65] : memref<4x313x128xi32, #tpu.memory_space<hbm>> -> memref<1x1x128xi32, #tpu.memory_space<hbm>>
        %dma_start3A_67 = tpu.memref_squeeze %dma_start3A_66 : memref<1x1x128xi32, #tpu.memory_space<hbm>> -> memref<128xi32, #tpu.memory_space<hbm>>
        tpu.enqueue_dma source(%dma_start3A_67 : memref<128xi32, #tpu.memory_space<hbm>>) target(%arg9 : memref<128xi32, #tpu.memory_space<vmem>>) target_semaphore(%run_scoped3A : memref<!tpu.dma_semaphore, #tpu.memory_space<semaphore_mem>>)
        %dma_wait3A_68 = arith.constant 0 : i32
        %dma_wait3A_69 = tpu.memref_slice %arg4[%select_n3A_9, %scan3A_43, %dma_wait3A_68] : memref<4x313x128xi32, #tpu.memory_space<hbm>> -> memref<1x1x128xi32, #tpu.memory_space<hbm>>
        %dma_wait3A_70 = tpu.memref_squeeze %dma_wait3A_69 : memref<1x1x128xi32, #tpu.memory_space<hbm>> -> memref<128xi32, #tpu.memory_space<hbm>>
        %dma_wait3A_71 = arith.constant 0 : i32
        %dma_wait3A_72 = tpu.memref_slice %arg4[%select_n3A_9, %scan3A_43, %dma_wait3A_71] : memref<4x313x128xi32, #tpu.memory_space<hbm>> -> memref<1x1x128xi32, #tpu.memory_space<hbm>>
        %dma_wait3A_73 = tpu.memref_squeeze %dma_wait3A_72 : memref<1x1x128xi32, #tpu.memory_space<hbm>> -> memref<128xi32, #tpu.memory_space<hbm>>
        tpu.wait_dma2 semaphore(%run_scoped3A : memref<!tpu.dma_semaphore, #tpu.memory_space<semaphore_mem>>) src(%dma_wait3A_73 : memref<128xi32, #tpu.memory_space<hbm>>) dst(%arg9 : memref<128xi32, #tpu.memory_space<vmem>>)
        tpu.yield
      }) : () -> ()
      "tpu.region"() ({
        %run_scoped3A = tpu.sem_alloc : memref<!tpu.dma_semaphore, #tpu.memory_space<semaphore_mem>>
        %dma_start3A_62 = arith.constant 0 : i32
        %dma_start3A_63 = tpu.memref_slice %arg5[%select_n3A_9, %scan3A_43, %dma_start3A_62] : memref<4x313x128xf32, #tpu.memory_space<hbm>> -> memref<1x1x128xf32, #tpu.memory_space<hbm>>
        %dma_start3A_64 = tpu.memref_squeeze %dma_start3A_63 : memref<1x1x128xf32, #tpu.memory_space<hbm>> -> memref<128xf32, #tpu.memory_space<hbm>>
        %dma_start3A_65 = arith.constant 0 : i32
        %dma_start3A_66 = tpu.memref_slice %arg5[%select_n3A_9, %scan3A_43, %dma_start3A_65] : memref<4x313x128xf32, #tpu.memory_space<hbm>> -> memref<1x1x128xf32, #tpu.memory_space<hbm>>
        %dma_start3A_67 = tpu.memref_squeeze %dma_start3A_66 : memref<1x1x128xf32, #tpu.memory_space<hbm>> -> memref<128xf32, #tpu.memory_space<hbm>>
        tpu.enqueue_dma source(%dma_start3A_67 : memref<128xf32, #tpu.memory_space<hbm>>) target(%arg10 : memref<128xf32, #tpu.memory_space<vmem>>) target_semaphore(%run_scoped3A : memref<!tpu.dma_semaphore, #tpu.memory_space<semaphore_mem>>)
        %dma_wait3A_68 = arith.constant 0 : i32
        %dma_wait3A_69 = tpu.memref_slice %arg5[%select_n3A_9, %scan3A_43, %dma_wait3A_68] : memref<4x313x128xf32, #tpu.memory_space<hbm>> -> memref<1x1x128xf32, #tpu.memory_space<hbm>>
        %dma_wait3A_70 = tpu.memref_squeeze %dma_wait3A_69 : memref<1x1x128xf32, #tpu.memory_space<hbm>> -> memref<128xf32, #tpu.memory_space<hbm>>
        %dma_wait3A_71 = arith.constant 0 : i32
        %dma_wait3A_72 = tpu.memref_slice %arg5[%select_n3A_9, %scan3A_43, %dma_wait3A_71] : memref<4x313x128xf32, #tpu.memory_space<hbm>> -> memref<1x1x128xf32, #tpu.memory_space<hbm>>
        %dma_wait3A_73 = tpu.memref_squeeze %dma_wait3A_72 : memref<1x1x128xf32, #tpu.memory_space<hbm>> -> memref<128xf32, #tpu.memory_space<hbm>>
        tpu.wait_dma2 semaphore(%run_scoped3A : memref<!tpu.dma_semaphore, #tpu.memory_space<semaphore_mem>>) src(%dma_wait3A_73 : memref<128xf32, #tpu.memory_space<hbm>>) dst(%arg10 : memref<128xf32, #tpu.memory_space<vmem>>)
        tpu.yield
      }) : () -> ()
      %dma_start3A = arith.constant 0 : i32
      %dma_start3A_44 = arith.constant 0 : i32
      %dma_start3A_45 = tpu.memref_slice %arg2[%select_n3A_30, %dma_start3A, %dma_start3A_44] : memref<8x25000x32xf32, #tpu.memory_space<hbm>> -> memref<1x25000x32xf32, #tpu.memory_space<hbm>>
      %dma_start3A_46 = tpu.memref_squeeze %dma_start3A_45 : memref<1x25000x32xf32, #tpu.memory_space<hbm>> -> memref<25000x32xf32, #tpu.memory_space<hbm>>
      %dma_start3A_47 = arith.constant 0 : i32
      %dma_start3A_48 = arith.constant 0 : i32
      %dma_start3A_49 = tpu.memref_slice %dma_start3A_46[%dma_start3A_47, %dma_start3A_48] : memref<25000x32xf32, #tpu.memory_space<hbm>> -> memref<25000x32xf32, #tpu.memory_space<hbm>>
      tpu.enqueue_indirect_dma source(%dma_start3A_49 : memref<25000x32xf32, #tpu.memory_space<hbm>>) target(%arg11 : memref<128x32xf32, #tpu.memory_space<vmem>>) offsets(%arg8 : memref<128xi32, #tpu.memory_space<vmem>>) semaphore(%arg12 : memref<!tpu.dma_semaphore, #tpu.memory_space<semaphore_mem>>)
      %dma_wait3A = arith.constant 0 : i32
      %dma_wait3A_50 = arith.constant 0 : i32
      %dma_wait3A_51 = tpu.memref_slice %arg2[%select_n3A_30, %dma_wait3A, %dma_wait3A_50] : memref<8x25000x32xf32, #tpu.memory_space<hbm>> -> memref<1x25000x32xf32, #tpu.memory_space<hbm>>
      %dma_wait3A_52 = tpu.memref_squeeze %dma_wait3A_51 : memref<1x25000x32xf32, #tpu.memory_space<hbm>> -> memref<25000x32xf32, #tpu.memory_space<hbm>>
      %dma_wait3A_53 = arith.constant 0 : i32
      %dma_wait3A_54 = arith.constant 0 : i32
      %dma_wait3A_55 = tpu.memref_slice %dma_wait3A_52[%dma_wait3A_53, %dma_wait3A_54] : memref<25000x32xf32, #tpu.memory_space<hbm>> -> memref<25000x32xf32, #tpu.memory_space<hbm>>
      tpu.wait_indirect_dma semaphore(%arg12 : memref<!tpu.dma_semaphore, #tpu.memory_space<semaphore_mem>>) src(%dma_wait3A_55 : memref<25000x32xf32, #tpu.memory_space<hbm>>) dst(%arg11 : memref<128x32xf32, #tpu.memory_space<vmem>>)
      %scan3A_56 = arith.constant 0 : i32
      %scan3A_57 = arith.constant 0 : i32
      %scan3A_58 = arith.constant 8 : i32
      %scan3A_59 = arith.addi %scan3A_57, %scan3A_58 : i32
      %scan3A_60 = arith.constant 1 : i32
      scf.for %scan3A_62 = %scan3A_57 to %scan3A_59 step %scan3A_60  : i32 {
        %mul3A_63 = arith.constant 16 : i32
        %mul3A_64 = arith.muli %scan3A_62, %mul3A_63 : i32
        %get3A = arith.index_cast %mul3A_64 : i32 to index
        %get3A_65 = tpu.vector_load %arg10[%get3A] {strides = array<i32>} : memref<128xf32, #tpu.memory_space<vmem>>, vector<16xf32>,
        %mul3A_66 = arith.constant 16 : i32
        %mul3A_67 = arith.muli %scan3A_62, %mul3A_66 : i32
        %get3A_68 = arith.index_cast %mul3A_67 : i32 to index
        %get3A_69 = tpu.vector_load %arg9[%get3A_68] {strides = array<i32>} : memref<128xi32, #tpu.memory_space<vmem>>, vector<16xi32>,
        %slice3A = vector.extract_strided_slice %get3A_65 {offsets = [0], sizes = [1], strides = [1]} : vector<16xf32> to vector<1xf32>
        %squeeze3A = vector.extract %slice3A[0] : f32 from vector<1xf32>
        %slice3A_70 = vector.extract_strided_slice %get3A_69 {offsets = [0], sizes = [1], strides = [1]} : vector<16xi32> to vector<1xi32>
        %squeeze3A_71 = vector.extract %slice3A_70[0] : i32 from vector<1xi32>
        %broadcast_in_dim3A_72 = vector.broadcast %squeeze3A_71 : i32 to vector<16xi32>
        %add3A_73 = arith.addi %broadcast_in_dim3A_72, %iota3A : vector<16xi32>
        %mul3A_74 = arith.constant 16 : i32
        %mul3A_75 = arith.muli %scan3A_62, %mul3A_74 : i32
        %add3A_76 = arith.constant 0 : i32
        %add3A_77 = arith.addi %mul3A_75, %add3A_76 : i32
        %get3A_78 = arith.index_cast %add3A_77 : i32 to index
        %get3A_79 = arith.constant 0 : index
        %get3A_80 = tpu.vector_load %arg11[%get3A_78, %get3A_79] {strides = array<i32>} : memref<128x32xf32, #tpu.memory_space<vmem>>, vector<16xf32>,
        %mul3A_81 = vector.broadcast %squeeze3A : f32 to vector<16xf32>
        %mul3A_82 = arith.mulf %get3A_80, %mul3A_81 : vector<16xf32>
        %add3A_83 = arith.constant 0 : i32
        %add3A_84 = vector.broadcast %add3A_83 : i32 to vector<16xi32>
        %add3A_85 = arith.addi %add3A_73, %add3A_84 : vector<16xi32>
        tpu.vector_store_idx %arg7[%add3A_85], %mul3A_82 {add = true} : memref<102400xf32, #tpu.memory_space<vmem>>[vector<16xi32>], vector<16xf32>,
        %get3A_86 = arith.index_cast %add3A_77 : i32 to index
        %get3A_87 = arith.constant 16 : index
        %get3A_88 = tpu.vector_load %arg11[%get3A_86, %get3A_87] {strides = array<i32>} : memref<128x32xf32, #tpu.memory_space<vmem>>, vector<16xf32>,
        %mul3A_89 = vector.broadcast %squeeze3A : f32 to vector<16xf32>
        %mul3A_90 = arith.mulf %get3A_88, %mul3A_89 : vector<16xf32>
        %add3A_91 = arith.constant 16 : i32
        %add3A_92 = vector.broadcast %add3A_91 : i32 to vector<16xi32>
        %add3A_93 = arith.addi %add3A_73, %add3A_92 : vector<16xi32>
        tpu.vector_store_idx %arg7[%add3A_93], %mul3A_90 {add = true} : memref<102400xf32, #tpu.memory_space<vmem>>[vector<16xi32>], vector<16xf32>,
        %slice3A_94 = vector.extract_strided_slice %get3A_65 {offsets = [1], sizes = [1], strides = [1]} : vector<16xf32> to vector<1xf32>
        %squeeze3A_95 = vector.extract %slice3A_94[0] : f32 from vector<1xf32>
        %slice3A_96 = vector.extract_strided_slice %get3A_69 {offsets = [1], sizes = [1], strides = [1]} : vector<16xi32> to vector<1xi32>
        %squeeze3A_97 = vector.extract %slice3A_96[0] : i32 from vector<1xi32>
        %broadcast_in_dim3A_98 = vector.broadcast %squeeze3A_97 : i32 to vector<16xi32>
        %add3A_99 = arith.addi %broadcast_in_dim3A_98, %iota3A : vector<16xi32>
        %mul3A_100 = arith.constant 16 : i32
        %mul3A_101 = arith.muli %scan3A_62, %mul3A_100 : i32
        %add3A_102 = arith.constant 1 : i32
        %add3A_103 = arith.addi %mul3A_101, %add3A_102 : i32
        %get3A_104 = arith.index_cast %add3A_103 : i32 to index
        %get3A_105 = arith.constant 0 : index
        %get3A_106 = tpu.vector_load %arg11[%get3A_104, %get3A_105] {strides = array<i32>} : memref<128x32xf32, #tpu.memory_space<vmem>>, vector<16xf32>,
        %mul3A_107 = vector.broadcast %squeeze3A_95 : f32 to vector<16xf32>
        %mul3A_108 = arith.mulf %get3A_106, %mul3A_107 : vector<16xf32>
        %add3A_109 = arith.constant 0 : i32
        %add3A_110 = vector.broadcast %add3A_109 : i32 to vector<16xi32>
        %add3A_111 = arith.addi %add3A_99, %add3A_110 : vector<16xi32>
        tpu.vector_store_idx %arg7[%add3A_111], %mul3A_108 {add = true} : memref<102400xf32, #tpu.memory_space<vmem>>[vector<16xi32>], vector<16xf32>,
        %get3A_112 = arith.index_cast %add3A_103 : i32 to index
        %get3A_113 = arith.constant 16 : index
        %get3A_114 = tpu.vector_load %arg11[%get3A_112, %get3A_113] {strides = array<i32>} : memref<128x32xf32, #tpu.memory_space<vmem>>, vector<16xf32>,
        %mul3A_115 = vector.broadcast %squeeze3A_95 : f32 to vector<16xf32>
        %mul3A_116 = arith.mulf %get3A_114, %mul3A_115 : vector<16xf32>
        %add3A_117 = arith.constant 16 : i32
        %add3A_118 = vector.broadcast %add3A_117 : i32 to vector<16xi32>
        %add3A_119 = arith.addi %add3A_99, %add3A_118 : vector<16xi32>
        tpu.vector_store_idx %arg7[%add3A_119], %mul3A_116 {add = true} : memref<102400xf32, #tpu.memory_space<vmem>>[vector<16xi32>], vector<16xf32>,
        %slice3A_120 = vector.extract_strided_slice %get3A_65 {offsets = [2], sizes = [1], strides = [1]} : vector<16xf32> to vector<1xf32>
        %squeeze3A_121 = vector.extract %slice3A_120[0] : f32 from vector<1xf32>
        %slice3A_122 = vector.extract_strided_slice %get3A_69 {offsets = [2], sizes = [1], strides = [1]} : vector<16xi32> to vector<1xi32>
        %squeeze3A_123 = vector.extract %slice3A_122[0] : i32 from vector<1xi32>
        %broadcast_in_dim3A_124 = vector.broadcast %squeeze3A_123 : i32 to vector<16xi32>
        %add3A_125 = arith.addi %broadcast_in_dim3A_124, %iota3A : vector<16xi32>
        %mul3A_126 = arith.constant 16 : i32
        %mul3A_127 = arith.muli %scan3A_62, %mul3A_126 : i32
        %add3A_128 = arith.constant 2 : i32
        %add3A_129 = arith.addi %mul3A_127, %add3A_128 : i32
        %get3A_130 = arith.index_cast %add3A_129 : i32 to index
        %get3A_131 = arith.constant 0 : index
        %get3A_132 = tpu.vector_load %arg11[%get3A_130, %get3A_131] {strides = array<i32>} : memref<128x32xf32, #tpu.memory_space<vmem>>, vector<16xf32>,
        %mul3A_133 = vector.broadcast %squeeze3A_121 : f32 to vector<16xf32>
        %mul3A_134 = arith.mulf %get3A_132, %mul3A_133 : vector<16xf32>
        %add3A_135 = arith.constant 0 : i32
        %add3A_136 = vector.broadcast %add3A_135 : i32 to vector<16xi32>
        %add3A_137 = arith.addi %add3A_125, %add3A_136 : vector<16xi32>
        tpu.vector_store_idx %arg7[%add3A_137], %mul3A_134 {add = true} : memref<102400xf32, #tpu.memory_space<vmem>>[vector<16xi32>], vector<16xf32>,
        %get3A_138 = arith.index_cast %add3A_129 : i32 to index
        %get3A_139 = arith.constant 16 : index
        %get3A_140 = tpu.vector_load %arg11[%get3A_138, %get3A_139] {strides = array<i32>} : memref<128x32xf32, #tpu.memory_space<vmem>>, vector<16xf32>,
        %mul3A_141 = vector.broadcast %squeeze3A_121 : f32 to vector<16xf32>
        %mul3A_142 = arith.mulf %get3A_140, %mul3A_141 : vector<16xf32>
        %add3A_143 = arith.constant 16 : i32
        %add3A_144 = vector.broadcast %add3A_143 : i32 to vector<16xi32>
        %add3A_145 = arith.addi %add3A_125, %add3A_144 : vector<16xi32>
        tpu.vector_store_idx %arg7[%add3A_145], %mul3A_142 {add = true} : memref<102400xf32, #tpu.memory_space<vmem>>[vector<16xi32>], vector<16xf32>,
        %slice3A_146 = vector.extract_strided_slice %get3A_65 {offsets = [3], sizes = [1], strides = [1]} : vector<16xf32> to vector<1xf32>
        %squeeze3A_147 = vector.extract %slice3A_146[0] : f32 from vector<1xf32>
        %slice3A_148 = vector.extract_strided_slice %get3A_69 {offsets = [3], sizes = [1], strides = [1]} : vector<16xi32> to vector<1xi32>
        %squeeze3A_149 = vector.extract %slice3A_148[0] : i32 from vector<1xi32>
        %broadcast_in_dim3A_150 = vector.broadcast %squeeze3A_149 : i32 to vector<16xi32>
        %add3A_151 = arith.addi %broadcast_in_dim3A_150, %iota3A : vector<16xi32>
        %mul3A_152 = arith.constant 16 : i32
        %mul3A_153 = arith.muli %scan3A_62, %mul3A_152 : i32
        %add3A_154 = arith.constant 3 : i32
        %add3A_155 = arith.addi %mul3A_153, %add3A_154 : i32
        %get3A_156 = arith.index_cast %add3A_155 : i32 to index
        %get3A_157 = arith.constant 0 : index
        %get3A_158 = tpu.vector_load %arg11[%get3A_156, %get3A_157] {strides = array<i32>} : memref<128x32xf32, #tpu.memory_space<vmem>>, vector<16xf32>,
        %mul3A_159 = vector.broadcast %squeeze3A_147 : f32 to vector<16xf32>
        %mul3A_160 = arith.mulf %get3A_158, %mul3A_159 : vector<16xf32>
        %add3A_161 = arith.constant 0 : i32
        %add3A_162 = vector.broadcast %add3A_161 : i32 to vector<16xi32>
        %add3A_163 = arith.addi %add3A_151, %add3A_162 : vector<16xi32>
        tpu.vector_store_idx %arg7[%add3A_163], %mul3A_160 {add = true} : memref<102400xf32, #tpu.memory_space<vmem>>[vector<16xi32>], vector<16xf32>,
        %get3A_164 = arith.index_cast %add3A_155 : i32 to index
        %get3A_165 = arith.constant 16 : index
        %get3A_166 = tpu.vector_load %arg11[%get3A_164, %get3A_165] {strides = array<i32>} : memref<128x32xf32, #tpu.memory_space<vmem>>, vector<16xf32>,
        %mul3A_167 = vector.broadcast %squeeze3A_147 : f32 to vector<16xf32>
        %mul3A_168 = arith.mulf %get3A_166, %mul3A_167 : vector<16xf32>
        %add3A_169 = arith.constant 16 : i32
        %add3A_170 = vector.broadcast %add3A_169 : i32 to vector<16xi32>
        %add3A_171 = arith.addi %add3A_151, %add3A_170 : vector<16xi32>
        tpu.vector_store_idx %arg7[%add3A_171], %mul3A_168 {add = true} : memref<102400xf32, #tpu.memory_space<vmem>>[vector<16xi32>], vector<16xf32>,
        %slice3A_172 = vector.extract_strided_slice %get3A_65 {offsets = [4], sizes = [1], strides = [1]} : vector<16xf32> to vector<1xf32>
        %squeeze3A_173 = vector.extract %slice3A_172[0] : f32 from vector<1xf32>
        %slice3A_174 = vector.extract_strided_slice %get3A_69 {offsets = [4], sizes = [1], strides = [1]} : vector<16xi32> to vector<1xi32>
        %squeeze3A_175 = vector.extract %slice3A_174[0] : i32 from vector<1xi32>
        %broadcast_in_dim3A_176 = vector.broadcast %squeeze3A_175 : i32 to vector<16xi32>
        %add3A_177 = arith.addi %broadcast_in_dim3A_176, %iota3A : vector<16xi32>
        %mul3A_178 = arith.constant 16 : i32
        %mul3A_179 = arith.muli %scan3A_62, %mul3A_178 : i32
        %add3A_180 = arith.constant 4 : i32
        %add3A_181 = arith.addi %mul3A_179, %add3A_180 : i32
        %get3A_182 = arith.index_cast %add3A_181 : i32 to index
        %get3A_183 = arith.constant 0 : index
        %get3A_184 = tpu.vector_load %arg11[%get3A_182, %get3A_183] {strides = array<i32>} : memref<128x32xf32, #tpu.memory_space<vmem>>, vector<16xf32>,
        %mul3A_185 = vector.broadcast %squeeze3A_173 : f32 to vector<16xf32>
        %mul3A_186 = arith.mulf %get3A_184, %mul3A_185 : vector<16xf32>
        %add3A_187 = arith.constant 0 : i32
        %add3A_188 = vector.broadcast %add3A_187 : i32 to vector<16xi32>
        %add3A_189 = arith.addi %add3A_177, %add3A_188 : vector<16xi32>
        tpu.vector_store_idx %arg7[%add3A_189], %mul3A_186 {add = true} : memref<102400xf32, #tpu.memory_space<vmem>>[vector<16xi32>], vector<16xf32>,
        %get3A_190 = arith.index_cast %add3A_181 : i32 to index
        %get3A_191 = arith.constant 16 : index
        %get3A_192 = tpu.vector_load %arg11[%get3A_190, %get3A_191] {strides = array<i32>} : memref<128x32xf32, #tpu.memory_space<vmem>>, vector<16xf32>,
        %mul3A_193 = vector.broadcast %squeeze3A_173 : f32 to vector<16xf32>
        %mul3A_194 = arith.mulf %get3A_192, %mul3A_193 : vector<16xf32>
        %add3A_195 = arith.constant 16 : i32
        %add3A_196 = vector.broadcast %add3A_195 : i32 to vector<16xi32>
        %add3A_197 = arith.addi %add3A_177, %add3A_196 : vector<16xi32>
        tpu.vector_store_idx %arg7[%add3A_197], %mul3A_194 {add = true} : memref<102400xf32, #tpu.memory_space<vmem>>[vector<16xi32>], vector<16xf32>,
        %slice3A_198 = vector.extract_strided_slice %get3A_65 {offsets = [5], sizes = [1], strides = [1]} : vector<16xf32> to vector<1xf32>
        %squeeze3A_199 = vector.extract %slice3A_198[0] : f32 from vector<1xf32>
        %slice3A_200 = vector.extract_strided_slice %get3A_69 {offsets = [5], sizes = [1], strides = [1]} : vector<16xi32> to vector<1xi32>
        %squeeze3A_201 = vector.extract %slice3A_200[0] : i32 from vector<1xi32>
        %broadcast_in_dim3A_202 = vector.broadcast %squeeze3A_201 : i32 to vector<16xi32>
        %add3A_203 = arith.addi %broadcast_in_dim3A_202, %iota3A : vector<16xi32>
        %mul3A_204 = arith.constant 16 : i32
        %mul3A_205 = arith.muli %scan3A_62, %mul3A_204 : i32
        %add3A_206 = arith.constant 5 : i32
        %add3A_207 = arith.addi %mul3A_205, %add3A_206 : i32
        %get3A_208 = arith.index_cast %add3A_207 : i32 to index
        %get3A_209 = arith.constant 0 : index
        %get3A_210 = tpu.vector_load %arg11[%get3A_208, %get3A_209] {strides = array<i32>} : memref<128x32xf32, #tpu.memory_space<vmem>>, vector<16xf32>,
        %mul3A_211 = vector.broadcast %squeeze3A_199 : f32 to vector<16xf32>
        %mul3A_212 = arith.mulf %get3A_210, %mul3A_211 : vector<16xf32>
        %add3A_213 = arith.constant 0 : i32
        %add3A_214 = vector.broadcast %add3A_213 : i32 to vector<16xi32>
        %add3A_215 = arith.addi %add3A_203, %add3A_214 : vector<16xi32>
        tpu.vector_store_idx %arg7[%add3A_215], %mul3A_212 {add = true} : memref<102400xf32, #tpu.memory_space<vmem>>[vector<16xi32>], vector<16xf32>,
        %get3A_216 = arith.index_cast %add3A_207 : i32 to index
        %get3A_217 = arith.constant 16 : index
        %get3A_218 = tpu.vector_load %arg11[%get3A_216, %get3A_217] {strides = array<i32>} : memref<128x32xf32, #tpu.memory_space<vmem>>, vector<16xf32>,
        %mul3A_219 = vector.broadcast %squeeze3A_199 : f32 to vector<16xf32>
        %mul3A_220 = arith.mulf %get3A_218, %mul3A_219 : vector<16xf32>
        %add3A_221 = arith.constant 16 : i32
        %add3A_222 = vector.broadcast %add3A_221 : i32 to vector<16xi32>
        %add3A_223 = arith.addi %add3A_203, %add3A_222 : vector<16xi32>
        tpu.vector_store_idx %arg7[%add3A_223], %mul3A_220 {add = true} : memref<102400xf32, #tpu.memory_space<vmem>>[vector<16xi32>], vector<16xf32>,
        %slice3A_224 = vector.extract_strided_slice %get3A_65 {offsets = [6], sizes = [1], strides = [1]} : vector<16xf32> to vector<1xf32>
        %squeeze3A_225 = vector.extract %slice3A_224[0] : f32 from vector<1xf32>
        %slice3A_226 = vector.extract_strided_slice %get3A_69 {offsets = [6], sizes = [1], strides = [1]} : vector<16xi32> to vector<1xi32>
        %squeeze3A_227 = vector.extract %slice3A_226[0] : i32 from vector<1xi32>
        %broadcast_in_dim3A_228 = vector.broadcast %squeeze3A_227 : i32 to vector<16xi32>
        %add3A_229 = arith.addi %broadcast_in_dim3A_228, %iota3A : vector<16xi32>
        %mul3A_230 = arith.constant 16 : i32
        %mul3A_231 = arith.muli %scan3A_62, %mul3A_230 : i32
        %add3A_232 = arith.constant 6 : i32
        %add3A_233 = arith.addi %mul3A_231, %add3A_232 : i32
        %get3A_234 = arith.index_cast %add3A_233 : i32 to index
        %get3A_235 = arith.constant 0 : index
        %get3A_236 = tpu.vector_load %arg11[%get3A_234, %get3A_235] {strides = array<i32>} : memref<128x32xf32, #tpu.memory_space<vmem>>, vector<16xf32>,
        %mul3A_237 = vector.broadcast %squeeze3A_225 : f32 to vector<16xf32>
        %mul3A_238 = arith.mulf %get3A_236, %mul3A_237 : vector<16xf32>
        %add3A_239 = arith.constant 0 : i32
        %add3A_240 = vector.broadcast %add3A_239 : i32 to vector<16xi32>
        %add3A_241 = arith.addi %add3A_229, %add3A_240 : vector<16xi32>
        tpu.vector_store_idx %arg7[%add3A_241], %mul3A_238 {add = true} : memref<102400xf32, #tpu.memory_space<vmem>>[vector<16xi32>], vector<16xf32>,
        %get3A_242 = arith.index_cast %add3A_233 : i32 to index
        %get3A_243 = arith.constant 16 : index
        %get3A_244 = tpu.vector_load %arg11[%get3A_242, %get3A_243] {strides = array<i32>} : memref<128x32xf32, #tpu.memory_space<vmem>>, vector<16xf32>,
        %mul3A_245 = vector.broadcast %squeeze3A_225 : f32 to vector<16xf32>
        %mul3A_246 = arith.mulf %get3A_244, %mul3A_245 : vector<16xf32>
        %add3A_247 = arith.constant 16 : i32
        %add3A_248 = vector.broadcast %add3A_247 : i32 to vector<16xi32>
        %add3A_249 = arith.addi %add3A_229, %add3A_248 : vector<16xi32>
        tpu.vector_store_idx %arg7[%add3A_249], %mul3A_246 {add = true} : memref<102400xf32, #tpu.memory_space<vmem>>[vector<16xi32>], vector<16xf32>,
        %slice3A_250 = vector.extract_strided_slice %get3A_65 {offsets = [7], sizes = [1], strides = [1]} : vector<16xf32> to vector<1xf32>
        %squeeze3A_251 = vector.extract %slice3A_250[0] : f32 from vector<1xf32>
        %slice3A_252 = vector.extract_strided_slice %get3A_69 {offsets = [7], sizes = [1], strides = [1]} : vector<16xi32> to vector<1xi32>
        %squeeze3A_253 = vector.extract %slice3A_252[0] : i32 from vector<1xi32>
        %broadcast_in_dim3A_254 = vector.broadcast %squeeze3A_253 : i32 to vector<16xi32>
        %add3A_255 = arith.addi %broadcast_in_dim3A_254, %iota3A : vector<16xi32>
        %mul3A_256 = arith.constant 16 : i32
        %mul3A_257 = arith.muli %scan3A_62, %mul3A_256 : i32
        %add3A_258 = arith.constant 7 : i32
        %add3A_259 = arith.addi %mul3A_257, %add3A_258 : i32
        %get3A_260 = arith.index_cast %add3A_259 : i32 to index
        %get3A_261 = arith.constant 0 : index
        %get3A_262 = tpu.vector_load %arg11[%get3A_260, %get3A_261] {strides = array<i32>} : memref<128x32xf32, #tpu.memory_space<vmem>>, vector<16xf32>,
        %mul3A_263 = vector.broadcast %squeeze3A_251 : f32 to vector<16xf32>
        %mul3A_264 = arith.mulf %get3A_262, %mul3A_263 : vector<16xf32>
        %add3A_265 = arith.constant 0 : i32
        %add3A_266 = vector.broadcast %add3A_265 : i32 to vector<16xi32>
        %add3A_267 = arith.addi %add3A_255, %add3A_266 : vector<16xi32>
        tpu.vector_store_idx %arg7[%add3A_267], %mul3A_264 {add = true} : memref<102400xf32, #tpu.memory_space<vmem>>[vector<16xi32>], vector<16xf32>,
        %get3A_268 = arith.index_cast %add3A_259 : i32 to index
        %get3A_269 = arith.constant 16 : index
        %get3A_270 = tpu.vector_load %arg11[%get3A_268, %get3A_269] {strides = array<i32>} : memref<128x32xf32, #tpu.memory_space<vmem>>, vector<16xf32>,
        %mul3A_271 = vector.broadcast %squeeze3A_251 : f32 to vector<16xf32>
        %mul3A_272 = arith.mulf %get3A_270, %mul3A_271 : vector<16xf32>
        %add3A_273 = arith.constant 16 : i32
        %add3A_274 = vector.broadcast %add3A_273 : i32 to vector<16xi32>
        %add3A_275 = arith.addi %add3A_255, %add3A_274 : vector<16xi32>
        tpu.vector_store_idx %arg7[%add3A_275], %mul3A_272 {add = true} : memref<102400xf32, #tpu.memory_space<vmem>>[vector<16xi32>], vector<16xf32>,
        %slice3A_276 = vector.extract_strided_slice %get3A_65 {offsets = [8], sizes = [1], strides = [1]} : vector<16xf32> to vector<1xf32>
        %squeeze3A_277 = vector.extract %slice3A_276[0] : f32 from vector<1xf32>
        %slice3A_278 = vector.extract_strided_slice %get3A_69 {offsets = [8], sizes = [1], strides = [1]} : vector<16xi32> to vector<1xi32>
        %squeeze3A_279 = vector.extract %slice3A_278[0] : i32 from vector<1xi32>
        %broadcast_in_dim3A_280 = vector.broadcast %squeeze3A_279 : i32 to vector<16xi32>
        %add3A_281 = arith.addi %broadcast_in_dim3A_280, %iota3A : vector<16xi32>
        %mul3A_282 = arith.constant 16 : i32
        %mul3A_283 = arith.muli %scan3A_62, %mul3A_282 : i32
        %add3A_284 = arith.constant 8 : i32
        %add3A_285 = arith.addi %mul3A_283, %add3A_284 : i32
        %get3A_286 = arith.index_cast %add3A_285 : i32 to index
        %get3A_287 = arith.constant 0 : index
        %get3A_288 = tpu.vector_load %arg11[%get3A_286, %get3A_287] {strides = array<i32>} : memref<128x32xf32, #tpu.memory_space<vmem>>, vector<16xf32>,
        %mul3A_289 = vector.broadcast %squeeze3A_277 : f32 to vector<16xf32>
        %mul3A_290 = arith.mulf %get3A_288, %mul3A_289 : vector<16xf32>
        %add3A_291 = arith.constant 0 : i32
        %add3A_292 = vector.broadcast %add3A_291 : i32 to vector<16xi32>
        %add3A_293 = arith.addi %add3A_281, %add3A_292 : vector<16xi32>
        tpu.vector_store_idx %arg7[%add3A_293], %mul3A_290 {add = true} : memref<102400xf32, #tpu.memory_space<vmem>>[vector<16xi32>], vector<16xf32>,
        %get3A_294 = arith.index_cast %add3A_285 : i32 to index
        %get3A_295 = arith.constant 16 : index
        %get3A_296 = tpu.vector_load %arg11[%get3A_294, %get3A_295] {strides = array<i32>} : memref<128x32xf32, #tpu.memory_space<vmem>>, vector<16xf32>,
        %mul3A_297 = vector.broadcast %squeeze3A_277 : f32 to vector<16xf32>
        %mul3A_298 = arith.mulf %get3A_296, %mul3A_297 : vector<16xf32>
        %add3A_299 = arith.constant 16 : i32
        %add3A_300 = vector.broadcast %add3A_299 : i32 to vector<16xi32>
        %add3A_301 = arith.addi %add3A_281, %add3A_300 : vector<16xi32>
        tpu.vector_store_idx %arg7[%add3A_301], %mul3A_298 {add = true} : memref<102400xf32, #tpu.memory_space<vmem>>[vector<16xi32>], vector<16xf32>,
        %slice3A_302 = vector.extract_strided_slice %get3A_65 {offsets = [9], sizes = [1], strides = [1]} : vector<16xf32> to vector<1xf32>
        %squeeze3A_303 = vector.extract %slice3A_302[0] : f32 from vector<1xf32>
        %slice3A_304 = vector.extract_strided_slice %get3A_69 {offsets = [9], sizes = [1], strides = [1]} : vector<16xi32> to vector<1xi32>
        %squeeze3A_305 = vector.extract %slice3A_304[0] : i32 from vector<1xi32>
        %broadcast_in_dim3A_306 = vector.broadcast %squeeze3A_305 : i32 to vector<16xi32>
        %add3A_307 = arith.addi %broadcast_in_dim3A_306, %iota3A : vector<16xi32>
        %mul3A_308 = arith.constant 16 : i32
        %mul3A_309 = arith.muli %scan3A_62, %mul3A_308 : i32
        %add3A_310 = arith.constant 9 : i32
        %add3A_311 = arith.addi %mul3A_309, %add3A_310 : i32
        %get3A_312 = arith.index_cast %add3A_311 : i32 to index
        %get3A_313 = arith.constant 0 : index
        %get3A_314 = tpu.vector_load %arg11[%get3A_312, %get3A_313] {strides = array<i32>} : memref<128x32xf32, #tpu.memory_space<vmem>>, vector<16xf32>,
        %mul3A_315 = vector.broadcast %squeeze3A_303 : f32 to vector<16xf32>
        %mul3A_316 = arith.mulf %get3A_314, %mul3A_315 : vector<16xf32>
        %add3A_317 = arith.constant 0 : i32
        %add3A_318 = vector.broadcast %add3A_317 : i32 to vector<16xi32>
        %add3A_319 = arith.addi %add3A_307, %add3A_318 : vector<16xi32>
        tpu.vector_store_idx %arg7[%add3A_319], %mul3A_316 {add = true} : memref<102400xf32, #tpu.memory_space<vmem>>[vector<16xi32>], vector<16xf32>,
        %get3A_320 = arith.index_cast %add3A_311 : i32 to index
        %get3A_321 = arith.constant 16 : index
        %get3A_322 = tpu.vector_load %arg11[%get3A_320, %get3A_321] {strides = array<i32>} : memref<128x32xf32, #tpu.memory_space<vmem>>, vector<16xf32>,
        %mul3A_323 = vector.broadcast %squeeze3A_303 : f32 to vector<16xf32>
        %mul3A_324 = arith.mulf %get3A_322, %mul3A_323 : vector<16xf32>
        %add3A_325 = arith.constant 16 : i32
        %add3A_326 = vector.broadcast %add3A_325 : i32 to vector<16xi32>
        %add3A_327 = arith.addi %add3A_307, %add3A_326 : vector<16xi32>
        tpu.vector_store_idx %arg7[%add3A_327], %mul3A_324 {add = true} : memref<102400xf32, #tpu.memory_space<vmem>>[vector<16xi32>], vector<16xf32>,
        %slice3A_328 = vector.extract_strided_slice %get3A_65 {offsets = [10], sizes = [1], strides = [1]} : vector<16xf32> to vector<1xf32>
        %squeeze3A_329 = vector.extract %slice3A_328[0] : f32 from vector<1xf32>
        %slice3A_330 = vector.extract_strided_slice %get3A_69 {offsets = [10], sizes = [1], strides = [1]} : vector<16xi32> to vector<1xi32>
        %squeeze3A_331 = vector.extract %slice3A_330[0] : i32 from vector<1xi32>
        %broadcast_in_dim3A_332 = vector.broadcast %squeeze3A_331 : i32 to vector<16xi32>
        %add3A_333 = arith.addi %broadcast_in_dim3A_332, %iota3A : vector<16xi32>
        %mul3A_334 = arith.constant 16 : i32
        %mul3A_335 = arith.muli %scan3A_62, %mul3A_334 : i32
        %add3A_336 = arith.constant 10 : i32
        %add3A_337 = arith.addi %mul3A_335, %add3A_336 : i32
        %get3A_338 = arith.index_cast %add3A_337 : i32 to index
        %get3A_339 = arith.constant 0 : index
        %get3A_340 = tpu.vector_load %arg11[%get3A_338, %get3A_339] {strides = array<i32>} : memref<128x32xf32, #tpu.memory_space<vmem>>, vector<16xf32>,
        %mul3A_341 = vector.broadcast %squeeze3A_329 : f32 to vector<16xf32>
        %mul3A_342 = arith.mulf %get3A_340, %mul3A_341 : vector<16xf32>
        %add3A_343 = arith.constant 0 : i32
        %add3A_344 = vector.broadcast %add3A_343 : i32 to vector<16xi32>
        %add3A_345 = arith.addi %add3A_333, %add3A_344 : vector<16xi32>
        tpu.vector_store_idx %arg7[%add3A_345], %mul3A_342 {add = true} : memref<102400xf32, #tpu.memory_space<vmem>>[vector<16xi32>], vector<16xf32>,
        %get3A_346 = arith.index_cast %add3A_337 : i32 to index
        %get3A_347 = arith.constant 16 : index
        %get3A_348 = tpu.vector_load %arg11[%get3A_346, %get3A_347] {strides = array<i32>} : memref<128x32xf32, #tpu.memory_space<vmem>>, vector<16xf32>,
        %mul3A_349 = vector.broadcast %squeeze3A_329 : f32 to vector<16xf32>
        %mul3A_350 = arith.mulf %get3A_348, %mul3A_349 : vector<16xf32>
        %add3A_351 = arith.constant 16 : i32
        %add3A_352 = vector.broadcast %add3A_351 : i32 to vector<16xi32>
        %add3A_353 = arith.addi %add3A_333, %add3A_352 : vector<16xi32>
        tpu.vector_store_idx %arg7[%add3A_353], %mul3A_350 {add = true} : memref<102400xf32, #tpu.memory_space<vmem>>[vector<16xi32>], vector<16xf32>,
        %slice3A_354 = vector.extract_strided_slice %get3A_65 {offsets = [11], sizes = [1], strides = [1]} : vector<16xf32> to vector<1xf32>
        %squeeze3A_355 = vector.extract %slice3A_354[0] : f32 from vector<1xf32>
        %slice3A_356 = vector.extract_strided_slice %get3A_69 {offsets = [11], sizes = [1], strides = [1]} : vector<16xi32> to vector<1xi32>
        %squeeze3A_357 = vector.extract %slice3A_356[0] : i32 from vector<1xi32>
        %broadcast_in_dim3A_358 = vector.broadcast %squeeze3A_357 : i32 to vector<16xi32>
        %add3A_359 = arith.addi %broadcast_in_dim3A_358, %iota3A : vector<16xi32>
        %mul3A_360 = arith.constant 16 : i32
        %mul3A_361 = arith.muli %scan3A_62, %mul3A_360 : i32
        %add3A_362 = arith.constant 11 : i32
        %add3A_363 = arith.addi %mul3A_361, %add3A_362 : i32
        %get3A_364 = arith.index_cast %add3A_363 : i32 to index
        %get3A_365 = arith.constant 0 : index
        %get3A_366 = tpu.vector_load %arg11[%get3A_364, %get3A_365] {strides = array<i32>} : memref<128x32xf32, #tpu.memory_space<vmem>>, vector<16xf32>,
        %mul3A_367 = vector.broadcast %squeeze3A_355 : f32 to vector<16xf32>
        %mul3A_368 = arith.mulf %get3A_366, %mul3A_367 : vector<16xf32>
        %add3A_369 = arith.constant 0 : i32
        %add3A_370 = vector.broadcast %add3A_369 : i32 to vector<16xi32>
        %add3A_371 = arith.addi %add3A_359, %add3A_370 : vector<16xi32>
        tpu.vector_store_idx %arg7[%add3A_371], %mul3A_368 {add = true} : memref<102400xf32, #tpu.memory_space<vmem>>[vector<16xi32>], vector<16xf32>,
        %get3A_372 = arith.index_cast %add3A_363 : i32 to index
        %get3A_373 = arith.constant 16 : index
        %get3A_374 = tpu.vector_load %arg11[%get3A_372, %get3A_373] {strides = array<i32>} : memref<128x32xf32, #tpu.memory_space<vmem>>, vector<16xf32>,
        %mul3A_375 = vector.broadcast %squeeze3A_355 : f32 to vector<16xf32>
        %mul3A_376 = arith.mulf %get3A_374, %mul3A_375 : vector<16xf32>
        %add3A_377 = arith.constant 16 : i32
        %add3A_378 = vector.broadcast %add3A_377 : i32 to vector<16xi32>
        %add3A_379 = arith.addi %add3A_359, %add3A_378 : vector<16xi32>
        tpu.vector_store_idx %arg7[%add3A_379], %mul3A_376 {add = true} : memref<102400xf32, #tpu.memory_space<vmem>>[vector<16xi32>], vector<16xf32>,
        %slice3A_380 = vector.extract_strided_slice %get3A_65 {offsets = [12], sizes = [1], strides = [1]} : vector<16xf32> to vector<1xf32>
        %squeeze3A_381 = vector.extract %slice3A_380[0] : f32 from vector<1xf32>
        %slice3A_382 = vector.extract_strided_slice %get3A_69 {offsets = [12], sizes = [1], strides = [1]} : vector<16xi32> to vector<1xi32>
        %squeeze3A_383 = vector.extract %slice3A_382[0] : i32 from vector<1xi32>
        %broadcast_in_dim3A_384 = vector.broadcast %squeeze3A_383 : i32 to vector<16xi32>
        %add3A_385 = arith.addi %broadcast_in_dim3A_384, %iota3A : vector<16xi32>
        %mul3A_386 = arith.constant 16 : i32
        %mul3A_387 = arith.muli %scan3A_62, %mul3A_386 : i32
        %add3A_388 = arith.constant 12 : i32
        %add3A_389 = arith.addi %mul3A_387, %add3A_388 : i32
        %get3A_390 = arith.index_cast %add3A_389 : i32 to index
        %get3A_391 = arith.constant 0 : index
        %get3A_392 = tpu.vector_load %arg11[%get3A_390, %get3A_391] {strides = array<i32>} : memref<128x32xf32, #tpu.memory_space<vmem>>, vector<16xf32>,
        %mul3A_393 = vector.broadcast %squeeze3A_381 : f32 to vector<16xf32>
        %mul3A_394 = arith.mulf %get3A_392, %mul3A_393 : vector<16xf32>
        %add3A_395 = arith.constant 0 : i32
        %add3A_396 = vector.broadcast %add3A_395 : i32 to vector<16xi32>
        %add3A_397 = arith.addi %add3A_385, %add3A_396 : vector<16xi32>
        tpu.vector_store_idx %arg7[%add3A_397], %mul3A_394 {add = true} : memref<102400xf32, #tpu.memory_space<vmem>>[vector<16xi32>], vector<16xf32>,
        %get3A_398 = arith.index_cast %add3A_389 : i32 to index
        %get3A_399 = arith.constant 16 : index
        %get3A_400 = tpu.vector_load %arg11[%get3A_398, %get3A_399] {strides = array<i32>} : memref<128x32xf32, #tpu.memory_space<vmem>>, vector<16xf32>,
        %mul3A_401 = vector.broadcast %squeeze3A_381 : f32 to vector<16xf32>
        %mul3A_402 = arith.mulf %get3A_400, %mul3A_401 : vector<16xf32>
        %add3A_403 = arith.constant 16 : i32
        %add3A_404 = vector.broadcast %add3A_403 : i32 to vector<16xi32>
        %add3A_405 = arith.addi %add3A_385, %add3A_404 : vector<16xi32>
        tpu.vector_store_idx %arg7[%add3A_405], %mul3A_402 {add = true} : memref<102400xf32, #tpu.memory_space<vmem>>[vector<16xi32>], vector<16xf32>,
        %slice3A_406 = vector.extract_strided_slice %get3A_65 {offsets = [13], sizes = [1], strides = [1]} : vector<16xf32> to vector<1xf32>
        %squeeze3A_407 = vector.extract %slice3A_406[0] : f32 from vector<1xf32>
        %slice3A_408 = vector.extract_strided_slice %get3A_69 {offsets = [13], sizes = [1], strides = [1]} : vector<16xi32> to vector<1xi32>
        %squeeze3A_409 = vector.extract %slice3A_408[0] : i32 from vector<1xi32>
        %broadcast_in_dim3A_410 = vector.broadcast %squeeze3A_409 : i32 to vector<16xi32>
        %add3A_411 = arith.addi %broadcast_in_dim3A_410, %iota3A : vector<16xi32>
        %mul3A_412 = arith.constant 16 : i32
        %mul3A_413 = arith.muli %scan3A_62, %mul3A_412 : i32
        %add3A_414 = arith.constant 13 : i32
        %add3A_415 = arith.addi %mul3A_413, %add3A_414 : i32
        %get3A_416 = arith.index_cast %add3A_415 : i32 to index
        %get3A_417 = arith.constant 0 : index
        %get3A_418 = tpu.vector_load %arg11[%get3A_416, %get3A_417] {strides = array<i32>} : memref<128x32xf32, #tpu.memory_space<vmem>>, vector<16xf32>,
        %mul3A_419 = vector.broadcast %squeeze3A_407 : f32 to vector<16xf32>
        %mul3A_420 = arith.mulf %get3A_418, %mul3A_419 : vector<16xf32>
        %add3A_421 = arith.constant 0 : i32
        %add3A_422 = vector.broadcast %add3A_421 : i32 to vector<16xi32>
        %add3A_423 = arith.addi %add3A_411, %add3A_422 : vector<16xi32>
        tpu.vector_store_idx %arg7[%add3A_423], %mul3A_420 {add = true} : memref<102400xf32, #tpu.memory_space<vmem>>[vector<16xi32>], vector<16xf32>,
        %get3A_424 = arith.index_cast %add3A_415 : i32 to index
        %get3A_425 = arith.constant 16 : index
        %get3A_426 = tpu.vector_load %arg11[%get3A_424, %get3A_425] {strides = array<i32>} : memref<128x32xf32, #tpu.memory_space<vmem>>, vector<16xf32>,
        %mul3A_427 = vector.broadcast %squeeze3A_407 : f32 to vector<16xf32>
        %mul3A_428 = arith.mulf %get3A_426, %mul3A_427 : vector<16xf32>
        %add3A_429 = arith.constant 16 : i32
        %add3A_430 = vector.broadcast %add3A_429 : i32 to vector<16xi32>
        %add3A_431 = arith.addi %add3A_411, %add3A_430 : vector<16xi32>
        tpu.vector_store_idx %arg7[%add3A_431], %mul3A_428 {add = true} : memref<102400xf32, #tpu.memory_space<vmem>>[vector<16xi32>], vector<16xf32>,
        %slice3A_432 = vector.extract_strided_slice %get3A_65 {offsets = [14], sizes = [1], strides = [1]} : vector<16xf32> to vector<1xf32>
        %squeeze3A_433 = vector.extract %slice3A_432[0] : f32 from vector<1xf32>
        %slice3A_434 = vector.extract_strided_slice %get3A_69 {offsets = [14], sizes = [1], strides = [1]} : vector<16xi32> to vector<1xi32>
        %squeeze3A_435 = vector.extract %slice3A_434[0] : i32 from vector<1xi32>
        %broadcast_in_dim3A_436 = vector.broadcast %squeeze3A_435 : i32 to vector<16xi32>
        %add3A_437 = arith.addi %broadcast_in_dim3A_436, %iota3A : vector<16xi32>
        %mul3A_438 = arith.constant 16 : i32
        %mul3A_439 = arith.muli %scan3A_62, %mul3A_438 : i32
        %add3A_440 = arith.constant 14 : i32
        %add3A_441 = arith.addi %mul3A_439, %add3A_440 : i32
        %get3A_442 = arith.index_cast %add3A_441 : i32 to index
        %get3A_443 = arith.constant 0 : index
        %get3A_444 = tpu.vector_load %arg11[%get3A_442, %get3A_443] {strides = array<i32>} : memref<128x32xf32, #tpu.memory_space<vmem>>, vector<16xf32>,
        %mul3A_445 = vector.broadcast %squeeze3A_433 : f32 to vector<16xf32>
        %mul3A_446 = arith.mulf %get3A_444, %mul3A_445 : vector<16xf32>
        %add3A_447 = arith.constant 0 : i32
        %add3A_448 = vector.broadcast %add3A_447 : i32 to vector<16xi32>
        %add3A_449 = arith.addi %add3A_437, %add3A_448 : vector<16xi32>
        tpu.vector_store_idx %arg7[%add3A_449], %mul3A_446 {add = true} : memref<102400xf32, #tpu.memory_space<vmem>>[vector<16xi32>], vector<16xf32>,
        %get3A_450 = arith.index_cast %add3A_441 : i32 to index
        %get3A_451 = arith.constant 16 : index
        %get3A_452 = tpu.vector_load %arg11[%get3A_450, %get3A_451] {strides = array<i32>} : memref<128x32xf32, #tpu.memory_space<vmem>>, vector<16xf32>,
        %mul3A_453 = vector.broadcast %squeeze3A_433 : f32 to vector<16xf32>
        %mul3A_454 = arith.mulf %get3A_452, %mul3A_453 : vector<16xf32>
        %add3A_455 = arith.constant 16 : i32
        %add3A_456 = vector.broadcast %add3A_455 : i32 to vector<16xi32>
        %add3A_457 = arith.addi %add3A_437, %add3A_456 : vector<16xi32>
        tpu.vector_store_idx %arg7[%add3A_457], %mul3A_454 {add = true} : memref<102400xf32, #tpu.memory_space<vmem>>[vector<16xi32>], vector<16xf32>,
        %slice3A_458 = vector.extract_strided_slice %get3A_65 {offsets = [15], sizes = [1], strides = [1]} : vector<16xf32> to vector<1xf32>
        %squeeze3A_459 = vector.extract %slice3A_458[0] : f32 from vector<1xf32>
        %slice3A_460 = vector.extract_strided_slice %get3A_69 {offsets = [15], sizes = [1], strides = [1]} : vector<16xi32> to vector<1xi32>
        %squeeze3A_461 = vector.extract %slice3A_460[0] : i32 from vector<1xi32>
        %broadcast_in_dim3A_462 = vector.broadcast %squeeze3A_461 : i32 to vector<16xi32>
        %add3A_463 = arith.addi %broadcast_in_dim3A_462, %iota3A : vector<16xi32>
        %mul3A_464 = arith.constant 16 : i32
        %mul3A_465 = arith.muli %scan3A_62, %mul3A_464 : i32
        %add3A_466 = arith.constant 15 : i32
        %add3A_467 = arith.addi %mul3A_465, %add3A_466 : i32
        %get3A_468 = arith.index_cast %add3A_467 : i32 to index
        %get3A_469 = arith.constant 0 : index
        %get3A_470 = tpu.vector_load %arg11[%get3A_468, %get3A_469] {strides = array<i32>} : memref<128x32xf32, #tpu.memory_space<vmem>>, vector<16xf32>,
        %mul3A_471 = vector.broadcast %squeeze3A_459 : f32 to vector<16xf32>
        %mul3A_472 = arith.mulf %get3A_470, %mul3A_471 : vector<16xf32>
        %add3A_473 = arith.constant 0 : i32
        %add3A_474 = vector.broadcast %add3A_473 : i32 to vector<16xi32>
        %add3A_475 = arith.addi %add3A_463, %add3A_474 : vector<16xi32>
        tpu.vector_store_idx %arg7[%add3A_475], %mul3A_472 {add = true} : memref<102400xf32, #tpu.memory_space<vmem>>[vector<16xi32>], vector<16xf32>,
        %get3A_476 = arith.index_cast %add3A_467 : i32 to index
        %get3A_477 = arith.constant 16 : index
        %get3A_478 = tpu.vector_load %arg11[%get3A_476, %get3A_477] {strides = array<i32>} : memref<128x32xf32, #tpu.memory_space<vmem>>, vector<16xf32>,
        %mul3A_479 = vector.broadcast %squeeze3A_459 : f32 to vector<16xf32>
        %mul3A_480 = arith.mulf %get3A_478, %mul3A_479 : vector<16xf32>
        %add3A_481 = arith.constant 16 : i32
        %add3A_482 = vector.broadcast %add3A_481 : i32 to vector<16xi32>
        %add3A_483 = arith.addi %add3A_463, %add3A_482 : vector<16xi32>
        tpu.vector_store_idx %arg7[%add3A_483], %mul3A_480 {add = true} : memref<102400xf32, #tpu.memory_space<vmem>>[vector<16xi32>], vector<16xf32>,
      }
      %scan3A_61 = arith.constant 8 : i32
    }
    %scan3A_42 = arith.constant 313 : i32
    "tpu.region"() ({
      %run_scoped3A = tpu.sem_alloc : memref<!tpu.dma_semaphore, #tpu.memory_space<semaphore_mem>>
      %dma_start3A = arith.constant 0 : i32
      %dma_start3A_43 = tpu.memref_slice %arg6[%select_n3A_9, %select_n3A_30, %dma_start3A] : memref<4x8x102400xf32, #tpu.memory_space<hbm>> -> memref<1x1x102400xf32, #tpu.memory_space<hbm>>
      %dma_start3A_44 = tpu.memref_squeeze %dma_start3A_43 : memref<1x1x102400xf32, #tpu.memory_space<hbm>> -> memref<102400xf32, #tpu.memory_space<hbm>>
      %dma_start3A_45 = arith.constant 0 : i32
      %dma_start3A_46 = tpu.memref_slice %arg6[%select_n3A_9, %select_n3A_30, %dma_start3A_45] : memref<4x8x102400xf32, #tpu.memory_space<hbm>> -> memref<1x1x102400xf32, #tpu.memory_space<hbm>>
      %dma_start3A_47 = tpu.memref_squeeze %dma_start3A_46 : memref<1x1x102400xf32, #tpu.memory_space<hbm>> -> memref<102400xf32, #tpu.memory_space<hbm>>
      tpu.enqueue_dma source(%arg7 : memref<102400xf32, #tpu.memory_space<vmem>>) target(%dma_start3A_47 : memref<102400xf32, #tpu.memory_space<hbm>>) target_semaphore(%run_scoped3A : memref<!tpu.dma_semaphore, #tpu.memory_space<semaphore_mem>>)
      %dma_wait3A = arith.constant 0 : i32
      %dma_wait3A_48 = tpu.memref_slice %arg6[%select_n3A_9, %select_n3A_30, %dma_wait3A] : memref<4x8x102400xf32, #tpu.memory_space<hbm>> -> memref<1x1x102400xf32, #tpu.memory_space<hbm>>
      %dma_wait3A_49 = tpu.memref_squeeze %dma_wait3A_48 : memref<1x1x102400xf32, #tpu.memory_space<hbm>> -> memref<102400xf32, #tpu.memory_space<hbm>>
      %dma_wait3A_50 = arith.constant 0 : i32
      %dma_wait3A_51 = tpu.memref_slice %arg6[%select_n3A_9, %select_n3A_30, %dma_wait3A_50] : memref<4x8x102400xf32, #tpu.memory_space<hbm>> -> memref<1x1x102400xf32, #tpu.memory_space<hbm>>
      %dma_wait3A_52 = tpu.memref_squeeze %dma_wait3A_51 : memref<1x1x102400xf32, #tpu.memory_space<hbm>> -> memref<102400xf32, #tpu.memory_space<hbm>>
      tpu.wait_dma2 semaphore(%run_scoped3A : memref<!tpu.dma_semaphore, #tpu.memory_space<semaphore_mem>>) src(%arg7 : memref<102400xf32, #tpu.memory_space<vmem>>) dst(%dma_wait3A_52 : memref<102400xf32, #tpu.memory_space<hbm>>)
      tpu.yield
    }) : () -> ()
    return
  }
}

#map = affine_map<(d0, d1) -> (0, 0, 0)>
module attributes {stable_mosaic.version = 14 : i64} {
  func.func @k(%arg0: i32, %arg1: i32, %arg2: memref<8x3200x32xf32, #tpu.memory_space<hbm>>, %arg3: memref<4x63x128xi32, #tpu.memory_space<hbm>>, %arg4: memref<4x63x128xi32, #tpu.memory_space<hbm>>, %arg5: memref<4x63x128xf32, #tpu.memory_space<hbm>>, %arg6: memref<4x8x51200xf32, #tpu.memory_space<hbm>>, %arg7: memref<51200xf32, #tpu.memory_space<vmem>>, %arg8: memref<128xi32, #tpu.memory_space<vmem>>, %arg9: memref<128xi32, #tpu.memory_space<vmem>>, %arg10: memref<128xf32, #tpu.memory_space<vmem>>, %arg11: memref<128x32xf32, #tpu.memory_space<vmem>>, %arg12: memref<!tpu.dma_semaphore, #tpu.memory_space<semaphore_mem>>) attributes {dimension_semantics = [#tpu.dimension_semantics<core_parallel>, #tpu.dimension_semantics<subcore_parallel>], iteration_bounds = array<i64: 2, 16>, scalar_prefetch = 0 : i64, scratch_operands = 6 : i64, tpu.core_type = #tpu.core_type<sc_vector_subcore>, window_params = [{transform_indices = #map}, {transform_indices = #map}, {transform_indices = #map}, {transform_indices = #map}, {transform_indices = #map}]} {
    %mul3A = arith.constant 2 : i32
    %mul3A_0 = arith.muli %arg1, %mul3A : i32
    %add3A = arith.addi %mul3A_0, %arg0 : i32
    %jit3A = arith.constant 4 : i32
    %eq3A = arith.constant 0 : i32
    %eq3A_1 = arith.cmpi eq, %jit3A, %eq3A : i32
    %jit3A_2 = arith.constant 1 : i32
    %select_n3A = arith.select %eq3A_1, %jit3A_2, %jit3A : i32
    %rem3A = arith.remsi %add3A, %select_n3A : i32
    %ne3A = arith.constant 0 : i32
    %ne3A_3 = arith.cmpi ne, %rem3A, %ne3A : i32
    %lt3A = arith.constant 0 : i32
    %lt3A_4 = arith.cmpi slt, %rem3A, %lt3A : i32
    %lt3A_5 = arith.constant 0 : i32
    %lt3A_6 = arith.cmpi slt, %select_n3A, %lt3A_5 : i32
    %ne3A_7 = arith.xori %lt3A_4, %lt3A_6 : i1
    %and3A = arith.andi %ne3A_7, %ne3A_3 : i1
    %add3A_8 = arith.addi %rem3A, %select_n3A : i32
    %select_n3A_9 = arith.select %and3A, %add3A_8, %rem3A : i32
    %jit3A_10 = arith.constant 4 : i32
    %div3A = arith.divsi %add3A, %jit3A_10 : i32
    %sign3A = arith.constant 0 : i32
    %sign3A_11 = arith.cmpi sgt, %add3A, %sign3A : i32
    %sign3A_12 = arith.extui %sign3A_11 : i1 to i32
    %sign3A_13 = arith.constant 0 : i32
    %sign3A_14 = arith.cmpi slt, %add3A, %sign3A_13 : i32
    %sign3A_15 = arith.extui %sign3A_14 : i1 to i32
    %sign3A_16 = arith.subi %sign3A_12, %sign3A_15 : i32
    %sign3A_17 = arith.constant 0 : i32
    %sign3A_18 = arith.cmpi sgt, %jit3A_10, %sign3A_17 : i32
    %sign3A_19 = arith.extui %sign3A_18 : i1 to i32
    %sign3A_20 = arith.constant 0 : i32
    %sign3A_21 = arith.cmpi slt, %jit3A_10, %sign3A_20 : i32
    %sign3A_22 = arith.extui %sign3A_21 : i1 to i32
    %sign3A_23 = arith.subi %sign3A_19, %sign3A_22 : i32
    %ne3A_24 = arith.cmpi ne, %sign3A_16, %sign3A_23 : i32
    %rem3A_25 = arith.remsi %add3A, %jit3A_10 : i32
    %ne3A_26 = arith.constant 0 : i32
    %ne3A_27 = arith.cmpi ne, %rem3A_25, %ne3A_26 : i32
    %and3A_28 = arith.andi %ne3A_24, %ne3A_27 : i1
    %sub3A = arith.constant 1 : i32
    %sub3A_29 = arith.subi %div3A, %sub3A : i32
    %select_n3A_30 = arith.select %and3A_28, %sub3A_29, %div3A : i32
    %iota3A = tpu.iota {dimensions = array<i32: 0>} : vector<16xi32>
    %broadcast_in_dim3A = arith.constant 0.000000e+00 : f32
    %broadcast_in_dim3A_31 = vector.broadcast %broadcast_in_dim3A : f32 to vector<16xf32>
    %scan3A = arith.constant 0 : i32
    %scan3A_32 = arith.constant 0 : i32
    %scan3A_33 = arith.constant 400 : i32
    %scan3A_34 = arith.addi %scan3A_32, %scan3A_33 : i32
    %scan3A_35 = arith.constant 1 : i32
    scf.for %scan3A_43 = %scan3A_32 to %scan3A_34 step %scan3A_35  : i32 {
      %mul3A_44 = arith.constant 8 : i32
      %mul3A_45 = arith.muli %scan3A_43, %mul3A_44 : i32
      %add3A_46 = arith.constant 0 : i32
      %add3A_47 = arith.addi %mul3A_45, %add3A_46 : i32
      %mul3A_48 = arith.constant 16 : i32
      %mul3A_49 = arith.muli %add3A_47, %mul3A_48 : i32
      %swap3A = arith.index_cast %mul3A_49 : i32 to index
      %swap3A_50 = tpu.vector_load %arg7[%swap3A] {strides = array<i32>} : memref<51200xf32, #tpu.memory_space<vmem>>, vector<16xf32>,
      tpu.vector_store %arg7[%swap3A], %broadcast_in_dim3A_31 {strides = array<i32>} : memref<51200xf32, #tpu.memory_space<vmem>>, vector<16xf32>,
      %mul3A_51 = arith.constant 8 : i32
      %mul3A_52 = arith.muli %scan3A_43, %mul3A_51 : i32
      %add3A_53 = arith.constant 1 : i32
      %add3A_54 = arith.addi %mul3A_52, %add3A_53 : i32
      %mul3A_55 = arith.constant 16 : i32
      %mul3A_56 = arith.muli %add3A_54, %mul3A_55 : i32
      %swap3A_57 = arith.index_cast %mul3A_56 : i32 to index
      %swap3A_58 = tpu.vector_load %arg7[%swap3A_57] {strides = array<i32>} : memref<51200xf32, #tpu.memory_space<vmem>>, vector<16xf32>,
      tpu.vector_store %arg7[%swap3A_57], %broadcast_in_dim3A_31 {strides = array<i32>} : memref<51200xf32, #tpu.memory_space<vmem>>, vector<16xf32>,
      %mul3A_59 = arith.constant 8 : i32
      %mul3A_60 = arith.muli %scan3A_43, %mul3A_59 : i32
      %add3A_61 = arith.constant 2 : i32
      %add3A_62 = arith.addi %mul3A_60, %add3A_61 : i32
      %mul3A_63 = arith.constant 16 : i32
      %mul3A_64 = arith.muli %add3A_62, %mul3A_63 : i32
      %swap3A_65 = arith.index_cast %mul3A_64 : i32 to index
      %swap3A_66 = tpu.vector_load %arg7[%swap3A_65] {strides = array<i32>} : memref<51200xf32, #tpu.memory_space<vmem>>, vector<16xf32>,
      tpu.vector_store %arg7[%swap3A_65], %broadcast_in_dim3A_31 {strides = array<i32>} : memref<51200xf32, #tpu.memory_space<vmem>>, vector<16xf32>,
      %mul3A_67 = arith.constant 8 : i32
      %mul3A_68 = arith.muli %scan3A_43, %mul3A_67 : i32
      %add3A_69 = arith.constant 3 : i32
      %add3A_70 = arith.addi %mul3A_68, %add3A_69 : i32
      %mul3A_71 = arith.constant 16 : i32
      %mul3A_72 = arith.muli %add3A_70, %mul3A_71 : i32
      %swap3A_73 = arith.index_cast %mul3A_72 : i32 to index
      %swap3A_74 = tpu.vector_load %arg7[%swap3A_73] {strides = array<i32>} : memref<51200xf32, #tpu.memory_space<vmem>>, vector<16xf32>,
      tpu.vector_store %arg7[%swap3A_73], %broadcast_in_dim3A_31 {strides = array<i32>} : memref<51200xf32, #tpu.memory_space<vmem>>, vector<16xf32>,
      %mul3A_75 = arith.constant 8 : i32
      %mul3A_76 = arith.muli %scan3A_43, %mul3A_75 : i32
      %add3A_77 = arith.constant 4 : i32
      %add3A_78 = arith.addi %mul3A_76, %add3A_77 : i32
      %mul3A_79 = arith.constant 16 : i32
      %mul3A_80 = arith.muli %add3A_78, %mul3A_79 : i32
      %swap3A_81 = arith.index_cast %mul3A_80 : i32 to index
      %swap3A_82 = tpu.vector_load %arg7[%swap3A_81] {strides = array<i32>} : memref<51200xf32, #tpu.memory_space<vmem>>, vector<16xf32>,
      tpu.vector_store %arg7[%swap3A_81], %broadcast_in_dim3A_31 {strides = array<i32>} : memref<51200xf32, #tpu.memory_space<vmem>>, vector<16xf32>,
      %mul3A_83 = arith.constant 8 : i32
      %mul3A_84 = arith.muli %scan3A_43, %mul3A_83 : i32
      %add3A_85 = arith.constant 5 : i32
      %add3A_86 = arith.addi %mul3A_84, %add3A_85 : i32
      %mul3A_87 = arith.constant 16 : i32
      %mul3A_88 = arith.muli %add3A_86, %mul3A_87 : i32
      %swap3A_89 = arith.index_cast %mul3A_88 : i32 to index
      %swap3A_90 = tpu.vector_load %arg7[%swap3A_89] {strides = array<i32>} : memref<51200xf32, #tpu.memory_space<vmem>>, vector<16xf32>,
      tpu.vector_store %arg7[%swap3A_89], %broadcast_in_dim3A_31 {strides = array<i32>} : memref<51200xf32, #tpu.memory_space<vmem>>, vector<16xf32>,
      %mul3A_91 = arith.constant 8 : i32
      %mul3A_92 = arith.muli %scan3A_43, %mul3A_91 : i32
      %add3A_93 = arith.constant 6 : i32
      %add3A_94 = arith.addi %mul3A_92, %add3A_93 : i32
      %mul3A_95 = arith.constant 16 : i32
      %mul3A_96 = arith.muli %add3A_94, %mul3A_95 : i32
      %swap3A_97 = arith.index_cast %mul3A_96 : i32 to index
      %swap3A_98 = tpu.vector_load %arg7[%swap3A_97] {strides = array<i32>} : memref<51200xf32, #tpu.memory_space<vmem>>, vector<16xf32>,
      tpu.vector_store %arg7[%swap3A_97], %broadcast_in_dim3A_31 {strides = array<i32>} : memref<51200xf32, #tpu.memory_space<vmem>>, vector<16xf32>,
      %mul3A_99 = arith.constant 8 : i32
      %mul3A_100 = arith.muli %scan3A_43, %mul3A_99 : i32
      %add3A_101 = arith.constant 7 : i32
      %add3A_102 = arith.addi %mul3A_100, %add3A_101 : i32
      %mul3A_103 = arith.constant 16 : i32
      %mul3A_104 = arith.muli %add3A_102, %mul3A_103 : i32
      %swap3A_105 = arith.index_cast %mul3A_104 : i32 to index
      %swap3A_106 = tpu.vector_load %arg7[%swap3A_105] {strides = array<i32>} : memref<51200xf32, #tpu.memory_space<vmem>>, vector<16xf32>,
      tpu.vector_store %arg7[%swap3A_105], %broadcast_in_dim3A_31 {strides = array<i32>} : memref<51200xf32, #tpu.memory_space<vmem>>, vector<16xf32>,
    }
    %scan3A_36 = arith.constant 400 : i32
    %scan3A_37 = arith.constant 0 : i32
    %scan3A_38 = arith.constant 0 : i32
    %scan3A_39 = arith.constant 63 : i32
    %scan3A_40 = arith.addi %scan3A_38, %scan3A_39 : i32
    %scan3A_41 = arith.constant 1 : i32
    scf.for %scan3A_43 = %scan3A_38 to %scan3A_40 step %scan3A_41  : i32 {
      "tpu.region"() ({
        %run_scoped3A = tpu.sem_alloc : memref<!tpu.dma_semaphore, #tpu.memory_space<semaphore_mem>>
        %dma_start3A_62 = arith.constant 0 : i32
        %dma_start3A_63 = tpu.memref_slice %arg3[%select_n3A_9, %scan3A_43, %dma_start3A_62] : memref<4x63x128xi32, #tpu.memory_space<hbm>> -> memref<1x1x128xi32, #tpu.memory_space<hbm>>
        %dma_start3A_64 = tpu.memref_squeeze %dma_start3A_63 : memref<1x1x128xi32, #tpu.memory_space<hbm>> -> memref<128xi32, #tpu.memory_space<hbm>>
        %dma_start3A_65 = arith.constant 0 : i32
        %dma_start3A_66 = tpu.memref_slice %arg3[%select_n3A_9, %scan3A_43, %dma_start3A_65] : memref<4x63x128xi32, #tpu.memory_space<hbm>> -> memref<1x1x128xi32, #tpu.memory_space<hbm>>
        %dma_start3A_67 = tpu.memref_squeeze %dma_start3A_66 : memref<1x1x128xi32, #tpu.memory_space<hbm>> -> memref<128xi32, #tpu.memory_space<hbm>>
        tpu.enqueue_dma source(%dma_start3A_67 : memref<128xi32, #tpu.memory_space<hbm>>) target(%arg8 : memref<128xi32, #tpu.memory_space<vmem>>) target_semaphore(%run_scoped3A : memref<!tpu.dma_semaphore, #tpu.memory_space<semaphore_mem>>)
        %dma_wait3A_68 = arith.constant 0 : i32
        %dma_wait3A_69 = tpu.memref_slice %arg3[%select_n3A_9, %scan3A_43, %dma_wait3A_68] : memref<4x63x128xi32, #tpu.memory_space<hbm>> -> memref<1x1x128xi32, #tpu.memory_space<hbm>>
        %dma_wait3A_70 = tpu.memref_squeeze %dma_wait3A_69 : memref<1x1x128xi32, #tpu.memory_space<hbm>> -> memref<128xi32, #tpu.memory_space<hbm>>
        %dma_wait3A_71 = arith.constant 0 : i32
        %dma_wait3A_72 = tpu.memref_slice %arg3[%select_n3A_9, %scan3A_43, %dma_wait3A_71] : memref<4x63x128xi32, #tpu.memory_space<hbm>> -> memref<1x1x128xi32, #tpu.memory_space<hbm>>
        %dma_wait3A_73 = tpu.memref_squeeze %dma_wait3A_72 : memref<1x1x128xi32, #tpu.memory_space<hbm>> -> memref<128xi32, #tpu.memory_space<hbm>>
        tpu.wait_dma2 semaphore(%run_scoped3A : memref<!tpu.dma_semaphore, #tpu.memory_space<semaphore_mem>>) src(%dma_wait3A_73 : memref<128xi32, #tpu.memory_space<hbm>>) dst(%arg8 : memref<128xi32, #tpu.memory_space<vmem>>)
        tpu.yield
      }) : () -> ()
      "tpu.region"() ({
        %run_scoped3A = tpu.sem_alloc : memref<!tpu.dma_semaphore, #tpu.memory_space<semaphore_mem>>
        %dma_start3A_62 = arith.constant 0 : i32
        %dma_start3A_63 = tpu.memref_slice %arg4[%select_n3A_9, %scan3A_43, %dma_start3A_62] : memref<4x63x128xi32, #tpu.memory_space<hbm>> -> memref<1x1x128xi32, #tpu.memory_space<hbm>>
        %dma_start3A_64 = tpu.memref_squeeze %dma_start3A_63 : memref<1x1x128xi32, #tpu.memory_space<hbm>> -> memref<128xi32, #tpu.memory_space<hbm>>
        %dma_start3A_65 = arith.constant 0 : i32
        %dma_start3A_66 = tpu.memref_slice %arg4[%select_n3A_9, %scan3A_43, %dma_start3A_65] : memref<4x63x128xi32, #tpu.memory_space<hbm>> -> memref<1x1x128xi32, #tpu.memory_space<hbm>>
        %dma_start3A_67 = tpu.memref_squeeze %dma_start3A_66 : memref<1x1x128xi32, #tpu.memory_space<hbm>> -> memref<128xi32, #tpu.memory_space<hbm>>
        tpu.enqueue_dma source(%dma_start3A_67 : memref<128xi32, #tpu.memory_space<hbm>>) target(%arg9 : memref<128xi32, #tpu.memory_space<vmem>>) target_semaphore(%run_scoped3A : memref<!tpu.dma_semaphore, #tpu.memory_space<semaphore_mem>>)
        %dma_wait3A_68 = arith.constant 0 : i32
        %dma_wait3A_69 = tpu.memref_slice %arg4[%select_n3A_9, %scan3A_43, %dma_wait3A_68] : memref<4x63x128xi32, #tpu.memory_space<hbm>> -> memref<1x1x128xi32, #tpu.memory_space<hbm>>
        %dma_wait3A_70 = tpu.memref_squeeze %dma_wait3A_69 : memref<1x1x128xi32, #tpu.memory_space<hbm>> -> memref<128xi32, #tpu.memory_space<hbm>>
        %dma_wait3A_71 = arith.constant 0 : i32
        %dma_wait3A_72 = tpu.memref_slice %arg4[%select_n3A_9, %scan3A_43, %dma_wait3A_71] : memref<4x63x128xi32, #tpu.memory_space<hbm>> -> memref<1x1x128xi32, #tpu.memory_space<hbm>>
        %dma_wait3A_73 = tpu.memref_squeeze %dma_wait3A_72 : memref<1x1x128xi32, #tpu.memory_space<hbm>> -> memref<128xi32, #tpu.memory_space<hbm>>
        tpu.wait_dma2 semaphore(%run_scoped3A : memref<!tpu.dma_semaphore, #tpu.memory_space<semaphore_mem>>) src(%dma_wait3A_73 : memref<128xi32, #tpu.memory_space<hbm>>) dst(%arg9 : memref<128xi32, #tpu.memory_space<vmem>>)
        tpu.yield
      }) : () -> ()
      "tpu.region"() ({
        %run_scoped3A = tpu.sem_alloc : memref<!tpu.dma_semaphore, #tpu.memory_space<semaphore_mem>>
        %dma_start3A_62 = arith.constant 0 : i32
        %dma_start3A_63 = tpu.memref_slice %arg5[%select_n3A_9, %scan3A_43, %dma_start3A_62] : memref<4x63x128xf32, #tpu.memory_space<hbm>> -> memref<1x1x128xf32, #tpu.memory_space<hbm>>
        %dma_start3A_64 = tpu.memref_squeeze %dma_start3A_63 : memref<1x1x128xf32, #tpu.memory_space<hbm>> -> memref<128xf32, #tpu.memory_space<hbm>>
        %dma_start3A_65 = arith.constant 0 : i32
        %dma_start3A_66 = tpu.memref_slice %arg5[%select_n3A_9, %scan3A_43, %dma_start3A_65] : memref<4x63x128xf32, #tpu.memory_space<hbm>> -> memref<1x1x128xf32, #tpu.memory_space<hbm>>
        %dma_start3A_67 = tpu.memref_squeeze %dma_start3A_66 : memref<1x1x128xf32, #tpu.memory_space<hbm>> -> memref<128xf32, #tpu.memory_space<hbm>>
        tpu.enqueue_dma source(%dma_start3A_67 : memref<128xf32, #tpu.memory_space<hbm>>) target(%arg10 : memref<128xf32, #tpu.memory_space<vmem>>) target_semaphore(%run_scoped3A : memref<!tpu.dma_semaphore, #tpu.memory_space<semaphore_mem>>)
        %dma_wait3A_68 = arith.constant 0 : i32
        %dma_wait3A_69 = tpu.memref_slice %arg5[%select_n3A_9, %scan3A_43, %dma_wait3A_68] : memref<4x63x128xf32, #tpu.memory_space<hbm>> -> memref<1x1x128xf32, #tpu.memory_space<hbm>>
        %dma_wait3A_70 = tpu.memref_squeeze %dma_wait3A_69 : memref<1x1x128xf32, #tpu.memory_space<hbm>> -> memref<128xf32, #tpu.memory_space<hbm>>
        %dma_wait3A_71 = arith.constant 0 : i32
        %dma_wait3A_72 = tpu.memref_slice %arg5[%select_n3A_9, %scan3A_43, %dma_wait3A_71] : memref<4x63x128xf32, #tpu.memory_space<hbm>> -> memref<1x1x128xf32, #tpu.memory_space<hbm>>
        %dma_wait3A_73 = tpu.memref_squeeze %dma_wait3A_72 : memref<1x1x128xf32, #tpu.memory_space<hbm>> -> memref<128xf32, #tpu.memory_space<hbm>>
        tpu.wait_dma2 semaphore(%run_scoped3A : memref<!tpu.dma_semaphore, #tpu.memory_space<semaphore_mem>>) src(%dma_wait3A_73 : memref<128xf32, #tpu.memory_space<hbm>>) dst(%arg10 : memref<128xf32, #tpu.memory_space<vmem>>)
        tpu.yield
      }) : () -> ()
      %dma_start3A = arith.constant 0 : i32
      %dma_start3A_44 = arith.constant 0 : i32
      %dma_start3A_45 = tpu.memref_slice %arg2[%select_n3A_30, %dma_start3A, %dma_start3A_44] : memref<8x3200x32xf32, #tpu.memory_space<hbm>> -> memref<1x3200x32xf32, #tpu.memory_space<hbm>>
      %dma_start3A_46 = tpu.memref_squeeze %dma_start3A_45 : memref<1x3200x32xf32, #tpu.memory_space<hbm>> -> memref<3200x32xf32, #tpu.memory_space<hbm>>
      %dma_start3A_47 = arith.constant 0 : i32
      %dma_start3A_48 = arith.constant 0 : i32
      %dma_start3A_49 = tpu.memref_slice %dma_start3A_46[%dma_start3A_47, %dma_start3A_48] : memref<3200x32xf32, #tpu.memory_space<hbm>> -> memref<3200x32xf32, #tpu.memory_space<hbm>>
      tpu.enqueue_indirect_dma source(%dma_start3A_49 : memref<3200x32xf32, #tpu.memory_space<hbm>>) target(%arg11 : memref<128x32xf32, #tpu.memory_space<vmem>>) offsets(%arg8 : memref<128xi32, #tpu.memory_space<vmem>>) semaphore(%arg12 : memref<!tpu.dma_semaphore, #tpu.memory_space<semaphore_mem>>)
      %dma_wait3A = arith.constant 0 : i32
      %dma_wait3A_50 = arith.constant 0 : i32
      %dma_wait3A_51 = tpu.memref_slice %arg2[%select_n3A_30, %dma_wait3A, %dma_wait3A_50] : memref<8x3200x32xf32, #tpu.memory_space<hbm>> -> memref<1x3200x32xf32, #tpu.memory_space<hbm>>
      %dma_wait3A_52 = tpu.memref_squeeze %dma_wait3A_51 : memref<1x3200x32xf32, #tpu.memory_space<hbm>> -> memref<3200x32xf32, #tpu.memory_space<hbm>>
      %dma_wait3A_53 = arith.constant 0 : i32
      %dma_wait3A_54 = arith.constant 0 : i32
      %dma_wait3A_55 = tpu.memref_slice %dma_wait3A_52[%dma_wait3A_53, %dma_wait3A_54] : memref<3200x32xf32, #tpu.memory_space<hbm>> -> memref<3200x32xf32, #tpu.memory_space<hbm>>
      tpu.wait_indirect_dma semaphore(%arg12 : memref<!tpu.dma_semaphore, #tpu.memory_space<semaphore_mem>>) src(%dma_wait3A_55 : memref<3200x32xf32, #tpu.memory_space<hbm>>) dst(%arg11 : memref<128x32xf32, #tpu.memory_space<vmem>>)
      %scan3A_56 = arith.constant 0 : i32
      %scan3A_57 = arith.constant 0 : i32
      %scan3A_58 = arith.constant 8 : i32
      %scan3A_59 = arith.addi %scan3A_57, %scan3A_58 : i32
      %scan3A_60 = arith.constant 1 : i32
      scf.for %scan3A_62 = %scan3A_57 to %scan3A_59 step %scan3A_60  : i32 {
        %mul3A_63 = arith.constant 16 : i32
        %mul3A_64 = arith.muli %scan3A_62, %mul3A_63 : i32
        %get3A = arith.index_cast %mul3A_64 : i32 to index
        %get3A_65 = tpu.vector_load %arg10[%get3A] {strides = array<i32>} : memref<128xf32, #tpu.memory_space<vmem>>, vector<16xf32>,
        %mul3A_66 = arith.constant 16 : i32
        %mul3A_67 = arith.muli %scan3A_62, %mul3A_66 : i32
        %get3A_68 = arith.index_cast %mul3A_67 : i32 to index
        %get3A_69 = tpu.vector_load %arg9[%get3A_68] {strides = array<i32>} : memref<128xi32, #tpu.memory_space<vmem>>, vector<16xi32>,
        %slice3A = vector.extract_strided_slice %get3A_65 {offsets = [0], sizes = [1], strides = [1]} : vector<16xf32> to vector<1xf32>
        %squeeze3A = vector.extract %slice3A[0] : f32 from vector<1xf32>
        %slice3A_70 = vector.extract_strided_slice %get3A_69 {offsets = [0], sizes = [1], strides = [1]} : vector<16xi32> to vector<1xi32>
        %squeeze3A_71 = vector.extract %slice3A_70[0] : i32 from vector<1xi32>
        %broadcast_in_dim3A_72 = vector.broadcast %squeeze3A_71 : i32 to vector<16xi32>
        %add3A_73 = arith.addi %broadcast_in_dim3A_72, %iota3A : vector<16xi32>
        %mul3A_74 = arith.constant 16 : i32
        %mul3A_75 = arith.muli %scan3A_62, %mul3A_74 : i32
        %add3A_76 = arith.constant 0 : i32
        %add3A_77 = arith.addi %mul3A_75, %add3A_76 : i32
        %get3A_78 = arith.index_cast %add3A_77 : i32 to index
        %get3A_79 = arith.constant 0 : index
        %get3A_80 = tpu.vector_load %arg11[%get3A_78, %get3A_79] {strides = array<i32>} : memref<128x32xf32, #tpu.memory_space<vmem>>, vector<16xf32>,
        %mul3A_81 = vector.broadcast %squeeze3A : f32 to vector<16xf32>
        %mul3A_82 = arith.mulf %get3A_80, %mul3A_81 : vector<16xf32>
        %add3A_83 = arith.constant 0 : i32
        %add3A_84 = vector.broadcast %add3A_83 : i32 to vector<16xi32>
        %add3A_85 = arith.addi %add3A_73, %add3A_84 : vector<16xi32>
        tpu.vector_store_idx %arg7[%add3A_85], %mul3A_82 {add = true} : memref<51200xf32, #tpu.memory_space<vmem>>[vector<16xi32>], vector<16xf32>,
        %get3A_86 = arith.index_cast %add3A_77 : i32 to index
        %get3A_87 = arith.constant 16 : index
        %get3A_88 = tpu.vector_load %arg11[%get3A_86, %get3A_87] {strides = array<i32>} : memref<128x32xf32, #tpu.memory_space<vmem>>, vector<16xf32>,
        %mul3A_89 = vector.broadcast %squeeze3A : f32 to vector<16xf32>
        %mul3A_90 = arith.mulf %get3A_88, %mul3A_89 : vector<16xf32>
        %add3A_91 = arith.constant 16 : i32
        %add3A_92 = vector.broadcast %add3A_91 : i32 to vector<16xi32>
        %add3A_93 = arith.addi %add3A_73, %add3A_92 : vector<16xi32>
        tpu.vector_store_idx %arg7[%add3A_93], %mul3A_90 {add = true} : memref<51200xf32, #tpu.memory_space<vmem>>[vector<16xi32>], vector<16xf32>,
        %slice3A_94 = vector.extract_strided_slice %get3A_65 {offsets = [1], sizes = [1], strides = [1]} : vector<16xf32> to vector<1xf32>
        %squeeze3A_95 = vector.extract %slice3A_94[0] : f32 from vector<1xf32>
        %slice3A_96 = vector.extract_strided_slice %get3A_69 {offsets = [1], sizes = [1], strides = [1]} : vector<16xi32> to vector<1xi32>
        %squeeze3A_97 = vector.extract %slice3A_96[0] : i32 from vector<1xi32>
        %broadcast_in_dim3A_98 = vector.broadcast %squeeze3A_97 : i32 to vector<16xi32>
        %add3A_99 = arith.addi %broadcast_in_dim3A_98, %iota3A : vector<16xi32>
        %mul3A_100 = arith.constant 16 : i32
        %mul3A_101 = arith.muli %scan3A_62, %mul3A_100 : i32
        %add3A_102 = arith.constant 1 : i32
        %add3A_103 = arith.addi %mul3A_101, %add3A_102 : i32
        %get3A_104 = arith.index_cast %add3A_103 : i32 to index
        %get3A_105 = arith.constant 0 : index
        %get3A_106 = tpu.vector_load %arg11[%get3A_104, %get3A_105] {strides = array<i32>} : memref<128x32xf32, #tpu.memory_space<vmem>>, vector<16xf32>,
        %mul3A_107 = vector.broadcast %squeeze3A_95 : f32 to vector<16xf32>
        %mul3A_108 = arith.mulf %get3A_106, %mul3A_107 : vector<16xf32>
        %add3A_109 = arith.constant 0 : i32
        %add3A_110 = vector.broadcast %add3A_109 : i32 to vector<16xi32>
        %add3A_111 = arith.addi %add3A_99, %add3A_110 : vector<16xi32>
        tpu.vector_store_idx %arg7[%add3A_111], %mul3A_108 {add = true} : memref<51200xf32, #tpu.memory_space<vmem>>[vector<16xi32>], vector<16xf32>,
        %get3A_112 = arith.index_cast %add3A_103 : i32 to index
        %get3A_113 = arith.constant 16 : index
        %get3A_114 = tpu.vector_load %arg11[%get3A_112, %get3A_113] {strides = array<i32>} : memref<128x32xf32, #tpu.memory_space<vmem>>, vector<16xf32>,
        %mul3A_115 = vector.broadcast %squeeze3A_95 : f32 to vector<16xf32>
        %mul3A_116 = arith.mulf %get3A_114, %mul3A_115 : vector<16xf32>
        %add3A_117 = arith.constant 16 : i32
        %add3A_118 = vector.broadcast %add3A_117 : i32 to vector<16xi32>
        %add3A_119 = arith.addi %add3A_99, %add3A_118 : vector<16xi32>
        tpu.vector_store_idx %arg7[%add3A_119], %mul3A_116 {add = true} : memref<51200xf32, #tpu.memory_space<vmem>>[vector<16xi32>], vector<16xf32>,
        %slice3A_120 = vector.extract_strided_slice %get3A_65 {offsets = [2], sizes = [1], strides = [1]} : vector<16xf32> to vector<1xf32>
        %squeeze3A_121 = vector.extract %slice3A_120[0] : f32 from vector<1xf32>
        %slice3A_122 = vector.extract_strided_slice %get3A_69 {offsets = [2], sizes = [1], strides = [1]} : vector<16xi32> to vector<1xi32>
        %squeeze3A_123 = vector.extract %slice3A_122[0] : i32 from vector<1xi32>
        %broadcast_in_dim3A_124 = vector.broadcast %squeeze3A_123 : i32 to vector<16xi32>
        %add3A_125 = arith.addi %broadcast_in_dim3A_124, %iota3A : vector<16xi32>
        %mul3A_126 = arith.constant 16 : i32
        %mul3A_127 = arith.muli %scan3A_62, %mul3A_126 : i32
        %add3A_128 = arith.constant 2 : i32
        %add3A_129 = arith.addi %mul3A_127, %add3A_128 : i32
        %get3A_130 = arith.index_cast %add3A_129 : i32 to index
        %get3A_131 = arith.constant 0 : index
        %get3A_132 = tpu.vector_load %arg11[%get3A_130, %get3A_131] {strides = array<i32>} : memref<128x32xf32, #tpu.memory_space<vmem>>, vector<16xf32>,
        %mul3A_133 = vector.broadcast %squeeze3A_121 : f32 to vector<16xf32>
        %mul3A_134 = arith.mulf %get3A_132, %mul3A_133 : vector<16xf32>
        %add3A_135 = arith.constant 0 : i32
        %add3A_136 = vector.broadcast %add3A_135 : i32 to vector<16xi32>
        %add3A_137 = arith.addi %add3A_125, %add3A_136 : vector<16xi32>
        tpu.vector_store_idx %arg7[%add3A_137], %mul3A_134 {add = true} : memref<51200xf32, #tpu.memory_space<vmem>>[vector<16xi32>], vector<16xf32>,
        %get3A_138 = arith.index_cast %add3A_129 : i32 to index
        %get3A_139 = arith.constant 16 : index
        %get3A_140 = tpu.vector_load %arg11[%get3A_138, %get3A_139] {strides = array<i32>} : memref<128x32xf32, #tpu.memory_space<vmem>>, vector<16xf32>,
        %mul3A_141 = vector.broadcast %squeeze3A_121 : f32 to vector<16xf32>
        %mul3A_142 = arith.mulf %get3A_140, %mul3A_141 : vector<16xf32>
        %add3A_143 = arith.constant 16 : i32
        %add3A_144 = vector.broadcast %add3A_143 : i32 to vector<16xi32>
        %add3A_145 = arith.addi %add3A_125, %add3A_144 : vector<16xi32>
        tpu.vector_store_idx %arg7[%add3A_145], %mul3A_142 {add = true} : memref<51200xf32, #tpu.memory_space<vmem>>[vector<16xi32>], vector<16xf32>,
        %slice3A_146 = vector.extract_strided_slice %get3A_65 {offsets = [3], sizes = [1], strides = [1]} : vector<16xf32> to vector<1xf32>
        %squeeze3A_147 = vector.extract %slice3A_146[0] : f32 from vector<1xf32>
        %slice3A_148 = vector.extract_strided_slice %get3A_69 {offsets = [3], sizes = [1], strides = [1]} : vector<16xi32> to vector<1xi32>
        %squeeze3A_149 = vector.extract %slice3A_148[0] : i32 from vector<1xi32>
        %broadcast_in_dim3A_150 = vector.broadcast %squeeze3A_149 : i32 to vector<16xi32>
        %add3A_151 = arith.addi %broadcast_in_dim3A_150, %iota3A : vector<16xi32>
        %mul3A_152 = arith.constant 16 : i32
        %mul3A_153 = arith.muli %scan3A_62, %mul3A_152 : i32
        %add3A_154 = arith.constant 3 : i32
        %add3A_155 = arith.addi %mul3A_153, %add3A_154 : i32
        %get3A_156 = arith.index_cast %add3A_155 : i32 to index
        %get3A_157 = arith.constant 0 : index
        %get3A_158 = tpu.vector_load %arg11[%get3A_156, %get3A_157] {strides = array<i32>} : memref<128x32xf32, #tpu.memory_space<vmem>>, vector<16xf32>,
        %mul3A_159 = vector.broadcast %squeeze3A_147 : f32 to vector<16xf32>
        %mul3A_160 = arith.mulf %get3A_158, %mul3A_159 : vector<16xf32>
        %add3A_161 = arith.constant 0 : i32
        %add3A_162 = vector.broadcast %add3A_161 : i32 to vector<16xi32>
        %add3A_163 = arith.addi %add3A_151, %add3A_162 : vector<16xi32>
        tpu.vector_store_idx %arg7[%add3A_163], %mul3A_160 {add = true} : memref<51200xf32, #tpu.memory_space<vmem>>[vector<16xi32>], vector<16xf32>,
        %get3A_164 = arith.index_cast %add3A_155 : i32 to index
        %get3A_165 = arith.constant 16 : index
        %get3A_166 = tpu.vector_load %arg11[%get3A_164, %get3A_165] {strides = array<i32>} : memref<128x32xf32, #tpu.memory_space<vmem>>, vector<16xf32>,
        %mul3A_167 = vector.broadcast %squeeze3A_147 : f32 to vector<16xf32>
        %mul3A_168 = arith.mulf %get3A_166, %mul3A_167 : vector<16xf32>
        %add3A_169 = arith.constant 16 : i32
        %add3A_170 = vector.broadcast %add3A_169 : i32 to vector<16xi32>
        %add3A_171 = arith.addi %add3A_151, %add3A_170 : vector<16xi32>
        tpu.vector_store_idx %arg7[%add3A_171], %mul3A_168 {add = true} : memref<51200xf32, #tpu.memory_space<vmem>>[vector<16xi32>], vector<16xf32>,
        %slice3A_172 = vector.extract_strided_slice %get3A_65 {offsets = [4], sizes = [1], strides = [1]} : vector<16xf32> to vector<1xf32>
        %squeeze3A_173 = vector.extract %slice3A_172[0] : f32 from vector<1xf32>
        %slice3A_174 = vector.extract_strided_slice %get3A_69 {offsets = [4], sizes = [1], strides = [1]} : vector<16xi32> to vector<1xi32>
        %squeeze3A_175 = vector.extract %slice3A_174[0] : i32 from vector<1xi32>
        %broadcast_in_dim3A_176 = vector.broadcast %squeeze3A_175 : i32 to vector<16xi32>
        %add3A_177 = arith.addi %broadcast_in_dim3A_176, %iota3A : vector<16xi32>
        %mul3A_178 = arith.constant 16 : i32
        %mul3A_179 = arith.muli %scan3A_62, %mul3A_178 : i32
        %add3A_180 = arith.constant 4 : i32
        %add3A_181 = arith.addi %mul3A_179, %add3A_180 : i32
        %get3A_182 = arith.index_cast %add3A_181 : i32 to index
        %get3A_183 = arith.constant 0 : index
        %get3A_184 = tpu.vector_load %arg11[%get3A_182, %get3A_183] {strides = array<i32>} : memref<128x32xf32, #tpu.memory_space<vmem>>, vector<16xf32>,
        %mul3A_185 = vector.broadcast %squeeze3A_173 : f32 to vector<16xf32>
        %mul3A_186 = arith.mulf %get3A_184, %mul3A_185 : vector<16xf32>
        %add3A_187 = arith.constant 0 : i32
        %add3A_188 = vector.broadcast %add3A_187 : i32 to vector<16xi32>
        %add3A_189 = arith.addi %add3A_177, %add3A_188 : vector<16xi32>
        tpu.vector_store_idx %arg7[%add3A_189], %mul3A_186 {add = true} : memref<51200xf32, #tpu.memory_space<vmem>>[vector<16xi32>], vector<16xf32>,
        %get3A_190 = arith.index_cast %add3A_181 : i32 to index
        %get3A_191 = arith.constant 16 : index
        %get3A_192 = tpu.vector_load %arg11[%get3A_190, %get3A_191] {strides = array<i32>} : memref<128x32xf32, #tpu.memory_space<vmem>>, vector<16xf32>,
        %mul3A_193 = vector.broadcast %squeeze3A_173 : f32 to vector<16xf32>
        %mul3A_194 = arith.mulf %get3A_192, %mul3A_193 : vector<16xf32>
        %add3A_195 = arith.constant 16 : i32
        %add3A_196 = vector.broadcast %add3A_195 : i32 to vector<16xi32>
        %add3A_197 = arith.addi %add3A_177, %add3A_196 : vector<16xi32>
        tpu.vector_store_idx %arg7[%add3A_197], %mul3A_194 {add = true} : memref<51200xf32, #tpu.memory_space<vmem>>[vector<16xi32>], vector<16xf32>,
        %slice3A_198 = vector.extract_strided_slice %get3A_65 {offsets = [5], sizes = [1], strides = [1]} : vector<16xf32> to vector<1xf32>
        %squeeze3A_199 = vector.extract %slice3A_198[0] : f32 from vector<1xf32>
        %slice3A_200 = vector.extract_strided_slice %get3A_69 {offsets = [5], sizes = [1], strides = [1]} : vector<16xi32> to vector<1xi32>
        %squeeze3A_201 = vector.extract %slice3A_200[0] : i32 from vector<1xi32>
        %broadcast_in_dim3A_202 = vector.broadcast %squeeze3A_201 : i32 to vector<16xi32>
        %add3A_203 = arith.addi %broadcast_in_dim3A_202, %iota3A : vector<16xi32>
        %mul3A_204 = arith.constant 16 : i32
        %mul3A_205 = arith.muli %scan3A_62, %mul3A_204 : i32
        %add3A_206 = arith.constant 5 : i32
        %add3A_207 = arith.addi %mul3A_205, %add3A_206 : i32
        %get3A_208 = arith.index_cast %add3A_207 : i32 to index
        %get3A_209 = arith.constant 0 : index
        %get3A_210 = tpu.vector_load %arg11[%get3A_208, %get3A_209] {strides = array<i32>} : memref<128x32xf32, #tpu.memory_space<vmem>>, vector<16xf32>,
        %mul3A_211 = vector.broadcast %squeeze3A_199 : f32 to vector<16xf32>
        %mul3A_212 = arith.mulf %get3A_210, %mul3A_211 : vector<16xf32>
        %add3A_213 = arith.constant 0 : i32
        %add3A_214 = vector.broadcast %add3A_213 : i32 to vector<16xi32>
        %add3A_215 = arith.addi %add3A_203, %add3A_214 : vector<16xi32>
        tpu.vector_store_idx %arg7[%add3A_215], %mul3A_212 {add = true} : memref<51200xf32, #tpu.memory_space<vmem>>[vector<16xi32>], vector<16xf32>,
        %get3A_216 = arith.index_cast %add3A_207 : i32 to index
        %get3A_217 = arith.constant 16 : index
        %get3A_218 = tpu.vector_load %arg11[%get3A_216, %get3A_217] {strides = array<i32>} : memref<128x32xf32, #tpu.memory_space<vmem>>, vector<16xf32>,
        %mul3A_219 = vector.broadcast %squeeze3A_199 : f32 to vector<16xf32>
        %mul3A_220 = arith.mulf %get3A_218, %mul3A_219 : vector<16xf32>
        %add3A_221 = arith.constant 16 : i32
        %add3A_222 = vector.broadcast %add3A_221 : i32 to vector<16xi32>
        %add3A_223 = arith.addi %add3A_203, %add3A_222 : vector<16xi32>
        tpu.vector_store_idx %arg7[%add3A_223], %mul3A_220 {add = true} : memref<51200xf32, #tpu.memory_space<vmem>>[vector<16xi32>], vector<16xf32>,
        %slice3A_224 = vector.extract_strided_slice %get3A_65 {offsets = [6], sizes = [1], strides = [1]} : vector<16xf32> to vector<1xf32>
        %squeeze3A_225 = vector.extract %slice3A_224[0] : f32 from vector<1xf32>
        %slice3A_226 = vector.extract_strided_slice %get3A_69 {offsets = [6], sizes = [1], strides = [1]} : vector<16xi32> to vector<1xi32>
        %squeeze3A_227 = vector.extract %slice3A_226[0] : i32 from vector<1xi32>
        %broadcast_in_dim3A_228 = vector.broadcast %squeeze3A_227 : i32 to vector<16xi32>
        %add3A_229 = arith.addi %broadcast_in_dim3A_228, %iota3A : vector<16xi32>
        %mul3A_230 = arith.constant 16 : i32
        %mul3A_231 = arith.muli %scan3A_62, %mul3A_230 : i32
        %add3A_232 = arith.constant 6 : i32
        %add3A_233 = arith.addi %mul3A_231, %add3A_232 : i32
        %get3A_234 = arith.index_cast %add3A_233 : i32 to index
        %get3A_235 = arith.constant 0 : index
        %get3A_236 = tpu.vector_load %arg11[%get3A_234, %get3A_235] {strides = array<i32>} : memref<128x32xf32, #tpu.memory_space<vmem>>, vector<16xf32>,
        %mul3A_237 = vector.broadcast %squeeze3A_225 : f32 to vector<16xf32>
        %mul3A_238 = arith.mulf %get3A_236, %mul3A_237 : vector<16xf32>
        %add3A_239 = arith.constant 0 : i32
        %add3A_240 = vector.broadcast %add3A_239 : i32 to vector<16xi32>
        %add3A_241 = arith.addi %add3A_229, %add3A_240 : vector<16xi32>
        tpu.vector_store_idx %arg7[%add3A_241], %mul3A_238 {add = true} : memref<51200xf32, #tpu.memory_space<vmem>>[vector<16xi32>], vector<16xf32>,
        %get3A_242 = arith.index_cast %add3A_233 : i32 to index
        %get3A_243 = arith.constant 16 : index
        %get3A_244 = tpu.vector_load %arg11[%get3A_242, %get3A_243] {strides = array<i32>} : memref<128x32xf32, #tpu.memory_space<vmem>>, vector<16xf32>,
        %mul3A_245 = vector.broadcast %squeeze3A_225 : f32 to vector<16xf32>
        %mul3A_246 = arith.mulf %get3A_244, %mul3A_245 : vector<16xf32>
        %add3A_247 = arith.constant 16 : i32
        %add3A_248 = vector.broadcast %add3A_247 : i32 to vector<16xi32>
        %add3A_249 = arith.addi %add3A_229, %add3A_248 : vector<16xi32>
        tpu.vector_store_idx %arg7[%add3A_249], %mul3A_246 {add = true} : memref<51200xf32, #tpu.memory_space<vmem>>[vector<16xi32>], vector<16xf32>,
        %slice3A_250 = vector.extract_strided_slice %get3A_65 {offsets = [7], sizes = [1], strides = [1]} : vector<16xf32> to vector<1xf32>
        %squeeze3A_251 = vector.extract %slice3A_250[0] : f32 from vector<1xf32>
        %slice3A_252 = vector.extract_strided_slice %get3A_69 {offsets = [7], sizes = [1], strides = [1]} : vector<16xi32> to vector<1xi32>
        %squeeze3A_253 = vector.extract %slice3A_252[0] : i32 from vector<1xi32>
        %broadcast_in_dim3A_254 = vector.broadcast %squeeze3A_253 : i32 to vector<16xi32>
        %add3A_255 = arith.addi %broadcast_in_dim3A_254, %iota3A : vector<16xi32>
        %mul3A_256 = arith.constant 16 : i32
        %mul3A_257 = arith.muli %scan3A_62, %mul3A_256 : i32
        %add3A_258 = arith.constant 7 : i32
        %add3A_259 = arith.addi %mul3A_257, %add3A_258 : i32
        %get3A_260 = arith.index_cast %add3A_259 : i32 to index
        %get3A_261 = arith.constant 0 : index
        %get3A_262 = tpu.vector_load %arg11[%get3A_260, %get3A_261] {strides = array<i32>} : memref<128x32xf32, #tpu.memory_space<vmem>>, vector<16xf32>,
        %mul3A_263 = vector.broadcast %squeeze3A_251 : f32 to vector<16xf32>
        %mul3A_264 = arith.mulf %get3A_262, %mul3A_263 : vector<16xf32>
        %add3A_265 = arith.constant 0 : i32
        %add3A_266 = vector.broadcast %add3A_265 : i32 to vector<16xi32>
        %add3A_267 = arith.addi %add3A_255, %add3A_266 : vector<16xi32>
        tpu.vector_store_idx %arg7[%add3A_267], %mul3A_264 {add = true} : memref<51200xf32, #tpu.memory_space<vmem>>[vector<16xi32>], vector<16xf32>,
        %get3A_268 = arith.index_cast %add3A_259 : i32 to index
        %get3A_269 = arith.constant 16 : index
        %get3A_270 = tpu.vector_load %arg11[%get3A_268, %get3A_269] {strides = array<i32>} : memref<128x32xf32, #tpu.memory_space<vmem>>, vector<16xf32>,
        %mul3A_271 = vector.broadcast %squeeze3A_251 : f32 to vector<16xf32>
        %mul3A_272 = arith.mulf %get3A_270, %mul3A_271 : vector<16xf32>
        %add3A_273 = arith.constant 16 : i32
        %add3A_274 = vector.broadcast %add3A_273 : i32 to vector<16xi32>
        %add3A_275 = arith.addi %add3A_255, %add3A_274 : vector<16xi32>
        tpu.vector_store_idx %arg7[%add3A_275], %mul3A_272 {add = true} : memref<51200xf32, #tpu.memory_space<vmem>>[vector<16xi32>], vector<16xf32>,
        %slice3A_276 = vector.extract_strided_slice %get3A_65 {offsets = [8], sizes = [1], strides = [1]} : vector<16xf32> to vector<1xf32>
        %squeeze3A_277 = vector.extract %slice3A_276[0] : f32 from vector<1xf32>
        %slice3A_278 = vector.extract_strided_slice %get3A_69 {offsets = [8], sizes = [1], strides = [1]} : vector<16xi32> to vector<1xi32>
        %squeeze3A_279 = vector.extract %slice3A_278[0] : i32 from vector<1xi32>
        %broadcast_in_dim3A_280 = vector.broadcast %squeeze3A_279 : i32 to vector<16xi32>
        %add3A_281 = arith.addi %broadcast_in_dim3A_280, %iota3A : vector<16xi32>
        %mul3A_282 = arith.constant 16 : i32
        %mul3A_283 = arith.muli %scan3A_62, %mul3A_282 : i32
        %add3A_284 = arith.constant 8 : i32
        %add3A_285 = arith.addi %mul3A_283, %add3A_284 : i32
        %get3A_286 = arith.index_cast %add3A_285 : i32 to index
        %get3A_287 = arith.constant 0 : index
        %get3A_288 = tpu.vector_load %arg11[%get3A_286, %get3A_287] {strides = array<i32>} : memref<128x32xf32, #tpu.memory_space<vmem>>, vector<16xf32>,
        %mul3A_289 = vector.broadcast %squeeze3A_277 : f32 to vector<16xf32>
        %mul3A_290 = arith.mulf %get3A_288, %mul3A_289 : vector<16xf32>
        %add3A_291 = arith.constant 0 : i32
        %add3A_292 = vector.broadcast %add3A_291 : i32 to vector<16xi32>
        %add3A_293 = arith.addi %add3A_281, %add3A_292 : vector<16xi32>
        tpu.vector_store_idx %arg7[%add3A_293], %mul3A_290 {add = true} : memref<51200xf32, #tpu.memory_space<vmem>>[vector<16xi32>], vector<16xf32>,
        %get3A_294 = arith.index_cast %add3A_285 : i32 to index
        %get3A_295 = arith.constant 16 : index
        %get3A_296 = tpu.vector_load %arg11[%get3A_294, %get3A_295] {strides = array<i32>} : memref<128x32xf32, #tpu.memory_space<vmem>>, vector<16xf32>,
        %mul3A_297 = vector.broadcast %squeeze3A_277 : f32 to vector<16xf32>
        %mul3A_298 = arith.mulf %get3A_296, %mul3A_297 : vector<16xf32>
        %add3A_299 = arith.constant 16 : i32
        %add3A_300 = vector.broadcast %add3A_299 : i32 to vector<16xi32>
        %add3A_301 = arith.addi %add3A_281, %add3A_300 : vector<16xi32>
        tpu.vector_store_idx %arg7[%add3A_301], %mul3A_298 {add = true} : memref<51200xf32, #tpu.memory_space<vmem>>[vector<16xi32>], vector<16xf32>,
        %slice3A_302 = vector.extract_strided_slice %get3A_65 {offsets = [9], sizes = [1], strides = [1]} : vector<16xf32> to vector<1xf32>
        %squeeze3A_303 = vector.extract %slice3A_302[0] : f32 from vector<1xf32>
        %slice3A_304 = vector.extract_strided_slice %get3A_69 {offsets = [9], sizes = [1], strides = [1]} : vector<16xi32> to vector<1xi32>
        %squeeze3A_305 = vector.extract %slice3A_304[0] : i32 from vector<1xi32>
        %broadcast_in_dim3A_306 = vector.broadcast %squeeze3A_305 : i32 to vector<16xi32>
        %add3A_307 = arith.addi %broadcast_in_dim3A_306, %iota3A : vector<16xi32>
        %mul3A_308 = arith.constant 16 : i32
        %mul3A_309 = arith.muli %scan3A_62, %mul3A_308 : i32
        %add3A_310 = arith.constant 9 : i32
        %add3A_311 = arith.addi %mul3A_309, %add3A_310 : i32
        %get3A_312 = arith.index_cast %add3A_311 : i32 to index
        %get3A_313 = arith.constant 0 : index
        %get3A_314 = tpu.vector_load %arg11[%get3A_312, %get3A_313] {strides = array<i32>} : memref<128x32xf32, #tpu.memory_space<vmem>>, vector<16xf32>,
        %mul3A_315 = vector.broadcast %squeeze3A_303 : f32 to vector<16xf32>
        %mul3A_316 = arith.mulf %get3A_314, %mul3A_315 : vector<16xf32>
        %add3A_317 = arith.constant 0 : i32
        %add3A_318 = vector.broadcast %add3A_317 : i32 to vector<16xi32>
        %add3A_319 = arith.addi %add3A_307, %add3A_318 : vector<16xi32>
        tpu.vector_store_idx %arg7[%add3A_319], %mul3A_316 {add = true} : memref<51200xf32, #tpu.memory_space<vmem>>[vector<16xi32>], vector<16xf32>,
        %get3A_320 = arith.index_cast %add3A_311 : i32 to index
        %get3A_321 = arith.constant 16 : index
        %get3A_322 = tpu.vector_load %arg11[%get3A_320, %get3A_321] {strides = array<i32>} : memref<128x32xf32, #tpu.memory_space<vmem>>, vector<16xf32>,
        %mul3A_323 = vector.broadcast %squeeze3A_303 : f32 to vector<16xf32>
        %mul3A_324 = arith.mulf %get3A_322, %mul3A_323 : vector<16xf32>
        %add3A_325 = arith.constant 16 : i32
        %add3A_326 = vector.broadcast %add3A_325 : i32 to vector<16xi32>
        %add3A_327 = arith.addi %add3A_307, %add3A_326 : vector<16xi32>
        tpu.vector_store_idx %arg7[%add3A_327], %mul3A_324 {add = true} : memref<51200xf32, #tpu.memory_space<vmem>>[vector<16xi32>], vector<16xf32>,
        %slice3A_328 = vector.extract_strided_slice %get3A_65 {offsets = [10], sizes = [1], strides = [1]} : vector<16xf32> to vector<1xf32>
        %squeeze3A_329 = vector.extract %slice3A_328[0] : f32 from vector<1xf32>
        %slice3A_330 = vector.extract_strided_slice %get3A_69 {offsets = [10], sizes = [1], strides = [1]} : vector<16xi32> to vector<1xi32>
        %squeeze3A_331 = vector.extract %slice3A_330[0] : i32 from vector<1xi32>
        %broadcast_in_dim3A_332 = vector.broadcast %squeeze3A_331 : i32 to vector<16xi32>
        %add3A_333 = arith.addi %broadcast_in_dim3A_332, %iota3A : vector<16xi32>
        %mul3A_334 = arith.constant 16 : i32
        %mul3A_335 = arith.muli %scan3A_62, %mul3A_334 : i32
        %add3A_336 = arith.constant 10 : i32
        %add3A_337 = arith.addi %mul3A_335, %add3A_336 : i32
        %get3A_338 = arith.index_cast %add3A_337 : i32 to index
        %get3A_339 = arith.constant 0 : index
        %get3A_340 = tpu.vector_load %arg11[%get3A_338, %get3A_339] {strides = array<i32>} : memref<128x32xf32, #tpu.memory_space<vmem>>, vector<16xf32>,
        %mul3A_341 = vector.broadcast %squeeze3A_329 : f32 to vector<16xf32>
        %mul3A_342 = arith.mulf %get3A_340, %mul3A_341 : vector<16xf32>
        %add3A_343 = arith.constant 0 : i32
        %add3A_344 = vector.broadcast %add3A_343 : i32 to vector<16xi32>
        %add3A_345 = arith.addi %add3A_333, %add3A_344 : vector<16xi32>
        tpu.vector_store_idx %arg7[%add3A_345], %mul3A_342 {add = true} : memref<51200xf32, #tpu.memory_space<vmem>>[vector<16xi32>], vector<16xf32>,
        %get3A_346 = arith.index_cast %add3A_337 : i32 to index
        %get3A_347 = arith.constant 16 : index
        %get3A_348 = tpu.vector_load %arg11[%get3A_346, %get3A_347] {strides = array<i32>} : memref<128x32xf32, #tpu.memory_space<vmem>>, vector<16xf32>,
        %mul3A_349 = vector.broadcast %squeeze3A_329 : f32 to vector<16xf32>
        %mul3A_350 = arith.mulf %get3A_348, %mul3A_349 : vector<16xf32>
        %add3A_351 = arith.constant 16 : i32
        %add3A_352 = vector.broadcast %add3A_351 : i32 to vector<16xi32>
        %add3A_353 = arith.addi %add3A_333, %add3A_352 : vector<16xi32>
        tpu.vector_store_idx %arg7[%add3A_353], %mul3A_350 {add = true} : memref<51200xf32, #tpu.memory_space<vmem>>[vector<16xi32>], vector<16xf32>,
        %slice3A_354 = vector.extract_strided_slice %get3A_65 {offsets = [11], sizes = [1], strides = [1]} : vector<16xf32> to vector<1xf32>
        %squeeze3A_355 = vector.extract %slice3A_354[0] : f32 from vector<1xf32>
        %slice3A_356 = vector.extract_strided_slice %get3A_69 {offsets = [11], sizes = [1], strides = [1]} : vector<16xi32> to vector<1xi32>
        %squeeze3A_357 = vector.extract %slice3A_356[0] : i32 from vector<1xi32>
        %broadcast_in_dim3A_358 = vector.broadcast %squeeze3A_357 : i32 to vector<16xi32>
        %add3A_359 = arith.addi %broadcast_in_dim3A_358, %iota3A : vector<16xi32>
        %mul3A_360 = arith.constant 16 : i32
        %mul3A_361 = arith.muli %scan3A_62, %mul3A_360 : i32
        %add3A_362 = arith.constant 11 : i32
        %add3A_363 = arith.addi %mul3A_361, %add3A_362 : i32
        %get3A_364 = arith.index_cast %add3A_363 : i32 to index
        %get3A_365 = arith.constant 0 : index
        %get3A_366 = tpu.vector_load %arg11[%get3A_364, %get3A_365] {strides = array<i32>} : memref<128x32xf32, #tpu.memory_space<vmem>>, vector<16xf32>,
        %mul3A_367 = vector.broadcast %squeeze3A_355 : f32 to vector<16xf32>
        %mul3A_368 = arith.mulf %get3A_366, %mul3A_367 : vector<16xf32>
        %add3A_369 = arith.constant 0 : i32
        %add3A_370 = vector.broadcast %add3A_369 : i32 to vector<16xi32>
        %add3A_371 = arith.addi %add3A_359, %add3A_370 : vector<16xi32>
        tpu.vector_store_idx %arg7[%add3A_371], %mul3A_368 {add = true} : memref<51200xf32, #tpu.memory_space<vmem>>[vector<16xi32>], vector<16xf32>,
        %get3A_372 = arith.index_cast %add3A_363 : i32 to index
        %get3A_373 = arith.constant 16 : index
        %get3A_374 = tpu.vector_load %arg11[%get3A_372, %get3A_373] {strides = array<i32>} : memref<128x32xf32, #tpu.memory_space<vmem>>, vector<16xf32>,
        %mul3A_375 = vector.broadcast %squeeze3A_355 : f32 to vector<16xf32>
        %mul3A_376 = arith.mulf %get3A_374, %mul3A_375 : vector<16xf32>
        %add3A_377 = arith.constant 16 : i32
        %add3A_378 = vector.broadcast %add3A_377 : i32 to vector<16xi32>
        %add3A_379 = arith.addi %add3A_359, %add3A_378 : vector<16xi32>
        tpu.vector_store_idx %arg7[%add3A_379], %mul3A_376 {add = true} : memref<51200xf32, #tpu.memory_space<vmem>>[vector<16xi32>], vector<16xf32>,
        %slice3A_380 = vector.extract_strided_slice %get3A_65 {offsets = [12], sizes = [1], strides = [1]} : vector<16xf32> to vector<1xf32>
        %squeeze3A_381 = vector.extract %slice3A_380[0] : f32 from vector<1xf32>
        %slice3A_382 = vector.extract_strided_slice %get3A_69 {offsets = [12], sizes = [1], strides = [1]} : vector<16xi32> to vector<1xi32>
        %squeeze3A_383 = vector.extract %slice3A_382[0] : i32 from vector<1xi32>
        %broadcast_in_dim3A_384 = vector.broadcast %squeeze3A_383 : i32 to vector<16xi32>
        %add3A_385 = arith.addi %broadcast_in_dim3A_384, %iota3A : vector<16xi32>
        %mul3A_386 = arith.constant 16 : i32
        %mul3A_387 = arith.muli %scan3A_62, %mul3A_386 : i32
        %add3A_388 = arith.constant 12 : i32
        %add3A_389 = arith.addi %mul3A_387, %add3A_388 : i32
        %get3A_390 = arith.index_cast %add3A_389 : i32 to index
        %get3A_391 = arith.constant 0 : index
        %get3A_392 = tpu.vector_load %arg11[%get3A_390, %get3A_391] {strides = array<i32>} : memref<128x32xf32, #tpu.memory_space<vmem>>, vector<16xf32>,
        %mul3A_393 = vector.broadcast %squeeze3A_381 : f32 to vector<16xf32>
        %mul3A_394 = arith.mulf %get3A_392, %mul3A_393 : vector<16xf32>
        %add3A_395 = arith.constant 0 : i32
        %add3A_396 = vector.broadcast %add3A_395 : i32 to vector<16xi32>
        %add3A_397 = arith.addi %add3A_385, %add3A_396 : vector<16xi32>
        tpu.vector_store_idx %arg7[%add3A_397], %mul3A_394 {add = true} : memref<51200xf32, #tpu.memory_space<vmem>>[vector<16xi32>], vector<16xf32>,
        %get3A_398 = arith.index_cast %add3A_389 : i32 to index
        %get3A_399 = arith.constant 16 : index
        %get3A_400 = tpu.vector_load %arg11[%get3A_398, %get3A_399] {strides = array<i32>} : memref<128x32xf32, #tpu.memory_space<vmem>>, vector<16xf32>,
        %mul3A_401 = vector.broadcast %squeeze3A_381 : f32 to vector<16xf32>
        %mul3A_402 = arith.mulf %get3A_400, %mul3A_401 : vector<16xf32>
        %add3A_403 = arith.constant 16 : i32
        %add3A_404 = vector.broadcast %add3A_403 : i32 to vector<16xi32>
        %add3A_405 = arith.addi %add3A_385, %add3A_404 : vector<16xi32>
        tpu.vector_store_idx %arg7[%add3A_405], %mul3A_402 {add = true} : memref<51200xf32, #tpu.memory_space<vmem>>[vector<16xi32>], vector<16xf32>,
        %slice3A_406 = vector.extract_strided_slice %get3A_65 {offsets = [13], sizes = [1], strides = [1]} : vector<16xf32> to vector<1xf32>
        %squeeze3A_407 = vector.extract %slice3A_406[0] : f32 from vector<1xf32>
        %slice3A_408 = vector.extract_strided_slice %get3A_69 {offsets = [13], sizes = [1], strides = [1]} : vector<16xi32> to vector<1xi32>
        %squeeze3A_409 = vector.extract %slice3A_408[0] : i32 from vector<1xi32>
        %broadcast_in_dim3A_410 = vector.broadcast %squeeze3A_409 : i32 to vector<16xi32>
        %add3A_411 = arith.addi %broadcast_in_dim3A_410, %iota3A : vector<16xi32>
        %mul3A_412 = arith.constant 16 : i32
        %mul3A_413 = arith.muli %scan3A_62, %mul3A_412 : i32
        %add3A_414 = arith.constant 13 : i32
        %add3A_415 = arith.addi %mul3A_413, %add3A_414 : i32
        %get3A_416 = arith.index_cast %add3A_415 : i32 to index
        %get3A_417 = arith.constant 0 : index
        %get3A_418 = tpu.vector_load %arg11[%get3A_416, %get3A_417] {strides = array<i32>} : memref<128x32xf32, #tpu.memory_space<vmem>>, vector<16xf32>,
        %mul3A_419 = vector.broadcast %squeeze3A_407 : f32 to vector<16xf32>
        %mul3A_420 = arith.mulf %get3A_418, %mul3A_419 : vector<16xf32>
        %add3A_421 = arith.constant 0 : i32
        %add3A_422 = vector.broadcast %add3A_421 : i32 to vector<16xi32>
        %add3A_423 = arith.addi %add3A_411, %add3A_422 : vector<16xi32>
        tpu.vector_store_idx %arg7[%add3A_423], %mul3A_420 {add = true} : memref<51200xf32, #tpu.memory_space<vmem>>[vector<16xi32>], vector<16xf32>,
        %get3A_424 = arith.index_cast %add3A_415 : i32 to index
        %get3A_425 = arith.constant 16 : index
        %get3A_426 = tpu.vector_load %arg11[%get3A_424, %get3A_425] {strides = array<i32>} : memref<128x32xf32, #tpu.memory_space<vmem>>, vector<16xf32>,
        %mul3A_427 = vector.broadcast %squeeze3A_407 : f32 to vector<16xf32>
        %mul3A_428 = arith.mulf %get3A_426, %mul3A_427 : vector<16xf32>
        %add3A_429 = arith.constant 16 : i32
        %add3A_430 = vector.broadcast %add3A_429 : i32 to vector<16xi32>
        %add3A_431 = arith.addi %add3A_411, %add3A_430 : vector<16xi32>
        tpu.vector_store_idx %arg7[%add3A_431], %mul3A_428 {add = true} : memref<51200xf32, #tpu.memory_space<vmem>>[vector<16xi32>], vector<16xf32>,
        %slice3A_432 = vector.extract_strided_slice %get3A_65 {offsets = [14], sizes = [1], strides = [1]} : vector<16xf32> to vector<1xf32>
        %squeeze3A_433 = vector.extract %slice3A_432[0] : f32 from vector<1xf32>
        %slice3A_434 = vector.extract_strided_slice %get3A_69 {offsets = [14], sizes = [1], strides = [1]} : vector<16xi32> to vector<1xi32>
        %squeeze3A_435 = vector.extract %slice3A_434[0] : i32 from vector<1xi32>
        %broadcast_in_dim3A_436 = vector.broadcast %squeeze3A_435 : i32 to vector<16xi32>
        %add3A_437 = arith.addi %broadcast_in_dim3A_436, %iota3A : vector<16xi32>
        %mul3A_438 = arith.constant 16 : i32
        %mul3A_439 = arith.muli %scan3A_62, %mul3A_438 : i32
        %add3A_440 = arith.constant 14 : i32
        %add3A_441 = arith.addi %mul3A_439, %add3A_440 : i32
        %get3A_442 = arith.index_cast %add3A_441 : i32 to index
        %get3A_443 = arith.constant 0 : index
        %get3A_444 = tpu.vector_load %arg11[%get3A_442, %get3A_443] {strides = array<i32>} : memref<128x32xf32, #tpu.memory_space<vmem>>, vector<16xf32>,
        %mul3A_445 = vector.broadcast %squeeze3A_433 : f32 to vector<16xf32>
        %mul3A_446 = arith.mulf %get3A_444, %mul3A_445 : vector<16xf32>
        %add3A_447 = arith.constant 0 : i32
        %add3A_448 = vector.broadcast %add3A_447 : i32 to vector<16xi32>
        %add3A_449 = arith.addi %add3A_437, %add3A_448 : vector<16xi32>
        tpu.vector_store_idx %arg7[%add3A_449], %mul3A_446 {add = true} : memref<51200xf32, #tpu.memory_space<vmem>>[vector<16xi32>], vector<16xf32>,
        %get3A_450 = arith.index_cast %add3A_441 : i32 to index
        %get3A_451 = arith.constant 16 : index
        %get3A_452 = tpu.vector_load %arg11[%get3A_450, %get3A_451] {strides = array<i32>} : memref<128x32xf32, #tpu.memory_space<vmem>>, vector<16xf32>,
        %mul3A_453 = vector.broadcast %squeeze3A_433 : f32 to vector<16xf32>
        %mul3A_454 = arith.mulf %get3A_452, %mul3A_453 : vector<16xf32>
        %add3A_455 = arith.constant 16 : i32
        %add3A_456 = vector.broadcast %add3A_455 : i32 to vector<16xi32>
        %add3A_457 = arith.addi %add3A_437, %add3A_456 : vector<16xi32>
        tpu.vector_store_idx %arg7[%add3A_457], %mul3A_454 {add = true} : memref<51200xf32, #tpu.memory_space<vmem>>[vector<16xi32>], vector<16xf32>,
        %slice3A_458 = vector.extract_strided_slice %get3A_65 {offsets = [15], sizes = [1], strides = [1]} : vector<16xf32> to vector<1xf32>
        %squeeze3A_459 = vector.extract %slice3A_458[0] : f32 from vector<1xf32>
        %slice3A_460 = vector.extract_strided_slice %get3A_69 {offsets = [15], sizes = [1], strides = [1]} : vector<16xi32> to vector<1xi32>
        %squeeze3A_461 = vector.extract %slice3A_460[0] : i32 from vector<1xi32>
        %broadcast_in_dim3A_462 = vector.broadcast %squeeze3A_461 : i32 to vector<16xi32>
        %add3A_463 = arith.addi %broadcast_in_dim3A_462, %iota3A : vector<16xi32>
        %mul3A_464 = arith.constant 16 : i32
        %mul3A_465 = arith.muli %scan3A_62, %mul3A_464 : i32
        %add3A_466 = arith.constant 15 : i32
        %add3A_467 = arith.addi %mul3A_465, %add3A_466 : i32
        %get3A_468 = arith.index_cast %add3A_467 : i32 to index
        %get3A_469 = arith.constant 0 : index
        %get3A_470 = tpu.vector_load %arg11[%get3A_468, %get3A_469] {strides = array<i32>} : memref<128x32xf32, #tpu.memory_space<vmem>>, vector<16xf32>,
        %mul3A_471 = vector.broadcast %squeeze3A_459 : f32 to vector<16xf32>
        %mul3A_472 = arith.mulf %get3A_470, %mul3A_471 : vector<16xf32>
        %add3A_473 = arith.constant 0 : i32
        %add3A_474 = vector.broadcast %add3A_473 : i32 to vector<16xi32>
        %add3A_475 = arith.addi %add3A_463, %add3A_474 : vector<16xi32>
        tpu.vector_store_idx %arg7[%add3A_475], %mul3A_472 {add = true} : memref<51200xf32, #tpu.memory_space<vmem>>[vector<16xi32>], vector<16xf32>,
        %get3A_476 = arith.index_cast %add3A_467 : i32 to index
        %get3A_477 = arith.constant 16 : index
        %get3A_478 = tpu.vector_load %arg11[%get3A_476, %get3A_477] {strides = array<i32>} : memref<128x32xf32, #tpu.memory_space<vmem>>, vector<16xf32>,
        %mul3A_479 = vector.broadcast %squeeze3A_459 : f32 to vector<16xf32>
        %mul3A_480 = arith.mulf %get3A_478, %mul3A_479 : vector<16xf32>
        %add3A_481 = arith.constant 16 : i32
        %add3A_482 = vector.broadcast %add3A_481 : i32 to vector<16xi32>
        %add3A_483 = arith.addi %add3A_463, %add3A_482 : vector<16xi32>
        tpu.vector_store_idx %arg7[%add3A_483], %mul3A_480 {add = true} : memref<51200xf32, #tpu.memory_space<vmem>>[vector<16xi32>], vector<16xf32>,
      }
      %scan3A_61 = arith.constant 8 : i32
    }
    %scan3A_42 = arith.constant 63 : i32
    "tpu.region"() ({
      %run_scoped3A = tpu.sem_alloc : memref<!tpu.dma_semaphore, #tpu.memory_space<semaphore_mem>>
      %dma_start3A = arith.constant 0 : i32
      %dma_start3A_43 = tpu.memref_slice %arg6[%select_n3A_9, %select_n3A_30, %dma_start3A] : memref<4x8x51200xf32, #tpu.memory_space<hbm>> -> memref<1x1x51200xf32, #tpu.memory_space<hbm>>
      %dma_start3A_44 = tpu.memref_squeeze %dma_start3A_43 : memref<1x1x51200xf32, #tpu.memory_space<hbm>> -> memref<51200xf32, #tpu.memory_space<hbm>>
      %dma_start3A_45 = arith.constant 0 : i32
      %dma_start3A_46 = tpu.memref_slice %arg6[%select_n3A_9, %select_n3A_30, %dma_start3A_45] : memref<4x8x51200xf32, #tpu.memory_space<hbm>> -> memref<1x1x51200xf32, #tpu.memory_space<hbm>>
      %dma_start3A_47 = tpu.memref_squeeze %dma_start3A_46 : memref<1x1x51200xf32, #tpu.memory_space<hbm>> -> memref<51200xf32, #tpu.memory_space<hbm>>
      tpu.enqueue_dma source(%arg7 : memref<51200xf32, #tpu.memory_space<vmem>>) target(%dma_start3A_47 : memref<51200xf32, #tpu.memory_space<hbm>>) target_semaphore(%run_scoped3A : memref<!tpu.dma_semaphore, #tpu.memory_space<semaphore_mem>>)
      %dma_wait3A = arith.constant 0 : i32
      %dma_wait3A_48 = tpu.memref_slice %arg6[%select_n3A_9, %select_n3A_30, %dma_wait3A] : memref<4x8x51200xf32, #tpu.memory_space<hbm>> -> memref<1x1x51200xf32, #tpu.memory_space<hbm>>
      %dma_wait3A_49 = tpu.memref_squeeze %dma_wait3A_48 : memref<1x1x51200xf32, #tpu.memory_space<hbm>> -> memref<51200xf32, #tpu.memory_space<hbm>>
      %dma_wait3A_50 = arith.constant 0 : i32
      %dma_wait3A_51 = tpu.memref_slice %arg6[%select_n3A_9, %select_n3A_30, %dma_wait3A_50] : memref<4x8x51200xf32, #tpu.memory_space<hbm>> -> memref<1x1x51200xf32, #tpu.memory_space<hbm>>
      %dma_wait3A_52 = tpu.memref_squeeze %dma_wait3A_51 : memref<1x1x51200xf32, #tpu.memory_space<hbm>> -> memref<51200xf32, #tpu.memory_space<hbm>>
      tpu.wait_dma2 semaphore(%run_scoped3A : memref<!tpu.dma_semaphore, #tpu.memory_space<semaphore_mem>>) src(%arg7 : memref<51200xf32, #tpu.memory_space<vmem>>) dst(%dma_wait3A_52 : memref<51200xf32, #tpu.memory_space<hbm>>)
      tpu.yield
    }) : () -> ()
    return
  }
}

module attributes {stable_mosaic.version = 14 : i64} {
  func.func @body(%arg0: i32, %arg1: memref<4x8x400x32xf32, #tpu.memory_space<vmem>>, %arg2: memref<400x1xf32, #tpu.memory_space<vmem>>, %arg3: memref<8x400x32xf32, #tpu.memory_space<vmem>>) attributes {dimension_semantics = [#tpu.dimension_semantics<arbitrary>], iteration_bounds = array<i64: 8>, scalar_prefetch = 0 : i64, scratch_operands = 0 : i64, tpu.core_type = #tpu.core_type<tc>, window_params = [{transform_indices = @transform_0, window_bounds = array<i64: 4, 8, 400, 32>}, {transform_indices = @transform_1, window_bounds = array<i64: 400, 1>}, {transform_indices = @transform_2, window_bounds = array<i64: 8, 400, 32>}]} {
    %get3A = arith.constant 0 : index
    %get3A_0 = arith.constant 0 : index
    %get3A_1 = arith.constant 0 : index
    %get3A_2 = arith.constant 0 : index
    %get3A_3 = vector.load %arg1[%get3A, %get3A_0, %get3A_1, %get3A_2] : memref<4x8x400x32xf32, #tpu.memory_space<vmem>>, vector<1x8x400x32xf32>
    %get3A_4 = vector.shape_cast %get3A_3 : vector<1x8x400x32xf32> to vector<8x400x32xf32>
    %get3A_5 = arith.constant 1 : index
    %get3A_6 = arith.constant 0 : index
    %get3A_7 = arith.constant 0 : index
    %get3A_8 = arith.constant 0 : index
    %get3A_9 = vector.load %arg1[%get3A_5, %get3A_6, %get3A_7, %get3A_8] : memref<4x8x400x32xf32, #tpu.memory_space<vmem>>, vector<1x8x400x32xf32>
    %get3A_10 = vector.shape_cast %get3A_9 : vector<1x8x400x32xf32> to vector<8x400x32xf32>
    %add3A = arith.addf %get3A_4, %get3A_10 : vector<8x400x32xf32>
    %get3A_11 = arith.constant 2 : index
    %get3A_12 = arith.constant 0 : index
    %get3A_13 = arith.constant 0 : index
    %get3A_14 = arith.constant 0 : index
    %get3A_15 = vector.load %arg1[%get3A_11, %get3A_12, %get3A_13, %get3A_14] : memref<4x8x400x32xf32, #tpu.memory_space<vmem>>, vector<1x8x400x32xf32>
    %get3A_16 = vector.shape_cast %get3A_15 : vector<1x8x400x32xf32> to vector<8x400x32xf32>
    %add3A_17 = arith.addf %add3A, %get3A_16 : vector<8x400x32xf32>
    %get3A_18 = arith.constant 3 : index
    %get3A_19 = arith.constant 0 : index
    %get3A_20 = arith.constant 0 : index
    %get3A_21 = arith.constant 0 : index
    %get3A_22 = vector.load %arg1[%get3A_18, %get3A_19, %get3A_20, %get3A_21] : memref<4x8x400x32xf32, #tpu.memory_space<vmem>>, vector<1x8x400x32xf32>
    %get3A_23 = vector.shape_cast %get3A_22 : vector<1x8x400x32xf32> to vector<8x400x32xf32>
    %add3A_24 = arith.addf %add3A_17, %get3A_23 : vector<8x400x32xf32>
    %get3A_25 = arith.constant 0 : index
    %get3A_26 = arith.constant 0 : index
    %get3A_27 = vector.load %arg2[%get3A_25, %get3A_26] : memref<400x1xf32, #tpu.memory_space<vmem>>, vector<400x1xf32>
    %broadcast_in_dim3A = vector.shape_cast %get3A_27 : vector<400x1xf32> to vector<1x400x1xf32>
    %add3A_28 = vector.broadcast %broadcast_in_dim3A : vector<1x400x1xf32> to vector<8x400x32xf32>
    %add3A_29 = arith.addf %add3A_24, %add3A_28 : vector<8x400x32xf32>
    %ge3A = arith.constant 0.000000e+00 : f32
    %ge3A_30 = vector.broadcast %ge3A : f32 to vector<8x400x32xf32>
    %ge3A_31 = arith.cmpf oge, %add3A_29, %ge3A_30 : vector<8x400x32xf32>
    %mul3A = arith.constant 0.00999999977 : f32
    %mul3A_32 = vector.broadcast %mul3A : f32 to vector<8x400x32xf32>
    %mul3A_33 = arith.mulf %mul3A_32, %add3A_29 : vector<8x400x32xf32>
    %select_n3A = arith.select %ge3A_31, %add3A_29, %mul3A_33 : vector<8x400x32xi1>, vector<8x400x32xf32>
    %swap3A = arith.constant 0 : index
    %swap3A_34 = arith.constant 0 : index
    %swap3A_35 = arith.constant 0 : index
    %swap3A_36 = vector.load %arg3[%swap3A, %swap3A_34, %swap3A_35] : memref<8x400x32xf32, #tpu.memory_space<vmem>>, vector<8x400x32xf32>
    tpu.vector_store %arg3[%swap3A, %swap3A_34, %swap3A_35], %select_n3A {strides = array<i32>} : memref<8x400x32xf32, #tpu.memory_space<vmem>>, vector<8x400x32xf32>,
    return
  }
  func.func @transform_0(%arg0: i32) -> (i32, i32, i32, i32) {
    %c0_i32 = arith.constant 0 : i32
    %c0_i32_0 = arith.constant 0 : i32
    %c0_i32_1 = arith.constant 0 : i32
    %c0_i32_2 = arith.constant 0 : i32
    return %c0_i32, %c0_i32_0, %arg0, %c0_i32_1 : i32, i32, i32, i32
  }
  func.func @transform_1(%arg0: i32) -> (i32, i32) {
    %c0_i32 = arith.constant 0 : i32
    %c0_i32_0 = arith.constant 0 : i32
    return %arg0, %c0_i32 : i32, i32
  }
  func.func @transform_2(%arg0: i32) -> (i32, i32, i32) {
    %c0_i32 = arith.constant 0 : i32
    %c0_i32_0 = arith.constant 0 : i32
    %c0_i32_1 = arith.constant 0 : i32
    return %c0_i32, %arg0, %c0_i32_0 : i32, i32, i32
  }
}

module attributes {stable_mosaic.version = 14 : i64} {
  func.func @body(%arg0: i32, %arg1: memref<4x8x200x32xf32, #tpu.memory_space<vmem>>, %arg2: memref<200x1xf32, #tpu.memory_space<vmem>>, %arg3: memref<8x200x32xf32, #tpu.memory_space<vmem>>) attributes {dimension_semantics = [#tpu.dimension_semantics<arbitrary>], iteration_bounds = array<i64: 8>, scalar_prefetch = 0 : i64, scratch_operands = 0 : i64, tpu.core_type = #tpu.core_type<tc>, window_params = [{transform_indices = @transform_0, window_bounds = array<i64: 4, 8, 200, 32>}, {transform_indices = @transform_1, window_bounds = array<i64: 200, 1>}, {transform_indices = @transform_2, window_bounds = array<i64: 8, 200, 32>}]} {
    %get3A = arith.constant 0 : index
    %get3A_0 = arith.constant 0 : index
    %get3A_1 = arith.constant 0 : index
    %get3A_2 = arith.constant 0 : index
    %get3A_3 = vector.load %arg1[%get3A, %get3A_0, %get3A_1, %get3A_2] : memref<4x8x200x32xf32, #tpu.memory_space<vmem>>, vector<1x8x200x32xf32>
    %get3A_4 = vector.shape_cast %get3A_3 : vector<1x8x200x32xf32> to vector<8x200x32xf32>
    %get3A_5 = arith.constant 1 : index
    %get3A_6 = arith.constant 0 : index
    %get3A_7 = arith.constant 0 : index
    %get3A_8 = arith.constant 0 : index
    %get3A_9 = vector.load %arg1[%get3A_5, %get3A_6, %get3A_7, %get3A_8] : memref<4x8x200x32xf32, #tpu.memory_space<vmem>>, vector<1x8x200x32xf32>
    %get3A_10 = vector.shape_cast %get3A_9 : vector<1x8x200x32xf32> to vector<8x200x32xf32>
    %add3A = arith.addf %get3A_4, %get3A_10 : vector<8x200x32xf32>
    %get3A_11 = arith.constant 2 : index
    %get3A_12 = arith.constant 0 : index
    %get3A_13 = arith.constant 0 : index
    %get3A_14 = arith.constant 0 : index
    %get3A_15 = vector.load %arg1[%get3A_11, %get3A_12, %get3A_13, %get3A_14] : memref<4x8x200x32xf32, #tpu.memory_space<vmem>>, vector<1x8x200x32xf32>
    %get3A_16 = vector.shape_cast %get3A_15 : vector<1x8x200x32xf32> to vector<8x200x32xf32>
    %add3A_17 = arith.addf %add3A, %get3A_16 : vector<8x200x32xf32>
    %get3A_18 = arith.constant 3 : index
    %get3A_19 = arith.constant 0 : index
    %get3A_20 = arith.constant 0 : index
    %get3A_21 = arith.constant 0 : index
    %get3A_22 = vector.load %arg1[%get3A_18, %get3A_19, %get3A_20, %get3A_21] : memref<4x8x200x32xf32, #tpu.memory_space<vmem>>, vector<1x8x200x32xf32>
    %get3A_23 = vector.shape_cast %get3A_22 : vector<1x8x200x32xf32> to vector<8x200x32xf32>
    %add3A_24 = arith.addf %add3A_17, %get3A_23 : vector<8x200x32xf32>
    %get3A_25 = arith.constant 0 : index
    %get3A_26 = arith.constant 0 : index
    %get3A_27 = vector.load %arg2[%get3A_25, %get3A_26] : memref<200x1xf32, #tpu.memory_space<vmem>>, vector<200x1xf32>
    %broadcast_in_dim3A = vector.shape_cast %get3A_27 : vector<200x1xf32> to vector<1x200x1xf32>
    %add3A_28 = vector.broadcast %broadcast_in_dim3A : vector<1x200x1xf32> to vector<8x200x32xf32>
    %add3A_29 = arith.addf %add3A_24, %add3A_28 : vector<8x200x32xf32>
    %ge3A = arith.constant 0.000000e+00 : f32
    %ge3A_30 = vector.broadcast %ge3A : f32 to vector<8x200x32xf32>
    %ge3A_31 = arith.cmpf oge, %add3A_29, %ge3A_30 : vector<8x200x32xf32>
    %mul3A = arith.constant 0.00999999977 : f32
    %mul3A_32 = vector.broadcast %mul3A : f32 to vector<8x200x32xf32>
    %mul3A_33 = arith.mulf %mul3A_32, %add3A_29 : vector<8x200x32xf32>
    %select_n3A = arith.select %ge3A_31, %add3A_29, %mul3A_33 : vector<8x200x32xi1>, vector<8x200x32xf32>
    %swap3A = arith.constant 0 : index
    %swap3A_34 = arith.constant 0 : index
    %swap3A_35 = arith.constant 0 : index
    %swap3A_36 = vector.load %arg3[%swap3A, %swap3A_34, %swap3A_35] : memref<8x200x32xf32, #tpu.memory_space<vmem>>, vector<8x200x32xf32>
    tpu.vector_store %arg3[%swap3A, %swap3A_34, %swap3A_35], %select_n3A {strides = array<i32>} : memref<8x200x32xf32, #tpu.memory_space<vmem>>, vector<8x200x32xf32>,
    return
  }
  func.func @transform_0(%arg0: i32) -> (i32, i32, i32, i32) {
    %c0_i32 = arith.constant 0 : i32
    %c0_i32_0 = arith.constant 0 : i32
    %c0_i32_1 = arith.constant 0 : i32
    %c0_i32_2 = arith.constant 0 : i32
    return %c0_i32, %c0_i32_0, %arg0, %c0_i32_1 : i32, i32, i32, i32
  }
  func.func @transform_1(%arg0: i32) -> (i32, i32) {
    %c0_i32 = arith.constant 0 : i32
    %c0_i32_0 = arith.constant 0 : i32
    return %arg0, %c0_i32 : i32, i32
  }
  func.func @transform_2(%arg0: i32) -> (i32, i32, i32) {
    %c0_i32 = arith.constant 0 : i32
    %c0_i32_0 = arith.constant 0 : i32
    %c0_i32_1 = arith.constant 0 : i32
    return %c0_i32, %arg0, %c0_i32_0 : i32, i32, i32
  }
}

</mosaic_0001>

<sc_bundles>
// kernel: kernel.11.cloned.1.call-start
scs
__scs_entry_jumppad:
0x0: {  	(pc) =	sbr.rel $0x88, $3  }
0x1: {  	(tag) =	ssettag $0x0;
	lr =	simm.s32 $0x1  }
0x2: {  	[smem:$0x3F94] =	sst lr;
	_ =	strace $0xD0000000  }
0x3: {  	_ = 	snop  }
0x4: {  	_ = 	snop  }
0x5: {  	_ = 	snop  }
0x6: {  	_ = 	snop  }
0x7: {  	_ = 	snop  }
__scs_overlays_trampoline_lowered:
0x8: {  	[smem:$0x3FA3] =	sst s0  }
0x9: {  	[smem:$0x3FA4] =	sst s1  }
0xa: {  	[smem:$0x3FA5] =	sst s2  }
0xb: {  	[smem:$0x3FA6] =	sst s3  }
0xc: {  	[smem:$0x3FA7] =	sst s4  }
0xd: {  	[smem:$0x3FA8] =	sst s5  }
0xe: {  	[smem:$0x3FA9] =	sst s6  }
0xf: {  	[smem:$0x3FAA] =	sst s7  }
0x10: {  	[smem:$0x3FAB] =	sst s8  }
0x11: {  	[smem:$0x3FAC] =	sst s9;
	s0 =	simm.s32 @!p0 $0x0  }
0x12: {  	s1 =	sld [smem:$0x3F92];
	s0 =	simm.s32 @p0 $0x1  }
0x13: {  	[smem:$0x3FAD] =	sst s0;
	s0 =	simm.s32 @!p1 $0x0  }
0x14: {  	s2 =	sld [smem:$0x3F91];
	s0 =	simm.s32 @p1 $0x1  }
0x15: {  	[smem:$0x3FAE] =	sst s0;
	s0 =	simm.s32 @!p2 $0x0  }
0x16: {  	s3 =	sld [smem:$0x3FDB];
	s0 =	simm.s32 @p2 $0x1  }
0x17: {  	s4 =	simm.s32 $0x1BF5;
	[smem:$0x3FB0] =	sst s0  }
0x18: {  	s0 =	sld [smem:$0x3F93];
	_ =	swait.ge [sflag:s4], $0x0  }
0x19: {  	s7 =	sld [smem:$0x3F94]  }
0x1a: {  	s8 =	sadd.s32 $0xFFFFE003, lr  }
0x1b: {  	s9 =	sadd.s32 $0xFFFFFEF7, lr;
	s5 =	simm.s32 $0xFFFFFFFF;
	p2 =	slt.u32 s8, $0xFFFFF086  }
0x1c: {  	p1 =	slt.u32 s9, $0xF7A;
	s5 =	simm.s32 @!p2 $0x0  }
0x1d: {  	s5 =	simm.s32 @p1 $0x1;
	p0 =	seq.s32 s7, s2  }
0x1e: {  	s7 =	smul.u32 @!p0 $0xF7A, s2;
	p2 =	seq.s32 @!p0 s5, $0x0  }
0x1f: {  	s9 =	smul.u32 $0xF7A, s1;
	s8 =	simm.s32 @!p0 $0x1BF5;
	p2 =	por !p2, p0  }
0x20: {  	[sflag:s8] =	ssyncset.s32 @!p0 $0xFFFFF086;
	s6 =	sadd.s32 @!p0 s3, s7;
	s7 =	simm.s32 @!p0 $0x108  }
0x21: {  	s3 =	sadd.s32 s3, s9;
	s6 =	sadd.s32 @!p0 $0x88, s6;
	s7 =	simm.s32 @p2 $0x1082  }
0x22: {  	[simem:s7], [sflag:s8] =	dma.local @!p0 [hbm:s6], $0xF7A  }
0x23: {  	s9 =	sor.u32 $0xD0000000, s2;
	s6 =	simm.s32 $0x108;
	_ =	swait.ge @!p0 [sflag:s8], $0x0  }
0x24: {  	s3 =	sadd.s32 $0x88, s3;
	s6 =	simm.s32 @!p1 $0x1082;
	[sflag:s4] =	ssyncset.s32 $0xFFFFF086  }
0x25: {  	[simem:s6], [sflag:s4] =	dma.local [hbm:s3], $0xF7A  }
0x26: {  	[smem:$0x3F94] =	sst s1;
	(tag) =	ssettag s2;
	_ =	strace s9  }
0x27: {  	s1 =	sld [smem:$0x3FA4]  }
0x28: {  	s2 =	sld [smem:$0x3FA5]  }
0x29: {  	s4 =	sld [smem:$0x3FA7]  }
0x2a: {  	p0 =	seq.s32 s5, $0x0;
	s5 =	sld [smem:$0x3FA8]  }
0x2b: {  	s6 =	sld [smem:$0x3FA9]  }
0x2c: {  	s7 =	sld [smem:$0x3FAA]  }
0x2d: {  	s3 =	simm.s32 $0x108;
	s8 =	sld [smem:$0x3FAB]  }
0x2e: {  	s3 =	simm.s32 @!p0 $0x1082;
	s9 =	sld [smem:$0x3FAC]  }
0x2f: {  	lr =	sadd.s32 s0, s3;
	s0 =	sld [smem:$0x3FA3]  }
0x30: {  	s3 =	sld [smem:$0x3FA6]  }
0x31: {  	[smem:$0x3FAF] =	sst s10  }
0x32: {  	s10 =	sld [smem:$0x3FAD];
	_ =	sdelay $0x3  }
0x33: {  	p0 =	seq.s32 s10, $0x1;
	s10 =	sld [smem:$0x3FAF];
	_ =	sdelay $0x3  }
0x34: {  	[smem:$0x3FAF] =	sst s10  }
0x35: {  	s10 =	sld [smem:$0x3FAE];
	_ =	sdelay $0x3  }
0x36: {  	p1 =	seq.s32 s10, $0x1;
	s10 =	sld [smem:$0x3FAF];
	_ =	sdelay $0x3  }
0x37: {  	[smem:$0x3FAF] =	sst s10  }
0x38: {  	s10 =	sld [smem:$0x3FB0]  }
0x39: {  	_ = 	snop;
	(pc) =	sbr.ind lr, $3  }
0x3a: {  	_ = 	snop  }
0x3b: {  	_ = 	snop  }
0x3c: {  	p2 =	seq.s32 s10, $0x1;
	s10 =	sld [smem:$0x3FAF]  }
0x3d: {  	_ =	shalt  }
0x3e: {  	_ =	shalt  }
0x3f: {  	_ =	shalt  }
0x40: {  	_ =	shalt  }
0x41: {  	_ =	shalt  }
0x42: {  	_ =	shalt  }
0x43: {  	_ =	shalt  }
0x44: {  	_ =	shalt  }
0x45: {  	_ =	shalt  }
0x46: {  	_ =	shalt  }
0x47: {  	_ =	shalt  }
0x48: {  	_ =	shalt  }
0x49: {  	_ =	shalt  }
0x4a: {  	_ =	shalt  }
0x4b: {  	_ =	shalt  }
0x4c: {  	_ =	shalt  }
0x4d: {  	_ =	shalt  }
0x4e: {  	_ =	shalt  }
0x4f: {  	_ =	shalt  }
0x50: {  	_ =	shalt  }
0x51: {  	_ =	shalt  }
0x52: {  	_ =	shalt  }
0x53: {  	_ =	shalt  }
0x54: {  	_ =	shalt  }
0x55: {  	_ =	shalt  }
0x56: {  	_ =	shalt  }
0x57: {  	_ =	shalt  }
0x58: {  	_ =	shalt  }
0x59: {  	_ =	shalt  }
0x5a: {  	_ =	shalt  }
0x5b: {  	_ =	shalt  }
0x5c: {  	_ =	shalt  }
0x5d: {  	_ =	shalt  }
0x5e: {  	_ =	shalt  }
0x5f: {  	_ =	shalt  }
0x60: {  	_ =	shalt  }
0x61: {  	_ =	shalt  }
0x62: {  	_ =	shalt  }
0x63: {  	_ =	shalt  }
0x64: {  	_ =	shalt  }
0x65: {  	_ =	shalt  }
0x66: {  	_ =	shalt  }
0x67: {  	_ =	shalt  }
0x68: {  	_ =	shalt  }
0x69: {  	_ =	shalt  }
0x6a: {  	_ =	shalt  }
0x6b: {  	_ =	shalt  }
0x6c: {  	_ =	shalt  }
0x6d: {  	_ =	shalt  }
0x6e: {  	_ =	shalt  }
0x6f: {  	_ =	shalt  }
0x70: {  	_ =	shalt  }
0x71: {  	_ =	shalt  }
0x72: {  	_ =	shalt  }
0x73: {  	_ =	shalt  }
0x74: {  	_ =	shalt  }
0x75: {  	_ =	shalt  }
0x76: {  	_ =	shalt  }
0x77: {  	_ =	shalt  }
0x78: {  	_ =	shalt  }
0x79: {  	_ =	shalt  }
0x7a: {  	_ =	shalt  }
0x7b: {  	_ =	shalt  }
0x7c: {  	_ =	shalt  }
0x7d: {  	_ =	shalt  }
0x7e: {  	_ =	shalt  }
0x7f: {  	_ =	shalt  }
0x80: {  	_ =	shalt  }
0x81: {  	_ =	shalt  }
0x82: {  	_ =	shalt  }
0x83: {  	_ =	shalt  }
0x84: {  	_ =	shalt  }
0x85: {  	_ =	shalt  }
0x86: {  	_ =	shalt  }
0x87: {  	_ =	shalt  }
.Lfunc_end0:
.L_simem_size_0:
called_computation.1_lowered:
.L_overlay_start_0:
0x88: {  	s2 =	sld [smem:$0x3FD9]  }
0x89: {  	s3 =	sld [smem:$0x3FFE];
	_ =	sdelay $0x1  }
0x8a: {  	s1 =	srdreg.scid  }
0x8b: {  	s0 =	sand.u32 $0x1, s1  }
0x8c: {  	s17 =	sshll.u32 s0, $0xA;
	s2 =	sadd.s32 s3, s2  }
0x8d: {  	s2 =	sadd.s32 s2, s17  }
0x8e: {  	[smem:$0x3FBB] =	sst s2  }
0x8f: {  	_ = 	snop  }
0x90: {  	s2 =	sld [smem:$0x3FC3]  }
0x91: {  	s18 =	sld [smem:$0x3FC2];
	(tm) =	ssettm $0x1  }
0x92: {  	s4 =	sld [smem:$0x3FFB];
	_ =	sdelay $0x3  }
0x93: {  	_ =	strace s4  }
0x94: {  	s4 =	sld [smem:$0x3FFC];
	_ =	sdelay $0x3  }
0x95: {  	_ =	strace s4  }
0x96: {  	s4 =	sld [smem:$0x3FFD];
	_ =	sdelay $0x3  }
0x97: {  	_ =	strace s4  }
0x98: {  	_ =	strace $0x8FFFFFFF  }
0x99: {  	s19 =	sld [smem:$0x3FDB];
	_ =	sdelay $0x1  }
0x9a: {  	s5 =	simm.s32 $_scs_section_size  }
0x9b: {  	s6 =	simm.s32 $_size__tile_overlayer_lowered;
	s7 =	simm.s32 $_tile_overlayer_lowered  }
0x9c: {  	s22 =	simm.s32 $0x1BFF;
	s21 =	sshll.u32 s7, $0x1;
	s4 =	sadd.s32 s5, s19  }
0x9d: {  	s8 =	simm.s32 $0x0;
	s20 =	sshll.u32 s6, $0x1;
	s6 =	sadd.s32 s21, s4  }
0x9e: {  	[timem:s8], [sflag:s22] =	dma.local [hbm:s6], s20  }
0x9f: {  	_ =	swait.ge [sflag:s22], s20  }
0xa0: {  	s5 =	ssub.s32 $0x0, s20;
	[sflag:s22] =	ssyncset.done $0x0  }
0xa1: {  	[sflag:s22] =	ssyncadd.s32 s5;
	_ =	sdelay $0x1  }
0xa2: {  	s23 =	simm.s32 $0x1B8B  }
0xa3: {  	_ =	swait.ge [sflag:s23], $0x1  }
0xa4: {  	[sflag:s23] =	ssyncset.done $0x0  }
0xa5: {  	s25 =	simm.s32 $0x1B8E;
	s24 =	sld [smem:$0x3FFE];
	[sflag:s23] =	ssyncadd.s32 $0xFFFFFFFF  }
0xa6: {  	s26 =	simm.s32 $execute0_lowered;
	[smem:$0x3FD2] =	sst s25  }
0xa7: {  	s6 =	sshll.u32 s26, $0x1;
	_ =	strace $0x80000049;
	[dreg:$0x1] =	wrdreg $0xFFFFFFFF  }
0xa8: {  	s28 =	simm.s32 $_size_execute0_lowered;
	s4 =	sadd.s32 s4, s6;
	[dreg:$0x0] =	wrdreg $0x0  }
0xa9: {  	s6 =	sshll.u32 s28, $0x1;
	[dreg:$0x2] =	wrdreg s4  }
0xaa: {  	[dreg:$0x3] =	wrdreg s6  }
0xab: {  	[dreg:$0x4] =	wrdreg $0xC0  }
0xac: {  	_ =	task [dreg:s8], $0x5FFFF  }
0xad: {  	[dreg:$0x1] =	wrdreg $0xFFFFFFFF  }
0xae: {  	[dreg:$0x0] =	wrdreg $0x60  }
0xaf: {  	[dreg:$0x2] =	wrdreg s24  }
0xb0: {  	[dreg:$0x3] =	wrdreg s2  }
0xb1: {  	[dreg:$0x4] =	wrdreg s18  }
0xb2: {  	[dreg:$0x5] =	wrdreg $0x9  }
0xb3: {  	_ =	task.clear_ibuf [dreg:s8], $0x6FFFF;
	_ =	strace $0x90000049  }
0xb4: {  	s29 =	simm.s32 $0x9;
	_ =	strace $0x8000004B  }
0xb5: {  	_ =	swait.ge [sflag:s29], $0x1  }
0xb6: {  	[sflag:s29] =	ssyncadd.s32 $0xFFFFFFFF  }
0xb7: {  	_ =	strace $0x9000004B  }
0xb8: {  	_ =	sfence  }
0xb9: {  	s30 =	sld [smem:$0x0];
	_ =	sdelay $0x2  }
0xba: {  	s31 =	sshll.u32 s1, $0xD;
	s1 =	sshrl.u32 s1, $0x2  }
0xbb: {  	s3 =	sand.u32 $0x4000, s31;
	s1 =	sadd.s32 s1, s30  }
0xbc: {  	s0 =	sor.u32 s3, s0;
	s1 =	sshll.u32 s1, $0x11  }
0xbd: {  	s0 =	sor.u32 s1, s0  }
0xbe: {  	s0 =	sadd.s32 $0x8F2B, s0  }
0xbf: {  	[sflag:s0] =	ssyncadd.remote.s32 $0x1  }
0xc0: {  	_ =	sfence.sel $0xFFFF  }
0xc1: {  	[dreg:$0x0] =	wrdreg $0xFFFFFFFF;
	(pc) =	sbr.abs _section_cstart, $3  }
0xc2: {  	[dreg:$0x1] =	wrdreg $0xFFFFFFFF  }
0xc3: {  	_ =	task.clear_ibuf [dreg:s8], $0x2FFFF;
	_ =	strace $0x9FFFFFFF  }
0xc4: {  	(tm) =	ssettm $0x7FFFFFFF  }
0xc5: {  	_ =	shalt  }
tec
execute0_lowered:
.L_overlay_start_1:
0x0: {  	(tag) =	ssettag $0x1  }
0x1: {  	s0 =	stileid.u32;
	s6 =	rddreg [dreg:$0x0]  }
0x2: {  	s1 =	srdreg.scid;
	s3 =	rddreg [dreg:$0x2]  }
0x3: {  	s4 =	simm.s32 $0x0;
	s12 =	simm.s32 $0x19080;
	s13 =	simm.s32 $0x19100  }
0x4: {  	s14 =	simm.s32 $0x80;
	s15 =	simm.s32 $0x19180;
	s16 =	simm.s32 $0x1  }
0x5: {  	s17 =	simm.s32 $0x0;
	s2 =	sshll.u32 s0, $0x1;
	s8 =	sshrl.u32 s0, $0x1  }
0x6: {  	s5 =	sand.u32 $0x1, s1;
	s30 =	sand.u32 $0x2, s2;
	s10 =	smul.u32 $0x19000, s8  }
0x7: {  	s1 =	rddreg [dreg:$0x3];
	s8 =	smul.u32 $0x3200, s8;
	s7 =	sor.u32 s5, s30  }
0x8: {  	[smem:$0x7FF] =	sst s4;
	s31 =	ssub.s32 $0x2, s5;
	s9 =	smul.u32 $0xC8000, s7  }
0x9: {  	s2 =	rddreg [dreg:$0x1];
	_ =	strace $0x8000004A;
	s11 =	sshrl.u32 s31, $0x1  }
0xa: {  	s5 =	sadd.s32 $0x70400, s6;
	s8 =	sadd.s32 s8, s6;
	s9 =	sadd.s32 s10, s9  }
0xb: {  	s10 =	ssub.s32 s31, s11;
	s11 =	simm.s32 $0x2;
	s9 =	sshrl.u32 s9, $0x3  }
0xc: {  	v0 =	vlaneseq.u32;
	s9 =	sadd.s32 s9, s6;
	s6 =	smul.u32 $0x3E80, s7;
	s7 =	sadd.s32 $0x2400, s8  }
0xd: {  	v1 =	vimm.f32 $0.0e+00;
	v2 =	vor.u32 $0x10, v0;
	s8 =	sadd.s32 $0x72400, s9;
	s9 =	smax.u32 s10, $0x1;
	s10 =	simm.s32 $0x19000  }
.LBB2_1:
0xe: {  	s19 =	simm.s32 $0x0;
	s18 =	simm.s32 $0x200  }
.LBB2_2:
0xf: {  	p0 =	sne.s32 s18, $0x63E00;
	[tilespmem:s19+$0x70] =	vst v1  }
0x10: {  	[tilespmem:s19+$0x0] =	vst v1  }
0x11: {  	[tilespmem:s19+$0x10] =	vst v1  }
.Ltmp0:
0x12: {  	[tilespmem:s19+$0x20] =	vst v1;
	(pc) =	sbr.rel @p0 .LBB2_2-.Ltmp0, $4  }
0x13: {  	[tilespmem:s19+$0x30] =	vst v1  }
0x14: {  	[tilespmem:s19+$0x40] =	vst v1  }
0x15: {  	[tilespmem:s19+$0x50] =	vst v1  }
0x16: {  	[tilespmem:s19+$0x60] =	vst v1;
	s19 =	sshra.s32 s18, $0x2;
	s18 =	sadd.s32 $0x200, s18  }
0x17: {  	[tilespmem:s19+$0x70] =	vst v1  }
0x18: {  	[tilespmem:s19+$0x0] =	vst v1  }
0x19: {  	[tilespmem:s19+$0x10] =	vst v1  }
0x1a: {  	[tilespmem:s19+$0x20] =	vst v1  }
0x1b: {  	[tilespmem:s19+$0x30] =	vst v1  }
0x1c: {  	[tilespmem:s19+$0x40] =	vst v1  }
0x1d: {  	[tilespmem:s19+$0x50] =	vst v1  }
0x1e: {  	s18 =	simm.s32 $0x0;
	[tilespmem:s19+$0x60] =	vst v1;
	s19 =	simm.s32 $0x0  }
.LBB2_4:
0x1f: {  	s20 =	sshll.u32 s19, $0x7  }
0x20: {  	s20 =	sadd.s32 s6, s20  }
0x21: {  	s20 =	sshrl.u32 s20, $0x3  }
0x22: {  	s21 =	sadd.s32 s2, s20  }
0x23: {  	[tilespmem:s10], [sflag:$0x2] =	stream.linear.gather [hbm4b:s21+s18], $0x80, $0x38;
	[tilespmem:$0x1A180] =	vst v63  }
0x24: {  	_ =	swait.ge [sflag:s11], $0x80  }
0x25: {  	[sflag:s11] =	ssyncset.done $0x0  }
0x26: {  	s30 =	sadd.s32 s5, s20;
	[sflag:s11] =	ssyncadd.s32 $0xFFFFFF80  }
0x27: {  	[tilespmem:s12], [sflag:$0x2] =	stream.linear.gather [hbm4b:s30+s18], $0x80, $0x38;
	[tilespmem:$0x1A180] =	vst v63  }
0x28: {  	_ =	swait.ge [sflag:s11], $0x80  }
0x29: {  	[sflag:s11] =	ssyncset.done $0x0  }
0x2a: {  	s20 =	sadd.s32 s3, s20;
	[sflag:s11] =	ssyncadd.s32 $0xFFFFFF80  }
0x2b: {  	[tilespmem:s13], [sflag:$0x2] =	stream.linear.gather [hbm4b:s20+s18], $0x80, $0x38;
	[tilespmem:$0x1A180] =	vst v63  }
0x2c: {  	_ =	swait.ge [sflag:s11], $0x80  }
0x2d: {  	[sflag:s11] =	ssyncset.done $0x0  }
0x2e: {  	[sflag:s11] =	ssyncadd.s32 $0xFFFFFF80  }
0x2f: {  	[tilespmem:s15], [sflag:$0x1] =	stream.indirect.gather [hbm4b:s7+s14], $0x20, s10, s14, $0xb8;
	[tilespmem:$0x1A180] =	vst v63  }
0x30: {  	_ =	swait.ge [sflag:s16], $0x1000  }
0x31: {  	[sflag:s16] =	ssyncset.done $0x0  }
0x32: {  	s31 =	simm.s32 $0x0;
	[sflag:s16] =	ssyncadd.s32 $0xFFFFF000  }
0x33: {  	v4 =	vld [tilespmem:s31+$0x19080];
	_ =	sdelay $0x2  }
0x34: {  	v3 =	vld [tilespmem:s31+$0x19100]  }
0x35: {  	s20 =	simm.s32 $0x19280  }
0x36: {  	v6 =	vld [tilespmem:s20+$0xFFFFFF00];
	v5 =	vbroadcast v4, $0x0;
	_ =	sdelay $0x1  }
0x37: {  	v7 =	vadd.s32 v0, v5  }
0x38: {  	v8 =	vbroadcast v3, $0x0;
	_ =	sdelay $0x1  }
0x39: {  	v6 =	vmul.f32 v6, v8;
	_ =	sdelay $0x1  }
0x3a: {  	[tilespmem:v7+s4+$0x0] =	vst.idx.add.f32.msk $0xffff, v6  }
0x3b: {  	v6 =	vld [tilespmem:s20+$0xFFFFFF10];
	_ =	sdelay $0x1  }
0x3c: {  	v5 =	vadd.s32 v2, v5;
	_ =	sdelay $0x2  }
0x3d: {  	v6 =	vmul.f32 v6, v8;
	_ =	sdelay $0x1  }
0x3e: {  	[tilespmem:v5+s4+$0x0] =	vst.idx.add.f32.msk $0xffff, v6  }
0x3f: {  	v5 =	vbroadcast v4, $0x1;
	v6 =	vld [tilespmem:s20+$0xFFFFFF20];
	_ =	sdelay $0x1  }
0x40: {  	v7 =	vadd.s32 v0, v5  }
0x41: {  	v50 =	vbroadcast v3, $0x1;
	_ =	sdelay $0x1  }
0x42: {  	v6 =	vmul.f32 v6, v50;
	_ =	sdelay $0x1  }
0x43: {  	[tilespmem:v7+s4+$0x0] =	vst.idx.add.f32.msk $0xffff, v6  }
0x44: {  	v6 =	vld [tilespmem:s20+$0xFFFFFF30];
	_ =	sdelay $0x1  }
0x45: {  	v5 =	vadd.s32 v2, v5;
	_ =	sdelay $0x2  }
0x46: {  	v6 =	vmul.f32 v6, v50;
	_ =	sdelay $0x1  }
0x47: {  	[tilespmem:v5+s4+$0x0] =	vst.idx.add.f32.msk $0xffff, v6  }
0x48: {  	v5 =	vbroadcast v4, $0x2;
	v6 =	vld [tilespmem:s20+$0xFFFFFF40];
	_ =	sdelay $0x1  }
0x49: {  	v7 =	vadd.s32 v0, v5  }
0x4a: {  	v51 =	vbroadcast v3, $0x2;
	_ =	sdelay $0x1  }
0x4b: {  	v6 =	vmul.f32 v6, v51;
	_ =	sdelay $0x1  }
0x4c: {  	[tilespmem:v7+s4+$0x0] =	vst.idx.add.f32.msk $0xffff, v6  }
0x4d: {  	v6 =	vld [tilespmem:s20+$0xFFFFFF50];
	_ =	sdelay $0x1  }
0x4e: {  	v5 =	vadd.s32 v2, v5;
	_ =	sdelay $0x2  }
0x4f: {  	v6 =	vmul.f32 v6, v51;
	_ =	sdelay $0x1  }
0x50: {  	[tilespmem:v5+s4+$0x0] =	vst.idx.add.f32.msk $0xffff, v6  }
0x51: {  	v5 =	vbroadcast v4, $0x3;
	v6 =	vld [tilespmem:s20+$0xFFFFFF60];
	_ =	sdelay $0x1  }
0x52: {  	v7 =	vadd.s32 v0, v5  }
0x53: {  	v52 =	vbroadcast v3, $0x3;
	_ =	sdelay $0x1  }
0x54: {  	v6 =	vmul.f32 v6, v52;
	_ =	sdelay $0x1  }
0x55: {  	[tilespmem:v7+s4+$0x0] =	vst.idx.add.f32.msk $0xffff, v6  }
0x56: {  	v6 =	vld [tilespmem:s20+$0xFFFFFF70];
	_ =	sdelay $0x1  }
0x57: {  	v5 =	vadd.s32 v2, v5;
	_ =	sdelay $0x2  }
0x58: {  	v6 =	vmul.f32 v6, v52;
	_ =	sdelay $0x1  }
0x59: {  	[tilespmem:v5+s4+$0x0] =	vst.idx.add.f32.msk $0xffff, v6  }
0x5a: {  	v5 =	vbroadcast v4, $0x4;
	v6 =	vld [tilespmem:s20+$0xFFFFFF80];
	_ =	sdelay $0x1  }
0x5b: {  	v7 =	vadd.s32 v0, v5  }
0x5c: {  	v53 =	vbroadcast v3, $0x4;
	_ =	sdelay $0x1  }
0x5d: {  	v6 =	vmul.f32 v6, v53;
	_ =	sdelay $0x1  }
0x5e: {  	[tilespmem:v7+s4+$0x0] =	vst.idx.add.f32.msk $0xffff, v6  }
0x5f: {  	v6 =	vld [tilespmem:s20+$0xFFFFFF90];
	_ =	sdelay $0x1  }
0x60: {  	v5 =	vadd.s32 v2, v5;
	_ =	sdelay $0x2  }
0x61: {  	v6 =	vmul.f32 v6, v53;
	_ =	sdelay $0x1  }
0x62: {  	[tilespmem:v5+s4+$0x0] =	vst.idx.add.f32.msk $0xffff, v6  }
0x63: {  	v5 =	vbroadcast v4, $0x5;
	v6 =	vld [tilespmem:s20+$0xFFFFFFA0];
	_ =	sdelay $0x1  }
0x64: {  	v7 =	vadd.s32 v0, v5  }
0x65: {  	v54 =	vbroadcast v3, $0x5;
	_ =	sdelay $0x1  }
0x66: {  	v6 =	vmul.f32 v6, v54;
	_ =	sdelay $0x1  }
0x67: {  	[tilespmem:v7+s4+$0x0] =	vst.idx.add.f32.msk $0xffff, v6  }
0x68: {  	v6 =	vld [tilespmem:s20+$0xFFFFFFB0];
	_ =	sdelay $0x1  }
0x69: {  	v5 =	vadd.s32 v2, v5;
	_ =	sdelay $0x2  }
0x6a: {  	v6 =	vmul.f32 v6, v54;
	_ =	sdelay $0x1  }
0x6b: {  	[tilespmem:v5+s4+$0x0] =	vst.idx.add.f32.msk $0xffff, v6  }
0x6c: {  	v5 =	vbroadcast v4, $0x6;
	v6 =	vld [tilespmem:s20+$0xFFFFFFC0];
	_ =	sdelay $0x1  }
0x6d: {  	v7 =	vadd.s32 v0, v5  }
0x6e: {  	v55 =	vbroadcast v3, $0x6;
	_ =	sdelay $0x1  }
0x6f: {  	v6 =	vmul.f32 v6, v55;
	_ =	sdelay $0x1  }
0x70: {  	[tilespmem:v7+s4+$0x0] =	vst.idx.add.f32.msk $0xffff, v6  }
0x71: {  	v6 =	vld [tilespmem:s20+$0xFFFFFFD0];
	_ =	sdelay $0x1  }
0x72: {  	v5 =	vadd.s32 v2, v5;
	_ =	sdelay $0x2  }
0x73: {  	v6 =	vmul.f32 v6, v55;
	_ =	sdelay $0x1  }
0x74: {  	[tilespmem:v5+s4+$0x0] =	vst.idx.add.f32.msk $0xffff, v6  }
0x75: {  	v5 =	vbroadcast v4, $0x7;
	v6 =	vld [tilespmem:s20+$0xFFFFFFE0];
	_ =	sdelay $0x1  }
0x76: {  	v7 =	vadd.s32 v0, v5  }
0x77: {  	v56 =	vbroadcast v3, $0x7;
	_ =	sdelay $0x1  }
0x78: {  	v6 =	vmul.f32 v6, v56;
	_ =	sdelay $0x1  }
0x79: {  	[tilespmem:v7+s4+$0x0] =	vst.idx.add.f32.msk $0xffff, v6  }
0x7a: {  	v6 =	vld [tilespmem:s20+$0xFFFFFFF0];
	_ =	sdelay $0x1  }
0x7b: {  	v5 =	vadd.s32 v2, v5;
	_ =	sdelay $0x2  }
0x7c: {  	v6 =	vmul.f32 v6, v56;
	_ =	sdelay $0x1  }
0x7d: {  	[tilespmem:v5+s4+$0x0] =	vst.idx.add.f32.msk $0xffff, v6  }
0x7e: {  	v5 =	vbroadcast v4, $0x8;
	v6 =	vld [tilespmem:s20+$0x0];
	_ =	sdelay $0x1  }
0x7f: {  	v7 =	vadd.s32 v0, v5  }
0x80: {  	v57 =	vbroadcast v3, $0x8;
	_ =	sdelay $0x1  }
0x81: {  	v6 =	vmul.f32 v6, v57;
	_ =	sdelay $0x1  }
0x82: {  	[tilespmem:v7+s4+$0x0] =	vst.idx.add.f32.msk $0xffff, v6  }
0x83: {  	v6 =	vld [tilespmem:s20+$0x10];
	_ =	sdelay $0x1  }
0x84: {  	v5 =	vadd.s32 v2, v5;
	_ =	sdelay $0x2  }
0x85: {  	v6 =	vmul.f32 v6, v57;
	_ =	sdelay $0x1  }
0x86: {  	[tilespmem:v5+s4+$0x0] =	vst.idx.add.f32.msk $0xffff, v6  }
0x87: {  	v5 =	vbroadcast v4, $0x9;
	v6 =	vld [tilespmem:s20+$0x20];
	_ =	sdelay $0x1  }
0x88: {  	v7 =	vadd.s32 v0, v5  }
0x89: {  	v58 =	vbroadcast v3, $0x9;
	_ =	sdelay $0x1  }
0x8a: {  	v6 =	vmul.f32 v6, v58;
	_ =	sdelay $0x1  }
0x8b: {  	[tilespmem:v7+s4+$0x0] =	vst.idx.add.f32.msk $0xffff, v6  }
0x8c: {  	v6 =	vld [tilespmem:s20+$0x30];
	_ =	sdelay $0x1  }
0x8d: {  	v5 =	vadd.s32 v2, v5;
	_ =	sdelay $0x2  }
0x8e: {  	v6 =	vmul.f32 v6, v58;
	_ =	sdelay $0x1  }
0x8f: {  	[tilespmem:v5+s4+$0x0] =	vst.idx.add.f32.msk $0xffff, v6  }
0x90: {  	v5 =	vbroadcast v4, $0xA;
	v6 =	vld [tilespmem:s20+$0x40];
	_ =	sdelay $0x1  }
0x91: {  	v7 =	vadd.s32 v0, v5  }
0x92: {  	v59 =	vbroadcast v3, $0xA;
	_ =	sdelay $0x1  }
0x93: {  	v6 =	vmul.f32 v6, v59;
	_ =	sdelay $0x1  }
0x94: {  	[tilespmem:v7+s4+$0x0] =	vst.idx.add.f32.msk $0xffff, v6  }
0x95: {  	v6 =	vld [tilespmem:s20+$0x50];
	_ =	sdelay $0x1  }
0x96: {  	v5 =	vadd.s32 v2, v5;
	_ =	sdelay $0x2  }
0x97: {  	v6 =	vmul.f32 v6, v59;
	_ =	sdelay $0x1  }
0x98: {  	[tilespmem:v5+s4+$0x0] =	vst.idx.add.f32.msk $0xffff, v6  }
0x99: {  	v5 =	vbroadcast v4, $0xB;
	v6 =	vld [tilespmem:s20+$0x60];
	_ =	sdelay $0x1  }
0x9a: {  	v7 =	vadd.s32 v0, v5  }
0x9b: {  	v60 =	vbroadcast v3, $0xB;
	_ =	sdelay $0x1  }
0x9c: {  	v6 =	vmul.f32 v6, v60;
	_ =	sdelay $0x1  }
0x9d: {  	[tilespmem:v7+s4+$0x0] =	vst.idx.add.f32.msk $0xffff, v6  }
0x9e: {  	v6 =	vld [tilespmem:s20+$0x70];
	_ =	sdelay $0x1  }
0x9f: {  	v5 =	vadd.s32 v2, v5;
	_ =	sdelay $0x2  }
0xa0: {  	v6 =	vmul.f32 v6, v60;
	_ =	sdelay $0x1  }
0xa1: {  	[tilespmem:v5+s4+$0x0] =	vst.idx.add.f32.msk $0xffff, v6  }
0xa2: {  	v5 =	vbroadcast v4, $0xC;
	v6 =	vld [tilespmem:s20+$0x80];
	_ =	sdelay $0x1  }
0xa3: {  	v7 =	vadd.s32 v0, v5  }
0xa4: {  	v61 =	vbroadcast v3, $0xC;
	_ =	sdelay $0x1  }
0xa5: {  	v6 =	vmul.f32 v6, v61;
	_ =	sdelay $0x1  }
0xa6: {  	[tilespmem:v7+s4+$0x0] =	vst.idx.add.f32.msk $0xffff, v6  }
0xa7: {  	v6 =	vld [tilespmem:s20+$0x90];
	_ =	sdelay $0x1  }
0xa8: {  	v5 =	vadd.s32 v2, v5;
	_ =	sdelay $0x2  }
0xa9: {  	v6 =	vmul.f32 v6, v61;
	_ =	sdelay $0x1  }
0xaa: {  	[tilespmem:v5+s4+$0x0] =	vst.idx.add.f32.msk $0xffff, v6  }
0xab: {  	v5 =	vbroadcast v4, $0xD;
	v6 =	vld [tilespmem:s20+$0xA0];
	_ =	sdelay $0x1  }
0xac: {  	v7 =	vadd.s32 v0, v5  }
0xad: {  	v62 =	vbroadcast v3, $0xD;
	_ =	sdelay $0x1  }
0xae: {  	v6 =	vmul.f32 v6, v62;
	_ =	sdelay $0x1  }
0xaf: {  	[tilespmem:v7+s4+$0x0] =	vst.idx.add.f32.msk $0xffff, v6  }
0xb0: {  	v6 =	vld [tilespmem:s20+$0xB0];
	_ =	sdelay $0x1  }
0xb1: {  	v5 =	vadd.s32 v2, v5;
	_ =	sdelay $0x2  }
0xb2: {  	v6 =	vmul.f32 v6, v62;
	_ =	sdelay $0x1  }
0xb3: {  	[tilespmem:v5+s4+$0x0] =	vst.idx.add.f32.msk $0xffff, v6  }
0xb4: {  	v5 =	vbroadcast v4, $0xE;
	v6 =	vld [tilespmem:s20+$0xC0];
	_ =	sdelay $0x1  }
0xb5: {  	v7 =	vadd.s32 v0, v5  }
0xb6: {  	v63 =	vbroadcast v3, $0xE;
	_ =	sdelay $0x1  }
0xb7: {  	v6 =	vmul.f32 v6, v63;
	_ =	sdelay $0x1  }
0xb8: {  	[tilespmem:v7+s4+$0x0] =	vst.idx.add.f32.msk $0xffff, v6  }
0xb9: {  	v6 =	vld [tilespmem:s20+$0xD0];
	_ =	sdelay $0x1  }
0xba: {  	v5 =	vadd.s32 v2, v5;
	_ =	sdelay $0x2  }
0xbb: {  	v6 =	vmul.f32 v6, v63;
	_ =	sdelay $0x1  }
0xbc: {  	[tilespmem:v5+s4+$0x0] =	vst.idx.add.f32.msk $0xffff, v6  }
0xbd: {  	v4 =	vbroadcast v4, $0xF;
	v5 =	vld [tilespmem:s20+$0xE0];
	_ =	sdelay $0x1  }
0xbe: {  	v6 =	vadd.s32 v0, v4  }
0xbf: {  	v7 =	vbroadcast v3, $0xF;
	_ =	sdelay $0x1  }
0xc0: {  	v3 =	vmul.f32 v5, v7;
	_ =	sdelay $0x1  }
0xc1: {  	[tilespmem:v6+s4+$0x0] =	vst.idx.add.f32.msk $0xffff, v3  }
0xc2: {  	v5 =	vld [tilespmem:s20+$0xF0];
	_ =	sdelay $0x1  }
0xc3: {  	v3 =	vadd.s32 v2, v4;
	_ =	sdelay $0x2  }
0xc4: {  	s23 =	simm.s32 $0x80;
	s21 =	simm.s32 $0x40;
	v4 =	vmul.f32 v5, v7  }
.LBB2_5:
0xc5: {  	s24 =	sshra.s32 s21, $0x2  }
0xc6: {  	s20 =	sadd.s32 $0x200, s20;
	s21 =	smov.u32 s23;
	s22 =	sadd.s32 $0x40, s23;
	[tilespmem:v3+s4+$0x0] =	vst.idx.add.f32.msk $0xffff, v4  }
0xc7: {  	p0 =	sne.s32 s23, $0x1C0;
	v4 =	vld [tilespmem:s24+$0x19080];
	_ =	sdelay $0x2  }
0xc8: {  	v3 =	vld [tilespmem:s24+$0x19100];
	_ =	sdelay $0x1  }
0xc9: {  	v15 =	vbroadcast v4, $0x0;
	v5 =	vld [tilespmem:s20+$0xFFFFFF00];
	v16 =	vbroadcast v4, $0x1  }
0xca: {  	v17 =	vbroadcast v4, $0x2;
	v18 =	vbroadcast v4, $0x3  }
0xcb: {  	v19 =	vbroadcast v4, $0x4;
	v14 =	vbroadcast v4, $0x5;
	v6 =	vadd.s32 v0, v15  }
0xcc: {  	v13 =	vbroadcast v4, $0x6;
	v20 =	vbroadcast v3, $0x0  }
0xcd: {  	v12 =	vbroadcast v4, $0x7;
	v11 =	vbroadcast v4, $0x8  }
0xce: {  	v10 =	vbroadcast v4, $0x9;
	v5 =	vmul.f32 v5, v20  }
0xcf: {  	v9 =	vbroadcast v4, $0xA;
	v8 =	vbroadcast v4, $0xB  }
0xd0: {  	v7 =	vbroadcast v4, $0xC;
	[tilespmem:v6+s4+$0x0] =	vst.idx.add.f32.msk $0xffff, v5;
	v6 =	vbroadcast v4, $0xD  }
0xd1: {  	v5 =	vbroadcast v4, $0xE;
	v4 =	vbroadcast v4, $0xF;
	v21 =	vld [tilespmem:s20+$0xFFFFFF10];
	_ =	sdelay $0x1  }
0xd2: {  	v15 =	vadd.s32 v2, v15;
	_ =	sdelay $0x2  }
0xd3: {  	v20 =	vmul.f32 v21, v20;
	_ =	sdelay $0x1  }
0xd4: {  	[tilespmem:v15+s4+$0x0] =	vst.idx.add.f32.msk $0xffff, v20  }
0xd5: {  	v15 =	vld [tilespmem:s20+$0xFFFFFF20];
	_ =	sdelay $0x1  }
0xd6: {  	v20 =	vadd.s32 v0, v16  }
0xd7: {  	v21 =	vbroadcast v3, $0x1;
	_ =	sdelay $0x1  }
0xd8: {  	v15 =	vmul.f32 v15, v21;
	_ =	sdelay $0x1  }
0xd9: {  	[tilespmem:v20+s4+$0x0] =	vst.idx.add.f32.msk $0xffff, v15  }
0xda: {  	v15 =	vld [tilespmem:s20+$0xFFFFFF30];
	_ =	sdelay $0x1  }
0xdb: {  	v16 =	vadd.s32 v2, v16;
	_ =	sdelay $0x2  }
0xdc: {  	v15 =	vmul.f32 v15, v21;
	_ =	sdelay $0x1  }
0xdd: {  	[tilespmem:v16+s4+$0x0] =	vst.idx.add.f32.msk $0xffff, v15  }
0xde: {  	v15 =	vld [tilespmem:s20+$0xFFFFFF40];
	_ =	sdelay $0x1  }
0xdf: {  	v16 =	vadd.s32 v0, v17  }
0xe0: {  	v20 =	vbroadcast v3, $0x2;
	_ =	sdelay $0x1  }
0xe1: {  	v15 =	vmul.f32 v15, v20;
	_ =	sdelay $0x1  }
0xe2: {  	[tilespmem:v16+s4+$0x0] =	vst.idx.add.f32.msk $0xffff, v15  }
0xe3: {  	v15 =	vld [tilespmem:s20+$0xFFFFFF50];
	_ =	sdelay $0x1  }
0xe4: {  	v16 =	vadd.s32 v2, v17;
	_ =	sdelay $0x2  }
0xe5: {  	v15 =	vmul.f32 v15, v20;
	_ =	sdelay $0x1  }
0xe6: {  	[tilespmem:v16+s4+$0x0] =	vst.idx.add.f32.msk $0xffff, v15  }
0xe7: {  	v15 =	vld [tilespmem:s20+$0xFFFFFF60];
	_ =	sdelay $0x1  }
0xe8: {  	v16 =	vadd.s32 v0, v18  }
0xe9: {  	v17 =	vbroadcast v3, $0x3;
	_ =	sdelay $0x1  }
0xea: {  	v15 =	vmul.f32 v15, v17;
	_ =	sdelay $0x1  }
0xeb: {  	[tilespmem:v16+s4+$0x0] =	vst.idx.add.f32.msk $0xffff, v15  }
0xec: {  	v15 =	vld [tilespmem:s20+$0xFFFFFF70];
	_ =	sdelay $0x1  }
0xed: {  	v16 =	vadd.s32 v2, v18;
	_ =	sdelay $0x2  }
0xee: {  	v15 =	vmul.f32 v15, v17;
	_ =	sdelay $0x1  }
0xef: {  	[tilespmem:v16+s4+$0x0] =	vst.idx.add.f32.msk $0xffff, v15  }
0xf0: {  	v15 =	vld [tilespmem:s20+$0xFFFFFF80];
	_ =	sdelay $0x1  }
0xf1: {  	v16 =	vadd.s32 v0, v19  }
0xf2: {  	v17 =	vbroadcast v3, $0x4;
	_ =	sdelay $0x1  }
0xf3: {  	v15 =	vmul.f32 v15, v17;
	_ =	sdelay $0x1  }
0xf4: {  	[tilespmem:v16+s4+$0x0] =	vst.idx.add.f32.msk $0xffff, v15  }
0xf5: {  	v15 =	vld [tilespmem:s20+$0xFFFFFF90];
	_ =	sdelay $0x1  }
0xf6: {  	v16 =	vadd.s32 v2, v19;
	_ =	sdelay $0x2  }
0xf7: {  	v15 =	vmul.f32 v15, v17;
	_ =	sdelay $0x1  }
0xf8: {  	[tilespmem:v16+s4+$0x0] =	vst.idx.add.f32.msk $0xffff, v15  }
0xf9: {  	v15 =	vld [tilespmem:s20+$0xFFFFFFA0];
	_ =	sdelay $0x1  }
0xfa: {  	v16 =	vadd.s32 v0, v14  }
0xfb: {  	v17 =	vbroadcast v3, $0x5;
	_ =	sdelay $0x1  }
0xfc: {  	v15 =	vmul.f32 v15, v17;
	_ =	sdelay $0x1  }
0xfd: {  	[tilespmem:v16+s4+$0x0] =	vst.idx.add.f32.msk $0xffff, v15  }
0xfe: {  	v15 =	vld [tilespmem:s20+$0xFFFFFFB0];
	_ =	sdelay $0x1  }
0xff: {  	v14 =	vadd.s32 v2, v14;
	_ =	sdelay $0x2  }
0x100: {  	v15 =	vmul.f32 v15, v17;
	_ =	sdelay $0x1  }
0x101: {  	[tilespmem:v14+s4+$0x0] =	vst.idx.add.f32.msk $0xffff, v15  }
0x102: {  	v14 =	vld [tilespmem:s20+$0xFFFFFFC0];
	_ =	sdelay $0x1  }
0x103: {  	v15 =	vadd.s32 v0, v13  }
0x104: {  	v16 =	vbroadcast v3, $0x6;
	_ =	sdelay $0x1  }
0x105: {  	v14 =	vmul.f32 v14, v16;
	_ =	sdelay $0x1  }
0x106: {  	[tilespmem:v15+s4+$0x0] =	vst.idx.add.f32.msk $0xffff, v14  }
0x107: {  	v14 =	vld [tilespmem:s20+$0xFFFFFFD0];
	_ =	sdelay $0x1  }
0x108: {  	v13 =	vadd.s32 v2, v13;
	_ =	sdelay $0x2  }
0x109: {  	v14 =	vmul.f32 v14, v16;
	_ =	sdelay $0x1  }
0x10a: {  	[tilespmem:v13+s4+$0x0] =	vst.idx.add.f32.msk $0xffff, v14  }
0x10b: {  	v13 =	vld [tilespmem:s20+$0xFFFFFFE0];
	_ =	sdelay $0x1  }
0x10c: {  	v14 =	vadd.s32 v0, v12  }
0x10d: {  	v15 =	vbroadcast v3, $0x7;
	_ =	sdelay $0x1  }
0x10e: {  	v13 =	vmul.f32 v13, v15;
	_ =	sdelay $0x1  }
0x10f: {  	[tilespmem:v14+s4+$0x0] =	vst.idx.add.f32.msk $0xffff, v13  }
0x110: {  	v13 =	vld [tilespmem:s20+$0xFFFFFFF0];
	_ =	sdelay $0x1  }
0x111: {  	v12 =	vadd.s32 v2, v12;
	_ =	sdelay $0x2  }
0x112: {  	v13 =	vmul.f32 v13, v15;
	_ =	sdelay $0x1  }
0x113: {  	[tilespmem:v12+s4+$0x0] =	vst.idx.add.f32.msk $0xffff, v13  }
0x114: {  	v12 =	vld [tilespmem:s20+$0x0];
	_ =	sdelay $0x1  }
0x115: {  	v13 =	vadd.s32 v0, v11  }
0x116: {  	v14 =	vbroadcast v3, $0x8;
	_ =	sdelay $0x1  }
0x117: {  	v12 =	vmul.f32 v12, v14;
	_ =	sdelay $0x1  }
0x118: {  	[tilespmem:v13+s4+$0x0] =	vst.idx.add.f32.msk $0xffff, v12  }
0x119: {  	v12 =	vld [tilespmem:s20+$0x10];
	_ =	sdelay $0x1  }
0x11a: {  	v11 =	vadd.s32 v2, v11;
	_ =	sdelay $0x2  }
0x11b: {  	v12 =	vmul.f32 v12, v14;
	_ =	sdelay $0x1  }
0x11c: {  	[tilespmem:v11+s4+$0x0] =	vst.idx.add.f32.msk $0xffff, v12  }
0x11d: {  	v11 =	vld [tilespmem:s20+$0x20];
	_ =	sdelay $0x1  }
0x11e: {  	v12 =	vadd.s32 v0, v10  }
0x11f: {  	v13 =	vbroadcast v3, $0x9;
	_ =	sdelay $0x1  }
0x120: {  	v11 =	vmul.f32 v11, v13;
	_ =	sdelay $0x1  }
0x121: {  	[tilespmem:v12+s4+$0x0] =	vst.idx.add.f32.msk $0xffff, v11  }
0x122: {  	v11 =	vld [tilespmem:s20+$0x30];
	_ =	sdelay $0x1  }
0x123: {  	v10 =	vadd.s32 v2, v10;
	_ =	sdelay $0x2  }
0x124: {  	v11 =	vmul.f32 v11, v13;
	_ =	sdelay $0x1  }
0x125: {  	[tilespmem:v10+s4+$0x0] =	vst.idx.add.f32.msk $0xffff, v11  }
0x126: {  	v10 =	vld [tilespmem:s20+$0x40];
	_ =	sdelay $0x1  }
0x127: {  	v11 =	vadd.s32 v0, v9  }
0x128: {  	v12 =	vbroadcast v3, $0xA;
	_ =	sdelay $0x1  }
0x129: {  	v10 =	vmul.f32 v10, v12;
	_ =	sdelay $0x1  }
0x12a: {  	[tilespmem:v11+s4+$0x0] =	vst.idx.add.f32.msk $0xffff, v10  }
0x12b: {  	v10 =	vld [tilespmem:s20+$0x50];
	_ =	sdelay $0x1  }
0x12c: {  	v9 =	vadd.s32 v2, v9;
	_ =	sdelay $0x2  }
0x12d: {  	v10 =	vmul.f32 v10, v12;
	_ =	sdelay $0x1  }
0x12e: {  	[tilespmem:v9+s4+$0x0] =	vst.idx.add.f32.msk $0xffff, v10  }
0x12f: {  	v9 =	vld [tilespmem:s20+$0x60];
	_ =	sdelay $0x1  }
0x130: {  	v10 =	vadd.s32 v0, v8  }
0x131: {  	v11 =	vbroadcast v3, $0xB;
	_ =	sdelay $0x1  }
0x132: {  	v9 =	vmul.f32 v9, v11;
	_ =	sdelay $0x1  }
0x133: {  	[tilespmem:v10+s4+$0x0] =	vst.idx.add.f32.msk $0xffff, v9  }
0x134: {  	v9 =	vld [tilespmem:s20+$0x70];
	_ =	sdelay $0x1  }
0x135: {  	v8 =	vadd.s32 v2, v8;
	_ =	sdelay $0x2  }
0x136: {  	v9 =	vmul.f32 v9, v11;
	_ =	sdelay $0x1  }
0x137: {  	[tilespmem:v8+s4+$0x0] =	vst.idx.add.f32.msk $0xffff, v9  }
0x138: {  	v8 =	vld [tilespmem:s20+$0x80];
	_ =	sdelay $0x1  }
0x139: {  	v9 =	vadd.s32 v0, v7  }
0x13a: {  	v10 =	vbroadcast v3, $0xC;
	_ =	sdelay $0x1  }
0x13b: {  	v8 =	vmul.f32 v8, v10;
	_ =	sdelay $0x1  }
0x13c: {  	[tilespmem:v9+s4+$0x0] =	vst.idx.add.f32.msk $0xffff, v8  }
0x13d: {  	v8 =	vld [tilespmem:s20+$0x90];
	_ =	sdelay $0x1  }
0x13e: {  	v7 =	vadd.s32 v2, v7;
	_ =	sdelay $0x2  }
0x13f: {  	v8 =	vmul.f32 v8, v10;
	_ =	sdelay $0x1  }
0x140: {  	[tilespmem:v7+s4+$0x0] =	vst.idx.add.f32.msk $0xffff, v8  }
0x141: {  	v7 =	vld [tilespmem:s20+$0xA0];
	_ =	sdelay $0x1  }
0x142: {  	v8 =	vadd.s32 v0, v6  }
0x143: {  	v9 =	vbroadcast v3, $0xD;
	_ =	sdelay $0x1  }
0x144: {  	v7 =	vmul.f32 v7, v9;
	_ =	sdelay $0x1  }
0x145: {  	[tilespmem:v8+s4+$0x0] =	vst.idx.add.f32.msk $0xffff, v7  }
0x146: {  	v7 =	vld [tilespmem:s20+$0xB0];
	_ =	sdelay $0x1  }
0x147: {  	v6 =	vadd.s32 v2, v6;
	_ =	sdelay $0x2  }
0x148: {  	v7 =	vmul.f32 v7, v9;
	_ =	sdelay $0x1  }
0x149: {  	[tilespmem:v6+s4+$0x0] =	vst.idx.add.f32.msk $0xffff, v7  }
0x14a: {  	v6 =	vld [tilespmem:s20+$0xC0];
	_ =	sdelay $0x1  }
0x14b: {  	v7 =	vadd.s32 v0, v5  }
0x14c: {  	v8 =	vbroadcast v3, $0xE;
	_ =	sdelay $0x1  }
0x14d: {  	v6 =	vmul.f32 v6, v8;
	_ =	sdelay $0x1  }
0x14e: {  	[tilespmem:v7+s4+$0x0] =	vst.idx.add.f32.msk $0xffff, v6  }
0x14f: {  	v6 =	vld [tilespmem:s20+$0xD0];
	_ =	sdelay $0x1  }
0x150: {  	v5 =	vadd.s32 v2, v5;
	_ =	sdelay $0x2  }
0x151: {  	v6 =	vmul.f32 v6, v8;
	_ =	sdelay $0x1  }
0x152: {  	[tilespmem:v5+s4+$0x0] =	vst.idx.add.f32.msk $0xffff, v6  }
0x153: {  	v5 =	vld [tilespmem:s20+$0xE0];
	_ =	sdelay $0x1  }
0x154: {  	v6 =	vadd.s32 v0, v4  }
0x155: {  	v7 =	vbroadcast v3, $0xF;
	_ =	sdelay $0x1  }
0x156: {  	v3 =	vmul.f32 v5, v7;
	_ =	sdelay $0x1  }
0x157: {  	[tilespmem:v6+s4+$0x0] =	vst.idx.add.f32.msk $0xffff, v3  }
0x158: {  	v5 =	vld [tilespmem:s20+$0xF0]  }
.Ltmp1:
0x159: {  	(pc) =	sbr.rel @p0 .LBB2_5-.Ltmp1, $2  }
0x15a: {  	v3 =	vadd.s32 v2, v4;
	_ =	sdelay $0x2  }
0x15b: {  	s23 =	smov.u32 s22;
	v4 =	vmul.f32 v5, v7  }
0x15c: {  	_ =	sdelay $0x3  }
0x15d: {  	s21 =	sshra.s32 s21, $0x2;
	[tilespmem:v3+s4+$0x0] =	vst.idx.add.f32.msk $0xffff, v4  }
0x15e: {  	v4 =	vld [tilespmem:s21+$0x19080];
	_ =	sdelay $0x2  }
0x15f: {  	v3 =	vld [tilespmem:s21+$0x19100]  }
0x160: {  	s20 =	sadd.s32 $0x200, s20  }
0x161: {  	v6 =	vld [tilespmem:s20+$0xFFFFFF00];
	v5 =	vbroadcast v4, $0x0;
	_ =	sdelay $0x1  }
0x162: {  	v7 =	vadd.s32 v0, v5  }
0x163: {  	v8 =	vbroadcast v3, $0x0;
	_ =	sdelay $0x1  }
0x164: {  	v6 =	vmul.f32 v6, v8;
	_ =	sdelay $0x1  }
0x165: {  	[tilespmem:v7+s4+$0x0] =	vst.idx.add.f32.msk $0xffff, v6  }
0x166: {  	v6 =	vld [tilespmem:s20+$0xFFFFFF10];
	_ =	sdelay $0x1  }
0x167: {  	v5 =	vadd.s32 v2, v5;
	_ =	sdelay $0x2  }
0x168: {  	v6 =	vmul.f32 v6, v8;
	_ =	sdelay $0x1  }
0x169: {  	[tilespmem:v5+s4+$0x0] =	vst.idx.add.f32.msk $0xffff, v6  }
0x16a: {  	v21 =	vbroadcast v4, $0x1;
	v6 =	vld [tilespmem:s20+$0xFFFFFF20];
	_ =	sdelay $0x1  }
0x16b: {  	v22 =	vadd.s32 v0, v21  }
0x16c: {  	v23 =	vbroadcast v3, $0x1;
	_ =	sdelay $0x1  }
0x16d: {  	v6 =	vmul.f32 v6, v23;
	_ =	sdelay $0x1  }
0x16e: {  	[tilespmem:v22+s4+$0x0] =	vst.idx.add.f32.msk $0xffff, v6  }
0x16f: {  	v6 =	vld [tilespmem:s20+$0xFFFFFF30];
	_ =	sdelay $0x1  }
0x170: {  	v5 =	vadd.s32 v2, v21;
	_ =	sdelay $0x2  }
0x171: {  	v6 =	vmul.f32 v6, v23;
	_ =	sdelay $0x1  }
0x172: {  	[tilespmem:v5+s4+$0x0] =	vst.idx.add.f32.msk $0xffff, v6  }
0x173: {  	v24 =	vbroadcast v4, $0x2;
	v6 =	vld [tilespmem:s20+$0xFFFFFF40];
	_ =	sdelay $0x1  }
0x174: {  	v25 =	vadd.s32 v0, v24  }
0x175: {  	v26 =	vbroadcast v3, $0x2;
	_ =	sdelay $0x1  }
0x176: {  	v6 =	vmul.f32 v6, v26;
	_ =	sdelay $0x1  }
0x177: {  	[tilespmem:v25+s4+$0x0] =	vst.idx.add.f32.msk $0xffff, v6  }
0x178: {  	v6 =	vld [tilespmem:s20+$0xFFFFFF50];
	_ =	sdelay $0x1  }
0x179: {  	v5 =	vadd.s32 v2, v24;
	_ =	sdelay $0x2  }
0x17a: {  	v6 =	vmul.f32 v6, v26;
	_ =	sdelay $0x1  }
0x17b: {  	[tilespmem:v5+s4+$0x0] =	vst.idx.add.f32.msk $0xffff, v6  }
0x17c: {  	v27 =	vbroadcast v4, $0x3;
	v6 =	vld [tilespmem:s20+$0xFFFFFF60];
	_ =	sdelay $0x1  }
0x17d: {  	v28 =	vadd.s32 v0, v27  }
0x17e: {  	v29 =	vbroadcast v3, $0x3;
	_ =	sdelay $0x1  }
0x17f: {  	v6 =	vmul.f32 v6, v29;
	_ =	sdelay $0x1  }
0x180: {  	[tilespmem:v28+s4+$0x0] =	vst.idx.add.f32.msk $0xffff, v6  }
0x181: {  	v6 =	vld [tilespmem:s20+$0xFFFFFF70];
	_ =	sdelay $0x1  }
0x182: {  	v5 =	vadd.s32 v2, v27;
	_ =	sdelay $0x2  }
0x183: {  	v6 =	vmul.f32 v6, v29;
	_ =	sdelay $0x1  }
0x184: {  	[tilespmem:v5+s4+$0x0] =	vst.idx.add.f32.msk $0xffff, v6  }
0x185: {  	v30 =	vbroadcast v4, $0x4;
	v6 =	vld [tilespmem:s20+$0xFFFFFF80];
	_ =	sdelay $0x1  }
0x186: {  	v31 =	vadd.s32 v0, v30  }
0x187: {  	v32 =	vbroadcast v3, $0x4;
	_ =	sdelay $0x1  }
0x188: {  	v6 =	vmul.f32 v6, v32;
	_ =	sdelay $0x1  }
0x189: {  	[tilespmem:v31+s4+$0x0] =	vst.idx.add.f32.msk $0xffff, v6  }
0x18a: {  	v6 =	vld [tilespmem:s20+$0xFFFFFF90];
	_ =	sdelay $0x1  }
0x18b: {  	v5 =	vadd.s32 v2, v30;
	_ =	sdelay $0x2  }
0x18c: {  	v6 =	vmul.f32 v6, v32;
	_ =	sdelay $0x1  }
0x18d: {  	[tilespmem:v5+s4+$0x0] =	vst.idx.add.f32.msk $0xffff, v6  }
0x18e: {  	v33 =	vbroadcast v4, $0x5;
	v6 =	vld [tilespmem:s20+$0xFFFFFFA0];
	_ =	sdelay $0x1  }
0x18f: {  	v34 =	vadd.s32 v0, v33  }
0x190: {  	v35 =	vbroadcast v3, $0x5;
	_ =	sdelay $0x1  }
0x191: {  	v6 =	vmul.f32 v6, v35;
	_ =	sdelay $0x1  }
0x192: {  	[tilespmem:v34+s4+$0x0] =	vst.idx.add.f32.msk $0xffff, v6  }
0x193: {  	v6 =	vld [tilespmem:s20+$0xFFFFFFB0];
	_ =	sdelay $0x1  }
0x194: {  	v5 =	vadd.s32 v2, v33;
	_ =	sdelay $0x2  }
0x195: {  	v6 =	vmul.f32 v6, v35;
	_ =	sdelay $0x1  }
0x196: {  	[tilespmem:v5+s4+$0x0] =	vst.idx.add.f32.msk $0xffff, v6  }
0x197: {  	v36 =	vbroadcast v4, $0x6;
	v6 =	vld [tilespmem:s20+$0xFFFFFFC0];
	_ =	sdelay $0x1  }
0x198: {  	v37 =	vadd.s32 v0, v36  }
0x199: {  	v38 =	vbroadcast v3, $0x6;
	_ =	sdelay $0x1  }
0x19a: {  	v6 =	vmul.f32 v6, v38;
	_ =	sdelay $0x1  }
0x19b: {  	[tilespmem:v37+s4+$0x0] =	vst.idx.add.f32.msk $0xffff, v6  }
0x19c: {  	v6 =	vld [tilespmem:s20+$0xFFFFFFD0];
	_ =	sdelay $0x1  }
0x19d: {  	v5 =	vadd.s32 v2, v36;
	_ =	sdelay $0x2  }
0x19e: {  	v6 =	vmul.f32 v6, v38;
	_ =	sdelay $0x1  }
0x19f: {  	[tilespmem:v5+s4+$0x0] =	vst.idx.add.f32.msk $0xffff, v6  }
0x1a0: {  	v39 =	vbroadcast v4, $0x7;
	v6 =	vld [tilespmem:s20+$0xFFFFFFE0];
	_ =	sdelay $0x1  }
0x1a1: {  	v40 =	vadd.s32 v0, v39  }
0x1a2: {  	v41 =	vbroadcast v3, $0x7;
	_ =	sdelay $0x1  }
0x1a3: {  	v6 =	vmul.f32 v6, v41;
	_ =	sdelay $0x1  }
0x1a4: {  	[tilespmem:v40+s4+$0x0] =	vst.idx.add.f32.msk $0xffff, v6  }
0x1a5: {  	v6 =	vld [tilespmem:s20+$0xFFFFFFF0];
	_ =	sdelay $0x1  }
0x1a6: {  	v5 =	vadd.s32 v2, v39;
	_ =	sdelay $0x2  }
0x1a7: {  	v6 =	vmul.f32 v6, v41;
	_ =	sdelay $0x1  }
0x1a8: {  	[tilespmem:v5+s4+$0x0] =	vst.idx.add.f32.msk $0xffff, v6  }
0x1a9: {  	v42 =	vbroadcast v4, $0x8;
	v6 =	vld [tilespmem:s20+$0x0];
	_ =	sdelay $0x1  }
0x1aa: {  	v43 =	vadd.s32 v0, v42  }
0x1ab: {  	v44 =	vbroadcast v3, $0x8;
	_ =	sdelay $0x1  }
0x1ac: {  	v6 =	vmul.f32 v6, v44;
	_ =	sdelay $0x1  }
0x1ad: {  	[tilespmem:v43+s4+$0x0] =	vst.idx.add.f32.msk $0xffff, v6  }
0x1ae: {  	v6 =	vld [tilespmem:s20+$0x10];
	_ =	sdelay $0x1  }
0x1af: {  	v5 =	vadd.s32 v2, v42;
	_ =	sdelay $0x2  }
0x1b0: {  	v6 =	vmul.f32 v6, v44;
	_ =	sdelay $0x1  }
0x1b1: {  	[tilespmem:v5+s4+$0x0] =	vst.idx.add.f32.msk $0xffff, v6  }
0x1b2: {  	v45 =	vbroadcast v4, $0x9;
	v6 =	vld [tilespmem:s20+$0x20];
	_ =	sdelay $0x1  }
0x1b3: {  	v46 =	vadd.s32 v0, v45  }
0x1b4: {  	v47 =	vbroadcast v3, $0x9;
	_ =	sdelay $0x1  }
0x1b5: {  	v6 =	vmul.f32 v6, v47;
	_ =	sdelay $0x1  }
0x1b6: {  	[tilespmem:v46+s4+$0x0] =	vst.idx.add.f32.msk $0xffff, v6  }
0x1b7: {  	v6 =	vld [tilespmem:s20+$0x30];
	_ =	sdelay $0x1  }
0x1b8: {  	v5 =	vadd.s32 v2, v45;
	_ =	sdelay $0x2  }
0x1b9: {  	v6 =	vmul.f32 v6, v47;
	_ =	sdelay $0x1  }
0x1ba: {  	[tilespmem:v5+s4+$0x0] =	vst.idx.add.f32.msk $0xffff, v6  }
0x1bb: {  	v48 =	vbroadcast v4, $0xA;
	v6 =	vld [tilespmem:s20+$0x40];
	_ =	sdelay $0x1  }
0x1bc: {  	v49 =	vadd.s32 v0, v48  }
0x1bd: {  	v50 =	vbroadcast v3, $0xA;
	_ =	sdelay $0x1  }
0x1be: {  	v6 =	vmul.f32 v6, v50;
	_ =	sdelay $0x1  }
0x1bf: {  	[tilespmem:v49+s4+$0x0] =	vst.idx.add.f32.msk $0xffff, v6  }
0x1c0: {  	v6 =	vld [tilespmem:s20+$0x50];
	_ =	sdelay $0x1  }
0x1c1: {  	v5 =	vadd.s32 v2, v48;
	_ =	sdelay $0x2  }
0x1c2: {  	v6 =	vmul.f32 v6, v50;
	_ =	sdelay $0x1  }
0x1c3: {  	[tilespmem:v5+s4+$0x0] =	vst.idx.add.f32.msk $0xffff, v6  }
0x1c4: {  	v51 =	vbroadcast v4, $0xB;
	v6 =	vld [tilespmem:s20+$0x60];
	_ =	sdelay $0x1  }
0x1c5: {  	v52 =	vadd.s32 v0, v51  }
0x1c6: {  	v53 =	vbroadcast v3, $0xB;
	_ =	sdelay $0x1  }
0x1c7: {  	v6 =	vmul.f32 v6, v53;
	_ =	sdelay $0x1  }
0x1c8: {  	[tilespmem:v52+s4+$0x0] =	vst.idx.add.f32.msk $0xffff, v6  }
0x1c9: {  	v6 =	vld [tilespmem:s20+$0x70];
	_ =	sdelay $0x1  }
0x1ca: {  	v5 =	vadd.s32 v2, v51;
	_ =	sdelay $0x2  }
0x1cb: {  	v6 =	vmul.f32 v6, v53;
	_ =	sdelay $0x1  }
0x1cc: {  	[tilespmem:v5+s4+$0x0] =	vst.idx.add.f32.msk $0xffff, v6  }
0x1cd: {  	v54 =	vbroadcast v4, $0xC;
	v6 =	vld [tilespmem:s20+$0x80];
	_ =	sdelay $0x1  }
0x1ce: {  	v55 =	vadd.s32 v0, v54  }
0x1cf: {  	v56 =	vbroadcast v3, $0xC;
	_ =	sdelay $0x1  }
0x1d0: {  	v6 =	vmul.f32 v6, v56;
	_ =	sdelay $0x1  }
0x1d1: {  	[tilespmem:v55+s4+$0x0] =	vst.idx.add.f32.msk $0xffff, v6  }
0x1d2: {  	v6 =	vld [tilespmem:s20+$0x90];
	_ =	sdelay $0x1  }
0x1d3: {  	v5 =	vadd.s32 v2, v54;
	_ =	sdelay $0x2  }
0x1d4: {  	v6 =	vmul.f32 v6, v56;
	_ =	sdelay $0x1  }
0x1d5: {  	[tilespmem:v5+s4+$0x0] =	vst.idx.add.f32.msk $0xffff, v6  }
0x1d6: {  	v57 =	vbroadcast v4, $0xD;
	v6 =	vld [tilespmem:s20+$0xA0];
	_ =	sdelay $0x1  }
0x1d7: {  	v58 =	vadd.s32 v0, v57  }
0x1d8: {  	v59 =	vbroadcast v3, $0xD;
	_ =	sdelay $0x1  }
0x1d9: {  	v6 =	vmul.f32 v6, v59;
	_ =	sdelay $0x1  }
0x1da: {  	[tilespmem:v58+s4+$0x0] =	vst.idx.add.f32.msk $0xffff, v6  }
0x1db: {  	v6 =	vld [tilespmem:s20+$0xB0];
	_ =	sdelay $0x1  }
0x1dc: {  	v5 =	vadd.s32 v2, v57;
	_ =	sdelay $0x2  }
0x1dd: {  	v6 =	vmul.f32 v6, v59;
	_ =	sdelay $0x1  }
0x1de: {  	[tilespmem:v5+s4+$0x0] =	vst.idx.add.f32.msk $0xffff, v6  }
0x1df: {  	v60 =	vbroadcast v4, $0xE;
	v6 =	vld [tilespmem:s20+$0xC0];
	_ =	sdelay $0x1  }
0x1e0: {  	v61 =	vadd.s32 v0, v60  }
0x1e1: {  	v62 =	vbroadcast v3, $0xE;
	_ =	sdelay $0x1  }
0x1e2: {  	v6 =	vmul.f32 v6, v62;
	_ =	sdelay $0x1  }
0x1e3: {  	[tilespmem:v61+s4+$0x0] =	vst.idx.add.f32.msk $0xffff, v6  }
0x1e4: {  	v6 =	vld [tilespmem:s20+$0xD0];
	_ =	sdelay $0x1  }
0x1e5: {  	v5 =	vadd.s32 v2, v60;
	_ =	sdelay $0x2  }
0x1e6: {  	v6 =	vmul.f32 v6, v62;
	_ =	sdelay $0x1  }
0x1e7: {  	[tilespmem:v5+s4+$0x0] =	vst.idx.add.f32.msk $0xffff, v6  }
0x1e8: {  	v4 =	vbroadcast v4, $0xF;
	v5 =	vld [tilespmem:s20+$0xE0];
	_ =	sdelay $0x1  }
0x1e9: {  	v63 =	vadd.s32 v0, v4  }
0x1ea: {  	v3 =	vbroadcast v3, $0xF;
	_ =	sdelay $0x1  }
0x1eb: {  	v5 =	vmul.f32 v5, v3;
	_ =	sdelay $0x1  }
0x1ec: {  	[tilespmem:v63+s4+$0x0] =	vst.idx.add.f32.msk $0xffff, v5  }
0x1ed: {  	v5 =	vld [tilespmem:s20+$0xF0]  }
0x1ee: {  	s19 =	sadd.s32 $0x1, s19  }
0x1ef: {  	p0 =	sne.s32 s19, $0x7D;
	v4 =	vadd.s32 v2, v4  }
.Ltmp2:
0x1f0: {  	_ = 	snop;
	(pc) =	sbr.rel @p0 .LBB2_4-.Ltmp2, $3  }
0x1f1: {  	_ = 	snop  }
0x1f2: {  	v3 =	vmul.f32 v5, v3;
	_ =	sdelay $0x1  }
0x1f3: {  	[tilespmem:v4+s4+$0x0] =	vst.idx.add.f32.msk $0xffff, v3  }
0x1f4: {  	s17 =	sadd.s32 $0x1, s17  }
0x1f5: {  	p0 =	sne.s32 s17, s9  }
.Ltmp3:
0x1f6: {  	_ = 	snop;
	(pc) =	sbr.rel @p0 .LBB2_1-.Ltmp3, $4  }
0x1f7: {  	[hbm4b:s8+s4] =	stream.linear.scatter [tilespmem:s4], [sflag:$0x2], $0x19000, $0x38;
	[tilespmem:$0x1A180] =	vst v63  }
0x1f8: {  	_ =	swait.ge [sflag:s11], $0x19000  }
0x1f9: {  	[sflag:s11] =	ssyncset.done $0x0  }
0x1fa: {  	[sflag:s11] =	ssyncadd.s32 $0xFFFE7000  }
0x1fb: {  	_ =	sfence.sel $0x180000  }
0x1fc: {  	[bflag:$0x0] =	sbarrier.arrive $0xFFFF  }
0x1fd: {  	p0 =	sne.s32 s0, $0x0;
	_ =	strace $0x9000004A  }
0x1fe: {  	s0 =	sadd.s32 @!p0 $0x100000, s1;
	[bflag:$0x2] =	sbarrier.arrive $0xFFFF  }
0x1ff: {  	[sflag:s0] =	ssyncadd.tile.s32 @!p0 $0x1;
	_ =	shalt  }
.Lfunc_end2:
_tile_overlayer_lowered:
.L_overlay_start_2:
0x200: {  	(tag) =	ssettag $0x2  }
0x201: {  	s0 =	rddreg [dreg:$0x0];
	s2 =	stileid.u32  }
0x202: {  	s1 =	rddreg [dreg:$0x1];
	p0 =	sne.s32 s2, $0x0  }
0x203: {  	s3 =	rddreg [dreg:$0x2];
	[bflag:$0x3] =	sbarrier.arrive $0xFFFF;
	s2 =	simm.s32 @!p0 $0x1C02  }
0x204: {  	[timem:s3], [sflag:s2] =	dma.local @!p0 [hbm:s0], s1  }
0x205: {  	s0 =	simm.s32 @!p0 $0x2  }
0x206: {  	_ =	swait.ge @!p0 [sflag:s0], s1  }
0x207: {  	s1 =	ssub.s32 @!p0 $0x0, s1;
	[sflag:s0] =	ssyncset.done @!p0 $0x0  }
0x208: {  	[sflag:s0] =	ssyncadd.s32 @!p0 s1  }
0x209: {  	[bflag:$0x3] =	sbarrier.arrive $0xFFFF  }
0x20a: {  	_ =	shalt  }

// kernel: kernel.14.cloned.1.call-start
scs
__scs_entry_jumppad:
0x0: {  	(pc) =	sbr.rel $0x88, $3  }
0x1: {  	(tag) =	ssettag $0x0;
	lr =	simm.s32 $0x1  }
0x2: {  	[smem:$0x3F94] =	sst lr;
	_ =	strace $0xD0000000  }
0x3: {  	_ = 	snop  }
0x4: {  	_ = 	snop  }
0x5: {  	_ = 	snop  }
0x6: {  	_ = 	snop  }
0x7: {  	_ = 	snop  }
__scs_overlays_trampoline_lowered:
0x8: {  	[smem:$0x3FA3] =	sst s0  }
0x9: {  	[smem:$0x3FA4] =	sst s1  }
0xa: {  	[smem:$0x3FA5] =	sst s2  }
0xb: {  	[smem:$0x3FA6] =	sst s3  }
0xc: {  	[smem:$0x3FA7] =	sst s4  }
0xd: {  	[smem:$0x3FA8] =	sst s5  }
0xe: {  	[smem:$0x3FA9] =	sst s6  }
0xf: {  	[smem:$0x3FAA] =	sst s7  }
0x10: {  	[smem:$0x3FAB] =	sst s8  }
0x11: {  	[smem:$0x3FAC] =	sst s9;
	s0 =	simm.s32 @!p0 $0x0  }
0x12: {  	s1 =	sld [smem:$0x3F92];
	s0 =	simm.s32 @p0 $0x1  }
0x13: {  	[smem:$0x3FAD] =	sst s0;
	s0 =	simm.s32 @!p1 $0x0  }
0x14: {  	s2 =	sld [smem:$0x3F91];
	s0 =	simm.s32 @p1 $0x1  }
0x15: {  	[smem:$0x3FAE] =	sst s0;
	s0 =	simm.s32 @!p2 $0x0  }
0x16: {  	s3 =	sld [smem:$0x3FDB];
	s0 =	simm.s32 @p2 $0x1  }
0x17: {  	s4 =	simm.s32 $0x1BF5;
	[smem:$0x3FB0] =	sst s0  }
0x18: {  	s0 =	sld [smem:$0x3F93];
	_ =	swait.ge [sflag:s4], $0x0  }
0x19: {  	s7 =	sld [smem:$0x3F94]  }
0x1a: {  	s8 =	sadd.s32 $0xFFFFE003, lr  }
0x1b: {  	s9 =	sadd.s32 $0xFFFFFEF7, lr;
	s5 =	simm.s32 $0xFFFFFFFF;
	p2 =	slt.u32 s8, $0xFFFFF086  }
0x1c: {  	p1 =	slt.u32 s9, $0xF7A;
	s5 =	simm.s32 @!p2 $0x0  }
0x1d: {  	s5 =	simm.s32 @p1 $0x1;
	p0 =	seq.s32 s7, s2  }
0x1e: {  	s7 =	smul.u32 @!p0 $0xF7A, s2;
	p2 =	seq.s32 @!p0 s5, $0x0  }
0x1f: {  	s9 =	smul.u32 $0xF7A, s1;
	s8 =	simm.s32 @!p0 $0x1BF5;
	p2 =	por !p2, p0  }
0x20: {  	[sflag:s8] =	ssyncset.s32 @!p0 $0xFFFFF086;
	s6 =	sadd.s32 @!p0 s3, s7;
	s7 =	simm.s32 @!p0 $0x108  }
0x21: {  	s3 =	sadd.s32 s3, s9;
	s6 =	sadd.s32 @!p0 $0x88, s6;
	s7 =	simm.s32 @p2 $0x1082  }
0x22: {  	[simem:s7], [sflag:s8] =	dma.local @!p0 [hbm:s6], $0xF7A  }
0x23: {  	s9 =	sor.u32 $0xD0000000, s2;
	s6 =	simm.s32 $0x108;
	_ =	swait.ge @!p0 [sflag:s8], $0x0  }
0x24: {  	s3 =	sadd.s32 $0x88, s3;
	s6 =	simm.s32 @!p1 $0x1082;
	[sflag:s4] =	ssyncset.s32 $0xFFFFF086  }
0x25: {  	[simem:s6], [sflag:s4] =	dma.local [hbm:s3], $0xF7A  }
0x26: {  	[smem:$0x3F94] =	sst s1;
	(tag) =	ssettag s2;
	_ =	strace s9  }
0x27: {  	s1 =	sld [smem:$0x3FA4]  }
0x28: {  	s2 =	sld [smem:$0x3FA5]  }
0x29: {  	s4 =	sld [smem:$0x3FA7]  }
0x2a: {  	p0 =	seq.s32 s5, $0x0;
	s5 =	sld [smem:$0x3FA8]  }
0x2b: {  	s6 =	sld [smem:$0x3FA9]  }
0x2c: {  	s7 =	sld [smem:$0x3FAA]  }
0x2d: {  	s3 =	simm.s32 $0x108;
	s8 =	sld [smem:$0x3FAB]  }
0x2e: {  	s3 =	simm.s32 @!p0 $0x1082;
	s9 =	sld [smem:$0x3FAC]  }
0x2f: {  	lr =	sadd.s32 s0, s3;
	s0 =	sld [smem:$0x3FA3]  }
0x30: {  	s3 =	sld [smem:$0x3FA6]  }
0x31: {  	[smem:$0x3FAF] =	sst s10  }
0x32: {  	s10 =	sld [smem:$0x3FAD];
	_ =	sdelay $0x3  }
0x33: {  	p0 =	seq.s32 s10, $0x1;
	s10 =	sld [smem:$0x3FAF];
	_ =	sdelay $0x3  }
0x34: {  	[smem:$0x3FAF] =	sst s10  }
0x35: {  	s10 =	sld [smem:$0x3FAE];
	_ =	sdelay $0x3  }
0x36: {  	p1 =	seq.s32 s10, $0x1;
	s10 =	sld [smem:$0x3FAF];
	_ =	sdelay $0x3  }
0x37: {  	[smem:$0x3FAF] =	sst s10  }
0x38: {  	s10 =	sld [smem:$0x3FB0]  }
0x39: {  	_ = 	snop;
	(pc) =	sbr.ind lr, $3  }
0x3a: {  	_ = 	snop  }
0x3b: {  	_ = 	snop  }
0x3c: {  	p2 =	seq.s32 s10, $0x1;
	s10 =	sld [smem:$0x3FAF]  }
0x3d: {  	_ =	shalt  }
0x3e: {  	_ =	shalt  }
0x3f: {  	_ =	shalt  }
0x40: {  	_ =	shalt  }
0x41: {  	_ =	shalt  }
0x42: {  	_ =	shalt  }
0x43: {  	_ =	shalt  }
0x44: {  	_ =	shalt  }
0x45: {  	_ =	shalt  }
0x46: {  	_ =	shalt  }
0x47: {  	_ =	shalt  }
0x48: {  	_ =	shalt  }
0x49: {  	_ =	shalt  }
0x4a: {  	_ =	shalt  }
0x4b: {  	_ =	shalt  }
0x4c: {  	_ =	shalt  }
0x4d: {  	_ =	shalt  }
0x4e: {  	_ =	shalt  }
0x4f: {  	_ =	shalt  }
0x50: {  	_ =	shalt  }
0x51: {  	_ =	shalt  }
0x52: {  	_ =	shalt  }
0x53: {  	_ =	shalt  }
0x54: {  	_ =	shalt  }
0x55: {  	_ =	shalt  }
0x56: {  	_ =	shalt  }
0x57: {  	_ =	shalt  }
0x58: {  	_ =	shalt  }
0x59: {  	_ =	shalt  }
0x5a: {  	_ =	shalt  }
0x5b: {  	_ =	shalt  }
0x5c: {  	_ =	shalt  }
0x5d: {  	_ =	shalt  }
0x5e: {  	_ =	shalt  }
0x5f: {  	_ =	shalt  }
0x60: {  	_ =	shalt  }
0x61: {  	_ =	shalt  }
0x62: {  	_ =	shalt  }
0x63: {  	_ =	shalt  }
0x64: {  	_ =	shalt  }
0x65: {  	_ =	shalt  }
0x66: {  	_ =	shalt  }
0x67: {  	_ =	shalt  }
0x68: {  	_ =	shalt  }
0x69: {  	_ =	shalt  }
0x6a: {  	_ =	shalt  }
0x6b: {  	_ =	shalt  }
0x6c: {  	_ =	shalt  }
0x6d: {  	_ =	shalt  }
0x6e: {  	_ =	shalt  }
0x6f: {  	_ =	shalt  }
0x70: {  	_ =	shalt  }
0x71: {  	_ =	shalt  }
0x72: {  	_ =	shalt  }
0x73: {  	_ =	shalt  }
0x74: {  	_ =	shalt  }
0x75: {  	_ =	shalt  }
0x76: {  	_ =	shalt  }
0x77: {  	_ =	shalt  }
0x78: {  	_ =	shalt  }
0x79: {  	_ =	shalt  }
0x7a: {  	_ =	shalt  }
0x7b: {  	_ =	shalt  }
0x7c: {  	_ =	shalt  }
0x7d: {  	_ =	shalt  }
0x7e: {  	_ =	shalt  }
0x7f: {  	_ =	shalt  }
0x80: {  	_ =	shalt  }
0x81: {  	_ =	shalt  }
0x82: {  	_ =	shalt  }
0x83: {  	_ =	shalt  }
0x84: {  	_ =	shalt  }
0x85: {  	_ =	shalt  }
0x86: {  	_ =	shalt  }
0x87: {  	_ =	shalt  }
.Lfunc_end0:
.L_simem_size_0:
called_computation.2_lowered:
.L_overlay_start_0:
0x88: {  	s2 =	sld [smem:$0x3FD9]  }
0x89: {  	s3 =	sld [smem:$0x3FFE];
	_ =	sdelay $0x1  }
0x8a: {  	s1 =	srdreg.scid  }
0x8b: {  	s0 =	sand.u32 $0x1, s1  }
0x8c: {  	s17 =	sshll.u32 s0, $0xA;
	s2 =	sadd.s32 s3, s2  }
0x8d: {  	s2 =	sadd.s32 s2, s17  }
0x8e: {  	[smem:$0x3FBB] =	sst s2  }
0x8f: {  	_ = 	snop  }
0x90: {  	s2 =	sld [smem:$0x3FD0];
	(tm) =	ssettm $0x1  }
0x91: {  	s18 =	sld [smem:$0x3FFB];
	_ =	sdelay $0x3  }
0x92: {  	_ =	strace s18  }
0x93: {  	s3 =	sld [smem:$0x3FFC];
	_ =	sdelay $0x3  }
0x94: {  	_ =	strace s3  }
0x95: {  	s3 =	sld [smem:$0x3FFD];
	_ =	sdelay $0x3  }
0x96: {  	_ =	strace s3  }
0x97: {  	_ =	strace $0x8FFFFFFF  }
0x98: {  	s19 =	sld [smem:$0x3FDB];
	_ =	sdelay $0x1  }
0x99: {  	s4 =	simm.s32 $_scs_section_size  }
0x9a: {  	s5 =	simm.s32 $_size__tile_overlayer_lowered;
	s6 =	simm.s32 $_tile_overlayer_lowered  }
0x9b: {  	s22 =	simm.s32 $0x1BFF;
	s21 =	sshll.u32 s6, $0x1;
	s3 =	sadd.s32 s4, s19  }
0x9c: {  	s7 =	simm.s32 $0x0;
	s20 =	sshll.u32 s5, $0x1;
	s5 =	sadd.s32 s21, s3  }
0x9d: {  	[timem:s7], [sflag:s22] =	dma.local [hbm:s5], s20  }
0x9e: {  	_ =	swait.ge [sflag:s22], s20  }
0x9f: {  	s4 =	ssub.s32 $0x0, s20;
	[sflag:s22] =	ssyncset.done $0x0  }
0xa0: {  	[sflag:s22] =	ssyncadd.s32 s4;
	_ =	sdelay $0x1  }
0xa1: {  	s23 =	simm.s32 $0x1B8B  }
0xa2: {  	_ =	swait.ge [sflag:s23], $0x1  }
0xa3: {  	[sflag:s23] =	ssyncset.done $0x0  }
0xa4: {  	s25 =	simm.s32 $0x1B8E;
	s24 =	sld [smem:$0x3FFE];
	[sflag:s23] =	ssyncadd.s32 $0xFFFFFFFF  }
0xa5: {  	s26 =	simm.s32 $execute0_lowered;
	[smem:$0x3FD2] =	sst s25  }
0xa6: {  	s5 =	sshll.u32 s26, $0x1;
	_ =	strace $0x8000004C;
	[dreg:$0x1] =	wrdreg $0xFFFFFFFF  }
0xa7: {  	s28 =	simm.s32 $_size_execute0_lowered;
	s3 =	sadd.s32 s3, s5;
	[dreg:$0x0] =	wrdreg $0x0  }
0xa8: {  	s5 =	sshll.u32 s28, $0x1;
	[dreg:$0x2] =	wrdreg s3  }
0xa9: {  	[dreg:$0x3] =	wrdreg s5  }
0xaa: {  	[dreg:$0x4] =	wrdreg $0xC0  }
0xab: {  	_ =	task [dreg:s7], $0x5FFFF  }
0xac: {  	[dreg:$0x1] =	wrdreg $0xFFFFFFFF  }
0xad: {  	[dreg:$0x0] =	wrdreg $0x60  }
0xae: {  	[dreg:$0x2] =	wrdreg s24  }
0xaf: {  	[dreg:$0x3] =	wrdreg s2  }
0xb0: {  	[dreg:$0x4] =	wrdreg $0x9  }
0xb1: {  	_ =	task.clear_ibuf [dreg:s7], $0x5FFFF;
	_ =	strace $0x9000004C  }
0xb2: {  	s29 =	simm.s32 $0x9;
	_ =	strace $0x8000004E  }
0xb3: {  	_ =	swait.ge [sflag:s29], $0x1  }
0xb4: {  	[sflag:s29] =	ssyncadd.s32 $0xFFFFFFFF  }
0xb5: {  	_ =	strace $0x9000004E  }
0xb6: {  	_ =	sfence  }
0xb7: {  	s30 =	sld [smem:$0x0];
	_ =	sdelay $0x2  }
0xb8: {  	s31 =	sshll.u32 s1, $0xD;
	s1 =	sshrl.u32 s1, $0x2  }
0xb9: {  	s3 =	sand.u32 $0x4000, s31;
	s1 =	sadd.s32 s1, s30  }
0xba: {  	s0 =	sor.u32 s3, s0;
	s1 =	sshll.u32 s1, $0x11  }
0xbb: {  	s0 =	sor.u32 s1, s0  }
0xbc: {  	s0 =	sadd.s32 $0x8F2B, s0  }
0xbd: {  	[sflag:s0] =	ssyncadd.remote.s32 $0x1  }
0xbe: {  	_ =	sfence.sel $0xFFFF  }
0xbf: {  	[dreg:$0x0] =	wrdreg $0xFFFFFFFF;
	(pc) =	sbr.abs _section_cstart, $3  }
0xc0: {  	[dreg:$0x1] =	wrdreg $0xFFFFFFFF  }
0xc1: {  	_ =	task.clear_ibuf [dreg:s7], $0x2FFFF;
	_ =	strace $0x9FFFFFFF  }
0xc2: {  	(tm) =	ssettm $0x7FFFFFFF  }
0xc3: {  	_ =	shalt  }
tec
execute0_lowered:
.L_overlay_start_1:
0x0: {  	(tag) =	ssettag $0x1  }
0x1: {  	s0 =	stileid.u32  }
0x2: {  	s6 =	rddreg [dreg:$0x0];
	s1 =	srdreg.scid;
	s3 =	simm.s32 $0x0  }
0x3: {  	s12 =	simm.s32 $0xC880;
	s13 =	simm.s32 $0xC900;
	s14 =	simm.s32 $0x80  }
0x4: {  	s15 =	simm.s32 $0xC980;
	s16 =	simm.s32 $0x1;
	s17 =	simm.s32 $0x0  }
0x5: {  	s2 =	sshll.u32 s0, $0x1;
	s4 =	sshrl.u32 s0, $0x1;
	s5 =	sand.u32 $0x1, s1  }
0x6: {  	s1 =	rddreg [dreg:$0x2];
	s31 =	sand.u32 $0x2, s2;
	s7 =	smul.u32 $0x3200, s4  }
0x7: {  	[smem:$0x7FF] =	sst s3;
	s4 =	smul.u32 $0xC800, s4;
	s8 =	sor.u32 s5, s31  }
0x8: {  	s2 =	rddreg [dreg:$0x1];
	s10 =	ssub.s32 $0x2, s5;
	s9 =	smul.u32 $0x64000, s8  }
0x9: {  	_ =	strace $0x8000004D;
	s11 =	sshrl.u32 s10, $0x1;
	s5 =	sadd.s32 $0x1B400, s6  }
0xa: {  	s7 =	sadd.s32 s7, s6;
	s10 =	ssub.s32 s10, s11;
	s9 =	sadd.s32 s4, s9  }
0xb: {  	s11 =	simm.s32 $0x2;
	s7 =	sadd.s32 $0x2400, s7;
	s9 =	sshrl.u32 s9, $0x3  }
0xc: {  	v0 =	vlaneseq.u32;
	s4 =	sadd.s32 $0x1C400, s6;
	s9 =	sadd.s32 s9, s6;
	s6 =	smul.u32 $0x1F80, s8  }
0xd: {  	v1 =	vimm.f32 $0.0e+00;
	v2 =	vor.u32 $0x10, v0;
	s8 =	sadd.s32 $0x1D400, s9;
	s9 =	smax.u32 s10, $0x1;
	s10 =	simm.s32 $0xC800  }
.LBB2_1:
0xe: {  	s19 =	simm.s32 $0x0;
	s18 =	simm.s32 $0x200  }
.LBB2_2:
0xf: {  	p0 =	sne.s32 s18, $0x31E00;
	[tilespmem:s19+$0x70] =	vst v1  }
0x10: {  	[tilespmem:s19+$0x0] =	vst v1  }
0x11: {  	[tilespmem:s19+$0x10] =	vst v1  }
.Ltmp0:
0x12: {  	[tilespmem:s19+$0x20] =	vst v1;
	(pc) =	sbr.rel @p0 .LBB2_2-.Ltmp0, $4  }
0x13: {  	[tilespmem:s19+$0x30] =	vst v1  }
0x14: {  	[tilespmem:s19+$0x40] =	vst v1  }
0x15: {  	[tilespmem:s19+$0x50] =	vst v1  }
0x16: {  	[tilespmem:s19+$0x60] =	vst v1;
	s19 =	sshra.s32 s18, $0x2;
	s18 =	sadd.s32 $0x200, s18  }
0x17: {  	[tilespmem:s19+$0x70] =	vst v1  }
0x18: {  	[tilespmem:s19+$0x0] =	vst v1  }
0x19: {  	[tilespmem:s19+$0x10] =	vst v1  }
0x1a: {  	[tilespmem:s19+$0x20] =	vst v1  }
0x1b: {  	[tilespmem:s19+$0x30] =	vst v1  }
0x1c: {  	[tilespmem:s19+$0x40] =	vst v1  }
0x1d: {  	[tilespmem:s19+$0x50] =	vst v1  }
0x1e: {  	s18 =	simm.s32 $0x0;
	[tilespmem:s19+$0x60] =	vst v1;
	s19 =	simm.s32 $0x0  }
.LBB2_4:
0x1f: {  	s20 =	sshll.u32 s19, $0x7  }
0x20: {  	s20 =	sadd.s32 s6, s20  }
0x21: {  	s20 =	sshrl.u32 s20, $0x3  }
0x22: {  	s21 =	sadd.s32 s4, s20  }
0x23: {  	[tilespmem:s10], [sflag:$0x2] =	stream.linear.gather [hbm4b:s21+s18], $0x80, $0x38;
	[tilespmem:$0xD980] =	vst v63  }
0x24: {  	_ =	swait.ge [sflag:s11], $0x80  }
0x25: {  	[sflag:s11] =	ssyncset.done $0x0  }
0x26: {  	s30 =	sadd.s32 s2, s20;
	[sflag:s11] =	ssyncadd.s32 $0xFFFFFF80  }
0x27: {  	[tilespmem:s12], [sflag:$0x2] =	stream.linear.gather [hbm4b:s30+s18], $0x80, $0x38;
	[tilespmem:$0xD980] =	vst v63  }
0x28: {  	_ =	swait.ge [sflag:s11], $0x80  }
0x29: {  	[sflag:s11] =	ssyncset.done $0x0  }
0x2a: {  	s20 =	sadd.s32 s5, s20;
	[sflag:s11] =	ssyncadd.s32 $0xFFFFFF80  }
0x2b: {  	[tilespmem:s13], [sflag:$0x2] =	stream.linear.gather [hbm4b:s20+s18], $0x80, $0x38;
	[tilespmem:$0xD980] =	vst v63  }
0x2c: {  	_ =	swait.ge [sflag:s11], $0x80  }
0x2d: {  	[sflag:s11] =	ssyncset.done $0x0  }
0x2e: {  	[sflag:s11] =	ssyncadd.s32 $0xFFFFFF80  }
0x2f: {  	[tilespmem:s15], [sflag:$0x1] =	stream.indirect.gather [hbm4b:s7+s14], $0x20, s10, s14, $0xb8;
	[tilespmem:$0xD980] =	vst v63  }
0x30: {  	_ =	swait.ge [sflag:s16], $0x1000  }
0x31: {  	[sflag:s16] =	ssyncset.done $0x0  }
0x32: {  	s31 =	simm.s32 $0x0;
	[sflag:s16] =	ssyncadd.s32 $0xFFFFF000  }
0x33: {  	v4 =	vld [tilespmem:s31+$0xC880];
	_ =	sdelay $0x2  }
0x34: {  	v3 =	vld [tilespmem:s31+$0xC900]  }
0x35: {  	s20 =	simm.s32 $0xCA80  }
0x36: {  	v6 =	vld [tilespmem:s20+$0xFFFFFF00];
	v5 =	vbroadcast v4, $0x0;
	_ =	sdelay $0x1  }
0x37: {  	v7 =	vadd.s32 v0, v5  }
0x38: {  	v8 =	vbroadcast v3, $0x0;
	_ =	sdelay $0x1  }
0x39: {  	v6 =	vmul.f32 v6, v8;
	_ =	sdelay $0x1  }
0x3a: {  	[tilespmem:v7+s3+$0x0] =	vst.idx.add.f32.msk $0xffff, v6  }
0x3b: {  	v6 =	vld [tilespmem:s20+$0xFFFFFF10];
	_ =	sdelay $0x1  }
0x3c: {  	v5 =	vadd.s32 v2, v5;
	_ =	sdelay $0x2  }
0x3d: {  	v6 =	vmul.f32 v6, v8;
	_ =	sdelay $0x1  }
0x3e: {  	[tilespmem:v5+s3+$0x0] =	vst.idx.add.f32.msk $0xffff, v6  }
0x3f: {  	v5 =	vbroadcast v4, $0x1;
	v6 =	vld [tilespmem:s20+$0xFFFFFF20];
	_ =	sdelay $0x1  }
0x40: {  	v7 =	vadd.s32 v0, v5  }
0x41: {  	v50 =	vbroadcast v3, $0x1;
	_ =	sdelay $0x1  }
0x42: {  	v6 =	vmul.f32 v6, v50;
	_ =	sdelay $0x1  }
0x43: {  	[tilespmem:v7+s3+$0x0] =	vst.idx.add.f32.msk $0xffff, v6  }
0x44: {  	v6 =	vld [tilespmem:s20+$0xFFFFFF30];
	_ =	sdelay $0x1  }
0x45: {  	v5 =	vadd.s32 v2, v5;
	_ =	sdelay $0x2  }
0x46: {  	v6 =	vmul.f32 v6, v50;
	_ =	sdelay $0x1  }
0x47: {  	[tilespmem:v5+s3+$0x0] =	vst.idx.add.f32.msk $0xffff, v6  }
0x48: {  	v5 =	vbroadcast v4, $0x2;
	v6 =	vld [tilespmem:s20+$0xFFFFFF40];
	_ =	sdelay $0x1  }
0x49: {  	v7 =	vadd.s32 v0, v5  }
0x4a: {  	v51 =	vbroadcast v3, $0x2;
	_ =	sdelay $0x1  }
0x4b: {  	v6 =	vmul.f32 v6, v51;
	_ =	sdelay $0x1  }
0x4c: {  	[tilespmem:v7+s3+$0x0] =	vst.idx.add.f32.msk $0xffff, v6  }
0x4d: {  	v6 =	vld [tilespmem:s20+$0xFFFFFF50];
	_ =	sdelay $0x1  }
0x4e: {  	v5 =	vadd.s32 v2, v5;
	_ =	sdelay $0x2  }
0x4f: {  	v6 =	vmul.f32 v6, v51;
	_ =	sdelay $0x1  }
0x50: {  	[tilespmem:v5+s3+$0x0] =	vst.idx.add.f32.msk $0xffff, v6  }
0x51: {  	v5 =	vbroadcast v4, $0x3;
	v6 =	vld [tilespmem:s20+$0xFFFFFF60];
	_ =	sdelay $0x1  }
0x52: {  	v7 =	vadd.s32 v0, v5  }
0x53: {  	v52 =	vbroadcast v3, $0x3;
	_ =	sdelay $0x1  }
0x54: {  	v6 =	vmul.f32 v6, v52;
	_ =	sdelay $0x1  }
0x55: {  	[tilespmem:v7+s3+$0x0] =	vst.idx.add.f32.msk $0xffff, v6  }
0x56: {  	v6 =	vld [tilespmem:s20+$0xFFFFFF70];
	_ =	sdelay $0x1  }
0x57: {  	v5 =	vadd.s32 v2, v5;
	_ =	sdelay $0x2  }
0x58: {  	v6 =	vmul.f32 v6, v52;
	_ =	sdelay $0x1  }
0x59: {  	[tilespmem:v5+s3+$0x0] =	vst.idx.add.f32.msk $0xffff, v6  }
0x5a: {  	v5 =	vbroadcast v4, $0x4;
	v6 =	vld [tilespmem:s20+$0xFFFFFF80];
	_ =	sdelay $0x1  }
0x5b: {  	v7 =	vadd.s32 v0, v5  }
0x5c: {  	v53 =	vbroadcast v3, $0x4;
	_ =	sdelay $0x1  }
0x5d: {  	v6 =	vmul.f32 v6, v53;
	_ =	sdelay $0x1  }
0x5e: {  	[tilespmem:v7+s3+$0x0] =	vst.idx.add.f32.msk $0xffff, v6  }
0x5f: {  	v6 =	vld [tilespmem:s20+$0xFFFFFF90];
	_ =	sdelay $0x1  }
0x60: {  	v5 =	vadd.s32 v2, v5;
	_ =	sdelay $0x2  }
0x61: {  	v6 =	vmul.f32 v6, v53;
	_ =	sdelay $0x1  }
0x62: {  	[tilespmem:v5+s3+$0x0] =	vst.idx.add.f32.msk $0xffff, v6  }
0x63: {  	v5 =	vbroadcast v4, $0x5;
	v6 =	vld [tilespmem:s20+$0xFFFFFFA0];
	_ =	sdelay $0x1  }
0x64: {  	v7 =	vadd.s32 v0, v5  }
0x65: {  	v54 =	vbroadcast v3, $0x5;
	_ =	sdelay $0x1  }
0x66: {  	v6 =	vmul.f32 v6, v54;
	_ =	sdelay $0x1  }
0x67: {  	[tilespmem:v7+s3+$0x0] =	vst.idx.add.f32.msk $0xffff, v6  }
0x68: {  	v6 =	vld [tilespmem:s20+$0xFFFFFFB0];
	_ =	sdelay $0x1  }
0x69: {  	v5 =	vadd.s32 v2, v5;
	_ =	sdelay $0x2  }
0x6a: {  	v6 =	vmul.f32 v6, v54;
	_ =	sdelay $0x1  }
0x6b: {  	[tilespmem:v5+s3+$0x0] =	vst.idx.add.f32.msk $0xffff, v6  }
0x6c: {  	v5 =	vbroadcast v4, $0x6;
	v6 =	vld [tilespmem:s20+$0xFFFFFFC0];
	_ =	sdelay $0x1  }
0x6d: {  	v7 =	vadd.s32 v0, v5  }
0x6e: {  	v55 =	vbroadcast v3, $0x6;
	_ =	sdelay $0x1  }
0x6f: {  	v6 =	vmul.f32 v6, v55;
	_ =	sdelay $0x1  }
0x70: {  	[tilespmem:v7+s3+$0x0] =	vst.idx.add.f32.msk $0xffff, v6  }
0x71: {  	v6 =	vld [tilespmem:s20+$0xFFFFFFD0];
	_ =	sdelay $0x1  }
0x72: {  	v5 =	vadd.s32 v2, v5;
	_ =	sdelay $0x2  }
0x73: {  	v6 =	vmul.f32 v6, v55;
	_ =	sdelay $0x1  }
0x74: {  	[tilespmem:v5+s3+$0x0] =	vst.idx.add.f32.msk $0xffff, v6  }
0x75: {  	v5 =	vbroadcast v4, $0x7;
	v6 =	vld [tilespmem:s20+$0xFFFFFFE0];
	_ =	sdelay $0x1  }
0x76: {  	v7 =	vadd.s32 v0, v5  }
0x77: {  	v56 =	vbroadcast v3, $0x7;
	_ =	sdelay $0x1  }
0x78: {  	v6 =	vmul.f32 v6, v56;
	_ =	sdelay $0x1  }
0x79: {  	[tilespmem:v7+s3+$0x0] =	vst.idx.add.f32.msk $0xffff, v6  }
0x7a: {  	v6 =	vld [tilespmem:s20+$0xFFFFFFF0];
	_ =	sdelay $0x1  }
0x7b: {  	v5 =	vadd.s32 v2, v5;
	_ =	sdelay $0x2  }
0x7c: {  	v6 =	vmul.f32 v6, v56;
	_ =	sdelay $0x1  }
0x7d: {  	[tilespmem:v5+s3+$0x0] =	vst.idx.add.f32.msk $0xffff, v6  }
0x7e: {  	v5 =	vbroadcast v4, $0x8;
	v6 =	vld [tilespmem:s20+$0x0];
	_ =	sdelay $0x1  }
0x7f: {  	v7 =	vadd.s32 v0, v5  }
0x80: {  	v57 =	vbroadcast v3, $0x8;
	_ =	sdelay $0x1  }
0x81: {  	v6 =	vmul.f32 v6, v57;
	_ =	sdelay $0x1  }
0x82: {  	[tilespmem:v7+s3+$0x0] =	vst.idx.add.f32.msk $0xffff, v6  }
0x83: {  	v6 =	vld [tilespmem:s20+$0x10];
	_ =	sdelay $0x1  }
0x84: {  	v5 =	vadd.s32 v2, v5;
	_ =	sdelay $0x2  }
0x85: {  	v6 =	vmul.f32 v6, v57;
	_ =	sdelay $0x1  }
0x86: {  	[tilespmem:v5+s3+$0x0] =	vst.idx.add.f32.msk $0xffff, v6  }
0x87: {  	v5 =	vbroadcast v4, $0x9;
	v6 =	vld [tilespmem:s20+$0x20];
	_ =	sdelay $0x1  }
0x88: {  	v7 =	vadd.s32 v0, v5  }
0x89: {  	v58 =	vbroadcast v3, $0x9;
	_ =	sdelay $0x1  }
0x8a: {  	v6 =	vmul.f32 v6, v58;
	_ =	sdelay $0x1  }
0x8b: {  	[tilespmem:v7+s3+$0x0] =	vst.idx.add.f32.msk $0xffff, v6  }
0x8c: {  	v6 =	vld [tilespmem:s20+$0x30];
	_ =	sdelay $0x1  }
0x8d: {  	v5 =	vadd.s32 v2, v5;
	_ =	sdelay $0x2  }
0x8e: {  	v6 =	vmul.f32 v6, v58;
	_ =	sdelay $0x1  }
0x8f: {  	[tilespmem:v5+s3+$0x0] =	vst.idx.add.f32.msk $0xffff, v6  }
0x90: {  	v5 =	vbroadcast v4, $0xA;
	v6 =	vld [tilespmem:s20+$0x40];
	_ =	sdelay $0x1  }
0x91: {  	v7 =	vadd.s32 v0, v5  }
0x92: {  	v59 =	vbroadcast v3, $0xA;
	_ =	sdelay $0x1  }
0x93: {  	v6 =	vmul.f32 v6, v59;
	_ =	sdelay $0x1  }
0x94: {  	[tilespmem:v7+s3+$0x0] =	vst.idx.add.f32.msk $0xffff, v6  }
0x95: {  	v6 =	vld [tilespmem:s20+$0x50];
	_ =	sdelay $0x1  }
0x96: {  	v5 =	vadd.s32 v2, v5;
	_ =	sdelay $0x2  }
0x97: {  	v6 =	vmul.f32 v6, v59;
	_ =	sdelay $0x1  }
0x98: {  	[tilespmem:v5+s3+$0x0] =	vst.idx.add.f32.msk $0xffff, v6  }
0x99: {  	v5 =	vbroadcast v4, $0xB;
	v6 =	vld [tilespmem:s20+$0x60];
	_ =	sdelay $0x1  }
0x9a: {  	v7 =	vadd.s32 v0, v5  }
0x9b: {  	v60 =	vbroadcast v3, $0xB;
	_ =	sdelay $0x1  }
0x9c: {  	v6 =	vmul.f32 v6, v60;
	_ =	sdelay $0x1  }
0x9d: {  	[tilespmem:v7+s3+$0x0] =	vst.idx.add.f32.msk $0xffff, v6  }
0x9e: {  	v6 =	vld [tilespmem:s20+$0x70];
	_ =	sdelay $0x1  }
0x9f: {  	v5 =	vadd.s32 v2, v5;
	_ =	sdelay $0x2  }
0xa0: {  	v6 =	vmul.f32 v6, v60;
	_ =	sdelay $0x1  }
0xa1: {  	[tilespmem:v5+s3+$0x0] =	vst.idx.add.f32.msk $0xffff, v6  }
0xa2: {  	v5 =	vbroadcast v4, $0xC;
	v6 =	vld [tilespmem:s20+$0x80];
	_ =	sdelay $0x1  }
0xa3: {  	v7 =	vadd.s32 v0, v5  }
0xa4: {  	v61 =	vbroadcast v3, $0xC;
	_ =	sdelay $0x1  }
0xa5: {  	v6 =	vmul.f32 v6, v61;
	_ =	sdelay $0x1  }
0xa6: {  	[tilespmem:v7+s3+$0x0] =	vst.idx.add.f32.msk $0xffff, v6  }
0xa7: {  	v6 =	vld [tilespmem:s20+$0x90];
	_ =	sdelay $0x1  }
0xa8: {  	v5 =	vadd.s32 v2, v5;
	_ =	sdelay $0x2  }
0xa9: {  	v6 =	vmul.f32 v6, v61;
	_ =	sdelay $0x1  }
0xaa: {  	[tilespmem:v5+s3+$0x0] =	vst.idx.add.f32.msk $0xffff, v6  }
0xab: {  	v5 =	vbroadcast v4, $0xD;
	v6 =	vld [tilespmem:s20+$0xA0];
	_ =	sdelay $0x1  }
0xac: {  	v7 =	vadd.s32 v0, v5  }
0xad: {  	v62 =	vbroadcast v3, $0xD;
	_ =	sdelay $0x1  }
0xae: {  	v6 =	vmul.f32 v6, v62;
	_ =	sdelay $0x1  }
0xaf: {  	[tilespmem:v7+s3+$0x0] =	vst.idx.add.f32.msk $0xffff, v6  }
0xb0: {  	v6 =	vld [tilespmem:s20+$0xB0];
	_ =	sdelay $0x1  }
0xb1: {  	v5 =	vadd.s32 v2, v5;
	_ =	sdelay $0x2  }
0xb2: {  	v6 =	vmul.f32 v6, v62;
	_ =	sdelay $0x1  }
0xb3: {  	[tilespmem:v5+s3+$0x0] =	vst.idx.add.f32.msk $0xffff, v6  }
0xb4: {  	v5 =	vbroadcast v4, $0xE;
	v6 =	vld [tilespmem:s20+$0xC0];
	_ =	sdelay $0x1  }
0xb5: {  	v7 =	vadd.s32 v0, v5  }
0xb6: {  	v63 =	vbroadcast v3, $0xE;
	_ =	sdelay $0x1  }
0xb7: {  	v6 =	vmul.f32 v6, v63;
	_ =	sdelay $0x1  }
0xb8: {  	[tilespmem:v7+s3+$0x0] =	vst.idx.add.f32.msk $0xffff, v6  }
0xb9: {  	v6 =	vld [tilespmem:s20+$0xD0];
	_ =	sdelay $0x1  }
0xba: {  	v5 =	vadd.s32 v2, v5;
	_ =	sdelay $0x2  }
0xbb: {  	v6 =	vmul.f32 v6, v63;
	_ =	sdelay $0x1  }
0xbc: {  	[tilespmem:v5+s3+$0x0] =	vst.idx.add.f32.msk $0xffff, v6  }
0xbd: {  	v4 =	vbroadcast v4, $0xF;
	v5 =	vld [tilespmem:s20+$0xE0];
	_ =	sdelay $0x1  }
0xbe: {  	v6 =	vadd.s32 v0, v4  }
0xbf: {  	v7 =	vbroadcast v3, $0xF;
	_ =	sdelay $0x1  }
0xc0: {  	v3 =	vmul.f32 v5, v7;
	_ =	sdelay $0x1  }
0xc1: {  	[tilespmem:v6+s3+$0x0] =	vst.idx.add.f32.msk $0xffff, v3  }
0xc2: {  	v5 =	vld [tilespmem:s20+$0xF0];
	_ =	sdelay $0x1  }
0xc3: {  	v3 =	vadd.s32 v2, v4;
	_ =	sdelay $0x2  }
0xc4: {  	s23 =	simm.s32 $0x80;
	s21 =	simm.s32 $0x40;
	v4 =	vmul.f32 v5, v7  }
.LBB2_5:
0xc5: {  	s24 =	sshra.s32 s21, $0x2  }
0xc6: {  	s20 =	sadd.s32 $0x200, s20;
	s21 =	smov.u32 s23;
	s22 =	sadd.s32 $0x40, s23;
	[tilespmem:v3+s3+$0x0] =	vst.idx.add.f32.msk $0xffff, v4  }
0xc7: {  	p0 =	sne.s32 s23, $0x1C0;
	v4 =	vld [tilespmem:s24+$0xC880];
	_ =	sdelay $0x2  }
0xc8: {  	v3 =	vld [tilespmem:s24+$0xC900];
	_ =	sdelay $0x1  }
0xc9: {  	v15 =	vbroadcast v4, $0x0;
	v5 =	vld [tilespmem:s20+$0xFFFFFF00];
	v16 =	vbroadcast v4, $0x1  }
0xca: {  	v17 =	vbroadcast v4, $0x2;
	v18 =	vbroadcast v4, $0x3  }
0xcb: {  	v19 =	vbroadcast v4, $0x4;
	v14 =	vbroadcast v4, $0x5;
	v6 =	vadd.s32 v0, v15  }
0xcc: {  	v13 =	vbroadcast v4, $0x6;
	v20 =	vbroadcast v3, $0x0  }
0xcd: {  	v12 =	vbroadcast v4, $0x7;
	v11 =	vbroadcast v4, $0x8  }
0xce: {  	v10 =	vbroadcast v4, $0x9;
	v5 =	vmul.f32 v5, v20  }
0xcf: {  	v9 =	vbroadcast v4, $0xA;
	v8 =	vbroadcast v4, $0xB  }
0xd0: {  	v7 =	vbroadcast v4, $0xC;
	[tilespmem:v6+s3+$0x0] =	vst.idx.add.f32.msk $0xffff, v5;
	v6 =	vbroadcast v4, $0xD  }
0xd1: {  	v5 =	vbroadcast v4, $0xE;
	v4 =	vbroadcast v4, $0xF;
	v21 =	vld [tilespmem:s20+$0xFFFFFF10];
	_ =	sdelay $0x1  }
0xd2: {  	v15 =	vadd.s32 v2, v15;
	_ =	sdelay $0x2  }
0xd3: {  	v20 =	vmul.f32 v21, v20;
	_ =	sdelay $0x1  }
0xd4: {  	[tilespmem:v15+s3+$0x0] =	vst.idx.add.f32.msk $0xffff, v20  }
0xd5: {  	v15 =	vld [tilespmem:s20+$0xFFFFFF20];
	_ =	sdelay $0x1  }
0xd6: {  	v20 =	vadd.s32 v0, v16  }
0xd7: {  	v21 =	vbroadcast v3, $0x1;
	_ =	sdelay $0x1  }
0xd8: {  	v15 =	vmul.f32 v15, v21;
	_ =	sdelay $0x1  }
0xd9: {  	[tilespmem:v20+s3+$0x0] =	vst.idx.add.f32.msk $0xffff, v15  }
0xda: {  	v15 =	vld [tilespmem:s20+$0xFFFFFF30];
	_ =	sdelay $0x1  }
0xdb: {  	v16 =	vadd.s32 v2, v16;
	_ =	sdelay $0x2  }
0xdc: {  	v15 =	vmul.f32 v15, v21;
	_ =	sdelay $0x1  }
0xdd: {  	[tilespmem:v16+s3+$0x0] =	vst.idx.add.f32.msk $0xffff, v15  }
0xde: {  	v15 =	vld [tilespmem:s20+$0xFFFFFF40];
	_ =	sdelay $0x1  }
0xdf: {  	v16 =	vadd.s32 v0, v17  }
0xe0: {  	v20 =	vbroadcast v3, $0x2;
	_ =	sdelay $0x1  }
0xe1: {  	v15 =	vmul.f32 v15, v20;
	_ =	sdelay $0x1  }
0xe2: {  	[tilespmem:v16+s3+$0x0] =	vst.idx.add.f32.msk $0xffff, v15  }
0xe3: {  	v15 =	vld [tilespmem:s20+$0xFFFFFF50];
	_ =	sdelay $0x1  }
0xe4: {  	v16 =	vadd.s32 v2, v17;
	_ =	sdelay $0x2  }
0xe5: {  	v15 =	vmul.f32 v15, v20;
	_ =	sdelay $0x1  }
0xe6: {  	[tilespmem:v16+s3+$0x0] =	vst.idx.add.f32.msk $0xffff, v15  }
0xe7: {  	v15 =	vld [tilespmem:s20+$0xFFFFFF60];
	_ =	sdelay $0x1  }
0xe8: {  	v16 =	vadd.s32 v0, v18  }
0xe9: {  	v17 =	vbroadcast v3, $0x3;
	_ =	sdelay $0x1  }
0xea: {  	v15 =	vmul.f32 v15, v17;
	_ =	sdelay $0x1  }
0xeb: {  	[tilespmem:v16+s3+$0x0] =	vst.idx.add.f32.msk $0xffff, v15  }
0xec: {  	v15 =	vld [tilespmem:s20+$0xFFFFFF70];
	_ =	sdelay $0x1  }
0xed: {  	v16 =	vadd.s32 v2, v18;
	_ =	sdelay $0x2  }
0xee: {  	v15 =	vmul.f32 v15, v17;
	_ =	sdelay $0x1  }
0xef: {  	[tilespmem:v16+s3+$0x0] =	vst.idx.add.f32.msk $0xffff, v15  }
0xf0: {  	v15 =	vld [tilespmem:s20+$0xFFFFFF80];
	_ =	sdelay $0x1  }
0xf1: {  	v16 =	vadd.s32 v0, v19  }
0xf2: {  	v17 =	vbroadcast v3, $0x4;
	_ =	sdelay $0x1  }
0xf3: {  	v15 =	vmul.f32 v15, v17;
	_ =	sdelay $0x1  }
0xf4: {  	[tilespmem:v16+s3+$0x0] =	vst.idx.add.f32.msk $0xffff, v15  }
0xf5: {  	v15 =	vld [tilespmem:s20+$0xFFFFFF90];
	_ =	sdelay $0x1  }
0xf6: {  	v16 =	vadd.s32 v2, v19;
	_ =	sdelay $0x2  }
0xf7: {  	v15 =	vmul.f32 v15, v17;
	_ =	sdelay $0x1  }
0xf8: {  	[tilespmem:v16+s3+$0x0] =	vst.idx.add.f32.msk $0xffff, v15  }
0xf9: {  	v15 =	vld [tilespmem:s20+$0xFFFFFFA0];
	_ =	sdelay $0x1  }
0xfa: {  	v16 =	vadd.s32 v0, v14  }
0xfb: {  	v17 =	vbroadcast v3, $0x5;
	_ =	sdelay $0x1  }
0xfc: {  	v15 =	vmul.f32 v15, v17;
	_ =	sdelay $0x1  }
0xfd: {  	[tilespmem:v16+s3+$0x0] =	vst.idx.add.f32.msk $0xffff, v15  }
0xfe: {  	v15 =	vld [tilespmem:s20+$0xFFFFFFB0];
	_ =	sdelay $0x1  }
0xff: {  	v14 =	vadd.s32 v2, v14;
	_ =	sdelay $0x2  }
0x100: {  	v15 =	vmul.f32 v15, v17;
	_ =	sdelay $0x1  }
0x101: {  	[tilespmem:v14+s3+$0x0] =	vst.idx.add.f32.msk $0xffff, v15  }
0x102: {  	v14 =	vld [tilespmem:s20+$0xFFFFFFC0];
	_ =	sdelay $0x1  }
0x103: {  	v15 =	vadd.s32 v0, v13  }
0x104: {  	v16 =	vbroadcast v3, $0x6;
	_ =	sdelay $0x1  }
0x105: {  	v14 =	vmul.f32 v14, v16;
	_ =	sdelay $0x1  }
0x106: {  	[tilespmem:v15+s3+$0x0] =	vst.idx.add.f32.msk $0xffff, v14  }
0x107: {  	v14 =	vld [tilespmem:s20+$0xFFFFFFD0];
	_ =	sdelay $0x1  }
0x108: {  	v13 =	vadd.s32 v2, v13;
	_ =	sdelay $0x2  }
0x109: {  	v14 =	vmul.f32 v14, v16;
	_ =	sdelay $0x1  }
0x10a: {  	[tilespmem:v13+s3+$0x0] =	vst.idx.add.f32.msk $0xffff, v14  }
0x10b: {  	v13 =	vld [tilespmem:s20+$0xFFFFFFE0];
	_ =	sdelay $0x1  }
0x10c: {  	v14 =	vadd.s32 v0, v12  }
0x10d: {  	v15 =	vbroadcast v3, $0x7;
	_ =	sdelay $0x1  }
0x10e: {  	v13 =	vmul.f32 v13, v15;
	_ =	sdelay $0x1  }
0x10f: {  	[tilespmem:v14+s3+$0x0] =	vst.idx.add.f32.msk $0xffff, v13  }
0x110: {  	v13 =	vld [tilespmem:s20+$0xFFFFFFF0];
	_ =	sdelay $0x1  }
0x111: {  	v12 =	vadd.s32 v2, v12;
	_ =	sdelay $0x2  }
0x112: {  	v13 =	vmul.f32 v13, v15;
	_ =	sdelay $0x1  }
0x113: {  	[tilespmem:v12+s3+$0x0] =	vst.idx.add.f32.msk $0xffff, v13  }
0x114: {  	v12 =	vld [tilespmem:s20+$0x0];
	_ =	sdelay $0x1  }
0x115: {  	v13 =	vadd.s32 v0, v11  }
0x116: {  	v14 =	vbroadcast v3, $0x8;
	_ =	sdelay $0x1  }
0x117: {  	v12 =	vmul.f32 v12, v14;
	_ =	sdelay $0x1  }
0x118: {  	[tilespmem:v13+s3+$0x0] =	vst.idx.add.f32.msk $0xffff, v12  }
0x119: {  	v12 =	vld [tilespmem:s20+$0x10];
	_ =	sdelay $0x1  }
0x11a: {  	v11 =	vadd.s32 v2, v11;
	_ =	sdelay $0x2  }
0x11b: {  	v12 =	vmul.f32 v12, v14;
	_ =	sdelay $0x1  }
0x11c: {  	[tilespmem:v11+s3+$0x0] =	vst.idx.add.f32.msk $0xffff, v12  }
0x11d: {  	v11 =	vld [tilespmem:s20+$0x20];
	_ =	sdelay $0x1  }
0x11e: {  	v12 =	vadd.s32 v0, v10  }
0x11f: {  	v13 =	vbroadcast v3, $0x9;
	_ =	sdelay $0x1  }
0x120: {  	v11 =	vmul.f32 v11, v13;
	_ =	sdelay $0x1  }
0x121: {  	[tilespmem:v12+s3+$0x0] =	vst.idx.add.f32.msk $0xffff, v11  }
0x122: {  	v11 =	vld [tilespmem:s20+$0x30];
	_ =	sdelay $0x1  }
0x123: {  	v10 =	vadd.s32 v2, v10;
	_ =	sdelay $0x2  }
0x124: {  	v11 =	vmul.f32 v11, v13;
	_ =	sdelay $0x1  }
0x125: {  	[tilespmem:v10+s3+$0x0] =	vst.idx.add.f32.msk $0xffff, v11  }
0x126: {  	v10 =	vld [tilespmem:s20+$0x40];
	_ =	sdelay $0x1  }
0x127: {  	v11 =	vadd.s32 v0, v9  }
0x128: {  	v12 =	vbroadcast v3, $0xA;
	_ =	sdelay $0x1  }
0x129: {  	v10 =	vmul.f32 v10, v12;
	_ =	sdelay $0x1  }
0x12a: {  	[tilespmem:v11+s3+$0x0] =	vst.idx.add.f32.msk $0xffff, v10  }
0x12b: {  	v10 =	vld [tilespmem:s20+$0x50];
	_ =	sdelay $0x1  }
0x12c: {  	v9 =	vadd.s32 v2, v9;
	_ =	sdelay $0x2  }
0x12d: {  	v10 =	vmul.f32 v10, v12;
	_ =	sdelay $0x1  }
0x12e: {  	[tilespmem:v9+s3+$0x0] =	vst.idx.add.f32.msk $0xffff, v10  }
0x12f: {  	v9 =	vld [tilespmem:s20+$0x60];
	_ =	sdelay $0x1  }
0x130: {  	v10 =	vadd.s32 v0, v8  }
0x131: {  	v11 =	vbroadcast v3, $0xB;
	_ =	sdelay $0x1  }
0x132: {  	v9 =	vmul.f32 v9, v11;
	_ =	sdelay $0x1  }
0x133: {  	[tilespmem:v10+s3+$0x0] =	vst.idx.add.f32.msk $0xffff, v9  }
0x134: {  	v9 =	vld [tilespmem:s20+$0x70];
	_ =	sdelay $0x1  }
0x135: {  	v8 =	vadd.s32 v2, v8;
	_ =	sdelay $0x2  }
0x136: {  	v9 =	vmul.f32 v9, v11;
	_ =	sdelay $0x1  }
0x137: {  	[tilespmem:v8+s3+$0x0] =	vst.idx.add.f32.msk $0xffff, v9  }
0x138: {  	v8 =	vld [tilespmem:s20+$0x80];
	_ =	sdelay $0x1  }
0x139: {  	v9 =	vadd.s32 v0, v7  }
0x13a: {  	v10 =	vbroadcast v3, $0xC;
	_ =	sdelay $0x1  }
0x13b: {  	v8 =	vmul.f32 v8, v10;
	_ =	sdelay $0x1  }
0x13c: {  	[tilespmem:v9+s3+$0x0] =	vst.idx.add.f32.msk $0xffff, v8  }
0x13d: {  	v8 =	vld [tilespmem:s20+$0x90];
	_ =	sdelay $0x1  }
0x13e: {  	v7 =	vadd.s32 v2, v7;
	_ =	sdelay $0x2  }
0x13f: {  	v8 =	vmul.f32 v8, v10;
	_ =	sdelay $0x1  }
0x140: {  	[tilespmem:v7+s3+$0x0] =	vst.idx.add.f32.msk $0xffff, v8  }
0x141: {  	v7 =	vld [tilespmem:s20+$0xA0];
	_ =	sdelay $0x1  }
0x142: {  	v8 =	vadd.s32 v0, v6  }
0x143: {  	v9 =	vbroadcast v3, $0xD;
	_ =	sdelay $0x1  }
0x144: {  	v7 =	vmul.f32 v7, v9;
	_ =	sdelay $0x1  }
0x145: {  	[tilespmem:v8+s3+$0x0] =	vst.idx.add.f32.msk $0xffff, v7  }
0x146: {  	v7 =	vld [tilespmem:s20+$0xB0];
	_ =	sdelay $0x1  }
0x147: {  	v6 =	vadd.s32 v2, v6;
	_ =	sdelay $0x2  }
0x148: {  	v7 =	vmul.f32 v7, v9;
	_ =	sdelay $0x1  }
0x149: {  	[tilespmem:v6+s3+$0x0] =	vst.idx.add.f32.msk $0xffff, v7  }
0x14a: {  	v6 =	vld [tilespmem:s20+$0xC0];
	_ =	sdelay $0x1  }
0x14b: {  	v7 =	vadd.s32 v0, v5  }
0x14c: {  	v8 =	vbroadcast v3, $0xE;
	_ =	sdelay $0x1  }
0x14d: {  	v6 =	vmul.f32 v6, v8;
	_ =	sdelay $0x1  }
0x14e: {  	[tilespmem:v7+s3+$0x0] =	vst.idx.add.f32.msk $0xffff, v6  }
0x14f: {  	v6 =	vld [tilespmem:s20+$0xD0];
	_ =	sdelay $0x1  }
0x150: {  	v5 =	vadd.s32 v2, v5;
	_ =	sdelay $0x2  }
0x151: {  	v6 =	vmul.f32 v6, v8;
	_ =	sdelay $0x1  }
0x152: {  	[tilespmem:v5+s3+$0x0] =	vst.idx.add.f32.msk $0xffff, v6  }
0x153: {  	v5 =	vld [tilespmem:s20+$0xE0];
	_ =	sdelay $0x1  }
0x154: {  	v6 =	vadd.s32 v0, v4  }
0x155: {  	v7 =	vbroadcast v3, $0xF;
	_ =	sdelay $0x1  }
0x156: {  	v3 =	vmul.f32 v5, v7;
	_ =	sdelay $0x1  }
0x157: {  	[tilespmem:v6+s3+$0x0] =	vst.idx.add.f32.msk $0xffff, v3  }
0x158: {  	v5 =	vld [tilespmem:s20+$0xF0]  }
.Ltmp1:
0x159: {  	(pc) =	sbr.rel @p0 .LBB2_5-.Ltmp1, $2  }
0x15a: {  	v3 =	vadd.s32 v2, v4;
	_ =	sdelay $0x2  }
0x15b: {  	s23 =	smov.u32 s22;
	v4 =	vmul.f32 v5, v7  }
0x15c: {  	_ =	sdelay $0x3  }
0x15d: {  	s21 =	sshra.s32 s21, $0x2;
	[tilespmem:v3+s3+$0x0] =	vst.idx.add.f32.msk $0xffff, v4  }
0x15e: {  	v4 =	vld [tilespmem:s21+$0xC880];
	_ =	sdelay $0x2  }
0x15f: {  	v3 =	vld [tilespmem:s21+$0xC900]  }
0x160: {  	s20 =	sadd.s32 $0x200, s20  }
0x161: {  	v6 =	vld [tilespmem:s20+$0xFFFFFF00];
	v5 =	vbroadcast v4, $0x0;
	_ =	sdelay $0x1  }
0x162: {  	v7 =	vadd.s32 v0, v5  }
0x163: {  	v8 =	vbroadcast v3, $0x0;
	_ =	sdelay $0x1  }
0x164: {  	v6 =	vmul.f32 v6, v8;
	_ =	sdelay $0x1  }
0x165: {  	[tilespmem:v7+s3+$0x0] =	vst.idx.add.f32.msk $0xffff, v6  }
0x166: {  	v6 =	vld [tilespmem:s20+$0xFFFFFF10];
	_ =	sdelay $0x1  }
0x167: {  	v5 =	vadd.s32 v2, v5;
	_ =	sdelay $0x2  }
0x168: {  	v6 =	vmul.f32 v6, v8;
	_ =	sdelay $0x1  }
0x169: {  	[tilespmem:v5+s3+$0x0] =	vst.idx.add.f32.msk $0xffff, v6  }
0x16a: {  	v21 =	vbroadcast v4, $0x1;
	v6 =	vld [tilespmem:s20+$0xFFFFFF20];
	_ =	sdelay $0x1  }
0x16b: {  	v22 =	vadd.s32 v0, v21  }
0x16c: {  	v23 =	vbroadcast v3, $0x1;
	_ =	sdelay $0x1  }
0x16d: {  	v6 =	vmul.f32 v6, v23;
	_ =	sdelay $0x1  }
0x16e: {  	[tilespmem:v22+s3+$0x0] =	vst.idx.add.f32.msk $0xffff, v6  }
0x16f: {  	v6 =	vld [tilespmem:s20+$0xFFFFFF30];
	_ =	sdelay $0x1  }
0x170: {  	v5 =	vadd.s32 v2, v21;
	_ =	sdelay $0x2  }
0x171: {  	v6 =	vmul.f32 v6, v23;
	_ =	sdelay $0x1  }
0x172: {  	[tilespmem:v5+s3+$0x0] =	vst.idx.add.f32.msk $0xffff, v6  }
0x173: {  	v24 =	vbroadcast v4, $0x2;
	v6 =	vld [tilespmem:s20+$0xFFFFFF40];
	_ =	sdelay $0x1  }
0x174: {  	v25 =	vadd.s32 v0, v24  }
0x175: {  	v26 =	vbroadcast v3, $0x2;
	_ =	sdelay $0x1  }
0x176: {  	v6 =	vmul.f32 v6, v26;
	_ =	sdelay $0x1  }
0x177: {  	[tilespmem:v25+s3+$0x0] =	vst.idx.add.f32.msk $0xffff, v6  }
0x178: {  	v6 =	vld [tilespmem:s20+$0xFFFFFF50];
	_ =	sdelay $0x1  }
0x179: {  	v5 =	vadd.s32 v2, v24;
	_ =	sdelay $0x2  }
0x17a: {  	v6 =	vmul.f32 v6, v26;
	_ =	sdelay $0x1  }
0x17b: {  	[tilespmem:v5+s3+$0x0] =	vst.idx.add.f32.msk $0xffff, v6  }
0x17c: {  	v27 =	vbroadcast v4, $0x3;
	v6 =	vld [tilespmem:s20+$0xFFFFFF60];
	_ =	sdelay $0x1  }
0x17d: {  	v28 =	vadd.s32 v0, v27  }
0x17e: {  	v29 =	vbroadcast v3, $0x3;
	_ =	sdelay $0x1  }
0x17f: {  	v6 =	vmul.f32 v6, v29;
	_ =	sdelay $0x1  }
0x180: {  	[tilespmem:v28+s3+$0x0] =	vst.idx.add.f32.msk $0xffff, v6  }
0x181: {  	v6 =	vld [tilespmem:s20+$0xFFFFFF70];
	_ =	sdelay $0x1  }
0x182: {  	v5 =	vadd.s32 v2, v27;
	_ =	sdelay $0x2  }
0x183: {  	v6 =	vmul.f32 v6, v29;
	_ =	sdelay $0x1  }
0x184: {  	[tilespmem:v5+s3+$0x0] =	vst.idx.add.f32.msk $0xffff, v6  }
0x185: {  	v30 =	vbroadcast v4, $0x4;
	v6 =	vld [tilespmem:s20+$0xFFFFFF80];
	_ =	sdelay $0x1  }
0x186: {  	v31 =	vadd.s32 v0, v30  }
0x187: {  	v32 =	vbroadcast v3, $0x4;
	_ =	sdelay $0x1  }
0x188: {  	v6 =	vmul.f32 v6, v32;
	_ =	sdelay $0x1  }
0x189: {  	[tilespmem:v31+s3+$0x0] =	vst.idx.add.f32.msk $0xffff, v6  }
0x18a: {  	v6 =	vld [tilespmem:s20+$0xFFFFFF90];
	_ =	sdelay $0x1  }
0x18b: {  	v5 =	vadd.s32 v2, v30;
	_ =	sdelay $0x2  }
0x18c: {  	v6 =	vmul.f32 v6, v32;
	_ =	sdelay $0x1  }
0x18d: {  	[tilespmem:v5+s3+$0x0] =	vst.idx.add.f32.msk $0xffff, v6  }
0x18e: {  	v33 =	vbroadcast v4, $0x5;
	v6 =	vld [tilespmem:s20+$0xFFFFFFA0];
	_ =	sdelay $0x1  }
0x18f: {  	v34 =	vadd.s32 v0, v33  }
0x190: {  	v35 =	vbroadcast v3, $0x5;
	_ =	sdelay $0x1  }
0x191: {  	v6 =	vmul.f32 v6, v35;
	_ =	sdelay $0x1  }
0x192: {  	[tilespmem:v34+s3+$0x0] =	vst.idx.add.f32.msk $0xffff, v6  }
0x193: {  	v6 =	vld [tilespmem:s20+$0xFFFFFFB0];
	_ =	sdelay $0x1  }
0x194: {  	v5 =	vadd.s32 v2, v33;
	_ =	sdelay $0x2  }
0x195: {  	v6 =	vmul.f32 v6, v35;
	_ =	sdelay $0x1  }
0x196: {  	[tilespmem:v5+s3+$0x0] =	vst.idx.add.f32.msk $0xffff, v6  }
0x197: {  	v36 =	vbroadcast v4, $0x6;
	v6 =	vld [tilespmem:s20+$0xFFFFFFC0];
	_ =	sdelay $0x1  }
0x198: {  	v37 =	vadd.s32 v0, v36  }
0x199: {  	v38 =	vbroadcast v3, $0x6;
	_ =	sdelay $0x1  }
0x19a: {  	v6 =	vmul.f32 v6, v38;
	_ =	sdelay $0x1  }
0x19b: {  	[tilespmem:v37+s3+$0x0] =	vst.idx.add.f32.msk $0xffff, v6  }
0x19c: {  	v6 =	vld [tilespmem:s20+$0xFFFFFFD0];
	_ =	sdelay $0x1  }
0x19d: {  	v5 =	vadd.s32 v2, v36;
	_ =	sdelay $0x2  }
0x19e: {  	v6 =	vmul.f32 v6, v38;
	_ =	sdelay $0x1  }
0x19f: {  	[tilespmem:v5+s3+$0x0] =	vst.idx.add.f32.msk $0xffff, v6  }
0x1a0: {  	v39 =	vbroadcast v4, $0x7;
	v6 =	vld [tilespmem:s20+$0xFFFFFFE0];
	_ =	sdelay $0x1  }
0x1a1: {  	v40 =	vadd.s32 v0, v39  }
0x1a2: {  	v41 =	vbroadcast v3, $0x7;
	_ =	sdelay $0x1  }
0x1a3: {  	v6 =	vmul.f32 v6, v41;
	_ =	sdelay $0x1  }
0x1a4: {  	[tilespmem:v40+s3+$0x0] =	vst.idx.add.f32.msk $0xffff, v6  }
0x1a5: {  	v6 =	vld [tilespmem:s20+$0xFFFFFFF0];
	_ =	sdelay $0x1  }
0x1a6: {  	v5 =	vadd.s32 v2, v39;
	_ =	sdelay $0x2  }
0x1a7: {  	v6 =	vmul.f32 v6, v41;
	_ =	sdelay $0x1  }
0x1a8: {  	[tilespmem:v5+s3+$0x0] =	vst.idx.add.f32.msk $0xffff, v6  }
0x1a9: {  	v42 =	vbroadcast v4, $0x8;
	v6 =	vld [tilespmem:s20+$0x0];
	_ =	sdelay $0x1  }
0x1aa: {  	v43 =	vadd.s32 v0, v42  }
0x1ab: {  	v44 =	vbroadcast v3, $0x8;
	_ =	sdelay $0x1  }
0x1ac: {  	v6 =	vmul.f32 v6, v44;
	_ =	sdelay $0x1  }
0x1ad: {  	[tilespmem:v43+s3+$0x0] =	vst.idx.add.f32.msk $0xffff, v6  }
0x1ae: {  	v6 =	vld [tilespmem:s20+$0x10];
	_ =	sdelay $0x1  }
0x1af: {  	v5 =	vadd.s32 v2, v42;
	_ =	sdelay $0x2  }
0x1b0: {  	v6 =	vmul.f32 v6, v44;
	_ =	sdelay $0x1  }
0x1b1: {  	[tilespmem:v5+s3+$0x0] =	vst.idx.add.f32.msk $0xffff, v6  }
0x1b2: {  	v45 =	vbroadcast v4, $0x9;
	v6 =	vld [tilespmem:s20+$0x20];
	_ =	sdelay $0x1  }
0x1b3: {  	v46 =	vadd.s32 v0, v45  }
0x1b4: {  	v47 =	vbroadcast v3, $0x9;
	_ =	sdelay $0x1  }
0x1b5: {  	v6 =	vmul.f32 v6, v47;
	_ =	sdelay $0x1  }
0x1b6: {  	[tilespmem:v46+s3+$0x0] =	vst.idx.add.f32.msk $0xffff, v6  }
0x1b7: {  	v6 =	vld [tilespmem:s20+$0x30];
	_ =	sdelay $0x1  }
0x1b8: {  	v5 =	vadd.s32 v2, v45;
	_ =	sdelay $0x2  }
0x1b9: {  	v6 =	vmul.f32 v6, v47;
	_ =	sdelay $0x1  }
0x1ba: {  	[tilespmem:v5+s3+$0x0] =	vst.idx.add.f32.msk $0xffff, v6  }
0x1bb: {  	v48 =	vbroadcast v4, $0xA;
	v6 =	vld [tilespmem:s20+$0x40];
	_ =	sdelay $0x1  }
0x1bc: {  	v49 =	vadd.s32 v0, v48  }
0x1bd: {  	v50 =	vbroadcast v3, $0xA;
	_ =	sdelay $0x1  }
0x1be: {  	v6 =	vmul.f32 v6, v50;
	_ =	sdelay $0x1  }
0x1bf: {  	[tilespmem:v49+s3+$0x0] =	vst.idx.add.f32.msk $0xffff, v6  }
0x1c0: {  	v6 =	vld [tilespmem:s20+$0x50];
	_ =	sdelay $0x1  }
0x1c1: {  	v5 =	vadd.s32 v2, v48;
	_ =	sdelay $0x2  }
0x1c2: {  	v6 =	vmul.f32 v6, v50;
	_ =	sdelay $0x1  }
0x1c3: {  	[tilespmem:v5+s3+$0x0] =	vst.idx.add.f32.msk $0xffff, v6  }
0x1c4: {  	v51 =	vbroadcast v4, $0xB;
	v6 =	vld [tilespmem:s20+$0x60];
	_ =	sdelay $0x1  }
0x1c5: {  	v52 =	vadd.s32 v0, v51  }
0x1c6: {  	v53 =	vbroadcast v3, $0xB;
	_ =	sdelay $0x1  }
0x1c7: {  	v6 =	vmul.f32 v6, v53;
	_ =	sdelay $0x1  }
0x1c8: {  	[tilespmem:v52+s3+$0x0] =	vst.idx.add.f32.msk $0xffff, v6  }
0x1c9: {  	v6 =	vld [tilespmem:s20+$0x70];
	_ =	sdelay $0x1  }
0x1ca: {  	v5 =	vadd.s32 v2, v51;
	_ =	sdelay $0x2  }
0x1cb: {  	v6 =	vmul.f32 v6, v53;
	_ =	sdelay $0x1  }
0x1cc: {  	[tilespmem:v5+s3+$0x0] =	vst.idx.add.f32.msk $0xffff, v6  }
0x1cd: {  	v54 =	vbroadcast v4, $0xC;
	v6 =	vld [tilespmem:s20+$0x80];
	_ =	sdelay $0x1  }
0x1ce: {  	v55 =	vadd.s32 v0, v54  }
0x1cf: {  	v56 =	vbroadcast v3, $0xC;
	_ =	sdelay $0x1  }
0x1d0: {  	v6 =	vmul.f32 v6, v56;
	_ =	sdelay $0x1  }
0x1d1: {  	[tilespmem:v55+s3+$0x0] =	vst.idx.add.f32.msk $0xffff, v6  }
0x1d2: {  	v6 =	vld [tilespmem:s20+$0x90];
	_ =	sdelay $0x1  }
0x1d3: {  	v5 =	vadd.s32 v2, v54;
	_ =	sdelay $0x2  }
0x1d4: {  	v6 =	vmul.f32 v6, v56;
	_ =	sdelay $0x1  }
0x1d5: {  	[tilespmem:v5+s3+$0x0] =	vst.idx.add.f32.msk $0xffff, v6  }
0x1d6: {  	v57 =	vbroadcast v4, $0xD;
	v6 =	vld [tilespmem:s20+$0xA0];
	_ =	sdelay $0x1  }
0x1d7: {  	v58 =	vadd.s32 v0, v57  }
0x1d8: {  	v59 =	vbroadcast v3, $0xD;
	_ =	sdelay $0x1  }
0x1d9: {  	v6 =	vmul.f32 v6, v59;
	_ =	sdelay $0x1  }
0x1da: {  	[tilespmem:v58+s3+$0x0] =	vst.idx.add.f32.msk $0xffff, v6  }
0x1db: {  	v6 =	vld [tilespmem:s20+$0xB0];
	_ =	sdelay $0x1  }
0x1dc: {  	v5 =	vadd.s32 v2, v57;
	_ =	sdelay $0x2  }
0x1dd: {  	v6 =	vmul.f32 v6, v59;
	_ =	sdelay $0x1  }
0x1de: {  	[tilespmem:v5+s3+$0x0] =	vst.idx.add.f32.msk $0xffff, v6  }
0x1df: {  	v60 =	vbroadcast v4, $0xE;
	v6 =	vld [tilespmem:s20+$0xC0];
	_ =	sdelay $0x1  }
0x1e0: {  	v61 =	vadd.s32 v0, v60  }
0x1e1: {  	v62 =	vbroadcast v3, $0xE;
	_ =	sdelay $0x1  }
0x1e2: {  	v6 =	vmul.f32 v6, v62;
	_ =	sdelay $0x1  }
0x1e3: {  	[tilespmem:v61+s3+$0x0] =	vst.idx.add.f32.msk $0xffff, v6  }
0x1e4: {  	v6 =	vld [tilespmem:s20+$0xD0];
	_ =	sdelay $0x1  }
0x1e5: {  	v5 =	vadd.s32 v2, v60;
	_ =	sdelay $0x2  }
0x1e6: {  	v6 =	vmul.f32 v6, v62;
	_ =	sdelay $0x1  }
0x1e7: {  	[tilespmem:v5+s3+$0x0] =	vst.idx.add.f32.msk $0xffff, v6  }
0x1e8: {  	v4 =	vbroadcast v4, $0xF;
	v5 =	vld [tilespmem:s20+$0xE0];
	_ =	sdelay $0x1  }
0x1e9: {  	v63 =	vadd.s32 v0, v4  }
0x1ea: {  	v3 =	vbroadcast v3, $0xF;
	_ =	sdelay $0x1  }
0x1eb: {  	v5 =	vmul.f32 v5, v3;
	_ =	sdelay $0x1  }
0x1ec: {  	[tilespmem:v63+s3+$0x0] =	vst.idx.add.f32.msk $0xffff, v5  }
0x1ed: {  	v5 =	vld [tilespmem:s20+$0xF0]  }
0x1ee: {  	s19 =	sadd.s32 $0x1, s19  }
0x1ef: {  	p0 =	sne.s32 s19, $0x3F;
	v4 =	vadd.s32 v2, v4  }
.Ltmp2:
0x1f0: {  	_ = 	snop;
	(pc) =	sbr.rel @p0 .LBB2_4-.Ltmp2, $3  }
0x1f1: {  	_ = 	snop  }
0x1f2: {  	v3 =	vmul.f32 v5, v3;
	_ =	sdelay $0x1  }
0x1f3: {  	[tilespmem:v4+s3+$0x0] =	vst.idx.add.f32.msk $0xffff, v3  }
0x1f4: {  	s17 =	sadd.s32 $0x1, s17  }
0x1f5: {  	p0 =	sne.s32 s17, s9  }
.Ltmp3:
0x1f6: {  	_ = 	snop;
	(pc) =	sbr.rel @p0 .LBB2_1-.Ltmp3, $4  }
0x1f7: {  	[hbm4b:s8+s3] =	stream.linear.scatter [tilespmem:s3], [sflag:$0x2], $0xC800, $0x38;
	[tilespmem:$0xD980] =	vst v63  }
0x1f8: {  	_ =	swait.ge [sflag:s11], $0xC800  }
0x1f9: {  	[sflag:s11] =	ssyncset.done $0x0  }
0x1fa: {  	[sflag:s11] =	ssyncadd.s32 $0xFFFF3800  }
0x1fb: {  	_ =	sfence.sel $0x180000  }
0x1fc: {  	[bflag:$0x0] =	sbarrier.arrive $0xFFFF  }
0x1fd: {  	p0 =	sne.s32 s0, $0x0;
	_ =	strace $0x9000004D  }
0x1fe: {  	s0 =	sadd.s32 @!p0 $0x100000, s1;
	[bflag:$0x2] =	sbarrier.arrive $0xFFFF  }
0x1ff: {  	[sflag:s0] =	ssyncadd.tile.s32 @!p0 $0x1;
	_ =	shalt  }
.Lfunc_end2:
_tile_overlayer_lowered:
.L_overlay_start_2:
0x200: {  	(tag) =	ssettag $0x2  }
0x201: {  	s0 =	rddreg [dreg:$0x0];
	s2 =	stileid.u32  }
0x202: {  	s1 =	rddreg [dreg:$0x1];
	p0 =	sne.s32 s2, $0x0  }
0x203: {  	s3 =	rddreg [dreg:$0x2];
	[bflag:$0x3] =	sbarrier.arrive $0xFFFF;
	s2 =	simm.s32 @!p0 $0x1C02  }
0x204: {  	[timem:s3], [sflag:s2] =	dma.local @!p0 [hbm:s0], s1  }
0x205: {  	s0 =	simm.s32 @!p0 $0x2  }
0x206: {  	_ =	swait.ge @!p0 [sflag:s0], s1  }
0x207: {  	s1 =	ssub.s32 @!p0 $0x0, s1;
	[sflag:s0] =	ssyncset.done @!p0 $0x0  }
0x208: {  	[sflag:s0] =	ssyncadd.s32 @!p0 s1  }
0x209: {  	[bflag:$0x3] =	sbarrier.arrive $0xFFFF  }
0x20a: {  	_ =	shalt  }

// kernel: kernel.8.cloned.1.call-start
scs
__scs_entry_jumppad:
0x0: {  	(pc) =	sbr.rel $0x88, $3  }
0x1: {  	(tag) =	ssettag $0x0;
	lr =	simm.s32 $0x1  }
0x2: {  	[smem:$0x3F94] =	sst lr;
	_ =	strace $0xD0000000  }
0x3: {  	_ = 	snop  }
0x4: {  	_ = 	snop  }
0x5: {  	_ = 	snop  }
0x6: {  	_ = 	snop  }
0x7: {  	_ = 	snop  }
__scs_overlays_trampoline_lowered:
0x8: {  	[smem:$0x3FA3] =	sst s0  }
0x9: {  	[smem:$0x3FA4] =	sst s1  }
0xa: {  	[smem:$0x3FA5] =	sst s2  }
0xb: {  	[smem:$0x3FA6] =	sst s3  }
0xc: {  	[smem:$0x3FA7] =	sst s4  }
0xd: {  	[smem:$0x3FA8] =	sst s5  }
0xe: {  	[smem:$0x3FA9] =	sst s6  }
0xf: {  	[smem:$0x3FAA] =	sst s7  }
0x10: {  	[smem:$0x3FAB] =	sst s8  }
0x11: {  	[smem:$0x3FAC] =	sst s9;
	s0 =	simm.s32 @!p0 $0x0  }
0x12: {  	s1 =	sld [smem:$0x3F92];
	s0 =	simm.s32 @p0 $0x1  }
0x13: {  	[smem:$0x3FAD] =	sst s0;
	s0 =	simm.s32 @!p1 $0x0  }
0x14: {  	s2 =	sld [smem:$0x3F91];
	s0 =	simm.s32 @p1 $0x1  }
0x15: {  	[smem:$0x3FAE] =	sst s0;
	s0 =	simm.s32 @!p2 $0x0  }
0x16: {  	s3 =	sld [smem:$0x3FDB];
	s0 =	simm.s32 @p2 $0x1  }
0x17: {  	s4 =	simm.s32 $0x1BF5;
	[smem:$0x3FB0] =	sst s0  }
0x18: {  	s0 =	sld [smem:$0x3F93];
	_ =	swait.ge [sflag:s4], $0x0  }
0x19: {  	s7 =	sld [smem:$0x3F94]  }
0x1a: {  	s8 =	sadd.s32 $0xFFFFE003, lr  }
0x1b: {  	s9 =	sadd.s32 $0xFFFFFEF7, lr;
	s5 =	simm.s32 $0xFFFFFFFF;
	p2 =	slt.u32 s8, $0xFFFFF086  }
0x1c: {  	p1 =	slt.u32 s9, $0xF7A;
	s5 =	simm.s32 @!p2 $0x0  }
0x1d: {  	s5 =	simm.s32 @p1 $0x1;
	p0 =	seq.s32 s7, s2  }
0x1e: {  	s7 =	smul.u32 @!p0 $0xF7A, s2;
	p2 =	seq.s32 @!p0 s5, $0x0  }
0x1f: {  	s9 =	smul.u32 $0xF7A, s1;
	s8 =	simm.s32 @!p0 $0x1BF5;
	p2 =	por !p2, p0  }
0x20: {  	[sflag:s8] =	ssyncset.s32 @!p0 $0xFFFFF086;
	s6 =	sadd.s32 @!p0 s3, s7;
	s7 =	simm.s32 @!p0 $0x108  }
0x21: {  	s3 =	sadd.s32 s3, s9;
	s6 =	sadd.s32 @!p0 $0x88, s6;
	s7 =	simm.s32 @p2 $0x1082  }
0x22: {  	[simem:s7], [sflag:s8] =	dma.local @!p0 [hbm:s6], $0xF7A  }
0x23: {  	s9 =	sor.u32 $0xD0000000, s2;
	s6 =	simm.s32 $0x108;
	_ =	swait.ge @!p0 [sflag:s8], $0x0  }
0x24: {  	s3 =	sadd.s32 $0x88, s3;
	s6 =	simm.s32 @!p1 $0x1082;
	[sflag:s4] =	ssyncset.s32 $0xFFFFF086  }
0x25: {  	[simem:s6], [sflag:s4] =	dma.local [hbm:s3], $0xF7A  }
0x26: {  	[smem:$0x3F94] =	sst s1;
	(tag) =	ssettag s2;
	_ =	strace s9  }
0x27: {  	s1 =	sld [smem:$0x3FA4]  }
0x28: {  	s2 =	sld [smem:$0x3FA5]  }
0x29: {  	s4 =	sld [smem:$0x3FA7]  }
0x2a: {  	p0 =	seq.s32 s5, $0x0;
	s5 =	sld [smem:$0x3FA8]  }
0x2b: {  	s6 =	sld [smem:$0x3FA9]  }
0x2c: {  	s7 =	sld [smem:$0x3FAA]  }
0x2d: {  	s3 =	simm.s32 $0x108;
	s8 =	sld [smem:$0x3FAB]  }
0x2e: {  	s3 =	simm.s32 @!p0 $0x1082;
	s9 =	sld [smem:$0x3FAC]  }
0x2f: {  	lr =	sadd.s32 s0, s3;
	s0 =	sld [smem:$0x3FA3]  }
0x30: {  	s3 =	sld [smem:$0x3FA6]  }
0x31: {  	[smem:$0x3FAF] =	sst s10  }
0x32: {  	s10 =	sld [smem:$0x3FAD];
	_ =	sdelay $0x3  }
0x33: {  	p0 =	seq.s32 s10, $0x1;
	s10 =	sld [smem:$0x3FAF];
	_ =	sdelay $0x3  }
0x34: {  	[smem:$0x3FAF] =	sst s10  }
0x35: {  	s10 =	sld [smem:$0x3FAE];
	_ =	sdelay $0x3  }
0x36: {  	p1 =	seq.s32 s10, $0x1;
	s10 =	sld [smem:$0x3FAF];
	_ =	sdelay $0x3  }
0x37: {  	[smem:$0x3FAF] =	sst s10  }
0x38: {  	s10 =	sld [smem:$0x3FB0]  }
0x39: {  	_ = 	snop;
	(pc) =	sbr.ind lr, $3  }
0x3a: {  	_ = 	snop  }
0x3b: {  	_ = 	snop  }
0x3c: {  	p2 =	seq.s32 s10, $0x1;
	s10 =	sld [smem:$0x3FAF]  }
0x3d: {  	_ =	shalt  }
0x3e: {  	_ =	shalt  }
0x3f: {  	_ =	shalt  }
0x40: {  	_ =	shalt  }
0x41: {  	_ =	shalt  }
0x42: {  	_ =	shalt  }
0x43: {  	_ =	shalt  }
0x44: {  	_ =	shalt  }
0x45: {  	_ =	shalt  }
0x46: {  	_ =	shalt  }
0x47: {  	_ =	shalt  }
0x48: {  	_ =	shalt  }
0x49: {  	_ =	shalt  }
0x4a: {  	_ =	shalt  }
0x4b: {  	_ =	shalt  }
0x4c: {  	_ =	shalt  }
0x4d: {  	_ =	shalt  }
0x4e: {  	_ =	shalt  }
0x4f: {  	_ =	shalt  }
0x50: {  	_ =	shalt  }
0x51: {  	_ =	shalt  }
0x52: {  	_ =	shalt  }
0x53: {  	_ =	shalt  }
0x54: {  	_ =	shalt  }
0x55: {  	_ =	shalt  }
0x56: {  	_ =	shalt  }
0x57: {  	_ =	shalt  }
0x58: {  	_ =	shalt  }
0x59: {  	_ =	shalt  }
0x5a: {  	_ =	shalt  }
0x5b: {  	_ =	shalt  }
0x5c: {  	_ =	shalt  }
0x5d: {  	_ =	shalt  }
0x5e: {  	_ =	shalt  }
0x5f: {  	_ =	shalt  }
0x60: {  	_ =	shalt  }
0x61: {  	_ =	shalt  }
0x62: {  	_ =	shalt  }
0x63: {  	_ =	shalt  }
0x64: {  	_ =	shalt  }
0x65: {  	_ =	shalt  }
0x66: {  	_ =	shalt  }
0x67: {  	_ =	shalt  }
0x68: {  	_ =	shalt  }
0x69: {  	_ =	shalt  }
0x6a: {  	_ =	shalt  }
0x6b: {  	_ =	shalt  }
0x6c: {  	_ =	shalt  }
0x6d: {  	_ =	shalt  }
0x6e: {  	_ =	shalt  }
0x6f: {  	_ =	shalt  }
0x70: {  	_ =	shalt  }
0x71: {  	_ =	shalt  }
0x72: {  	_ =	shalt  }
0x73: {  	_ =	shalt  }
0x74: {  	_ =	shalt  }
0x75: {  	_ =	shalt  }
0x76: {  	_ =	shalt  }
0x77: {  	_ =	shalt  }
0x78: {  	_ =	shalt  }
0x79: {  	_ =	shalt  }
0x7a: {  	_ =	shalt  }
0x7b: {  	_ =	shalt  }
0x7c: {  	_ =	shalt  }
0x7d: {  	_ =	shalt  }
0x7e: {  	_ =	shalt  }
0x7f: {  	_ =	shalt  }
0x80: {  	_ =	shalt  }
0x81: {  	_ =	shalt  }
0x82: {  	_ =	shalt  }
0x83: {  	_ =	shalt  }
0x84: {  	_ =	shalt  }
0x85: {  	_ =	shalt  }
0x86: {  	_ =	shalt  }
0x87: {  	_ =	shalt  }
.Lfunc_end0:
.L_simem_size_0:
called_computation_lowered:
.L_overlay_start_0:
0x88: {  	s2 =	sld [smem:$0x3FD9]  }
0x89: {  	s3 =	sld [smem:$0x3FFE];
	_ =	sdelay $0x1  }
0x8a: {  	s1 =	srdreg.scid  }
0x8b: {  	s0 =	sand.u32 $0x1, s1  }
0x8c: {  	s17 =	sshll.u32 s0, $0xA;
	s2 =	sadd.s32 s3, s2  }
0x8d: {  	s2 =	sadd.s32 s2, s17  }
0x8e: {  	[smem:$0x3FBB] =	sst s2  }
0x8f: {  	_ = 	snop  }
0x90: {  	s2 =	sld [smem:$0x3FD0];
	(tm) =	ssettm $0x1  }
0x91: {  	s18 =	sld [smem:$0x3FFB];
	_ =	sdelay $0x3  }
0x92: {  	_ =	strace s18  }
0x93: {  	s3 =	sld [smem:$0x3FFC];
	_ =	sdelay $0x3  }
0x94: {  	_ =	strace s3  }
0x95: {  	s3 =	sld [smem:$0x3FFD];
	_ =	sdelay $0x3  }
0x96: {  	_ =	strace s3  }
0x97: {  	_ =	strace $0x8FFFFFFF  }
0x98: {  	s19 =	sld [smem:$0x3FDB];
	_ =	sdelay $0x1  }
0x99: {  	s4 =	simm.s32 $_scs_section_size  }
0x9a: {  	s5 =	simm.s32 $_size__tile_overlayer_lowered;
	s6 =	simm.s32 $_tile_overlayer_lowered  }
0x9b: {  	s22 =	simm.s32 $0x1BFF;
	s21 =	sshll.u32 s6, $0x1;
	s3 =	sadd.s32 s4, s19  }
0x9c: {  	s7 =	simm.s32 $0x0;
	s20 =	sshll.u32 s5, $0x1;
	s5 =	sadd.s32 s21, s3  }
0x9d: {  	[timem:s7], [sflag:s22] =	dma.local [hbm:s5], s20  }
0x9e: {  	_ =	swait.ge [sflag:s22], s20  }
0x9f: {  	s4 =	ssub.s32 $0x0, s20;
	[sflag:s22] =	ssyncset.done $0x0  }
0xa0: {  	[sflag:s22] =	ssyncadd.s32 s4;
	_ =	sdelay $0x1  }
0xa1: {  	s23 =	simm.s32 $0x1B8B  }
0xa2: {  	_ =	swait.ge [sflag:s23], $0x1  }
0xa3: {  	[sflag:s23] =	ssyncset.done $0x0  }
0xa4: {  	s25 =	simm.s32 $0x1B8E;
	s24 =	sld [smem:$0x3FFE];
	[sflag:s23] =	ssyncadd.s32 $0xFFFFFFFF  }
0xa5: {  	s26 =	simm.s32 $execute0_lowered;
	[smem:$0x3FD2] =	sst s25  }
0xa6: {  	s5 =	sshll.u32 s26, $0x1;
	_ =	strace $0x80000046;
	[dreg:$0x1] =	wrdreg $0xFFFFFFFF  }
0xa7: {  	s28 =	simm.s32 $_size_execute0_lowered;
	s3 =	sadd.s32 s3, s5;
	[dreg:$0x0] =	wrdreg $0x0  }
0xa8: {  	s5 =	sshll.u32 s28, $0x1;
	[dreg:$0x2] =	wrdreg s3  }
0xa9: {  	[dreg:$0x3] =	wrdreg s5  }
0xaa: {  	[dreg:$0x4] =	wrdreg $0xC0  }
0xab: {  	_ =	task [dreg:s7], $0x5FFFF  }
0xac: {  	[dreg:$0x1] =	wrdreg $0xFFFFFFFF  }
0xad: {  	[dreg:$0x0] =	wrdreg $0x60  }
0xae: {  	[dreg:$0x2] =	wrdreg s24  }
0xaf: {  	[dreg:$0x3] =	wrdreg s2  }
0xb0: {  	[dreg:$0x4] =	wrdreg $0x9  }
0xb1: {  	_ =	task.clear_ibuf [dreg:s7], $0x5FFFF;
	_ =	strace $0x90000046  }
0xb2: {  	s29 =	simm.s32 $0x9;
	_ =	strace $0x80000048  }
0xb3: {  	_ =	swait.ge [sflag:s29], $0x1  }
0xb4: {  	[sflag:s29] =	ssyncadd.s32 $0xFFFFFFFF  }
0xb5: {  	_ =	strace $0x90000048  }
0xb6: {  	_ =	sfence  }
0xb7: {  	s30 =	sld [smem:$0x0];
	_ =	sdelay $0x2  }
0xb8: {  	s31 =	sshll.u32 s1, $0xD;
	s1 =	sshrl.u32 s1, $0x2  }
0xb9: {  	s3 =	sand.u32 $0x4000, s31;
	s1 =	sadd.s32 s1, s30  }
0xba: {  	s0 =	sor.u32 s3, s0;
	s1 =	sshll.u32 s1, $0x11  }
0xbb: {  	s0 =	sor.u32 s1, s0  }
0xbc: {  	s0 =	sadd.s32 $0x8F2B, s0  }
0xbd: {  	[sflag:s0] =	ssyncadd.remote.s32 $0x1  }
0xbe: {  	_ =	sfence.sel $0xFFFF  }
0xbf: {  	[dreg:$0x0] =	wrdreg $0xFFFFFFFF;
	(pc) =	sbr.abs _section_cstart, $3  }
0xc0: {  	[dreg:$0x1] =	wrdreg $0xFFFFFFFF  }
0xc1: {  	_ =	task.clear_ibuf [dreg:s7], $0x2FFFF;
	_ =	strace $0x9FFFFFFF  }
0xc2: {  	(tm) =	ssettm $0x7FFFFFFF  }
0xc3: {  	_ =	shalt  }
tec
execute0_lowered:
.L_overlay_start_1:
0x0: {  	(tag) =	ssettag $0x1  }
0x1: {  	s0 =	stileid.u32  }
0x2: {  	s6 =	rddreg [dreg:$0x0];
	s1 =	srdreg.scid;
	s3 =	simm.s32 $0x0  }
0x3: {  	s12 =	simm.s32 $0x19080;
	s13 =	simm.s32 $0x19100;
	s14 =	simm.s32 $0x80  }
0x4: {  	s15 =	simm.s32 $0x19180;
	s16 =	simm.s32 $0x1;
	s17 =	simm.s32 $0x0  }
0x5: {  	s2 =	sshll.u32 s0, $0x1;
	s4 =	sshrl.u32 s0, $0x1;
	s5 =	sand.u32 $0x1, s1  }
0x6: {  	s1 =	rddreg [dreg:$0x2];
	s31 =	sand.u32 $0x2, s2;
	s7 =	smul.u32 $0x186A0, s4  }
0x7: {  	[smem:$0x7FF] =	sst s3;
	s4 =	smul.u32 $0x19000, s4;
	s8 =	sor.u32 s5, s31  }
0x8: {  	s2 =	rddreg [dreg:$0x1];
	s10 =	ssub.s32 $0x2, s5;
	s9 =	smul.u32 $0xC8000, s8  }
0x9: {  	_ =	strace $0x80000047;
	s11 =	sshrl.u32 s10, $0x1;
	s5 =	sadd.s32 $0x2400, s6  }
0xa: {  	s7 =	sadd.s32 s7, s6;
	s10 =	ssub.s32 s10, s11;
	s9 =	sadd.s32 s4, s9  }
0xb: {  	s11 =	simm.s32 $0x2;
	s7 =	sadd.s32 $0x30F800, s7;
	s9 =	sshrl.u32 s9, $0x3  }
0xc: {  	v0 =	vlaneseq.u32;
	s4 =	sadd.s32 $0x7400, s6;
	s9 =	sadd.s32 s9, s6;
	s6 =	smul.u32 $0x9C80, s8  }
0xd: {  	v1 =	vimm.f32 $0.0e+00;
	v2 =	vor.u32 $0x10, v0;
	s8 =	sadd.s32 $0xC400, s9;
	s9 =	smax.u32 s10, $0x1;
	s10 =	simm.s32 $0x19000  }
.LBB2_1:
0xe: {  	s19 =	simm.s32 $0x0;
	s18 =	simm.s32 $0x200  }
.LBB2_2:
0xf: {  	p0 =	sne.s32 s18, $0x63E00;
	[tilespmem:s19+$0x70] =	vst v1  }
0x10: {  	[tilespmem:s19+$0x0] =	vst v1  }
0x11: {  	[tilespmem:s19+$0x10] =	vst v1  }
.Ltmp0:
0x12: {  	[tilespmem:s19+$0x20] =	vst v1;
	(pc) =	sbr.rel @p0 .LBB2_2-.Ltmp0, $4  }
0x13: {  	[tilespmem:s19+$0x30] =	vst v1  }
0x14: {  	[tilespmem:s19+$0x40] =	vst v1  }
0x15: {  	[tilespmem:s19+$0x50] =	vst v1  }
0x16: {  	[tilespmem:s19+$0x60] =	vst v1;
	s19 =	sshra.s32 s18, $0x2;
	s18 =	sadd.s32 $0x200, s18  }
0x17: {  	[tilespmem:s19+$0x70] =	vst v1  }
0x18: {  	[tilespmem:s19+$0x0] =	vst v1  }
0x19: {  	[tilespmem:s19+$0x10] =	vst v1  }
0x1a: {  	[tilespmem:s19+$0x20] =	vst v1  }
0x1b: {  	[tilespmem:s19+$0x30] =	vst v1  }
0x1c: {  	[tilespmem:s19+$0x40] =	vst v1  }
0x1d: {  	[tilespmem:s19+$0x50] =	vst v1  }
0x1e: {  	s18 =	simm.s32 $0x0;
	[tilespmem:s19+$0x60] =	vst v1;
	s19 =	simm.s32 $0x0  }
.LBB2_4:
0x1f: {  	s20 =	sshll.u32 s19, $0x7  }
0x20: {  	s20 =	sadd.s32 s6, s20  }
0x21: {  	s20 =	sshrl.u32 s20, $0x3  }
0x22: {  	s21 =	sadd.s32 s4, s20  }
0x23: {  	[tilespmem:s10], [sflag:$0x2] =	stream.linear.gather [hbm4b:s21+s18], $0x80, $0x38;
	[tilespmem:$0x1A180] =	vst v63  }
0x24: {  	_ =	swait.ge [sflag:s11], $0x80  }
0x25: {  	[sflag:s11] =	ssyncset.done $0x0  }
0x26: {  	s30 =	sadd.s32 s2, s20;
	[sflag:s11] =	ssyncadd.s32 $0xFFFFFF80  }
0x27: {  	[tilespmem:s12], [sflag:$0x2] =	stream.linear.gather [hbm4b:s30+s18], $0x80, $0x38;
	[tilespmem:$0x1A180] =	vst v63  }
0x28: {  	_ =	swait.ge [sflag:s11], $0x80  }
0x29: {  	[sflag:s11] =	ssyncset.done $0x0  }
0x2a: {  	s20 =	sadd.s32 s5, s20;
	[sflag:s11] =	ssyncadd.s32 $0xFFFFFF80  }
0x2b: {  	[tilespmem:s13], [sflag:$0x2] =	stream.linear.gather [hbm4b:s20+s18], $0x80, $0x38;
	[tilespmem:$0x1A180] =	vst v63  }
0x2c: {  	_ =	swait.ge [sflag:s11], $0x80  }
0x2d: {  	[sflag:s11] =	ssyncset.done $0x0  }
0x2e: {  	[sflag:s11] =	ssyncadd.s32 $0xFFFFFF80  }
0x2f: {  	[tilespmem:s15], [sflag:$0x1] =	stream.indirect.gather [hbm4b:s7+s14], $0x20, s10, s14, $0xb8;
	[tilespmem:$0x1A180] =	vst v63  }
0x30: {  	_ =	swait.ge [sflag:s16], $0x1000  }
0x31: {  	[sflag:s16] =	ssyncset.done $0x0  }
0x32: {  	s31 =	simm.s32 $0x0;
	[sflag:s16] =	ssyncadd.s32 $0xFFFFF000  }
0x33: {  	v4 =	vld [tilespmem:s31+$0x19080];
	_ =	sdelay $0x2  }
0x34: {  	v3 =	vld [tilespmem:s31+$0x19100]  }
0x35: {  	s20 =	simm.s32 $0x19280  }
0x36: {  	v6 =	vld [tilespmem:s20+$0xFFFFFF00];
	v5 =	vbroadcast v4, $0x0;
	_ =	sdelay $0x1  }
0x37: {  	v7 =	vadd.s32 v0, v5  }
0x38: {  	v8 =	vbroadcast v3, $0x0;
	_ =	sdelay $0x1  }
0x39: {  	v6 =	vmul.f32 v6, v8;
	_ =	sdelay $0x1  }
0x3a: {  	[tilespmem:v7+s3+$0x0] =	vst.idx.add.f32.msk $0xffff, v6  }
0x3b: {  	v6 =	vld [tilespmem:s20+$0xFFFFFF10];
	_ =	sdelay $0x1  }
0x3c: {  	v5 =	vadd.s32 v2, v5;
	_ =	sdelay $0x2  }
0x3d: {  	v6 =	vmul.f32 v6, v8;
	_ =	sdelay $0x1  }
0x3e: {  	[tilespmem:v5+s3+$0x0] =	vst.idx.add.f32.msk $0xffff, v6  }
0x3f: {  	v5 =	vbroadcast v4, $0x1;
	v6 =	vld [tilespmem:s20+$0xFFFFFF20];
	_ =	sdelay $0x1  }
0x40: {  	v7 =	vadd.s32 v0, v5  }
0x41: {  	v50 =	vbroadcast v3, $0x1;
	_ =	sdelay $0x1  }
0x42: {  	v6 =	vmul.f32 v6, v50;
	_ =	sdelay $0x1  }
0x43: {  	[tilespmem:v7+s3+$0x0] =	vst.idx.add.f32.msk $0xffff, v6  }
0x44: {  	v6 =	vld [tilespmem:s20+$0xFFFFFF30];
	_ =	sdelay $0x1  }
0x45: {  	v5 =	vadd.s32 v2, v5;
	_ =	sdelay $0x2  }
0x46: {  	v6 =	vmul.f32 v6, v50;
	_ =	sdelay $0x1  }
0x47: {  	[tilespmem:v5+s3+$0x0] =	vst.idx.add.f32.msk $0xffff, v6  }
0x48: {  	v5 =	vbroadcast v4, $0x2;
	v6 =	vld [tilespmem:s20+$0xFFFFFF40];
	_ =	sdelay $0x1  }
0x49: {  	v7 =	vadd.s32 v0, v5  }
0x4a: {  	v51 =	vbroadcast v3, $0x2;
	_ =	sdelay $0x1  }
0x4b: {  	v6 =	vmul.f32 v6, v51;
	_ =	sdelay $0x1  }
0x4c: {  	[tilespmem:v7+s3+$0x0] =	vst.idx.add.f32.msk $0xffff, v6  }
0x4d: {  	v6 =	vld [tilespmem:s20+$0xFFFFFF50];
	_ =	sdelay $0x1  }
0x4e: {  	v5 =	vadd.s32 v2, v5;
	_ =	sdelay $0x2  }
0x4f: {  	v6 =	vmul.f32 v6, v51;
	_ =	sdelay $0x1  }
0x50: {  	[tilespmem:v5+s3+$0x0] =	vst.idx.add.f32.msk $0xffff, v6  }
0x51: {  	v5 =	vbroadcast v4, $0x3;
	v6 =	vld [tilespmem:s20+$0xFFFFFF60];
	_ =	sdelay $0x1  }
0x52: {  	v7 =	vadd.s32 v0, v5  }
0x53: {  	v52 =	vbroadcast v3, $0x3;
	_ =	sdelay $0x1  }
0x54: {  	v6 =	vmul.f32 v6, v52;
	_ =	sdelay $0x1  }
0x55: {  	[tilespmem:v7+s3+$0x0] =	vst.idx.add.f32.msk $0xffff, v6  }
0x56: {  	v6 =	vld [tilespmem:s20+$0xFFFFFF70];
	_ =	sdelay $0x1  }
0x57: {  	v5 =	vadd.s32 v2, v5;
	_ =	sdelay $0x2  }
0x58: {  	v6 =	vmul.f32 v6, v52;
	_ =	sdelay $0x1  }
0x59: {  	[tilespmem:v5+s3+$0x0] =	vst.idx.add.f32.msk $0xffff, v6  }
0x5a: {  	v5 =	vbroadcast v4, $0x4;
	v6 =	vld [tilespmem:s20+$0xFFFFFF80];
	_ =	sdelay $0x1  }
0x5b: {  	v7 =	vadd.s32 v0, v5  }
0x5c: {  	v53 =	vbroadcast v3, $0x4;
	_ =	sdelay $0x1  }
0x5d: {  	v6 =	vmul.f32 v6, v53;
	_ =	sdelay $0x1  }
0x5e: {  	[tilespmem:v7+s3+$0x0] =	vst.idx.add.f32.msk $0xffff, v6  }
0x5f: {  	v6 =	vld [tilespmem:s20+$0xFFFFFF90];
	_ =	sdelay $0x1  }
0x60: {  	v5 =	vadd.s32 v2, v5;
	_ =	sdelay $0x2  }
0x61: {  	v6 =	vmul.f32 v6, v53;
	_ =	sdelay $0x1  }
0x62: {  	[tilespmem:v5+s3+$0x0] =	vst.idx.add.f32.msk $0xffff, v6  }
0x63: {  	v5 =	vbroadcast v4, $0x5;
	v6 =	vld [tilespmem:s20+$0xFFFFFFA0];
	_ =	sdelay $0x1  }
0x64: {  	v7 =	vadd.s32 v0, v5  }
0x65: {  	v54 =	vbroadcast v3, $0x5;
	_ =	sdelay $0x1  }
0x66: {  	v6 =	vmul.f32 v6, v54;
	_ =	sdelay $0x1  }
0x67: {  	[tilespmem:v7+s3+$0x0] =	vst.idx.add.f32.msk $0xffff, v6  }
0x68: {  	v6 =	vld [tilespmem:s20+$0xFFFFFFB0];
	_ =	sdelay $0x1  }
0x69: {  	v5 =	vadd.s32 v2, v5;
	_ =	sdelay $0x2  }
0x6a: {  	v6 =	vmul.f32 v6, v54;
	_ =	sdelay $0x1  }
0x6b: {  	[tilespmem:v5+s3+$0x0] =	vst.idx.add.f32.msk $0xffff, v6  }
0x6c: {  	v5 =	vbroadcast v4, $0x6;
	v6 =	vld [tilespmem:s20+$0xFFFFFFC0];
	_ =	sdelay $0x1  }
0x6d: {  	v7 =	vadd.s32 v0, v5  }
0x6e: {  	v55 =	vbroadcast v3, $0x6;
	_ =	sdelay $0x1  }
0x6f: {  	v6 =	vmul.f32 v6, v55;
	_ =	sdelay $0x1  }
0x70: {  	[tilespmem:v7+s3+$0x0] =	vst.idx.add.f32.msk $0xffff, v6  }
0x71: {  	v6 =	vld [tilespmem:s20+$0xFFFFFFD0];
	_ =	sdelay $0x1  }
0x72: {  	v5 =	vadd.s32 v2, v5;
	_ =	sdelay $0x2  }
0x73: {  	v6 =	vmul.f32 v6, v55;
	_ =	sdelay $0x1  }
0x74: {  	[tilespmem:v5+s3+$0x0] =	vst.idx.add.f32.msk $0xffff, v6  }
0x75: {  	v5 =	vbroadcast v4, $0x7;
	v6 =	vld [tilespmem:s20+$0xFFFFFFE0];
	_ =	sdelay $0x1  }
0x76: {  	v7 =	vadd.s32 v0, v5  }
0x77: {  	v56 =	vbroadcast v3, $0x7;
	_ =	sdelay $0x1  }
0x78: {  	v6 =	vmul.f32 v6, v56;
	_ =	sdelay $0x1  }
0x79: {  	[tilespmem:v7+s3+$0x0] =	vst.idx.add.f32.msk $0xffff, v6  }
0x7a: {  	v6 =	vld [tilespmem:s20+$0xFFFFFFF0];
	_ =	sdelay $0x1  }
0x7b: {  	v5 =	vadd.s32 v2, v5;
	_ =	sdelay $0x2  }
0x7c: {  	v6 =	vmul.f32 v6, v56;
	_ =	sdelay $0x1  }
0x7d: {  	[tilespmem:v5+s3+$0x0] =	vst.idx.add.f32.msk $0xffff, v6  }
0x7e: {  	v5 =	vbroadcast v4, $0x8;
	v6 =	vld [tilespmem:s20+$0x0];
	_ =	sdelay $0x1  }
0x7f: {  	v7 =	vadd.s32 v0, v5  }
0x80: {  	v57 =	vbroadcast v3, $0x8;
	_ =	sdelay $0x1  }
0x81: {  	v6 =	vmul.f32 v6, v57;
	_ =	sdelay $0x1  }
0x82: {  	[tilespmem:v7+s3+$0x0] =	vst.idx.add.f32.msk $0xffff, v6  }
0x83: {  	v6 =	vld [tilespmem:s20+$0x10];
	_ =	sdelay $0x1  }
0x84: {  	v5 =	vadd.s32 v2, v5;
	_ =	sdelay $0x2  }
0x85: {  	v6 =	vmul.f32 v6, v57;
	_ =	sdelay $0x1  }
0x86: {  	[tilespmem:v5+s3+$0x0] =	vst.idx.add.f32.msk $0xffff, v6  }
0x87: {  	v5 =	vbroadcast v4, $0x9;
	v6 =	vld [tilespmem:s20+$0x20];
	_ =	sdelay $0x1  }
0x88: {  	v7 =	vadd.s32 v0, v5  }
0x89: {  	v58 =	vbroadcast v3, $0x9;
	_ =	sdelay $0x1  }
0x8a: {  	v6 =	vmul.f32 v6, v58;
	_ =	sdelay $0x1  }
0x8b: {  	[tilespmem:v7+s3+$0x0] =	vst.idx.add.f32.msk $0xffff, v6  }
0x8c: {  	v6 =	vld [tilespmem:s20+$0x30];
	_ =	sdelay $0x1  }
0x8d: {  	v5 =	vadd.s32 v2, v5;
	_ =	sdelay $0x2  }
0x8e: {  	v6 =	vmul.f32 v6, v58;
	_ =	sdelay $0x1  }
0x8f: {  	[tilespmem:v5+s3+$0x0] =	vst.idx.add.f32.msk $0xffff, v6  }
0x90: {  	v5 =	vbroadcast v4, $0xA;
	v6 =	vld [tilespmem:s20+$0x40];
	_ =	sdelay $0x1  }
0x91: {  	v7 =	vadd.s32 v0, v5  }
0x92: {  	v59 =	vbroadcast v3, $0xA;
	_ =	sdelay $0x1  }
0x93: {  	v6 =	vmul.f32 v6, v59;
	_ =	sdelay $0x1  }
0x94: {  	[tilespmem:v7+s3+$0x0] =	vst.idx.add.f32.msk $0xffff, v6  }
0x95: {  	v6 =	vld [tilespmem:s20+$0x50];
	_ =	sdelay $0x1  }
0x96: {  	v5 =	vadd.s32 v2, v5;
	_ =	sdelay $0x2  }
0x97: {  	v6 =	vmul.f32 v6, v59;
	_ =	sdelay $0x1  }
0x98: {  	[tilespmem:v5+s3+$0x0] =	vst.idx.add.f32.msk $0xffff, v6  }
0x99: {  	v5 =	vbroadcast v4, $0xB;
	v6 =	vld [tilespmem:s20+$0x60];
	_ =	sdelay $0x1  }
0x9a: {  	v7 =	vadd.s32 v0, v5  }
0x9b: {  	v60 =	vbroadcast v3, $0xB;
	_ =	sdelay $0x1  }
0x9c: {  	v6 =	vmul.f32 v6, v60;
	_ =	sdelay $0x1  }
0x9d: {  	[tilespmem:v7+s3+$0x0] =	vst.idx.add.f32.msk $0xffff, v6  }
0x9e: {  	v6 =	vld [tilespmem:s20+$0x70];
	_ =	sdelay $0x1  }
0x9f: {  	v5 =	vadd.s32 v2, v5;
	_ =	sdelay $0x2  }
0xa0: {  	v6 =	vmul.f32 v6, v60;
	_ =	sdelay $0x1  }
0xa1: {  	[tilespmem:v5+s3+$0x0] =	vst.idx.add.f32.msk $0xffff, v6  }
0xa2: {  	v5 =	vbroadcast v4, $0xC;
	v6 =	vld [tilespmem:s20+$0x80];
	_ =	sdelay $0x1  }
0xa3: {  	v7 =	vadd.s32 v0, v5  }
0xa4: {  	v61 =	vbroadcast v3, $0xC;
	_ =	sdelay $0x1  }
0xa5: {  	v6 =	vmul.f32 v6, v61;
	_ =	sdelay $0x1  }
0xa6: {  	[tilespmem:v7+s3+$0x0] =	vst.idx.add.f32.msk $0xffff, v6  }
0xa7: {  	v6 =	vld [tilespmem:s20+$0x90];
	_ =	sdelay $0x1  }
0xa8: {  	v5 =	vadd.s32 v2, v5;
	_ =	sdelay $0x2  }
0xa9: {  	v6 =	vmul.f32 v6, v61;
	_ =	sdelay $0x1  }
0xaa: {  	[tilespmem:v5+s3+$0x0] =	vst.idx.add.f32.msk $0xffff, v6  }
0xab: {  	v5 =	vbroadcast v4, $0xD;
	v6 =	vld [tilespmem:s20+$0xA0];
	_ =	sdelay $0x1  }
0xac: {  	v7 =	vadd.s32 v0, v5  }
0xad: {  	v62 =	vbroadcast v3, $0xD;
	_ =	sdelay $0x1  }
0xae: {  	v6 =	vmul.f32 v6, v62;
	_ =	sdelay $0x1  }
0xaf: {  	[tilespmem:v7+s3+$0x0] =	vst.idx.add.f32.msk $0xffff, v6  }
0xb0: {  	v6 =	vld [tilespmem:s20+$0xB0];
	_ =	sdelay $0x1  }
0xb1: {  	v5 =	vadd.s32 v2, v5;
	_ =	sdelay $0x2  }
0xb2: {  	v6 =	vmul.f32 v6, v62;
	_ =	sdelay $0x1  }
0xb3: {  	[tilespmem:v5+s3+$0x0] =	vst.idx.add.f32.msk $0xffff, v6  }
0xb4: {  	v5 =	vbroadcast v4, $0xE;
	v6 =	vld [tilespmem:s20+$0xC0];
	_ =	sdelay $0x1  }
0xb5: {  	v7 =	vadd.s32 v0, v5  }
0xb6: {  	v63 =	vbroadcast v3, $0xE;
	_ =	sdelay $0x1  }
0xb7: {  	v6 =	vmul.f32 v6, v63;
	_ =	sdelay $0x1  }
0xb8: {  	[tilespmem:v7+s3+$0x0] =	vst.idx.add.f32.msk $0xffff, v6  }
0xb9: {  	v6 =	vld [tilespmem:s20+$0xD0];
	_ =	sdelay $0x1  }
0xba: {  	v5 =	vadd.s32 v2, v5;
	_ =	sdelay $0x2  }
0xbb: {  	v6 =	vmul.f32 v6, v63;
	_ =	sdelay $0x1  }
0xbc: {  	[tilespmem:v5+s3+$0x0] =	vst.idx.add.f32.msk $0xffff, v6  }
0xbd: {  	v4 =	vbroadcast v4, $0xF;
	v5 =	vld [tilespmem:s20+$0xE0];
	_ =	sdelay $0x1  }
0xbe: {  	v6 =	vadd.s32 v0, v4  }
0xbf: {  	v7 =	vbroadcast v3, $0xF;
	_ =	sdelay $0x1  }
0xc0: {  	v3 =	vmul.f32 v5, v7;
	_ =	sdelay $0x1  }
0xc1: {  	[tilespmem:v6+s3+$0x0] =	vst.idx.add.f32.msk $0xffff, v3  }
0xc2: {  	v5 =	vld [tilespmem:s20+$0xF0];
	_ =	sdelay $0x1  }
0xc3: {  	v3 =	vadd.s32 v2, v4;
	_ =	sdelay $0x2  }
0xc4: {  	s23 =	simm.s32 $0x80;
	s21 =	simm.s32 $0x40;
	v4 =	vmul.f32 v5, v7  }
.LBB2_5:
0xc5: {  	s24 =	sshra.s32 s21, $0x2  }
0xc6: {  	s20 =	sadd.s32 $0x200, s20;
	s21 =	smov.u32 s23;
	s22 =	sadd.s32 $0x40, s23;
	[tilespmem:v3+s3+$0x0] =	vst.idx.add.f32.msk $0xffff, v4  }
0xc7: {  	p0 =	sne.s32 s23, $0x1C0;
	v4 =	vld [tilespmem:s24+$0x19080];
	_ =	sdelay $0x2  }
0xc8: {  	v3 =	vld [tilespmem:s24+$0x19100];
	_ =	sdelay $0x1  }
0xc9: {  	v15 =	vbroadcast v4, $0x0;
	v5 =	vld [tilespmem:s20+$0xFFFFFF00];
	v16 =	vbroadcast v4, $0x1  }
0xca: {  	v17 =	vbroadcast v4, $0x2;
	v18 =	vbroadcast v4, $0x3  }
0xcb: {  	v19 =	vbroadcast v4, $0x4;
	v14 =	vbroadcast v4, $0x5;
	v6 =	vadd.s32 v0, v15  }
0xcc: {  	v13 =	vbroadcast v4, $0x6;
	v20 =	vbroadcast v3, $0x0  }
0xcd: {  	v12 =	vbroadcast v4, $0x7;
	v11 =	vbroadcast v4, $0x8  }
0xce: {  	v10 =	vbroadcast v4, $0x9;
	v5 =	vmul.f32 v5, v20  }
0xcf: {  	v9 =	vbroadcast v4, $0xA;
	v8 =	vbroadcast v4, $0xB  }
0xd0: {  	v7 =	vbroadcast v4, $0xC;
	[tilespmem:v6+s3+$0x0] =	vst.idx.add.f32.msk $0xffff, v5;
	v6 =	vbroadcast v4, $0xD  }
0xd1: {  	v5 =	vbroadcast v4, $0xE;
	v4 =	vbroadcast v4, $0xF;
	v21 =	vld [tilespmem:s20+$0xFFFFFF10];
	_ =	sdelay $0x1  }
0xd2: {  	v15 =	vadd.s32 v2, v15;
	_ =	sdelay $0x2  }
0xd3: {  	v20 =	vmul.f32 v21, v20;
	_ =	sdelay $0x1  }
0xd4: {  	[tilespmem:v15+s3+$0x0] =	vst.idx.add.f32.msk $0xffff, v20  }
0xd5: {  	v15 =	vld [tilespmem:s20+$0xFFFFFF20];
	_ =	sdelay $0x1  }
0xd6: {  	v20 =	vadd.s32 v0, v16  }
0xd7: {  	v21 =	vbroadcast v3, $0x1;
	_ =	sdelay $0x1  }
0xd8: {  	v15 =	vmul.f32 v15, v21;
	_ =	sdelay $0x1  }
0xd9: {  	[tilespmem:v20+s3+$0x0] =	vst.idx.add.f32.msk $0xffff, v15  }
0xda: {  	v15 =	vld [tilespmem:s20+$0xFFFFFF30];
	_ =	sdelay $0x1  }
0xdb: {  	v16 =	vadd.s32 v2, v16;
	_ =	sdelay $0x2  }
0xdc: {  	v15 =	vmul.f32 v15, v21;
	_ =	sdelay $0x1  }
0xdd: {  	[tilespmem:v16+s3+$0x0] =	vst.idx.add.f32.msk $0xffff, v15  }
0xde: {  	v15 =	vld [tilespmem:s20+$0xFFFFFF40];
	_ =	sdelay $0x1  }
0xdf: {  	v16 =	vadd.s32 v0, v17  }
0xe0: {  	v20 =	vbroadcast v3, $0x2;
	_ =	sdelay $0x1  }
0xe1: {  	v15 =	vmul.f32 v15, v20;
	_ =	sdelay $0x1  }
0xe2: {  	[tilespmem:v16+s3+$0x0] =	vst.idx.add.f32.msk $0xffff, v15  }
0xe3: {  	v15 =	vld [tilespmem:s20+$0xFFFFFF50];
	_ =	sdelay $0x1  }
0xe4: {  	v16 =	vadd.s32 v2, v17;
	_ =	sdelay $0x2  }
0xe5: {  	v15 =	vmul.f32 v15, v20;
	_ =	sdelay $0x1  }
0xe6: {  	[tilespmem:v16+s3+$0x0] =	vst.idx.add.f32.msk $0xffff, v15  }
0xe7: {  	v15 =	vld [tilespmem:s20+$0xFFFFFF60];
	_ =	sdelay $0x1  }
0xe8: {  	v16 =	vadd.s32 v0, v18  }
0xe9: {  	v17 =	vbroadcast v3, $0x3;
	_ =	sdelay $0x1  }
0xea: {  	v15 =	vmul.f32 v15, v17;
	_ =	sdelay $0x1  }
0xeb: {  	[tilespmem:v16+s3+$0x0] =	vst.idx.add.f32.msk $0xffff, v15  }
0xec: {  	v15 =	vld [tilespmem:s20+$0xFFFFFF70];
	_ =	sdelay $0x1  }
0xed: {  	v16 =	vadd.s32 v2, v18;
	_ =	sdelay $0x2  }
0xee: {  	v15 =	vmul.f32 v15, v17;
	_ =	sdelay $0x1  }
0xef: {  	[tilespmem:v16+s3+$0x0] =	vst.idx.add.f32.msk $0xffff, v15  }
0xf0: {  	v15 =	vld [tilespmem:s20+$0xFFFFFF80];
	_ =	sdelay $0x1  }
0xf1: {  	v16 =	vadd.s32 v0, v19  }
0xf2: {  	v17 =	vbroadcast v3, $0x4;
	_ =	sdelay $0x1  }
0xf3: {  	v15 =	vmul.f32 v15, v17;
	_ =	sdelay $0x1  }
0xf4: {  	[tilespmem:v16+s3+$0x0] =	vst.idx.add.f32.msk $0xffff, v15  }
0xf5: {  	v15 =	vld [tilespmem:s20+$0xFFFFFF90];
	_ =	sdelay $0x1  }
0xf6: {  	v16 =	vadd.s32 v2, v19;
	_ =	sdelay $0x2  }
0xf7: {  	v15 =	vmul.f32 v15, v17;
	_ =	sdelay $0x1  }
0xf8: {  	[tilespmem:v16+s3+$0x0] =	vst.idx.add.f32.msk $0xffff, v15  }
0xf9: {  	v15 =	vld [tilespmem:s20+$0xFFFFFFA0];
	_ =	sdelay $0x1  }
0xfa: {  	v16 =	vadd.s32 v0, v14  }
0xfb: {  	v17 =	vbroadcast v3, $0x5;
	_ =	sdelay $0x1  }
0xfc: {  	v15 =	vmul.f32 v15, v17;
	_ =	sdelay $0x1  }
0xfd: {  	[tilespmem:v16+s3+$0x0] =	vst.idx.add.f32.msk $0xffff, v15  }
0xfe: {  	v15 =	vld [tilespmem:s20+$0xFFFFFFB0];
	_ =	sdelay $0x1  }
0xff: {  	v14 =	vadd.s32 v2, v14;
	_ =	sdelay $0x2  }
0x100: {  	v15 =	vmul.f32 v15, v17;
	_ =	sdelay $0x1  }
0x101: {  	[tilespmem:v14+s3+$0x0] =	vst.idx.add.f32.msk $0xffff, v15  }
0x102: {  	v14 =	vld [tilespmem:s20+$0xFFFFFFC0];
	_ =	sdelay $0x1  }
0x103: {  	v15 =	vadd.s32 v0, v13  }
0x104: {  	v16 =	vbroadcast v3, $0x6;
	_ =	sdelay $0x1  }
0x105: {  	v14 =	vmul.f32 v14, v16;
	_ =	sdelay $0x1  }
0x106: {  	[tilespmem:v15+s3+$0x0] =	vst.idx.add.f32.msk $0xffff, v14  }
0x107: {  	v14 =	vld [tilespmem:s20+$0xFFFFFFD0];
	_ =	sdelay $0x1  }
0x108: {  	v13 =	vadd.s32 v2, v13;
	_ =	sdelay $0x2  }
0x109: {  	v14 =	vmul.f32 v14, v16;
	_ =	sdelay $0x1  }
0x10a: {  	[tilespmem:v13+s3+$0x0] =	vst.idx.add.f32.msk $0xffff, v14  }
0x10b: {  	v13 =	vld [tilespmem:s20+$0xFFFFFFE0];
	_ =	sdelay $0x1  }
0x10c: {  	v14 =	vadd.s32 v0, v12  }
0x10d: {  	v15 =	vbroadcast v3, $0x7;
	_ =	sdelay $0x1  }
0x10e: {  	v13 =	vmul.f32 v13, v15;
	_ =	sdelay $0x1  }
0x10f: {  	[tilespmem:v14+s3+$0x0] =	vst.idx.add.f32.msk $0xffff, v13  }
0x110: {  	v13 =	vld [tilespmem:s20+$0xFFFFFFF0];
	_ =	sdelay $0x1  }
0x111: {  	v12 =	vadd.s32 v2, v12;
	_ =	sdelay $0x2  }
0x112: {  	v13 =	vmul.f32 v13, v15;
	_ =	sdelay $0x1  }
0x113: {  	[tilespmem:v12+s3+$0x0] =	vst.idx.add.f32.msk $0xffff, v13  }
0x114: {  	v12 =	vld [tilespmem:s20+$0x0];
	_ =	sdelay $0x1  }
0x115: {  	v13 =	vadd.s32 v0, v11  }
0x116: {  	v14 =	vbroadcast v3, $0x8;
	_ =	sdelay $0x1  }
0x117: {  	v12 =	vmul.f32 v12, v14;
	_ =	sdelay $0x1  }
0x118: {  	[tilespmem:v13+s3+$0x0] =	vst.idx.add.f32.msk $0xffff, v12  }
0x119: {  	v12 =	vld [tilespmem:s20+$0x10];
	_ =	sdelay $0x1  }
0x11a: {  	v11 =	vadd.s32 v2, v11;
	_ =	sdelay $0x2  }
0x11b: {  	v12 =	vmul.f32 v12, v14;
	_ =	sdelay $0x1  }
0x11c: {  	[tilespmem:v11+s3+$0x0] =	vst.idx.add.f32.msk $0xffff, v12  }
0x11d: {  	v11 =	vld [tilespmem:s20+$0x20];
	_ =	sdelay $0x1  }
0x11e: {  	v12 =	vadd.s32 v0, v10  }
0x11f: {  	v13 =	vbroadcast v3, $0x9;
	_ =	sdelay $0x1  }
0x120: {  	v11 =	vmul.f32 v11, v13;
	_ =	sdelay $0x1  }
0x121: {  	[tilespmem:v12+s3+$0x0] =	vst.idx.add.f32.msk $0xffff, v11  }
0x122: {  	v11 =	vld [tilespmem:s20+$0x30];
	_ =	sdelay $0x1  }
0x123: {  	v10 =	vadd.s32 v2, v10;
	_ =	sdelay $0x2  }
0x124: {  	v11 =	vmul.f32 v11, v13;
	_ =	sdelay $0x1  }
0x125: {  	[tilespmem:v10+s3+$0x0] =	vst.idx.add.f32.msk $0xffff, v11  }
0x126: {  	v10 =	vld [tilespmem:s20+$0x40];
	_ =	sdelay $0x1  }
0x127: {  	v11 =	vadd.s32 v0, v9  }
0x128: {  	v12 =	vbroadcast v3, $0xA;
	_ =	sdelay $0x1  }
0x129: {  	v10 =	vmul.f32 v10, v12;
	_ =	sdelay $0x1  }
0x12a: {  	[tilespmem:v11+s3+$0x0] =	vst.idx.add.f32.msk $0xffff, v10  }
0x12b: {  	v10 =	vld [tilespmem:s20+$0x50];
	_ =	sdelay $0x1  }
0x12c: {  	v9 =	vadd.s32 v2, v9;
	_ =	sdelay $0x2  }
0x12d: {  	v10 =	vmul.f32 v10, v12;
	_ =	sdelay $0x1  }
0x12e: {  	[tilespmem:v9+s3+$0x0] =	vst.idx.add.f32.msk $0xffff, v10  }
0x12f: {  	v9 =	vld [tilespmem:s20+$0x60];
	_ =	sdelay $0x1  }
0x130: {  	v10 =	vadd.s32 v0, v8  }
0x131: {  	v11 =	vbroadcast v3, $0xB;
	_ =	sdelay $0x1  }
0x132: {  	v9 =	vmul.f32 v9, v11;
	_ =	sdelay $0x1  }
0x133: {  	[tilespmem:v10+s3+$0x0] =	vst.idx.add.f32.msk $0xffff, v9  }
0x134: {  	v9 =	vld [tilespmem:s20+$0x70];
	_ =	sdelay $0x1  }
0x135: {  	v8 =	vadd.s32 v2, v8;
	_ =	sdelay $0x2  }
0x136: {  	v9 =	vmul.f32 v9, v11;
	_ =	sdelay $0x1  }
0x137: {  	[tilespmem:v8+s3+$0x0] =	vst.idx.add.f32.msk $0xffff, v9  }
0x138: {  	v8 =	vld [tilespmem:s20+$0x80];
	_ =	sdelay $0x1  }
0x139: {  	v9 =	vadd.s32 v0, v7  }
0x13a: {  	v10 =	vbroadcast v3, $0xC;
	_ =	sdelay $0x1  }
0x13b: {  	v8 =	vmul.f32 v8, v10;
	_ =	sdelay $0x1  }
0x13c: {  	[tilespmem:v9+s3+$0x0] =	vst.idx.add.f32.msk $0xffff, v8  }
0x13d: {  	v8 =	vld [tilespmem:s20+$0x90];
	_ =	sdelay $0x1  }
0x13e: {  	v7 =	vadd.s32 v2, v7;
	_ =	sdelay $0x2  }
0x13f: {  	v8 =	vmul.f32 v8, v10;
	_ =	sdelay $0x1  }
0x140: {  	[tilespmem:v7+s3+$0x0] =	vst.idx.add.f32.msk $0xffff, v8  }
0x141: {  	v7 =	vld [tilespmem:s20+$0xA0];
	_ =	sdelay $0x1  }
0x142: {  	v8 =	vadd.s32 v0, v6  }
0x143: {  	v9 =	vbroadcast v3, $0xD;
	_ =	sdelay $0x1  }
0x144: {  	v7 =	vmul.f32 v7, v9;
	_ =	sdelay $0x1  }
0x145: {  	[tilespmem:v8+s3+$0x0] =	vst.idx.add.f32.msk $0xffff, v7  }
0x146: {  	v7 =	vld [tilespmem:s20+$0xB0];
	_ =	sdelay $0x1  }
0x147: {  	v6 =	vadd.s32 v2, v6;
	_ =	sdelay $0x2  }
0x148: {  	v7 =	vmul.f32 v7, v9;
	_ =	sdelay $0x1  }
0x149: {  	[tilespmem:v6+s3+$0x0] =	vst.idx.add.f32.msk $0xffff, v7  }
0x14a: {  	v6 =	vld [tilespmem:s20+$0xC0];
	_ =	sdelay $0x1  }
0x14b: {  	v7 =	vadd.s32 v0, v5  }
0x14c: {  	v8 =	vbroadcast v3, $0xE;
	_ =	sdelay $0x1  }
0x14d: {  	v6 =	vmul.f32 v6, v8;
	_ =	sdelay $0x1  }
0x14e: {  	[tilespmem:v7+s3+$0x0] =	vst.idx.add.f32.msk $0xffff, v6  }
0x14f: {  	v6 =	vld [tilespmem:s20+$0xD0];
	_ =	sdelay $0x1  }
0x150: {  	v5 =	vadd.s32 v2, v5;
	_ =	sdelay $0x2  }
0x151: {  	v6 =	vmul.f32 v6, v8;
	_ =	sdelay $0x1  }
0x152: {  	[tilespmem:v5+s3+$0x0] =	vst.idx.add.f32.msk $0xffff, v6  }
0x153: {  	v5 =	vld [tilespmem:s20+$0xE0];
	_ =	sdelay $0x1  }
0x154: {  	v6 =	vadd.s32 v0, v4  }
0x155: {  	v7 =	vbroadcast v3, $0xF;
	_ =	sdelay $0x1  }
0x156: {  	v3 =	vmul.f32 v5, v7;
	_ =	sdelay $0x1  }
0x157: {  	[tilespmem:v6+s3+$0x0] =	vst.idx.add.f32.msk $0xffff, v3  }
0x158: {  	v5 =	vld [tilespmem:s20+$0xF0]  }
.Ltmp1:
0x159: {  	(pc) =	sbr.rel @p0 .LBB2_5-.Ltmp1, $2  }
0x15a: {  	v3 =	vadd.s32 v2, v4;
	_ =	sdelay $0x2  }
0x15b: {  	s23 =	smov.u32 s22;
	v4 =	vmul.f32 v5, v7  }
0x15c: {  	_ =	sdelay $0x3  }
0x15d: {  	s21 =	sshra.s32 s21, $0x2;
	[tilespmem:v3+s3+$0x0] =	vst.idx.add.f32.msk $0xffff, v4  }
0x15e: {  	v4 =	vld [tilespmem:s21+$0x19080];
	_ =	sdelay $0x2  }
0x15f: {  	v3 =	vld [tilespmem:s21+$0x19100]  }
0x160: {  	s20 =	sadd.s32 $0x200, s20  }
0x161: {  	v6 =	vld [tilespmem:s20+$0xFFFFFF00];
	v5 =	vbroadcast v4, $0x0;
	_ =	sdelay $0x1  }
0x162: {  	v7 =	vadd.s32 v0, v5  }
0x163: {  	v8 =	vbroadcast v3, $0x0;
	_ =	sdelay $0x1  }
0x164: {  	v6 =	vmul.f32 v6, v8;
	_ =	sdelay $0x1  }
0x165: {  	[tilespmem:v7+s3+$0x0] =	vst.idx.add.f32.msk $0xffff, v6  }
0x166: {  	v6 =	vld [tilespmem:s20+$0xFFFFFF10];
	_ =	sdelay $0x1  }
0x167: {  	v5 =	vadd.s32 v2, v5;
	_ =	sdelay $0x2  }
0x168: {  	v6 =	vmul.f32 v6, v8;
	_ =	sdelay $0x1  }
0x169: {  	[tilespmem:v5+s3+$0x0] =	vst.idx.add.f32.msk $0xffff, v6  }
0x16a: {  	v21 =	vbroadcast v4, $0x1;
	v6 =	vld [tilespmem:s20+$0xFFFFFF20];
	_ =	sdelay $0x1  }
0x16b: {  	v22 =	vadd.s32 v0, v21  }
0x16c: {  	v23 =	vbroadcast v3, $0x1;
	_ =	sdelay $0x1  }
0x16d: {  	v6 =	vmul.f32 v6, v23;
	_ =	sdelay $0x1  }
0x16e: {  	[tilespmem:v22+s3+$0x0] =	vst.idx.add.f32.msk $0xffff, v6  }
0x16f: {  	v6 =	vld [tilespmem:s20+$0xFFFFFF30];
	_ =	sdelay $0x1  }
0x170: {  	v5 =	vadd.s32 v2, v21;
	_ =	sdelay $0x2  }
0x171: {  	v6 =	vmul.f32 v6, v23;
	_ =	sdelay $0x1  }
0x172: {  	[tilespmem:v5+s3+$0x0] =	vst.idx.add.f32.msk $0xffff, v6  }
0x173: {  	v24 =	vbroadcast v4, $0x2;
	v6 =	vld [tilespmem:s20+$0xFFFFFF40];
	_ =	sdelay $0x1  }
0x174: {  	v25 =	vadd.s32 v0, v24  }
0x175: {  	v26 =	vbroadcast v3, $0x2;
	_ =	sdelay $0x1  }
0x176: {  	v6 =	vmul.f32 v6, v26;
	_ =	sdelay $0x1  }
0x177: {  	[tilespmem:v25+s3+$0x0] =	vst.idx.add.f32.msk $0xffff, v6  }
0x178: {  	v6 =	vld [tilespmem:s20+$0xFFFFFF50];
	_ =	sdelay $0x1  }
0x179: {  	v5 =	vadd.s32 v2, v24;
	_ =	sdelay $0x2  }
0x17a: {  	v6 =	vmul.f32 v6, v26;
	_ =	sdelay $0x1  }
0x17b: {  	[tilespmem:v5+s3+$0x0] =	vst.idx.add.f32.msk $0xffff, v6  }
0x17c: {  	v27 =	vbroadcast v4, $0x3;
	v6 =	vld [tilespmem:s20+$0xFFFFFF60];
	_ =	sdelay $0x1  }
0x17d: {  	v28 =	vadd.s32 v0, v27  }
0x17e: {  	v29 =	vbroadcast v3, $0x3;
	_ =	sdelay $0x1  }
0x17f: {  	v6 =	vmul.f32 v6, v29;
	_ =	sdelay $0x1  }
0x180: {  	[tilespmem:v28+s3+$0x0] =	vst.idx.add.f32.msk $0xffff, v6  }
0x181: {  	v6 =	vld [tilespmem:s20+$0xFFFFFF70];
	_ =	sdelay $0x1  }
0x182: {  	v5 =	vadd.s32 v2, v27;
	_ =	sdelay $0x2  }
0x183: {  	v6 =	vmul.f32 v6, v29;
	_ =	sdelay $0x1  }
0x184: {  	[tilespmem:v5+s3+$0x0] =	vst.idx.add.f32.msk $0xffff, v6  }
0x185: {  	v30 =	vbroadcast v4, $0x4;
	v6 =	vld [tilespmem:s20+$0xFFFFFF80];
	_ =	sdelay $0x1  }
0x186: {  	v31 =	vadd.s32 v0, v30  }
0x187: {  	v32 =	vbroadcast v3, $0x4;
	_ =	sdelay $0x1  }
0x188: {  	v6 =	vmul.f32 v6, v32;
	_ =	sdelay $0x1  }
0x189: {  	[tilespmem:v31+s3+$0x0] =	vst.idx.add.f32.msk $0xffff, v6  }
0x18a: {  	v6 =	vld [tilespmem:s20+$0xFFFFFF90];
	_ =	sdelay $0x1  }
0x18b: {  	v5 =	vadd.s32 v2, v30;
	_ =	sdelay $0x2  }
0x18c: {  	v6 =	vmul.f32 v6, v32;
	_ =	sdelay $0x1  }
0x18d: {  	[tilespmem:v5+s3+$0x0] =	vst.idx.add.f32.msk $0xffff, v6  }
0x18e: {  	v33 =	vbroadcast v4, $0x5;
	v6 =	vld [tilespmem:s20+$0xFFFFFFA0];
	_ =	sdelay $0x1  }
0x18f: {  	v34 =	vadd.s32 v0, v33  }
0x190: {  	v35 =	vbroadcast v3, $0x5;
	_ =	sdelay $0x1  }
0x191: {  	v6 =	vmul.f32 v6, v35;
	_ =	sdelay $0x1  }
0x192: {  	[tilespmem:v34+s3+$0x0] =	vst.idx.add.f32.msk $0xffff, v6  }
0x193: {  	v6 =	vld [tilespmem:s20+$0xFFFFFFB0];
	_ =	sdelay $0x1  }
0x194: {  	v5 =	vadd.s32 v2, v33;
	_ =	sdelay $0x2  }
0x195: {  	v6 =	vmul.f32 v6, v35;
	_ =	sdelay $0x1  }
0x196: {  	[tilespmem:v5+s3+$0x0] =	vst.idx.add.f32.msk $0xffff, v6  }
0x197: {  	v36 =	vbroadcast v4, $0x6;
	v6 =	vld [tilespmem:s20+$0xFFFFFFC0];
	_ =	sdelay $0x1  }
0x198: {  	v37 =	vadd.s32 v0, v36  }
0x199: {  	v38 =	vbroadcast v3, $0x6;
	_ =	sdelay $0x1  }
0x19a: {  	v6 =	vmul.f32 v6, v38;
	_ =	sdelay $0x1  }
0x19b: {  	[tilespmem:v37+s3+$0x0] =	vst.idx.add.f32.msk $0xffff, v6  }
0x19c: {  	v6 =	vld [tilespmem:s20+$0xFFFFFFD0];
	_ =	sdelay $0x1  }
0x19d: {  	v5 =	vadd.s32 v2, v36;
	_ =	sdelay $0x2  }
0x19e: {  	v6 =	vmul.f32 v6, v38;
	_ =	sdelay $0x1  }
0x19f: {  	[tilespmem:v5+s3+$0x0] =	vst.idx.add.f32.msk $0xffff, v6  }
0x1a0: {  	v39 =	vbroadcast v4, $0x7;
	v6 =	vld [tilespmem:s20+$0xFFFFFFE0];
	_ =	sdelay $0x1  }
0x1a1: {  	v40 =	vadd.s32 v0, v39  }
0x1a2: {  	v41 =	vbroadcast v3, $0x7;
	_ =	sdelay $0x1  }
0x1a3: {  	v6 =	vmul.f32 v6, v41;
	_ =	sdelay $0x1  }
0x1a4: {  	[tilespmem:v40+s3+$0x0] =	vst.idx.add.f32.msk $0xffff, v6  }
0x1a5: {  	v6 =	vld [tilespmem:s20+$0xFFFFFFF0];
	_ =	sdelay $0x1  }
0x1a6: {  	v5 =	vadd.s32 v2, v39;
	_ =	sdelay $0x2  }
0x1a7: {  	v6 =	vmul.f32 v6, v41;
	_ =	sdelay $0x1  }
0x1a8: {  	[tilespmem:v5+s3+$0x0] =	vst.idx.add.f32.msk $0xffff, v6  }
0x1a9: {  	v42 =	vbroadcast v4, $0x8;
	v6 =	vld [tilespmem:s20+$0x0];
	_ =	sdelay $0x1  }
0x1aa: {  	v43 =	vadd.s32 v0, v42  }
0x1ab: {  	v44 =	vbroadcast v3, $0x8;
	_ =	sdelay $0x1  }
0x1ac: {  	v6 =	vmul.f32 v6, v44;
	_ =	sdelay $0x1  }
0x1ad: {  	[tilespmem:v43+s3+$0x0] =	vst.idx.add.f32.msk $0xffff, v6  }
0x1ae: {  	v6 =	vld [tilespmem:s20+$0x10];
	_ =	sdelay $0x1  }
0x1af: {  	v5 =	vadd.s32 v2, v42;
	_ =	sdelay $0x2  }
0x1b0: {  	v6 =	vmul.f32 v6, v44;
	_ =	sdelay $0x1  }
0x1b1: {  	[tilespmem:v5+s3+$0x0] =	vst.idx.add.f32.msk $0xffff, v6  }
0x1b2: {  	v45 =	vbroadcast v4, $0x9;
	v6 =	vld [tilespmem:s20+$0x20];
	_ =	sdelay $0x1  }
0x1b3: {  	v46 =	vadd.s32 v0, v45  }
0x1b4: {  	v47 =	vbroadcast v3, $0x9;
	_ =	sdelay $0x1  }
0x1b5: {  	v6 =	vmul.f32 v6, v47;
	_ =	sdelay $0x1  }
0x1b6: {  	[tilespmem:v46+s3+$0x0] =	vst.idx.add.f32.msk $0xffff, v6  }
0x1b7: {  	v6 =	vld [tilespmem:s20+$0x30];
	_ =	sdelay $0x1  }
0x1b8: {  	v5 =	vadd.s32 v2, v45;
	_ =	sdelay $0x2  }
0x1b9: {  	v6 =	vmul.f32 v6, v47;
	_ =	sdelay $0x1  }
0x1ba: {  	[tilespmem:v5+s3+$0x0] =	vst.idx.add.f32.msk $0xffff, v6  }
0x1bb: {  	v48 =	vbroadcast v4, $0xA;
	v6 =	vld [tilespmem:s20+$0x40];
	_ =	sdelay $0x1  }
0x1bc: {  	v49 =	vadd.s32 v0, v48  }
0x1bd: {  	v50 =	vbroadcast v3, $0xA;
	_ =	sdelay $0x1  }
0x1be: {  	v6 =	vmul.f32 v6, v50;
	_ =	sdelay $0x1  }
0x1bf: {  	[tilespmem:v49+s3+$0x0] =	vst.idx.add.f32.msk $0xffff, v6  }
0x1c0: {  	v6 =	vld [tilespmem:s20+$0x50];
	_ =	sdelay $0x1  }
0x1c1: {  	v5 =	vadd.s32 v2, v48;
	_ =	sdelay $0x2  }
0x1c2: {  	v6 =	vmul.f32 v6, v50;
	_ =	sdelay $0x1  }
0x1c3: {  	[tilespmem:v5+s3+$0x0] =	vst.idx.add.f32.msk $0xffff, v6  }
0x1c4: {  	v51 =	vbroadcast v4, $0xB;
	v6 =	vld [tilespmem:s20+$0x60];
	_ =	sdelay $0x1  }
0x1c5: {  	v52 =	vadd.s32 v0, v51  }
0x1c6: {  	v53 =	vbroadcast v3, $0xB;
	_ =	sdelay $0x1  }
0x1c7: {  	v6 =	vmul.f32 v6, v53;
	_ =	sdelay $0x1  }
0x1c8: {  	[tilespmem:v52+s3+$0x0] =	vst.idx.add.f32.msk $0xffff, v6  }
0x1c9: {  	v6 =	vld [tilespmem:s20+$0x70];
	_ =	sdelay $0x1  }
0x1ca: {  	v5 =	vadd.s32 v2, v51;
	_ =	sdelay $0x2  }
0x1cb: {  	v6 =	vmul.f32 v6, v53;
	_ =	sdelay $0x1  }
0x1cc: {  	[tilespmem:v5+s3+$0x0] =	vst.idx.add.f32.msk $0xffff, v6  }
0x1cd: {  	v54 =	vbroadcast v4, $0xC;
	v6 =	vld [tilespmem:s20+$0x80];
	_ =	sdelay $0x1  }
0x1ce: {  	v55 =	vadd.s32 v0, v54  }
0x1cf: {  	v56 =	vbroadcast v3, $0xC;
	_ =	sdelay $0x1  }
0x1d0: {  	v6 =	vmul.f32 v6, v56;
	_ =	sdelay $0x1  }
0x1d1: {  	[tilespmem:v55+s3+$0x0] =	vst.idx.add.f32.msk $0xffff, v6  }
0x1d2: {  	v6 =	vld [tilespmem:s20+$0x90];
	_ =	sdelay $0x1  }
0x1d3: {  	v5 =	vadd.s32 v2, v54;
	_ =	sdelay $0x2  }
0x1d4: {  	v6 =	vmul.f32 v6, v56;
	_ =	sdelay $0x1  }
0x1d5: {  	[tilespmem:v5+s3+$0x0] =	vst.idx.add.f32.msk $0xffff, v6  }
0x1d6: {  	v57 =	vbroadcast v4, $0xD;
	v6 =	vld [tilespmem:s20+$0xA0];
	_ =	sdelay $0x1  }
0x1d7: {  	v58 =	vadd.s32 v0, v57  }
0x1d8: {  	v59 =	vbroadcast v3, $0xD;
	_ =	sdelay $0x1  }
0x1d9: {  	v6 =	vmul.f32 v6, v59;
	_ =	sdelay $0x1  }
0x1da: {  	[tilespmem:v58+s3+$0x0] =	vst.idx.add.f32.msk $0xffff, v6  }
0x1db: {  	v6 =	vld [tilespmem:s20+$0xB0];
	_ =	sdelay $0x1  }
0x1dc: {  	v5 =	vadd.s32 v2, v57;
	_ =	sdelay $0x2  }
0x1dd: {  	v6 =	vmul.f32 v6, v59;
	_ =	sdelay $0x1  }
0x1de: {  	[tilespmem:v5+s3+$0x0] =	vst.idx.add.f32.msk $0xffff, v6  }
0x1df: {  	v60 =	vbroadcast v4, $0xE;
	v6 =	vld [tilespmem:s20+$0xC0];
	_ =	sdelay $0x1  }
0x1e0: {  	v61 =	vadd.s32 v0, v60  }
0x1e1: {  	v62 =	vbroadcast v3, $0xE;
	_ =	sdelay $0x1  }
0x1e2: {  	v6 =	vmul.f32 v6, v62;
	_ =	sdelay $0x1  }
0x1e3: {  	[tilespmem:v61+s3+$0x0] =	vst.idx.add.f32.msk $0xffff, v6  }
0x1e4: {  	v6 =	vld [tilespmem:s20+$0xD0];
	_ =	sdelay $0x1  }
0x1e5: {  	v5 =	vadd.s32 v2, v60;
	_ =	sdelay $0x2  }
0x1e6: {  	v6 =	vmul.f32 v6, v62;
	_ =	sdelay $0x1  }
0x1e7: {  	[tilespmem:v5+s3+$0x0] =	vst.idx.add.f32.msk $0xffff, v6  }
0x1e8: {  	v4 =	vbroadcast v4, $0xF;
	v5 =	vld [tilespmem:s20+$0xE0];
	_ =	sdelay $0x1  }
0x1e9: {  	v63 =	vadd.s32 v0, v4  }
0x1ea: {  	v3 =	vbroadcast v3, $0xF;
	_ =	sdelay $0x1  }
0x1eb: {  	v5 =	vmul.f32 v5, v3;
	_ =	sdelay $0x1  }
0x1ec: {  	[tilespmem:v63+s3+$0x0] =	vst.idx.add.f32.msk $0xffff, v5  }
0x1ed: {  	v5 =	vld [tilespmem:s20+$0xF0]  }
0x1ee: {  	s19 =	sadd.s32 $0x1, s19  }
0x1ef: {  	p0 =	sne.s32 s19, $0x139;
	v4 =	vadd.s32 v2, v4  }
.Ltmp2:
0x1f0: {  	_ = 	snop;
	(pc) =	sbr.rel @p0 .LBB2_4-.Ltmp2, $3  }
0x1f1: {  	_ = 	snop  }
0x1f2: {  	v3 =	vmul.f32 v5, v3;
	_ =	sdelay $0x1  }
0x1f3: {  	[tilespmem:v4+s3+$0x0] =	vst.idx.add.f32.msk $0xffff, v3  }
0x1f4: {  	s17 =	sadd.s32 $0x1, s17  }
0x1f5: {  	p0 =	sne.s32 s17, s9  }
.Ltmp3:
0x1f6: {  	_ = 	snop;
	(pc) =	sbr.rel @p0 .LBB2_1-.Ltmp3, $4  }
0x1f7: {  	[hbm4b:s8+s3] =	stream.linear.scatter [tilespmem:s3], [sflag:$0x2], $0x19000, $0x38;
	[tilespmem:$0x1A180] =	vst v63  }
0x1f8: {  	_ =	swait.ge [sflag:s11], $0x19000  }
0x1f9: {  	[sflag:s11] =	ssyncset.done $0x0  }
0x1fa: {  	[sflag:s11] =	ssyncadd.s32 $0xFFFE7000  }
0x1fb: {  	_ =	sfence.sel $0x180000  }
0x1fc: {  	[bflag:$0x0] =	sbarrier.arrive $0xFFFF  }
0x1fd: {  	p0 =	sne.s32 s0, $0x0;
	_ =	strace $0x90000047  }
0x1fe: {  	s0 =	sadd.s32 @!p0 $0x100000, s1;
	[bflag:$0x2] =	sbarrier.arrive $0xFFFF  }
0x1ff: {  	[sflag:s0] =	ssyncadd.tile.s32 @!p0 $0x1;
	_ =	shalt  }
.Lfunc_end2:
_tile_overlayer_lowered:
.L_overlay_start_2:
0x200: {  	(tag) =	ssettag $0x2  }
0x201: {  	s0 =	rddreg [dreg:$0x0];
	s2 =	stileid.u32  }
0x202: {  	s1 =	rddreg [dreg:$0x1];
	p0 =	sne.s32 s2, $0x0  }
0x203: {  	s3 =	rddreg [dreg:$0x2];
	[bflag:$0x3] =	sbarrier.arrive $0xFFFF;
	s2 =	simm.s32 @!p0 $0x1C02  }
0x204: {  	[timem:s3], [sflag:s2] =	dma.local @!p0 [hbm:s0], s1  }
0x205: {  	s0 =	simm.s32 @!p0 $0x2  }
0x206: {  	_ =	swait.ge @!p0 [sflag:s0], s1  }
0x207: {  	s1 =	ssub.s32 @!p0 $0x0, s1;
	[sflag:s0] =	ssyncset.done @!p0 $0x0  }
0x208: {  	[sflag:s0] =	ssyncadd.s32 @!p0 s1  }
0x209: {  	[bflag:$0x3] =	sbarrier.arrive $0xFFFF  }
0x20a: {  	_ =	shalt  }

</sc_bundles>
